<compile_context>
chip_gen: v7x
topology: tpu7x:2x2x1
jax: 0.10.2.dev20260603
libtpu: 0.0.44.dev20260713+nightly
codegen_flags: <defaults>
</compile_context>

<pallas_src>
import functools

import jax
import jax.numpy as jnp
from jax import lax
from jax.experimental import pallas as pl
from jax.experimental.pallas import tpu as pltpu
from jax.experimental.pallas import tpu_sc as plsc

HIDDEN = 64
LAYERS = 4
N_NODES = 10000
N_EDGES = 320000
N_SNODES = 5000
N_SEDGES = 80000

PAIR_BLK = 4000
NODE_BLK = 2000
N_PAIRS = 160000

ROW = 128
K = 2
NC = 2
NS = 16
N_ROWS = N_EDGES // ROW
N_SROWS = N_SEDGES // ROW

_SC_PARAMS = pltpu.CompilerParams(use_tc_tiling_on_sc=False)


@functools.lru_cache(maxsize=None)
def _sc_mesh():
    return plsc.VectorSubcoreMesh(core_axis_name="c", subcore_axis_name="s")


def _leaky(x):
    return jnp.where(x > 0, x, 0.01 * x)



def _wrange(w, nw, count):
    per = count // nw
    rem = count % nw
    lo = w * per + jnp.minimum(w, rem)
    hi = lo + per + jnp.where(w < rem, 1, 0)
    return lo, hi


def _split_copy(src, dst, sid, rows):
    per = (rows // NS) // 8 * 8
    tail = rows - per * NS
    pltpu.sync_copy(src.at[pl.ds(sid * per, per)],
                    dst.at[pl.ds(sid * per, per)])
    if tail:
        @pl.when(sid == NS - 1)
        def _():
            pltpu.sync_copy(src.at[pl.ds(per * NS, tail)],
                            dst.at[pl.ds(per * NS, tail)])


def _split_copy3(src, dst3, cid, sid, rows):
    per = (rows // NS) // 8 * 8
    tail = rows - per * NS
    pltpu.sync_copy(src.at[pl.ds(sid * per, per)],
                    dst3.at[cid, pl.ds(sid * per, per)])
    if tail:
        @pl.when(sid == NS - 1)
        def _():
            pltpu.sync_copy(src.at[pl.ds(per * NS, tail)],
                            dst3.at[cid, pl.ds(per * NS, tail)])


def _scatter_add_phase(vals_hbm, idx_hbm, table, vbuf, ibuf, sem_v, sem_i,
                       lo, hi, base=0):

    def fetch(c, slot):
        pltpu.async_copy(vals_hbm.at[pl.ds((c - base) * (K * ROW), K * ROW)],
                         vbuf.at[slot], sem_v.at[slot])
        pltpu.async_copy(idx_hbm.at[c], ibuf.at[slot], sem_i.at[slot])

    def wait_fetch(slot):
        pltpu.make_async_copy(vals_hbm.at[pl.ds(0, K * ROW)],
                              vbuf.at[slot], sem_v.at[slot]).wait()
        pltpu.make_async_copy(idx_hbm.at[0], ibuf.at[slot],
                              sem_i.at[slot]).wait()

    def scat(slot):
        for j in range(K):
            pltpu.sync_copy(vbuf.at[slot, pl.ds(j * ROW, ROW)],
                            table.at[ibuf.at[slot, j]], add=True)

    @pl.when(lo < hi)
    def _():
        fetch(lo, 0)

    @pl.loop(lo, hi, step=2)
    def _(t):
        @pl.when(t + 1 < hi)
        def _():
            fetch(t + 1, 1)
        wait_fetch(0)
        scat(0)

        @pl.when(t + 2 < hi)
        def _():
            fetch(t + 2, 0)

        @pl.when(t + 1 < hi)
        def _():
            wait_fetch(1)
            scat(1)


def _gather_phase(table, gidx_hbm, gout_hbm, vbuf, ibuf, sem_i, sem_w,
                  lo, hi, base=0):

    def fetch(c, slot):
        pltpu.async_copy(gidx_hbm.at[c], ibuf.at[slot], sem_i.at[slot])

    def wait_fetch(slot):
        pltpu.make_async_copy(gidx_hbm.at[0], ibuf.at[slot],
                              sem_i.at[slot]).wait()

    def wait_write(slot):
        pltpu.make_async_copy(vbuf.at[slot],
                              gout_hbm.at[pl.ds(0, K * ROW)],
                              sem_w.at[slot]).wait()

    def proc(c, t, slot, first_use_cond):
        @pl.when(first_use_cond)
        def _():
            wait_write(slot)
        for j in range(K):
            pltpu.sync_copy(table.at[ibuf.at[slot, j]],
                            vbuf.at[slot, pl.ds(j * ROW, ROW)])
        pltpu.async_copy(vbuf.at[slot],
                         gout_hbm.at[pl.ds((c - base) * (K * ROW), K * ROW)],
                         sem_w.at[slot])

    @pl.when(lo < hi)
    def _():
        fetch(lo, 0)

    @pl.loop(lo, hi, step=2)
    def _(t):
        @pl.when(t + 1 < hi)
        def _():
            fetch(t + 1, 1)
        wait_fetch(0)
        proc(t, t, 0, t >= lo + 2)

        @pl.when(t + 2 < hi)
        def _():
            fetch(t + 2, 0)

        @pl.when(t + 1 < hi)
        def _():
            wait_fetch(1)
            proc(t + 1, t, 1, t >= lo + 1)

    @pl.when(lo < hi)
    def _():
        wait_write(0)

    @pl.when(lo + 1 < hi)
    def _():
        wait_write(1)


HC = (N_EDGES // ROW) // 2 // K


def _seg_chain(valsA, valsB, idx_hbm, tout_hbm, zeros_hbm,
               table, vbuf, ibuf, sem_v, sem_i, sid):
    _split_copy(zeros_hbm, table, sid, N_NODES)
    plsc.subcore_barrier()

    lo, hi = _wrange(sid, NS, 2 * HC)
    _scatter_add_phase(valsA, idx_hbm, table, vbuf, ibuf, sem_v, sem_i,
                       lo, jnp.minimum(hi, HC), base=0)
    _scatter_add_phase(valsB, idx_hbm, table, vbuf, ibuf, sem_v, sem_i,
                       jnp.maximum(lo, HC), hi, base=HC)
    plsc.subcore_barrier()

    _split_copy(table, tout_hbm, sid, N_NODES)


def _seg_body(dA_hbm, dB_hbm, bA_hbm, bB_hbm, dst2_hbm, src2_hbm, zeros_hbm,
              td_hbm, tb_hbm, table, vbuf, ibuf, sem_v, sem_i):
    cid = lax.axis_index("c")
    sid = lax.axis_index("s")

    @pl.when(cid == 0)
    def _():
        _seg_chain(dA_hbm, dB_hbm, dst2_hbm, td_hbm, zeros_hbm,
                   table, vbuf, ibuf, sem_v, sem_i, sid)

    @pl.when(cid == 1)
    def _():
        _seg_chain(bA_hbm, bB_hbm, src2_hbm, tb_hbm, zeros_hbm,
                   table, vbuf, ibuf, sem_v, sem_i, sid)


@jax.jit
def _sparse_seg(dA, dB, bA, bB, dst2, src2, zeros):
    f = pl.kernel(
        _seg_body,
        out_type=[
            jax.ShapeDtypeStruct((N_NODES, HIDDEN), jnp.float32),
            jax.ShapeDtypeStruct((N_NODES, HIDDEN), jnp.float32),
        ],
        mesh=_sc_mesh(),
        compiler_params=_SC_PARAMS,
        scratch_types=[
            pltpu.VMEM_SHARED((N_NODES, HIDDEN), jnp.float32),
            pltpu.VMEM((2, K * ROW, HIDDEN), jnp.float32),
            pltpu.VMEM((2, K, ROW), jnp.int32),
            pltpu.SemaphoreType.DMA((2,)),
            pltpu.SemaphoreType.DMA((2,)),
        ],
    )
    return f(dA, dB, bA, bB, dst2, src2, zeros)


def _gather_half_body(h, td_hbm, tb_hbm, src2_hbm, dst2_hbm,
                      gd_hbm, gb_hbm, table, vbuf, ibuf, sem_i, sem_w):
    cid = lax.axis_index("c")
    sid = lax.axis_index("s")
    lo, hi = _wrange(sid, NS, HC)
    lo = lo + h * HC
    hi = hi + h * HC

    @pl.when(cid == 0)
    def _():
        _split_copy(td_hbm, table, sid, N_NODES)
        plsc.subcore_barrier()
        _gather_phase(table, src2_hbm, gd_hbm, vbuf, ibuf, sem_i, sem_w,
                      lo, hi, base=h * HC)

    @pl.when(cid == 1)
    def _():
        _split_copy(tb_hbm, table, sid, N_NODES)
        plsc.subcore_barrier()
        _gather_phase(table, dst2_hbm, gb_hbm, vbuf, ibuf, sem_i, sem_w,
                      lo, hi, base=h * HC)


@functools.partial(jax.jit, static_argnums=4)
def _sparse_gather_half(td, tb, src2, dst2, h):
    f = pl.kernel(
        functools.partial(_gather_half_body, h),
        out_type=[
            jax.ShapeDtypeStruct((N_EDGES // 2, HIDDEN), jnp.float32),
            jax.ShapeDtypeStruct((N_EDGES // 2, HIDDEN), jnp.float32),
        ],
        mesh=_sc_mesh(),
        compiler_params=_SC_PARAMS,
        scratch_types=[
            pltpu.VMEM_SHARED((N_NODES, HIDDEN), jnp.float32),
            pltpu.VMEM((2, K * ROW, HIDDEN), jnp.float32),
            pltpu.VMEM((2, K, ROW), jnp.int32),
            pltpu.SemaphoreType.DMA((2,)),
            pltpu.SemaphoreType.DMA((2,)),
        ],
    )
    return f(td, tb, src2, dst2)


def _incoming_body(dA_hbm, dB_hbm, dst2_hbm, zeros_hbm, t2_hbm,
                   table, vbuf, ibuf, sem_v, sem_i):
    cid = lax.axis_index("c")
    sid = lax.axis_index("s")
    _split_copy(zeros_hbm, table, sid, N_NODES)
    plsc.subcore_barrier()

    lo, hi = _wrange(sid, NS, HC)

    @pl.when(cid == 0)
    def _():
        _scatter_add_phase(dA_hbm, dst2_hbm, table, vbuf, ibuf, sem_v, sem_i,
                           lo, hi, base=0)

    @pl.when(cid == 1)
    def _():
        _scatter_add_phase(dB_hbm, dst2_hbm, table, vbuf, ibuf, sem_v, sem_i,
                           lo + HC, hi + HC, base=HC)
    plsc.subcore_barrier()

    _split_copy3(table, t2_hbm, cid, sid, N_NODES)


@jax.jit
def _sparse_incoming(dA, dB, dst2, zeros):
    f = pl.kernel(
        _incoming_body,
        out_type=jax.ShapeDtypeStruct((NC, N_NODES, HIDDEN), jnp.float32),
        mesh=_sc_mesh(),
        compiler_params=_SC_PARAMS,
        scratch_types=[
            pltpu.VMEM_SHARED((N_NODES, HIDDEN), jnp.float32),
            pltpu.VMEM((2, K * ROW, HIDDEN), jnp.float32),
            pltpu.VMEM((2, K, ROW), jnp.int32),
            pltpu.SemaphoreType.DMA((2,)),
            pltpu.SemaphoreType.DMA((2,)),
        ],
    )
    return f(dA, dB, dst2, zeros)


def _solv_body(sn_hbm, ssrc2_hbm, sdst2_hbm, zeros_hbm, t2_hbm,
               table, vbuf, ibuf, jbuf, sem_g, sem_i, sem_j):
    cid = lax.axis_index("c")
    sid = lax.axis_index("s")
    _split_copy(zeros_hbm, table, sid, N_SNODES)
    plsc.subcore_barrier()

    w = sid * NC + cid
    lo, hi = _wrange(w, NC * NS, N_SROWS)

    def fetch(c, slot):
        pltpu.async_copy(ssrc2_hbm.at[c], ibuf.at[slot], sem_i.at[slot])
        pltpu.async_copy(sdst2_hbm.at[c], jbuf.at[slot], sem_j.at[slot])

    def wait_fetch(slot):
        pltpu.make_async_copy(ssrc2_hbm.at[0], ibuf.at[slot],
                              sem_i.at[slot]).wait()
        pltpu.make_async_copy(sdst2_hbm.at[0], jbuf.at[slot],
                              sem_j.at[slot]).wait()

    def proc(slot):
        pltpu.sync_copy(sn_hbm.at[ibuf.at[slot, 0]], vbuf.at[slot])
        pltpu.sync_copy(vbuf.at[slot], table.at[jbuf.at[slot, 0]], add=True)

    @pl.when(lo < hi)
    def _():
        fetch(lo, 0)

    @pl.loop(lo, hi, step=2)
    def _(t):
        @pl.when(t + 1 < hi)
        def _():
            fetch(t + 1, 1)
        wait_fetch(0)
        proc(0)

        @pl.when(t + 2 < hi)
        def _():
            fetch(t + 2, 0)

        @pl.when(t + 1 < hi)
        def _():
            wait_fetch(1)
            proc(1)

    plsc.subcore_barrier()
    _split_copy3(table, t2_hbm, cid, sid, N_SNODES)


@jax.jit
def _sparse_solv(sn, ssrc2, sdst2, zeros):
    f = pl.kernel(
        _solv_body,
        out_type=jax.ShapeDtypeStruct((NC, N_SNODES, HIDDEN), jnp.float32),
        mesh=_sc_mesh(),
        compiler_params=_SC_PARAMS,
        scratch_types=[
            pltpu.VMEM_SHARED((N_SNODES, HIDDEN), jnp.float32),
            pltpu.VMEM((2, ROW, HIDDEN), jnp.float32),
            pltpu.VMEM((2, 1, ROW), jnp.int32),
            pltpu.VMEM((2, 1, ROW), jnp.int32),
            pltpu.SemaphoreType.DMA((2,)),
            pltpu.SemaphoreType.DMA((2,)),
            pltpu.SemaphoreType.DMA((2,)),
        ],
    )
    return f(sn, ssrc2, sdst2, zeros)



def _node_embed_body(nf_ref, mn_ref, mp_ref, cn_ref, cp_ref, nt_ref, p_ref):
    nf = nf_ref[...]
    nt_ref[...] = jnp.dot(nf, mn_ref[...], preferred_element_type=jnp.float32) + cn_ref[...]
    p_ref[...] = jnp.dot(nf, mp_ref[...], preferred_element_type=jnp.float32) + cp_ref[...]


def _node_embed(node_feats, m_node, m_p, c_node, c_p):
    n = node_feats.shape[0]
    return pl.pallas_call(
        _node_embed_body,
        grid=(n // NODE_BLK,),
        in_specs=[
            pl.BlockSpec((NODE_BLK, node_feats.shape[1]), lambda i: (i, 0)),
            pl.BlockSpec(m_node.shape, lambda i: (0, 0)),
            pl.BlockSpec(m_p.shape, lambda i: (0, 0)),
            pl.BlockSpec((1, HIDDEN), lambda i: (0, 0)),
            pl.BlockSpec((1, HIDDEN), lambda i: (0, 0)),
        ],
        out_specs=[
            pl.BlockSpec((NODE_BLK, HIDDEN), lambda i: (i, 0)),
            pl.BlockSpec((NODE_BLK, HIDDEN), lambda i: (i, 0)),
        ],
        out_shape=[
            jax.ShapeDtypeStruct((n, HIDDEN), jnp.float32),
            jax.ShapeDtypeStruct((n, HIDDEN), jnp.float32),
        ],
    )(node_feats, m_node, m_p, c_node, c_p)


def _init_body(ef_ref, gs_ref, gd_ref, me_ref, ce_ref, d_ref, b_ref):
    x = ef_ref[...]
    me = me_ref[...]
    ce = ce_ref[...]
    e = jnp.concatenate(
        [jnp.dot(x[:, :16], me, preferred_element_type=jnp.float32) + ce,
         jnp.dot(x[:, 16:], me, preferred_element_type=jnp.float32) + ce],
        axis=1)
    d_ref[...] = _leaky(gs_ref[...] + e)
    b_ref[...] = _leaky(gd_ref[...] + e)


def _init_edges(ef32, g_src, g_dst, m_edge, c_edge, h):
    n = g_src.shape[0]
    nb = n // PAIR_BLK
    return pl.pallas_call(
        _init_body,
        grid=(nb,),
        in_specs=[
            pl.BlockSpec((PAIR_BLK, 32), lambda i, h=h, nb=nb: (i + h * nb, 0)),
            pl.BlockSpec((PAIR_BLK, 128), lambda i: (i, 0)),
            pl.BlockSpec((PAIR_BLK, 128), lambda i: (i, 0)),
            pl.BlockSpec(m_edge.shape, lambda i: (0, 0)),
            pl.BlockSpec((1, HIDDEN), lambda i: (0, 0)),
        ],
        out_specs=[
            pl.BlockSpec((PAIR_BLK, 128), lambda i: (i, 0)),
            pl.BlockSpec((PAIR_BLK, 128), lambda i: (i, 0)),
        ],
        out_shape=[
            jax.ShapeDtypeStruct((n, 128), jnp.float32),
            jax.ShapeDtypeStruct((n, 128), jnp.float32),
        ],
    )(ef32, g_src, g_dst, m_edge, c_edge)


def _combine_body(gd_ref, gb_ref, d_ref, b_ref, w_ref, bias_ref, nd_ref, nb_ref):
    w = w_ref[...]
    d = d_ref[...]
    b = b_ref[...]
    bias = bias_ref[...]
    md = gd_ref[...] - b
    mb = gb_ref[...] - d
    nd_ref[...] = _leaky(jnp.dot(md, w, preferred_element_type=jnp.float32) + bias + d)
    nb_ref[...] = _leaky(jnp.dot(mb, w, preferred_element_type=jnp.float32) + bias + b)


def _combine(g_d, g_b, direct, backward, w2, bias2):
    n = direct.shape[0]
    return pl.pallas_call(
        _combine_body,
        grid=(n // PAIR_BLK,),
        in_specs=[
            pl.BlockSpec((PAIR_BLK, 128), lambda i: (i, 0)),
            pl.BlockSpec((PAIR_BLK, 128), lambda i: (i, 0)),
            pl.BlockSpec((PAIR_BLK, 128), lambda i: (i, 0)),
            pl.BlockSpec((PAIR_BLK, 128), lambda i: (i, 0)),
            pl.BlockSpec((128, 128), lambda i: (0, 0)),
            pl.BlockSpec((1, 128), lambda i: (0, 0)),
        ],
        out_specs=[
            pl.BlockSpec((PAIR_BLK, 128), lambda i: (i, 0)),
            pl.BlockSpec((PAIR_BLK, 128), lambda i: (i, 0)),
        ],
        out_shape=[
            jax.ShapeDtypeStruct((n, 128), jnp.float32),
            jax.ShapeDtypeStruct((n, 128), jnp.float32),
        ],
    )(g_d, g_b, direct, backward, w2, bias2)


def _readout_body(p_ref, inc_ref, wa_ref, sum_ref):
    i = pl.program_id(0)
    inc = inc_ref[0] + inc_ref[1]
    h = _leaky(p_ref[...] + jnp.dot(inc, wa_ref[...],
                                    preferred_element_type=jnp.float32))
    s = jnp.sum(h, axis=0, keepdims=True)

    @pl.when(i == 0)
    def _():
        sum_ref[...] = jnp.zeros_like(sum_ref)

    sum_ref[...] += s


def _readout(p, inc2, wa_i):
    n = p.shape[0]
    return pl.pallas_call(
        _readout_body,
        grid=(n // NODE_BLK,),
        in_specs=[
            pl.BlockSpec((NODE_BLK, HIDDEN), lambda i: (i, 0)),
            pl.BlockSpec((NC, NODE_BLK, HIDDEN), lambda i: (0, i, 0)),
            pl.BlockSpec((HIDDEN, HIDDEN), lambda i: (0, 0)),
        ],
        out_specs=pl.BlockSpec((1, HIDDEN), lambda i: (0, 0)),
        out_shape=jax.ShapeDtypeStruct((1, HIDDEN), jnp.float32),
    )(p, inc2, wa_i)


def _solv_embed_body(sf_ref, w_ref, b_ref, sn_ref):
    sn_ref[...] = _leaky(
        jnp.dot(sf_ref[...], w_ref[...], preferred_element_type=jnp.float32)
        + b_ref[...])


def _solv_embed(solv_node_feats, w_solv, b_solv):
    n = solv_node_feats.shape[0]
    blk = 1000
    return pl.pallas_call(
        _solv_embed_body,
        grid=(n // blk,),
        in_specs=[
            pl.BlockSpec((blk, solv_node_feats.shape[1]), lambda i: (i, 0)),
            pl.BlockSpec(w_solv.shape, lambda i: (0, 0)),
            pl.BlockSpec((1, HIDDEN), lambda i: (0, 0)),
        ],
        out_specs=pl.BlockSpec((blk, HIDDEN), lambda i: (i, 0)),
        out_shape=jax.ShapeDtypeStruct((n, HIDDEN), jnp.float32),
    )(solv_node_feats, w_solv, b_solv.reshape(1, HIDDEN))


def _solv_final_body(sn_ref, agg_ref, sum_ref):
    i = pl.program_id(0)
    h = _leaky(sn_ref[...] + agg_ref[0] + agg_ref[1])
    s = jnp.sum(h, axis=0, keepdims=True)

    @pl.when(i == 0)
    def _():
        sum_ref[...] = jnp.zeros_like(sum_ref)

    sum_ref[...] += s


def _solv_final(sn, agg2):
    n = sn.shape[0]
    blk = 1000
    return pl.pallas_call(
        _solv_final_body,
        grid=(n // blk,),
        in_specs=[
            pl.BlockSpec((blk, HIDDEN), lambda i: (i, 0)),
            pl.BlockSpec((NC, blk, HIDDEN), lambda i: (0, i, 0)),
        ],
        out_specs=pl.BlockSpec((1, HIDDEN), lambda i: (0, 0)),
        out_shape=jax.ShapeDtypeStruct((1, HIDDEN), jnp.float32),
    )(sn, agg2)



def kernel(graph, node_feats, edge_feats, solv_graph, solv_node_feats,
           W_node, b_node, W_edge, b_edge, W_init, b_init, W_a, b_a,
           W_layers, b_layers, W_solv, b_solv, W_out, b_out):
    src2 = graph[0].reshape(N_ROWS // K, K, ROW)
    dst2 = graph[1].reshape(N_ROWS // K, K, ROW)
    ssrc2 = solv_graph[0].reshape(N_SROWS, 1, ROW)
    sdst2 = solv_graph[1].reshape(N_SROWS, 1, ROW)
    zeros = jnp.zeros((N_NODES, HIDDEN), jnp.float32)

    wi_h = W_init[:HIDDEN]
    wi_e = W_init[HIDDEN:]
    wa_n = W_a[:HIDDEN]
    wa_i = W_a[HIDDEN:]
    m_node = W_node @ wi_h
    m_p = W_node @ wa_n
    c_node = (b_node @ wi_h).reshape(1, HIDDEN)
    c_p = (b_node @ wa_n + b_a).reshape(1, HIDDEN)
    m_edge = W_edge @ wi_e
    c_edge = (b_edge @ wi_e + b_init).reshape(1, HIDDEN)

    nt, p = _node_embed(node_feats, m_node, m_p, c_node, c_p)

    HPAIR = N_PAIRS // 2
    HE = N_EDGES // 2
    gsA, gdA, gsB, gdB = _sparse_init_gather(nt, src2, dst2)
    ef32 = edge_feats.reshape(N_PAIRS, 32)
    dA, bA = _init_edges(ef32, gsA.reshape(HPAIR, 128),
                         gdA.reshape(HPAIR, 128), m_edge, c_edge, 0)
    dB, bB = _init_edges(ef32, gsB.reshape(HPAIR, 128),
                         gdB.reshape(HPAIR, 128), m_edge, c_edge, 1)

    zeros128 = jnp.zeros((128, 128), jnp.float32)
    for l in range(LAYERS):
        w = W_layers[l]
        w2 = zeros128.at[:HIDDEN, :HIDDEN].set(w).at[HIDDEN:, HIDDEN:].set(w)
        bias2 = jnp.tile(b_layers[l], 2).reshape(1, 128)
        td, tb = _sparse_seg(dA.reshape(HE, HIDDEN), dB.reshape(HE, HIDDEN),
                             bA.reshape(HE, HIDDEN), bB.reshape(HE, HIDDEN),
                             dst2, src2, zeros)
        g_dA, g_bA = _sparse_gather_half(td, tb, src2, dst2, 0)
        g_dB, g_bB = _sparse_gather_half(td, tb, src2, dst2, 1)
        dA, bA = _combine(g_dA.reshape(HPAIR, 128), g_bA.reshape(HPAIR, 128),
                          dA, bA, w2, bias2)
        dB, bB = _combine(g_dB.reshape(HPAIR, 128), g_bB.reshape(HPAIR, 128),
                          dB, bB, w2, bias2)

    inc2 = _sparse_incoming(dA.reshape(HE, HIDDEN), dB.reshape(HE, HIDDEN),
                            dst2, zeros)
    solute_sum = _readout(p, inc2, wa_i)

    sn = _solv_embed(solv_node_feats, W_solv, b_solv)
    agg2 = _sparse_solv(sn, ssrc2, sdst2, zeros)
    solv_sum = _solv_final(sn, agg2)

    solute_pool = solute_sum[0] / node_feats.shape[0]
    solv_pool = solv_sum[0] / solv_node_feats.shape[0]
    out = jnp.concatenate([solute_pool, solv_pool], axis=-1) @ W_out + b_out
    return out


def _init_gather_body(nt_hbm, src2_hbm, dst2_hbm,
                      gsA_hbm, gdA_hbm, gsB_hbm, gdB_hbm,
                      table, vbuf, ibuf, sem_i, sem_w):
    cid = lax.axis_index("c")
    sid = lax.axis_index("s")
    _split_copy(nt_hbm, table, sid, N_NODES)
    plsc.subcore_barrier()

    lo, hi = _wrange(sid, NS, HC)

    @pl.when(cid == 0)
    def _():
        _gather_phase(table, src2_hbm, gsA_hbm, vbuf, ibuf, sem_i, sem_w,
                      lo, hi, base=0)
        _gather_phase(table, src2_hbm, gsB_hbm, vbuf, ibuf, sem_i, sem_w,
                      lo + HC, hi + HC, base=HC)

    @pl.when(cid == 1)
    def _():
        _gather_phase(table, dst2_hbm, gdA_hbm, vbuf, ibuf, sem_i, sem_w,
                      lo, hi, base=0)
        _gather_phase(table, dst2_hbm, gdB_hbm, vbuf, ibuf, sem_i, sem_w,
                      lo + HC, hi + HC, base=HC)


@jax.jit
def _sparse_init_gather(nt, src2, dst2):
    f = pl.kernel(
        _init_gather_body,
        out_type=[
            jax.ShapeDtypeStruct((N_EDGES // 2, HIDDEN), jnp.float32),
            jax.ShapeDtypeStruct((N_EDGES // 2, HIDDEN), jnp.float32),
            jax.ShapeDtypeStruct((N_EDGES // 2, HIDDEN), jnp.float32),
            jax.ShapeDtypeStruct((N_EDGES // 2, HIDDEN), jnp.float32),
        ],
        mesh=_sc_mesh(),
        compiler_params=_SC_PARAMS,
        scratch_types=[
            pltpu.VMEM_SHARED((N_NODES, HIDDEN), jnp.float32),
            pltpu.VMEM((2, K * ROW, HIDDEN), jnp.float32),
            pltpu.VMEM((2, K, ROW), jnp.int32),
            pltpu.SemaphoreType.DMA((2,)),
            pltpu.SemaphoreType.DMA((2,)),
        ],
    )
    return f(nt, src2, dst2)

# --- scband reference (transcript-rebuilt; emitter-appended) ---
"""Pipeline reference for scband-network-27874337751280 (READ-ONLY COPY).

The authoritative reference and input builder live on the scoring server;
editing this copy changes nothing except your own understanding.
"""

import jax, jax.numpy as jnp
import numpy as np

HIDDEN = 64
LAYERS = 4
NODE_DIM = 128
EDGE_DIM = 16
N_NODES = 10000
N_EDGES = 320000
N_SOLV_NODES = 5000
N_SOLV_EDGES = 80000


def leaky(x):
    return jnp.where(x > 0, x, 0.01 * x)


def setup_inputs(seed: int = 0) -> dict:
    key = jax.random.key(seed)
    ks = jax.random.split(key, 20)
    inp = {}
    inp["graph"] = jax.random.randint(ks[0], (2, N_EDGES), 0, N_NODES, dtype=jnp.int64 if jax.config.jax_enable_x64 else jnp.int32).astype(jnp.int32)
    inp["node_feats"] = jax.random.normal(ks[1], (N_NODES, NODE_DIM), dtype=jnp.float32)
    inp["edge_feats"] = jax.random.normal(ks[2], (N_EDGES, EDGE_DIM), dtype=jnp.float32)
    inp["solv_graph"] = jax.random.randint(ks[3], (2, N_SOLV_EDGES), 0, N_SOLV_NODES, dtype=jnp.int32)
    inp["solv_node_feats"] = jax.random.normal(ks[4], (N_SOLV_NODES, NODE_DIM), dtype=jnp.float32)
    # learned parameters
    def lin(k, fan_in, fan_out):
        s = 1.0 / np.sqrt(fan_in)
        return jax.random.uniform(k, (fan_in, fan_out), jnp.float32, -s, s)
    inp["W_node"] = lin(ks[5], NODE_DIM, HIDDEN)
    inp["b_node"] = jnp.zeros((HIDDEN,), jnp.float32)
    inp["W_edge"] = lin(ks[6], EDGE_DIM, HIDDEN)
    inp["b_edge"] = jnp.zeros((HIDDEN,), jnp.float32)
    inp["W_init"] = lin(ks[7], 2 * HIDDEN, HIDDEN)
    inp["b_init"] = jnp.zeros((HIDDEN,), jnp.float32)
    inp["W_a"] = lin(ks[8], 2 * HIDDEN, HIDDEN)
    inp["b_a"] = jnp.zeros((HIDDEN,), jnp.float32)
    inp["W_layers"] = jnp.stack([lin(jax.random.fold_in(ks[9], i), HIDDEN, HIDDEN) for i in range(LAYERS)])
    inp["b_layers"] = jnp.zeros((LAYERS, HIDDEN), jnp.float32)
    inp["W_solv"] = lin(ks[10], NODE_DIM, HIDDEN)
    inp["b_solv"] = jnp.zeros((HIDDEN,), jnp.float32)
    inp["W_out"] = lin(ks[11], 2 * HIDDEN, 1)
    inp["b_out"] = jnp.zeros((1,), jnp.float32)
    return inp


def reference(graph, node_feats, edge_feats, solv_graph, solv_node_feats,
              W_node, b_node, W_edge, b_edge, W_init, b_init, W_a, b_a,
              W_layers, b_layers, W_solv, b_solv, W_out, b_out):
    src = graph[0]
    dst = graph[1]
    N = node_feats.shape[0]
    # embeddings
    node = node_feats @ W_node + b_node
    edge = edge_feats @ W_edge + b_edge
    # init directed edge hidden states (init_h_func on [h_src || h_e])
    direct = leaky(jnp.concatenate([node[src], edge], axis=-1) @ W_init + b_init)
    backward = leaky(jnp.concatenate([node[dst], edge], axis=-1) @ W_init + b_init)
    hidden = None
    for l in range(LAYERS):
        agg_d = jax.ops.segment_sum(direct, dst, num_segments=N)
        m_d = agg_d[src] - backward
        agg_b = jax.ops.segment_sum(backward, src, num_segments=N)
        m_b = agg_b[dst] - direct
        new_d = leaky(m_d @ W_layers[l] + b_layers[l] + direct)
        new_b = leaky(m_b @ W_layers[l] + b_layers[l] + backward)
        direct, backward = new_d, new_b
        incoming = jax.ops.segment_sum(direct, dst, num_segments=N)
        hidden = leaky(jnp.concatenate([node, incoming], axis=-1) @ W_a + b_a)
    # solvent layer: embed + one mean-field propagation + pooled readout
    sn = leaky(solv_node_feats @ W_solv + b_solv)
    ssrc = solv_graph[0]
    sdst = solv_graph[1]
    agg_s = jax.ops.segment_sum(sn[ssrc], sdst, num_segments=sn.shape[0])
    sn = leaky(sn + agg_s)
    solute_pool = jnp.mean(hidden, axis=0)
    solv_pool = jnp.mean(sn, axis=0)
    out = jnp.concatenate([solute_pool, solv_pool], axis=-1) @ W_out + b_out
    return out

if __name__ == "__main__":
    import jax
    _d = setup_inputs()
    print(jax.jit(kernel)(*tuple(_d.values())))

</pallas_src>

<mosaic_0001>
#map = affine_map<(d0, d1) -> (0, 0)>
#map1 = affine_map<(d0, d1) -> (0, 0, 0)>
module attributes {stable_mosaic.version = 14 : i64} {
  func.func @_init_gather_body(%arg0: i32, %arg1: i32, %arg2: memref<10000x64xf32, #tpu.memory_space<hbm>>, %arg3: memref<1250x2x128xi32, #tpu.memory_space<hbm>>, %arg4: memref<1250x2x128xi32, #tpu.memory_space<hbm>>, %arg5: memref<160000x64xf32, #tpu.memory_space<hbm>>, %arg6: memref<160000x64xf32, #tpu.memory_space<hbm>>, %arg7: memref<160000x64xf32, #tpu.memory_space<hbm>>, %arg8: memref<160000x64xf32, #tpu.memory_space<hbm>>, %arg9: memref<10000x64xf32, #tpu.memory_space<vmem_shared>>, %arg10: memref<2x256x64xf32, #tpu.memory_space<vmem>>, %arg11: memref<2x2x128xi32, #tpu.memory_space<vmem>>, %arg12: memref<2x!tpu.dma_semaphore, #tpu.memory_space<semaphore_mem>>, %arg13: memref<2x!tpu.dma_semaphore, #tpu.memory_space<semaphore_mem>>) attributes {dimension_semantics = [#tpu.dimension_semantics<core_parallel>, #tpu.dimension_semantics<subcore_parallel>], iteration_bounds = array<i64: 2, 16>, scalar_prefetch = 0 : i64, scratch_operands = 5 : i64, tpu.core_type = #tpu.core_type<sc_vector_subcore>, window_params = [{transform_indices = #map}, {transform_indices = #map1}, {transform_indices = #map1}, {transform_indices = #map}, {transform_indices = #map}, {transform_indices = #map}, {transform_indices = #map}]} {
    %mul3A = arith.constant 624 : i32
    %mul3A_0 = arith.muli %arg1, %mul3A : i32
    %mul3A_1 = arith.constant 624 : i32
    %mul3A_2 = arith.muli %arg1, %mul3A_1 : i32
    "tpu.region"() ({
      %run_scoped3A = tpu.sem_alloc : memref<!tpu.dma_semaphore, #tpu.memory_space<semaphore_mem>>
      %dma_start3A = arith.constant 0 : i32
      %dma_start3A_23 = tpu.memref_slice %arg9[%mul3A_2, %dma_start3A] : memref<10000x64xf32, #tpu.memory_space<vmem_shared>> -> memref<624x64xf32, #tpu.memory_space<vmem_shared>>
      %dma_start3A_24 = arith.constant 0 : i32
      %dma_start3A_25 = tpu.memref_slice %arg2[%mul3A_0, %dma_start3A_24] : memref<10000x64xf32, #tpu.memory_space<hbm>> -> memref<624x64xf32, #tpu.memory_space<hbm>>
      tpu.enqueue_dma source(%dma_start3A_25 : memref<624x64xf32, #tpu.memory_space<hbm>>) target(%dma_start3A_23 : memref<624x64xf32, #tpu.memory_space<vmem_shared>>) target_semaphore(%run_scoped3A : memref<!tpu.dma_semaphore, #tpu.memory_space<semaphore_mem>>)
      %dma_wait3A = arith.constant 0 : i32
      %dma_wait3A_26 = tpu.memref_slice %arg9[%mul3A_2, %dma_wait3A] : memref<10000x64xf32, #tpu.memory_space<vmem_shared>> -> memref<624x64xf32, #tpu.memory_space<vmem_shared>>
      %dma_wait3A_27 = arith.constant 0 : i32
      %dma_wait3A_28 = tpu.memref_slice %arg2[%mul3A_0, %dma_wait3A_27] : memref<10000x64xf32, #tpu.memory_space<hbm>> -> memref<624x64xf32, #tpu.memory_space<hbm>>
      tpu.wait_dma2 semaphore(%run_scoped3A : memref<!tpu.dma_semaphore, #tpu.memory_space<semaphore_mem>>) src(%dma_wait3A_28 : memref<624x64xf32, #tpu.memory_space<hbm>>) dst(%dma_wait3A_26 : memref<624x64xf32, #tpu.memory_space<vmem_shared>>)
      tpu.yield
    }) : () -> ()
    %eq3A = arith.constant 15 : i32
    %eq3A_3 = arith.cmpi eq, %arg1, %eq3A : i32
    %convert_element_type3A = arith.extui %eq3A_3 : i1 to i32
    %cond3A = arith.constant 0 : i32
    %cond3A_4 = arith.cmpi ne, %convert_element_type3A, %cond3A : i32
    scf.if %cond3A_4 {
      "tpu.region"() ({
        %run_scoped3A = tpu.sem_alloc : memref<!tpu.dma_semaphore, #tpu.memory_space<semaphore_mem>>
        %dma_start3A = arith.constant 9984 : i32
        %dma_start3A_23 = arith.constant 0 : i32
        %dma_start3A_24 = tpu.memref_slice %arg9[%dma_start3A, %dma_start3A_23] : memref<10000x64xf32, #tpu.memory_space<vmem_shared>> -> memref<16x64xf32, #tpu.memory_space<vmem_shared>>
        %dma_start3A_25 = arith.constant 9984 : i32
        %dma_start3A_26 = arith.constant 0 : i32
        %dma_start3A_27 = tpu.memref_slice %arg2[%dma_start3A_25, %dma_start3A_26] : memref<10000x64xf32, #tpu.memory_space<hbm>> -> memref<16x64xf32, #tpu.memory_space<hbm>>
        tpu.enqueue_dma source(%dma_start3A_27 : memref<16x64xf32, #tpu.memory_space<hbm>>) target(%dma_start3A_24 : memref<16x64xf32, #tpu.memory_space<vmem_shared>>) target_semaphore(%run_scoped3A : memref<!tpu.dma_semaphore, #tpu.memory_space<semaphore_mem>>)
        %dma_wait3A = arith.constant 9984 : i32
        %dma_wait3A_28 = arith.constant 0 : i32
        %dma_wait3A_29 = tpu.memref_slice %arg9[%dma_wait3A, %dma_wait3A_28] : memref<10000x64xf32, #tpu.memory_space<vmem_shared>> -> memref<16x64xf32, #tpu.memory_space<vmem_shared>>
        %dma_wait3A_30 = arith.constant 9984 : i32
        %dma_wait3A_31 = arith.constant 0 : i32
        %dma_wait3A_32 = tpu.memref_slice %arg2[%dma_wait3A_30, %dma_wait3A_31] : memref<10000x64xf32, #tpu.memory_space<hbm>> -> memref<16x64xf32, #tpu.memory_space<hbm>>
        tpu.wait_dma2 semaphore(%run_scoped3A : memref<!tpu.dma_semaphore, #tpu.memory_space<semaphore_mem>>) src(%dma_wait3A_32 : memref<16x64xf32, #tpu.memory_space<hbm>>) dst(%dma_wait3A_29 : memref<16x64xf32, #tpu.memory_space<vmem_shared>>)
        tpu.yield
      }) : () -> ()
    } else {
    }
    %barrier3A = arith.constant 0 : index
    tpu.barrier barrier_id(%barrier3A)
    %mul3A_5 = arith.constant 39 : i32
    %mul3A_6 = arith.muli %arg1, %mul3A_5 : i32
    %min3A = arith.constant 1 : i32
    %min3A_7 = arith.minsi %arg1, %min3A : i32
    %add3A = arith.addi %mul3A_6, %min3A_7 : i32
    %add3A_8 = arith.constant 39 : i32
    %add3A_9 = arith.addi %add3A, %add3A_8 : i32
    %lt3A = arith.constant 1 : i32
    %lt3A_10 = arith.cmpi slt, %arg1, %lt3A : i32
    %jit3A = arith.constant 1 : i32
    %jit3A_11 = arith.constant 0 : i32
    %select_n3A = arith.select %lt3A_10, %jit3A, %jit3A_11 : i32
    %add3A_12 = arith.addi %add3A_9, %select_n3A : i32
    %eq3A_13 = arith.constant 0 : i32
    %eq3A_14 = arith.cmpi eq, %arg0, %eq3A_13 : i32
    %convert_element_type3A_15 = arith.extui %eq3A_14 : i1 to i32
    %cond3A_16 = arith.constant 0 : i32
    %cond3A_17 = arith.cmpi ne, %convert_element_type3A_15, %cond3A_16 : i32
    scf.if %cond3A_17 {
      %lt3A_23 = arith.cmpi slt, %add3A, %add3A_12 : i32
      %convert_element_type3A_24 = arith.extui %lt3A_23 : i1 to i32
      %cond3A_25 = arith.constant 0 : i32
      %cond3A_26 = arith.cmpi ne, %convert_element_type3A_24, %cond3A_25 : i32
      scf.if %cond3A_26 {
        %dma_start3A = arith.constant 0 : i32
        %dma_start3A_86 = arith.constant 0 : i32
        %dma_start3A_87 = arith.constant 0 : i32
        %dma_start3A_88 = arith.constant 0 : i32
        %dma_start3A_89 = tpu.memref_slice %arg11[%dma_start3A, %dma_start3A_87, %dma_start3A_88] : memref<2x2x128xi32, #tpu.memory_space<vmem>> -> memref<1x2x128xi32, #tpu.memory_space<vmem>>
        %dma_start3A_90 = tpu.memref_squeeze %dma_start3A_89 : memref<1x2x128xi32, #tpu.memory_space<vmem>> -> memref<2x128xi32, #tpu.memory_space<vmem>>
        %dma_start3A_91 = arith.constant 0 : i32
        %dma_start3A_92 = arith.constant 0 : i32
        %dma_start3A_93 = tpu.memref_slice %arg3[%add3A, %dma_start3A_91, %dma_start3A_92] : memref<1250x2x128xi32, #tpu.memory_space<hbm>> -> memref<1x2x128xi32, #tpu.memory_space<hbm>>
        %dma_start3A_94 = tpu.memref_squeeze %dma_start3A_93 : memref<1x2x128xi32, #tpu.memory_space<hbm>> -> memref<2x128xi32, #tpu.memory_space<hbm>>
        %dma_start3A_95 = tpu.memref_slice %arg12[%dma_start3A_86] : memref<2x!tpu.dma_semaphore, #tpu.memory_space<semaphore_mem>> -> memref<1x!tpu.dma_semaphore, #tpu.memory_space<semaphore_mem>>
        %dma_start3A_96 = tpu.memref_squeeze %dma_start3A_95 : memref<1x!tpu.dma_semaphore, #tpu.memory_space<semaphore_mem>> -> memref<!tpu.dma_semaphore, #tpu.memory_space<semaphore_mem>>
        %dma_start3A_97 = arith.constant 0 : i32
        %dma_start3A_98 = arith.constant 0 : i32
        %dma_start3A_99 = tpu.memref_slice %arg11[%dma_start3A, %dma_start3A_97, %dma_start3A_98] : memref<2x2x128xi32, #tpu.memory_space<vmem>> -> memref<1x2x128xi32, #tpu.memory_space<vmem>>
        %dma_start3A_100 = tpu.memref_squeeze %dma_start3A_99 : memref<1x2x128xi32, #tpu.memory_space<vmem>> -> memref<2x128xi32, #tpu.memory_space<vmem>>
        %dma_start3A_101 = arith.constant 0 : i32
        %dma_start3A_102 = arith.constant 0 : i32
        %dma_start3A_103 = tpu.memref_slice %arg3[%add3A, %dma_start3A_101, %dma_start3A_102] : memref<1250x2x128xi32, #tpu.memory_space<hbm>> -> memref<1x2x128xi32, #tpu.memory_space<hbm>>
        %dma_start3A_104 = tpu.memref_squeeze %dma_start3A_103 : memref<1x2x128xi32, #tpu.memory_space<hbm>> -> memref<2x128xi32, #tpu.memory_space<hbm>>
        tpu.enqueue_dma source(%dma_start3A_104 : memref<2x128xi32, #tpu.memory_space<hbm>>) target(%dma_start3A_100 : memref<2x128xi32, #tpu.memory_space<vmem>>) target_semaphore(%dma_start3A_96 : memref<!tpu.dma_semaphore, #tpu.memory_space<semaphore_mem>>)
      } else {
      }
      %sub3A = arith.subi %add3A_12, %add3A : i32
      %sub3A_27 = arith.constant 2 : i32
      %sub3A_28 = arith.constant 1 : i32
      %sub3A_29 = arith.subi %sub3A_27, %sub3A_28 : i32
      %add3A_30 = arith.addi %sub3A, %sub3A_29 : i32
      %div3A = arith.constant 2 : i32
      %div3A_31 = arith.divsi %add3A_30, %div3A : i32
      %while3A = arith.constant 2 : i32
      %while3A_32 = arith.constant 0 : i32
      %while3A_33 = arith.subi %div3A_31, %while3A_32 : i32
      %while3A_34 = arith.addi %while3A_32, %while3A_33 : i32
      %while3A_35 = arith.constant 1 : i32
      %while3A_36 = arith.divsi %while3A_33, %while3A_35 : i32
      %while3A_37 = arith.muli %while3A_36, %while3A_35 : i32
      %while3A_38 = arith.addi %while3A_32, %while3A_37 : i32
      %while3A_39 = arith.constant 1 : i32
      scf.for %while3A_86 = %while3A_32 to %while3A_38 step %while3A_39  : i32 {
        %mul3A_87 = arith.muli %while3A_86, %while3A : i32
        %add3A_88 = arith.addi %add3A, %mul3A_87 : i32
        %add3A_89 = arith.constant 1 : i32
        %add3A_90 = arith.addi %add3A_88, %add3A_89 : i32
        %lt3A_91 = arith.cmpi slt, %add3A_90, %add3A_12 : i32
        %convert_element_type3A_92 = arith.extui %lt3A_91 : i1 to i32
        %cond3A_93 = arith.constant 0 : i32
        %cond3A_94 = arith.cmpi ne, %convert_element_type3A_92, %cond3A_93 : i32
        scf.if %cond3A_94 {
          %add3A_156 = arith.constant 1 : i32
          %add3A_157 = arith.addi %add3A_88, %add3A_156 : i32
          %dma_start3A_158 = arith.constant 1 : i32
          %dma_start3A_159 = arith.constant 1 : i32
          %dma_start3A_160 = arith.constant 0 : i32
          %dma_start3A_161 = arith.constant 0 : i32
          %dma_start3A_162 = tpu.memref_slice %arg11[%dma_start3A_158, %dma_start3A_160, %dma_start3A_161] : memref<2x2x128xi32, #tpu.memory_space<vmem>> -> memref<1x2x128xi32, #tpu.memory_space<vmem>>
          %dma_start3A_163 = tpu.memref_squeeze %dma_start3A_162 : memref<1x2x128xi32, #tpu.memory_space<vmem>> -> memref<2x128xi32, #tpu.memory_space<vmem>>
          %dma_start3A_164 = arith.constant 0 : i32
          %dma_start3A_165 = arith.constant 0 : i32
          %dma_start3A_166 = tpu.memref_slice %arg3[%add3A_157, %dma_start3A_164, %dma_start3A_165] : memref<1250x2x128xi32, #tpu.memory_space<hbm>> -> memref<1x2x128xi32, #tpu.memory_space<hbm>>
          %dma_start3A_167 = tpu.memref_squeeze %dma_start3A_166 : memref<1x2x128xi32, #tpu.memory_space<hbm>> -> memref<2x128xi32, #tpu.memory_space<hbm>>
          %dma_start3A_168 = tpu.memref_slice %arg12[%dma_start3A_159] : memref<2x!tpu.dma_semaphore, #tpu.memory_space<semaphore_mem>> -> memref<1x!tpu.dma_semaphore, #tpu.memory_space<semaphore_mem>>
          %dma_start3A_169 = tpu.memref_squeeze %dma_start3A_168 : memref<1x!tpu.dma_semaphore, #tpu.memory_space<semaphore_mem>> -> memref<!tpu.dma_semaphore, #tpu.memory_space<semaphore_mem>>
          %dma_start3A_170 = arith.constant 0 : i32
          %dma_start3A_171 = arith.constant 0 : i32
          %dma_start3A_172 = tpu.memref_slice %arg11[%dma_start3A_158, %dma_start3A_170, %dma_start3A_171] : memref<2x2x128xi32, #tpu.memory_space<vmem>> -> memref<1x2x128xi32, #tpu.memory_space<vmem>>
          %dma_start3A_173 = tpu.memref_squeeze %dma_start3A_172 : memref<1x2x128xi32, #tpu.memory_space<vmem>> -> memref<2x128xi32, #tpu.memory_space<vmem>>
          %dma_start3A_174 = arith.constant 0 : i32
          %dma_start3A_175 = arith.constant 0 : i32
          %dma_start3A_176 = tpu.memref_slice %arg3[%add3A_157, %dma_start3A_174, %dma_start3A_175] : memref<1250x2x128xi32, #tpu.memory_space<hbm>> -> memref<1x2x128xi32, #tpu.memory_space<hbm>>
          %dma_start3A_177 = tpu.memref_squeeze %dma_start3A_176 : memref<1x2x128xi32, #tpu.memory_space<hbm>> -> memref<2x128xi32, #tpu.memory_space<hbm>>
          tpu.enqueue_dma source(%dma_start3A_177 : memref<2x128xi32, #tpu.memory_space<hbm>>) target(%dma_start3A_173 : memref<2x128xi32, #tpu.memory_space<vmem>>) target_semaphore(%dma_start3A_169 : memref<!tpu.dma_semaphore, #tpu.memory_space<semaphore_mem>>)
        } else {
        }
        %dma_wait3A = arith.constant 0 : i32
        %dma_wait3A_95 = arith.constant 0 : i32
        %dma_wait3A_96 = arith.constant 0 : i32
        %dma_wait3A_97 = arith.constant 0 : i32
        %dma_wait3A_98 = arith.constant 0 : i32
        %dma_wait3A_99 = tpu.memref_slice %arg11[%dma_wait3A_95, %dma_wait3A_97, %dma_wait3A_98] : memref<2x2x128xi32, #tpu.memory_space<vmem>> -> memref<1x2x128xi32, #tpu.memory_space<vmem>>
        %dma_wait3A_100 = tpu.memref_squeeze %dma_wait3A_99 : memref<1x2x128xi32, #tpu.memory_space<vmem>> -> memref<2x128xi32, #tpu.memory_space<vmem>>
        %dma_wait3A_101 = arith.constant 0 : i32
        %dma_wait3A_102 = arith.constant 0 : i32
        %dma_wait3A_103 = tpu.memref_slice %arg3[%dma_wait3A, %dma_wait3A_101, %dma_wait3A_102] : memref<1250x2x128xi32, #tpu.memory_space<hbm>> -> memref<1x2x128xi32, #tpu.memory_space<hbm>>
        %dma_wait3A_104 = tpu.memref_squeeze %dma_wait3A_103 : memref<1x2x128xi32, #tpu.memory_space<hbm>> -> memref<2x128xi32, #tpu.memory_space<hbm>>
        %dma_wait3A_105 = tpu.memref_slice %arg12[%dma_wait3A_96] : memref<2x!tpu.dma_semaphore, #tpu.memory_space<semaphore_mem>> -> memref<1x!tpu.dma_semaphore, #tpu.memory_space<semaphore_mem>>
        %dma_wait3A_106 = tpu.memref_squeeze %dma_wait3A_105 : memref<1x!tpu.dma_semaphore, #tpu.memory_space<semaphore_mem>> -> memref<!tpu.dma_semaphore, #tpu.memory_space<semaphore_mem>>
        %dma_wait3A_107 = arith.constant 0 : i32
        %dma_wait3A_108 = arith.constant 0 : i32
        %dma_wait3A_109 = tpu.memref_slice %arg11[%dma_wait3A_95, %dma_wait3A_107, %dma_wait3A_108] : memref<2x2x128xi32, #tpu.memory_space<vmem>> -> memref<1x2x128xi32, #tpu.memory_space<vmem>>
        %dma_wait3A_110 = tpu.memref_squeeze %dma_wait3A_109 : memref<1x2x128xi32, #tpu.memory_space<vmem>> -> memref<2x128xi32, #tpu.memory_space<vmem>>
        %dma_wait3A_111 = arith.constant 0 : i32
        %dma_wait3A_112 = arith.constant 0 : i32
        %dma_wait3A_113 = tpu.memref_slice %arg3[%dma_wait3A, %dma_wait3A_111, %dma_wait3A_112] : memref<1250x2x128xi32, #tpu.memory_space<hbm>> -> memref<1x2x128xi32, #tpu.memory_space<hbm>>
        %dma_wait3A_114 = tpu.memref_squeeze %dma_wait3A_113 : memref<1x2x128xi32, #tpu.memory_space<hbm>> -> memref<2x128xi32, #tpu.memory_space<hbm>>
        tpu.wait_dma2 semaphore(%dma_wait3A_106 : memref<!tpu.dma_semaphore, #tpu.memory_space<semaphore_mem>>) src(%dma_wait3A_114 : memref<2x128xi32, #tpu.memory_space<hbm>>) dst(%dma_wait3A_110 : memref<2x128xi32, #tpu.memory_space<vmem>>)
        %add3A_115 = arith.constant 2 : i32
        %add3A_116 = arith.addi %add3A, %add3A_115 : i32
        %ge3A = arith.cmpi sge, %add3A_88, %add3A_116 : i32
        %convert_element_type3A_117 = arith.extui %ge3A : i1 to i32
        %cond3A_118 = arith.constant 0 : i32
        %cond3A_119 = arith.cmpi ne, %convert_element_type3A_117, %cond3A_118 : i32
        scf.if %cond3A_119 {
          %dma_wait3A_156 = arith.constant 0 : i32
          %dma_wait3A_157 = arith.constant 0 : i32
          %dma_wait3A_158 = arith.constant 0 : i32
          %dma_wait3A_159 = arith.constant 0 : i32
          %dma_wait3A_160 = tpu.memref_slice %arg10[%dma_wait3A_156, %dma_wait3A_158, %dma_wait3A_159] : memref<2x256x64xf32, #tpu.memory_space<vmem>> -> memref<1x256x64xf32, #tpu.memory_space<vmem>>
          %dma_wait3A_161 = tpu.memref_squeeze %dma_wait3A_160 : memref<1x256x64xf32, #tpu.memory_space<vmem>> -> memref<256x64xf32, #tpu.memory_space<vmem>>
          %dma_wait3A_162 = arith.constant 0 : i32
          %dma_wait3A_163 = arith.constant 0 : i32
          %dma_wait3A_164 = tpu.memref_slice %arg5[%dma_wait3A_162, %dma_wait3A_163] : memref<160000x64xf32, #tpu.memory_space<hbm>> -> memref<256x64xf32, #tpu.memory_space<hbm>>
          %dma_wait3A_165 = tpu.memref_slice %arg13[%dma_wait3A_157] : memref<2x!tpu.dma_semaphore, #tpu.memory_space<semaphore_mem>> -> memref<1x!tpu.dma_semaphore, #tpu.memory_space<semaphore_mem>>
          %dma_wait3A_166 = tpu.memref_squeeze %dma_wait3A_165 : memref<1x!tpu.dma_semaphore, #tpu.memory_space<semaphore_mem>> -> memref<!tpu.dma_semaphore, #tpu.memory_space<semaphore_mem>>
          %dma_wait3A_167 = arith.constant 0 : i32
          %dma_wait3A_168 = arith.constant 0 : i32
          %dma_wait3A_169 = tpu.memref_slice %arg5[%dma_wait3A_167, %dma_wait3A_168] : memref<160000x64xf32, #tpu.memory_space<hbm>> -> memref<256x64xf32, #tpu.memory_space<hbm>>
          %dma_wait3A_170 = arith.constant 0 : i32
          %dma_wait3A_171 = arith.constant 0 : i32
          %dma_wait3A_172 = tpu.memref_slice %arg10[%dma_wait3A_156, %dma_wait3A_170, %dma_wait3A_171] : memref<2x256x64xf32, #tpu.memory_space<vmem>> -> memref<1x256x64xf32, #tpu.memory_space<vmem>>
          %dma_wait3A_173 = tpu.memref_squeeze %dma_wait3A_172 : memref<1x256x64xf32, #tpu.memory_space<vmem>> -> memref<256x64xf32, #tpu.memory_space<vmem>>
          tpu.wait_dma2 semaphore(%dma_wait3A_166 : memref<!tpu.dma_semaphore, #tpu.memory_space<semaphore_mem>>) src(%dma_wait3A_173 : memref<256x64xf32, #tpu.memory_space<vmem>>) dst(%dma_wait3A_169 : memref<256x64xf32, #tpu.memory_space<hbm>>)
        } else {
        }
        %run_scoped3A = arith.constant 0 : i32
        %run_scoped3A_120 = arith.constant 0 : i32
        %run_scoped3A_121 = arith.constant 0 : i32
        "tpu.region"() ({
          %run_scoped3A_156 = tpu.sem_alloc : memref<!tpu.dma_semaphore, #tpu.memory_space<semaphore_mem>>
          %dma_start3A_157 = arith.constant 0 : i32
          %dma_start3A_158 = arith.constant 0 : i32
          %dma_start3A_159 = tpu.memref_slice %arg10[%run_scoped3A_121, %dma_start3A_157, %dma_start3A_158] : memref<2x256x64xf32, #tpu.memory_space<vmem>> -> memref<1x128x64xf32, #tpu.memory_space<vmem>>
          %dma_start3A_160 = tpu.memref_squeeze %dma_start3A_159 : memref<1x128x64xf32, #tpu.memory_space<vmem>> -> memref<128x64xf32, #tpu.memory_space<vmem>>
          %dma_start3A_161 = arith.constant 0 : i32
          %dma_start3A_162 = tpu.memref_slice %arg11[%run_scoped3A, %run_scoped3A_120, %dma_start3A_161] : memref<2x2x128xi32, #tpu.memory_space<vmem>> -> memref<1x1x128xi32, #tpu.memory_space<vmem>>
          %dma_start3A_163 = tpu.memref_squeeze %dma_start3A_162 : memref<1x1x128xi32, #tpu.memory_space<vmem>> -> memref<128xi32, #tpu.memory_space<vmem>>
          %dma_start3A_164 = arith.constant 0 : i32
          %dma_start3A_165 = arith.constant 0 : i32
          %dma_start3A_166 = tpu.memref_slice %arg9[%dma_start3A_164, %dma_start3A_165] : memref<10000x64xf32, #tpu.memory_space<vmem_shared>> -> memref<10000x64xf32, #tpu.memory_space<vmem_shared>>
          tpu.enqueue_indirect_dma source(%dma_start3A_166 : memref<10000x64xf32, #tpu.memory_space<vmem_shared>>) target(%dma_start3A_160 : memref<128x64xf32, #tpu.memory_space<vmem>>) offsets(%dma_start3A_163 : memref<128xi32, #tpu.memory_space<vmem>>) semaphore(%run_scoped3A_156 : memref<!tpu.dma_semaphore, #tpu.memory_space<semaphore_mem>>)
          %dma_wait3A_167 = arith.constant 0 : i32
          %dma_wait3A_168 = arith.constant 0 : i32
          %dma_wait3A_169 = tpu.memref_slice %arg10[%run_scoped3A_121, %dma_wait3A_167, %dma_wait3A_168] : memref<2x256x64xf32, #tpu.memory_space<vmem>> -> memref<1x128x64xf32, #tpu.memory_space<vmem>>
          %dma_wait3A_170 = tpu.memref_squeeze %dma_wait3A_169 : memref<1x128x64xf32, #tpu.memory_space<vmem>> -> memref<128x64xf32, #tpu.memory_space<vmem>>
          %dma_wait3A_171 = arith.constant 0 : i32
          %dma_wait3A_172 = tpu.memref_slice %arg11[%run_scoped3A, %run_scoped3A_120, %dma_wait3A_171] : memref<2x2x128xi32, #tpu.memory_space<vmem>> -> memref<1x1x128xi32, #tpu.memory_space<vmem>>
          %dma_wait3A_173 = tpu.memref_squeeze %dma_wait3A_172 : memref<1x1x128xi32, #tpu.memory_space<vmem>> -> memref<128xi32, #tpu.memory_space<vmem>>
          %dma_wait3A_174 = arith.constant 0 : i32
          %dma_wait3A_175 = arith.constant 0 : i32
          %dma_wait3A_176 = tpu.memref_slice %arg9[%dma_wait3A_174, %dma_wait3A_175] : memref<10000x64xf32, #tpu.memory_space<vmem_shared>> -> memref<10000x64xf32, #tpu.memory_space<vmem_shared>>
          tpu.wait_indirect_dma semaphore(%run_scoped3A_156 : memref<!tpu.dma_semaphore, #tpu.memory_space<semaphore_mem>>) src(%dma_wait3A_176 : memref<10000x64xf32, #tpu.memory_space<vmem_shared>>) dst(%dma_wait3A_170 : memref<128x64xf32, #tpu.memory_space<vmem>>)
          tpu.yield
        }) : () -> ()
        %run_scoped3A_122 = arith.constant 0 : i32
        %run_scoped3A_123 = arith.constant 1 : i32
        %run_scoped3A_124 = arith.constant 0 : i32
        "tpu.region"() ({
          %run_scoped3A_156 = tpu.sem_alloc : memref<!tpu.dma_semaphore, #tpu.memory_space<semaphore_mem>>
          %dma_start3A_157 = arith.constant 128 : i32
          %dma_start3A_158 = arith.constant 0 : i32
          %dma_start3A_159 = tpu.memref_slice %arg10[%run_scoped3A_124, %dma_start3A_157, %dma_start3A_158] : memref<2x256x64xf32, #tpu.memory_space<vmem>> -> memref<1x128x64xf32, #tpu.memory_space<vmem>>
          %dma_start3A_160 = tpu.memref_squeeze %dma_start3A_159 : memref<1x128x64xf32, #tpu.memory_space<vmem>> -> memref<128x64xf32, #tpu.memory_space<vmem>>
          %dma_start3A_161 = arith.constant 0 : i32
          %dma_start3A_162 = tpu.memref_slice %arg11[%run_scoped3A_122, %run_scoped3A_123, %dma_start3A_161] : memref<2x2x128xi32, #tpu.memory_space<vmem>> -> memref<1x1x128xi32, #tpu.memory_space<vmem>>
          %dma_start3A_163 = tpu.memref_squeeze %dma_start3A_162 : memref<1x1x128xi32, #tpu.memory_space<vmem>> -> memref<128xi32, #tpu.memory_space<vmem>>
          %dma_start3A_164 = arith.constant 0 : i32
          %dma_start3A_165 = arith.constant 0 : i32
          %dma_start3A_166 = tpu.memref_slice %arg9[%dma_start3A_164, %dma_start3A_165] : memref<10000x64xf32, #tpu.memory_space<vmem_shared>> -> memref<10000x64xf32, #tpu.memory_space<vmem_shared>>
          tpu.enqueue_indirect_dma source(%dma_start3A_166 : memref<10000x64xf32, #tpu.memory_space<vmem_shared>>) target(%dma_start3A_160 : memref<128x64xf32, #tpu.memory_space<vmem>>) offsets(%dma_start3A_163 : memref<128xi32, #tpu.memory_space<vmem>>) semaphore(%run_scoped3A_156 : memref<!tpu.dma_semaphore, #tpu.memory_space<semaphore_mem>>)
          %dma_wait3A_167 = arith.constant 128 : i32
          %dma_wait3A_168 = arith.constant 0 : i32
          %dma_wait3A_169 = tpu.memref_slice %arg10[%run_scoped3A_124, %dma_wait3A_167, %dma_wait3A_168] : memref<2x256x64xf32, #tpu.memory_space<vmem>> -> memref<1x128x64xf32, #tpu.memory_space<vmem>>
          %dma_wait3A_170 = tpu.memref_squeeze %dma_wait3A_169 : memref<1x128x64xf32, #tpu.memory_space<vmem>> -> memref<128x64xf32, #tpu.memory_space<vmem>>
          %dma_wait3A_171 = arith.constant 0 : i32
          %dma_wait3A_172 = tpu.memref_slice %arg11[%run_scoped3A_122, %run_scoped3A_123, %dma_wait3A_171] : memref<2x2x128xi32, #tpu.memory_space<vmem>> -> memref<1x1x128xi32, #tpu.memory_space<vmem>>
          %dma_wait3A_173 = tpu.memref_squeeze %dma_wait3A_172 : memref<1x1x128xi32, #tpu.memory_space<vmem>> -> memref<128xi32, #tpu.memory_space<vmem>>
          %dma_wait3A_174 = arith.constant 0 : i32
          %dma_wait3A_175 = arith.constant 0 : i32
          %dma_wait3A_176 = tpu.memref_slice %arg9[%dma_wait3A_174, %dma_wait3A_175] : memref<10000x64xf32, #tpu.memory_space<vmem_shared>> -> memref<10000x64xf32, #tpu.memory_space<vmem_shared>>
          tpu.wait_indirect_dma semaphore(%run_scoped3A_156 : memref<!tpu.dma_semaphore, #tpu.memory_space<semaphore_mem>>) src(%dma_wait3A_176 : memref<10000x64xf32, #tpu.memory_space<vmem_shared>>) dst(%dma_wait3A_170 : memref<128x64xf32, #tpu.memory_space<vmem>>)
          tpu.yield
        }) : () -> ()
        %sub3A_125 = arith.constant 0 : i32
        %sub3A_126 = arith.subi %add3A_88, %sub3A_125 : i32
        %mul3A_127 = arith.constant 256 : i32
        %mul3A_128 = arith.muli %sub3A_126, %mul3A_127 : i32
        %dma_start3A = arith.constant 0 : i32
        %dma_start3A_129 = arith.constant 0 : i32
        %dma_start3A_130 = arith.constant 0 : i32
        %dma_start3A_131 = arith.constant 0 : i32
        %dma_start3A_132 = tpu.memref_slice %arg10[%dma_start3A, %dma_start3A_130, %dma_start3A_131] : memref<2x256x64xf32, #tpu.memory_space<vmem>> -> memref<1x256x64xf32, #tpu.memory_space<vmem>>
        %dma_start3A_133 = tpu.memref_squeeze %dma_start3A_132 : memref<1x256x64xf32, #tpu.memory_space<vmem>> -> memref<256x64xf32, #tpu.memory_space<vmem>>
        %dma_start3A_134 = arith.constant 0 : i32
        %dma_start3A_135 = tpu.memref_slice %arg5[%mul3A_128, %dma_start3A_134] : memref<160000x64xf32, #tpu.memory_space<hbm>> -> memref<256x64xf32, #tpu.memory_space<hbm>>
        %dma_start3A_136 = tpu.memref_slice %arg13[%dma_start3A_129] : memref<2x!tpu.dma_semaphore, #tpu.memory_space<semaphore_mem>> -> memref<1x!tpu.dma_semaphore, #tpu.memory_space<semaphore_mem>>
        %dma_start3A_137 = tpu.memref_squeeze %dma_start3A_136 : memref<1x!tpu.dma_semaphore, #tpu.memory_space<semaphore_mem>> -> memref<!tpu.dma_semaphore, #tpu.memory_space<semaphore_mem>>
        %dma_start3A_138 = arith.constant 0 : i32
        %dma_start3A_139 = tpu.memref_slice %arg5[%mul3A_128, %dma_start3A_138] : memref<160000x64xf32, #tpu.memory_space<hbm>> -> memref<256x64xf32, #tpu.memory_space<hbm>>
        %dma_start3A_140 = arith.constant 0 : i32
        %dma_start3A_141 = arith.constant 0 : i32
        %dma_start3A_142 = tpu.memref_slice %arg10[%dma_start3A, %dma_start3A_140, %dma_start3A_141] : memref<2x256x64xf32, #tpu.memory_space<vmem>> -> memref<1x256x64xf32, #tpu.memory_space<vmem>>
        %dma_start3A_143 = tpu.memref_squeeze %dma_start3A_142 : memref<1x256x64xf32, #tpu.memory_space<vmem>> -> memref<256x64xf32, #tpu.memory_space<vmem>>
        tpu.enqueue_dma source(%dma_start3A_143 : memref<256x64xf32, #tpu.memory_space<vmem>>) target(%dma_start3A_139 : memref<256x64xf32, #tpu.memory_space<hbm>>) target_semaphore(%dma_start3A_137 : memref<!tpu.dma_semaphore, #tpu.memory_space<semaphore_mem>>)
        %add3A_144 = arith.constant 2 : i32
        %add3A_145 = arith.addi %add3A_88, %add3A_144 : i32
        %lt3A_146 = arith.cmpi slt, %add3A_145, %add3A_12 : i32
        %convert_element_type3A_147 = arith.extui %lt3A_146 : i1 to i32
        %cond3A_148 = arith.constant 0 : i32
        %cond3A_149 = arith.cmpi ne, %convert_element_type3A_147, %cond3A_148 : i32
        scf.if %cond3A_149 {
          %add3A_156 = arith.constant 2 : i32
          %add3A_157 = arith.addi %add3A_88, %add3A_156 : i32
          %dma_start3A_158 = arith.constant 0 : i32
          %dma_start3A_159 = arith.constant 0 : i32
          %dma_start3A_160 = arith.constant 0 : i32
          %dma_start3A_161 = arith.constant 0 : i32
          %dma_start3A_162 = tpu.memref_slice %arg11[%dma_start3A_158, %dma_start3A_160, %dma_start3A_161] : memref<2x2x128xi32, #tpu.memory_space<vmem>> -> memref<1x2x128xi32, #tpu.memory_space<vmem>>
          %dma_start3A_163 = tpu.memref_squeeze %dma_start3A_162 : memref<1x2x128xi32, #tpu.memory_space<vmem>> -> memref<2x128xi32, #tpu.memory_space<vmem>>
          %dma_start3A_164 = arith.constant 0 : i32
          %dma_start3A_165 = arith.constant 0 : i32
          %dma_start3A_166 = tpu.memref_slice %arg3[%add3A_157, %dma_start3A_164, %dma_start3A_165] : memref<1250x2x128xi32, #tpu.memory_space<hbm>> -> memref<1x2x128xi32, #tpu.memory_space<hbm>>
          %dma_start3A_167 = tpu.memref_squeeze %dma_start3A_166 : memref<1x2x128xi32, #tpu.memory_space<hbm>> -> memref<2x128xi32, #tpu.memory_space<hbm>>
          %dma_start3A_168 = tpu.memref_slice %arg12[%dma_start3A_159] : memref<2x!tpu.dma_semaphore, #tpu.memory_space<semaphore_mem>> -> memref<1x!tpu.dma_semaphore, #tpu.memory_space<semaphore_mem>>
          %dma_start3A_169 = tpu.memref_squeeze %dma_start3A_168 : memref<1x!tpu.dma_semaphore, #tpu.memory_space<semaphore_mem>> -> memref<!tpu.dma_semaphore, #tpu.memory_space<semaphore_mem>>
          %dma_start3A_170 = arith.constant 0 : i32
          %dma_start3A_171 = arith.constant 0 : i32
          %dma_start3A_172 = tpu.memref_slice %arg11[%dma_start3A_158, %dma_start3A_170, %dma_start3A_171] : memref<2x2x128xi32, #tpu.memory_space<vmem>> -> memref<1x2x128xi32, #tpu.memory_space<vmem>>
          %dma_start3A_173 = tpu.memref_squeeze %dma_start3A_172 : memref<1x2x128xi32, #tpu.memory_space<vmem>> -> memref<2x128xi32, #tpu.memory_space<vmem>>
          %dma_start3A_174 = arith.constant 0 : i32
          %dma_start3A_175 = arith.constant 0 : i32
          %dma_start3A_176 = tpu.memref_slice %arg3[%add3A_157, %dma_start3A_174, %dma_start3A_175] : memref<1250x2x128xi32, #tpu.memory_space<hbm>> -> memref<1x2x128xi32, #tpu.memory_space<hbm>>
          %dma_start3A_177 = tpu.memref_squeeze %dma_start3A_176 : memref<1x2x128xi32, #tpu.memory_space<hbm>> -> memref<2x128xi32, #tpu.memory_space<hbm>>
          tpu.enqueue_dma source(%dma_start3A_177 : memref<2x128xi32, #tpu.memory_space<hbm>>) target(%dma_start3A_173 : memref<2x128xi32, #tpu.memory_space<vmem>>) target_semaphore(%dma_start3A_169 : memref<!tpu.dma_semaphore, #tpu.memory_space<semaphore_mem>>)
        } else {
        }
        %add3A_150 = arith.constant 1 : i32
        %add3A_151 = arith.addi %add3A_88, %add3A_150 : i32
        %lt3A_152 = arith.cmpi slt, %add3A_151, %add3A_12 : i32
        %convert_element_type3A_153 = arith.extui %lt3A_152 : i1 to i32
        %cond3A_154 = arith.constant 0 : i32
        %cond3A_155 = arith.cmpi ne, %convert_element_type3A_153, %cond3A_154 : i32
        scf.if %cond3A_155 {
          %dma_wait3A_156 = arith.constant 0 : i32
          %dma_wait3A_157 = arith.constant 1 : i32
          %dma_wait3A_158 = arith.constant 1 : i32
          %dma_wait3A_159 = arith.constant 0 : i32
          %dma_wait3A_160 = arith.constant 0 : i32
          %dma_wait3A_161 = tpu.memref_slice %arg11[%dma_wait3A_157, %dma_wait3A_159, %dma_wait3A_160] : memref<2x2x128xi32, #tpu.memory_space<vmem>> -> memref<1x2x128xi32, #tpu.memory_space<vmem>>
          %dma_wait3A_162 = tpu.memref_squeeze %dma_wait3A_161 : memref<1x2x128xi32, #tpu.memory_space<vmem>> -> memref<2x128xi32, #tpu.memory_space<vmem>>
          %dma_wait3A_163 = arith.constant 0 : i32
          %dma_wait3A_164 = arith.constant 0 : i32
          %dma_wait3A_165 = tpu.memref_slice %arg3[%dma_wait3A_156, %dma_wait3A_163, %dma_wait3A_164] : memref<1250x2x128xi32, #tpu.memory_space<hbm>> -> memref<1x2x128xi32, #tpu.memory_space<hbm>>
          %dma_wait3A_166 = tpu.memref_squeeze %dma_wait3A_165 : memref<1x2x128xi32, #tpu.memory_space<hbm>> -> memref<2x128xi32, #tpu.memory_space<hbm>>
          %dma_wait3A_167 = tpu.memref_slice %arg12[%dma_wait3A_158] : memref<2x!tpu.dma_semaphore, #tpu.memory_space<semaphore_mem>> -> memref<1x!tpu.dma_semaphore, #tpu.memory_space<semaphore_mem>>
          %dma_wait3A_168 = tpu.memref_squeeze %dma_wait3A_167 : memref<1x!tpu.dma_semaphore, #tpu.memory_space<semaphore_mem>> -> memref<!tpu.dma_semaphore, #tpu.memory_space<semaphore_mem>>
          %dma_wait3A_169 = arith.constant 0 : i32
          %dma_wait3A_170 = arith.constant 0 : i32
          %dma_wait3A_171 = tpu.memref_slice %arg11[%dma_wait3A_157, %dma_wait3A_169, %dma_wait3A_170] : memref<2x2x128xi32, #tpu.memory_space<vmem>> -> memref<1x2x128xi32, #tpu.memory_space<vmem>>
          %dma_wait3A_172 = tpu.memref_squeeze %dma_wait3A_171 : memref<1x2x128xi32, #tpu.memory_space<vmem>> -> memref<2x128xi32, #tpu.memory_space<vmem>>
          %dma_wait3A_173 = arith.constant 0 : i32
          %dma_wait3A_174 = arith.constant 0 : i32
          %dma_wait3A_175 = tpu.memref_slice %arg3[%dma_wait3A_156, %dma_wait3A_173, %dma_wait3A_174] : memref<1250x2x128xi32, #tpu.memory_space<hbm>> -> memref<1x2x128xi32, #tpu.memory_space<hbm>>
          %dma_wait3A_176 = tpu.memref_squeeze %dma_wait3A_175 : memref<1x2x128xi32, #tpu.memory_space<hbm>> -> memref<2x128xi32, #tpu.memory_space<hbm>>
          tpu.wait_dma2 semaphore(%dma_wait3A_168 : memref<!tpu.dma_semaphore, #tpu.memory_space<semaphore_mem>>) src(%dma_wait3A_176 : memref<2x128xi32, #tpu.memory_space<hbm>>) dst(%dma_wait3A_172 : memref<2x128xi32, #tpu.memory_space<vmem>>)
          %add3A_177 = arith.constant 1 : i32
          %add3A_178 = arith.addi %add3A_88, %add3A_177 : i32
          %add3A_179 = arith.constant 1 : i32
          %add3A_180 = arith.addi %add3A, %add3A_179 : i32
          %ge3A_181 = arith.cmpi sge, %add3A_88, %add3A_180 : i32
          %convert_element_type3A_182 = arith.extui %ge3A_181 : i1 to i32
          %cond3A_183 = arith.constant 0 : i32
          %cond3A_184 = arith.cmpi ne, %convert_element_type3A_182, %cond3A_183 : i32
          scf.if %cond3A_184 {
            %dma_wait3A_211 = arith.constant 1 : i32
            %dma_wait3A_212 = arith.constant 1 : i32
            %dma_wait3A_213 = arith.constant 0 : i32
            %dma_wait3A_214 = arith.constant 0 : i32
            %dma_wait3A_215 = tpu.memref_slice %arg10[%dma_wait3A_211, %dma_wait3A_213, %dma_wait3A_214] : memref<2x256x64xf32, #tpu.memory_space<vmem>> -> memref<1x256x64xf32, #tpu.memory_space<vmem>>
            %dma_wait3A_216 = tpu.memref_squeeze %dma_wait3A_215 : memref<1x256x64xf32, #tpu.memory_space<vmem>> -> memref<256x64xf32, #tpu.memory_space<vmem>>
            %dma_wait3A_217 = arith.constant 0 : i32
            %dma_wait3A_218 = arith.constant 0 : i32
            %dma_wait3A_219 = tpu.memref_slice %arg5[%dma_wait3A_217, %dma_wait3A_218] : memref<160000x64xf32, #tpu.memory_space<hbm>> -> memref<256x64xf32, #tpu.memory_space<hbm>>
            %dma_wait3A_220 = tpu.memref_slice %arg13[%dma_wait3A_212] : memref<2x!tpu.dma_semaphore, #tpu.memory_space<semaphore_mem>> -> memref<1x!tpu.dma_semaphore, #tpu.memory_space<semaphore_mem>>
            %dma_wait3A_221 = tpu.memref_squeeze %dma_wait3A_220 : memref<1x!tpu.dma_semaphore, #tpu.memory_space<semaphore_mem>> -> memref<!tpu.dma_semaphore, #tpu.memory_space<semaphore_mem>>
            %dma_wait3A_222 = arith.constant 0 : i32
            %dma_wait3A_223 = arith.constant 0 : i32
            %dma_wait3A_224 = tpu.memref_slice %arg5[%dma_wait3A_222, %dma_wait3A_223] : memref<160000x64xf32, #tpu.memory_space<hbm>> -> memref<256x64xf32, #tpu.memory_space<hbm>>
            %dma_wait3A_225 = arith.constant 0 : i32
            %dma_wait3A_226 = arith.constant 0 : i32
            %dma_wait3A_227 = tpu.memref_slice %arg10[%dma_wait3A_211, %dma_wait3A_225, %dma_wait3A_226] : memref<2x256x64xf32, #tpu.memory_space<vmem>> -> memref<1x256x64xf32, #tpu.memory_space<vmem>>
            %dma_wait3A_228 = tpu.memref_squeeze %dma_wait3A_227 : memref<1x256x64xf32, #tpu.memory_space<vmem>> -> memref<256x64xf32, #tpu.memory_space<vmem>>
            tpu.wait_dma2 semaphore(%dma_wait3A_221 : memref<!tpu.dma_semaphore, #tpu.memory_space<semaphore_mem>>) src(%dma_wait3A_228 : memref<256x64xf32, #tpu.memory_space<vmem>>) dst(%dma_wait3A_224 : memref<256x64xf32, #tpu.memory_space<hbm>>)
          } else {
          }
          %run_scoped3A_185 = arith.constant 1 : i32
          %run_scoped3A_186 = arith.constant 0 : i32
          %run_scoped3A_187 = arith.constant 1 : i32
          "tpu.region"() ({
            %run_scoped3A_211 = tpu.sem_alloc : memref<!tpu.dma_semaphore, #tpu.memory_space<semaphore_mem>>
            %dma_start3A_212 = arith.constant 0 : i32
            %dma_start3A_213 = arith.constant 0 : i32
            %dma_start3A_214 = tpu.memref_slice %arg10[%run_scoped3A_187, %dma_start3A_212, %dma_start3A_213] : memref<2x256x64xf32, #tpu.memory_space<vmem>> -> memref<1x128x64xf32, #tpu.memory_space<vmem>>
            %dma_start3A_215 = tpu.memref_squeeze %dma_start3A_214 : memref<1x128x64xf32, #tpu.memory_space<vmem>> -> memref<128x64xf32, #tpu.memory_space<vmem>>
            %dma_start3A_216 = arith.constant 0 : i32
            %dma_start3A_217 = tpu.memref_slice %arg11[%run_scoped3A_185, %run_scoped3A_186, %dma_start3A_216] : memref<2x2x128xi32, #tpu.memory_space<vmem>> -> memref<1x1x128xi32, #tpu.memory_space<vmem>>
            %dma_start3A_218 = tpu.memref_squeeze %dma_start3A_217 : memref<1x1x128xi32, #tpu.memory_space<vmem>> -> memref<128xi32, #tpu.memory_space<vmem>>
            %dma_start3A_219 = arith.constant 0 : i32
            %dma_start3A_220 = arith.constant 0 : i32
            %dma_start3A_221 = tpu.memref_slice %arg9[%dma_start3A_219, %dma_start3A_220] : memref<10000x64xf32, #tpu.memory_space<vmem_shared>> -> memref<10000x64xf32, #tpu.memory_space<vmem_shared>>
            tpu.enqueue_indirect_dma source(%dma_start3A_221 : memref<10000x64xf32, #tpu.memory_space<vmem_shared>>) target(%dma_start3A_215 : memref<128x64xf32, #tpu.memory_space<vmem>>) offsets(%dma_start3A_218 : memref<128xi32, #tpu.memory_space<vmem>>) semaphore(%run_scoped3A_211 : memref<!tpu.dma_semaphore, #tpu.memory_space<semaphore_mem>>)
            %dma_wait3A_222 = arith.constant 0 : i32
            %dma_wait3A_223 = arith.constant 0 : i32
            %dma_wait3A_224 = tpu.memref_slice %arg10[%run_scoped3A_187, %dma_wait3A_222, %dma_wait3A_223] : memref<2x256x64xf32, #tpu.memory_space<vmem>> -> memref<1x128x64xf32, #tpu.memory_space<vmem>>
            %dma_wait3A_225 = tpu.memref_squeeze %dma_wait3A_224 : memref<1x128x64xf32, #tpu.memory_space<vmem>> -> memref<128x64xf32, #tpu.memory_space<vmem>>
            %dma_wait3A_226 = arith.constant 0 : i32
            %dma_wait3A_227 = tpu.memref_slice %arg11[%run_scoped3A_185, %run_scoped3A_186, %dma_wait3A_226] : memref<2x2x128xi32, #tpu.memory_space<vmem>> -> memref<1x1x128xi32, #tpu.memory_space<vmem>>
            %dma_wait3A_228 = tpu.memref_squeeze %dma_wait3A_227 : memref<1x1x128xi32, #tpu.memory_space<vmem>> -> memref<128xi32, #tpu.memory_space<vmem>>
            %dma_wait3A_229 = arith.constant 0 : i32
            %dma_wait3A_230 = arith.constant 0 : i32
            %dma_wait3A_231 = tpu.memref_slice %arg9[%dma_wait3A_229, %dma_wait3A_230] : memref<10000x64xf32, #tpu.memory_space<vmem_shared>> -> memref<10000x64xf32, #tpu.memory_space<vmem_shared>>
            tpu.wait_indirect_dma semaphore(%run_scoped3A_211 : memref<!tpu.dma_semaphore, #tpu.memory_space<semaphore_mem>>) src(%dma_wait3A_231 : memref<10000x64xf32, #tpu.memory_space<vmem_shared>>) dst(%dma_wait3A_225 : memref<128x64xf32, #tpu.memory_space<vmem>>)
            tpu.yield
          }) : () -> ()
          %run_scoped3A_188 = arith.constant 1 : i32
          %run_scoped3A_189 = arith.constant 1 : i32
          %run_scoped3A_190 = arith.constant 1 : i32
          "tpu.region"() ({
            %run_scoped3A_211 = tpu.sem_alloc : memref<!tpu.dma_semaphore, #tpu.memory_space<semaphore_mem>>
            %dma_start3A_212 = arith.constant 128 : i32
            %dma_start3A_213 = arith.constant 0 : i32
            %dma_start3A_214 = tpu.memref_slice %arg10[%run_scoped3A_190, %dma_start3A_212, %dma_start3A_213] : memref<2x256x64xf32, #tpu.memory_space<vmem>> -> memref<1x128x64xf32, #tpu.memory_space<vmem>>
            %dma_start3A_215 = tpu.memref_squeeze %dma_start3A_214 : memref<1x128x64xf32, #tpu.memory_space<vmem>> -> memref<128x64xf32, #tpu.memory_space<vmem>>
            %dma_start3A_216 = arith.constant 0 : i32
            %dma_start3A_217 = tpu.memref_slice %arg11[%run_scoped3A_188, %run_scoped3A_189, %dma_start3A_216] : memref<2x2x128xi32, #tpu.memory_space<vmem>> -> memref<1x1x128xi32, #tpu.memory_space<vmem>>
            %dma_start3A_218 = tpu.memref_squeeze %dma_start3A_217 : memref<1x1x128xi32, #tpu.memory_space<vmem>> -> memref<128xi32, #tpu.memory_space<vmem>>
            %dma_start3A_219 = arith.constant 0 : i32
            %dma_start3A_220 = arith.constant 0 : i32
            %dma_start3A_221 = tpu.memref_slice %arg9[%dma_start3A_219, %dma_start3A_220] : memref<10000x64xf32, #tpu.memory_space<vmem_shared>> -> memref<10000x64xf32, #tpu.memory_space<vmem_shared>>
            tpu.enqueue_indirect_dma source(%dma_start3A_221 : memref<10000x64xf32, #tpu.memory_space<vmem_shared>>) target(%dma_start3A_215 : memref<128x64xf32, #tpu.memory_space<vmem>>) offsets(%dma_start3A_218 : memref<128xi32, #tpu.memory_space<vmem>>) semaphore(%run_scoped3A_211 : memref<!tpu.dma_semaphore, #tpu.memory_space<semaphore_mem>>)
            %dma_wait3A_222 = arith.constant 128 : i32
            %dma_wait3A_223 = arith.constant 0 : i32
            %dma_wait3A_224 = tpu.memref_slice %arg10[%run_scoped3A_190, %dma_wait3A_222, %dma_wait3A_223] : memref<2x256x64xf32, #tpu.memory_space<vmem>> -> memref<1x128x64xf32, #tpu.memory_space<vmem>>
            %dma_wait3A_225 = tpu.memref_squeeze %dma_wait3A_224 : memref<1x128x64xf32, #tpu.memory_space<vmem>> -> memref<128x64xf32, #tpu.memory_space<vmem>>
            %dma_wait3A_226 = arith.constant 0 : i32
            %dma_wait3A_227 = tpu.memref_slice %arg11[%run_scoped3A_188, %run_scoped3A_189, %dma_wait3A_226] : memref<2x2x128xi32, #tpu.memory_space<vmem>> -> memref<1x1x128xi32, #tpu.memory_space<vmem>>
            %dma_wait3A_228 = tpu.memref_squeeze %dma_wait3A_227 : memref<1x1x128xi32, #tpu.memory_space<vmem>> -> memref<128xi32, #tpu.memory_space<vmem>>
            %dma_wait3A_229 = arith.constant 0 : i32
            %dma_wait3A_230 = arith.constant 0 : i32
            %dma_wait3A_231 = tpu.memref_slice %arg9[%dma_wait3A_229, %dma_wait3A_230] : memref<10000x64xf32, #tpu.memory_space<vmem_shared>> -> memref<10000x64xf32, #tpu.memory_space<vmem_shared>>
            tpu.wait_indirect_dma semaphore(%run_scoped3A_211 : memref<!tpu.dma_semaphore, #tpu.memory_space<semaphore_mem>>) src(%dma_wait3A_231 : memref<10000x64xf32, #tpu.memory_space<vmem_shared>>) dst(%dma_wait3A_225 : memref<128x64xf32, #tpu.memory_space<vmem>>)
            tpu.yield
          }) : () -> ()
          %sub3A_191 = arith.constant 0 : i32
          %sub3A_192 = arith.subi %add3A_178, %sub3A_191 : i32
          %mul3A_193 = arith.constant 256 : i32
          %mul3A_194 = arith.muli %sub3A_192, %mul3A_193 : i32
          %dma_start3A_195 = arith.constant 1 : i32
          %dma_start3A_196 = arith.constant 1 : i32
          %dma_start3A_197 = arith.constant 0 : i32
          %dma_start3A_198 = arith.constant 0 : i32
          %dma_start3A_199 = tpu.memref_slice %arg10[%dma_start3A_195, %dma_start3A_197, %dma_start3A_198] : memref<2x256x64xf32, #tpu.memory_space<vmem>> -> memref<1x256x64xf32, #tpu.memory_space<vmem>>
          %dma_start3A_200 = tpu.memref_squeeze %dma_start3A_199 : memref<1x256x64xf32, #tpu.memory_space<vmem>> -> memref<256x64xf32, #tpu.memory_space<vmem>>
          %dma_start3A_201 = arith.constant 0 : i32
          %dma_start3A_202 = tpu.memref_slice %arg5[%mul3A_194, %dma_start3A_201] : memref<160000x64xf32, #tpu.memory_space<hbm>> -> memref<256x64xf32, #tpu.memory_space<hbm>>
          %dma_start3A_203 = tpu.memref_slice %arg13[%dma_start3A_196] : memref<2x!tpu.dma_semaphore, #tpu.memory_space<semaphore_mem>> -> memref<1x!tpu.dma_semaphore, #tpu.memory_space<semaphore_mem>>
          %dma_start3A_204 = tpu.memref_squeeze %dma_start3A_203 : memref<1x!tpu.dma_semaphore, #tpu.memory_space<semaphore_mem>> -> memref<!tpu.dma_semaphore, #tpu.memory_space<semaphore_mem>>
          %dma_start3A_205 = arith.constant 0 : i32
          %dma_start3A_206 = tpu.memref_slice %arg5[%mul3A_194, %dma_start3A_205] : memref<160000x64xf32, #tpu.memory_space<hbm>> -> memref<256x64xf32, #tpu.memory_space<hbm>>
          %dma_start3A_207 = arith.constant 0 : i32
          %dma_start3A_208 = arith.constant 0 : i32
          %dma_start3A_209 = tpu.memref_slice %arg10[%dma_start3A_195, %dma_start3A_207, %dma_start3A_208] : memref<2x256x64xf32, #tpu.memory_space<vmem>> -> memref<1x256x64xf32, #tpu.memory_space<vmem>>
          %dma_start3A_210 = tpu.memref_squeeze %dma_start3A_209 : memref<1x256x64xf32, #tpu.memory_space<vmem>> -> memref<256x64xf32, #tpu.memory_space<vmem>>
          tpu.enqueue_dma source(%dma_start3A_210 : memref<256x64xf32, #tpu.memory_space<vmem>>) target(%dma_start3A_206 : memref<256x64xf32, #tpu.memory_space<hbm>>) target_semaphore(%dma_start3A_204 : memref<!tpu.dma_semaphore, #tpu.memory_space<semaphore_mem>>)
        } else {
        }
      }
      %while3A_40 = arith.constant 1 : i32
      scf.for %while3A_86 = %while3A_38 to %while3A_34 step %while3A_40  : i32 {
        %mul3A_87 = arith.muli %while3A_86, %while3A : i32
        %add3A_88 = arith.addi %add3A, %mul3A_87 : i32
        %add3A_89 = arith.constant 1 : i32
        %add3A_90 = arith.addi %add3A_88, %add3A_89 : i32
        %lt3A_91 = arith.cmpi slt, %add3A_90, %add3A_12 : i32
        %convert_element_type3A_92 = arith.extui %lt3A_91 : i1 to i32
        %cond3A_93 = arith.constant 0 : i32
        %cond3A_94 = arith.cmpi ne, %convert_element_type3A_92, %cond3A_93 : i32
        scf.if %cond3A_94 {
          %add3A_156 = arith.constant 1 : i32
          %add3A_157 = arith.addi %add3A_88, %add3A_156 : i32
          %dma_start3A_158 = arith.constant 1 : i32
          %dma_start3A_159 = arith.constant 1 : i32
          %dma_start3A_160 = arith.constant 0 : i32
          %dma_start3A_161 = arith.constant 0 : i32
          %dma_start3A_162 = tpu.memref_slice %arg11[%dma_start3A_158, %dma_start3A_160, %dma_start3A_161] : memref<2x2x128xi32, #tpu.memory_space<vmem>> -> memref<1x2x128xi32, #tpu.memory_space<vmem>>
          %dma_start3A_163 = tpu.memref_squeeze %dma_start3A_162 : memref<1x2x128xi32, #tpu.memory_space<vmem>> -> memref<2x128xi32, #tpu.memory_space<vmem>>
          %dma_start3A_164 = arith.constant 0 : i32
          %dma_start3A_165 = arith.constant 0 : i32
          %dma_start3A_166 = tpu.memref_slice %arg3[%add3A_157, %dma_start3A_164, %dma_start3A_165] : memref<1250x2x128xi32, #tpu.memory_space<hbm>> -> memref<1x2x128xi32, #tpu.memory_space<hbm>>
          %dma_start3A_167 = tpu.memref_squeeze %dma_start3A_166 : memref<1x2x128xi32, #tpu.memory_space<hbm>> -> memref<2x128xi32, #tpu.memory_space<hbm>>
          %dma_start3A_168 = tpu.memref_slice %arg12[%dma_start3A_159] : memref<2x!tpu.dma_semaphore, #tpu.memory_space<semaphore_mem>> -> memref<1x!tpu.dma_semaphore, #tpu.memory_space<semaphore_mem>>
          %dma_start3A_169 = tpu.memref_squeeze %dma_start3A_168 : memref<1x!tpu.dma_semaphore, #tpu.memory_space<semaphore_mem>> -> memref<!tpu.dma_semaphore, #tpu.memory_space<semaphore_mem>>
          %dma_start3A_170 = arith.constant 0 : i32
          %dma_start3A_171 = arith.constant 0 : i32
          %dma_start3A_172 = tpu.memref_slice %arg11[%dma_start3A_158, %dma_start3A_170, %dma_start3A_171] : memref<2x2x128xi32, #tpu.memory_space<vmem>> -> memref<1x2x128xi32, #tpu.memory_space<vmem>>
          %dma_start3A_173 = tpu.memref_squeeze %dma_start3A_172 : memref<1x2x128xi32, #tpu.memory_space<vmem>> -> memref<2x128xi32, #tpu.memory_space<vmem>>
          %dma_start3A_174 = arith.constant 0 : i32
          %dma_start3A_175 = arith.constant 0 : i32
          %dma_start3A_176 = tpu.memref_slice %arg3[%add3A_157, %dma_start3A_174, %dma_start3A_175] : memref<1250x2x128xi32, #tpu.memory_space<hbm>> -> memref<1x2x128xi32, #tpu.memory_space<hbm>>
          %dma_start3A_177 = tpu.memref_squeeze %dma_start3A_176 : memref<1x2x128xi32, #tpu.memory_space<hbm>> -> memref<2x128xi32, #tpu.memory_space<hbm>>
          tpu.enqueue_dma source(%dma_start3A_177 : memref<2x128xi32, #tpu.memory_space<hbm>>) target(%dma_start3A_173 : memref<2x128xi32, #tpu.memory_space<vmem>>) target_semaphore(%dma_start3A_169 : memref<!tpu.dma_semaphore, #tpu.memory_space<semaphore_mem>>)
        } else {
        }
        %dma_wait3A = arith.constant 0 : i32
        %dma_wait3A_95 = arith.constant 0 : i32
        %dma_wait3A_96 = arith.constant 0 : i32
        %dma_wait3A_97 = arith.constant 0 : i32
        %dma_wait3A_98 = arith.constant 0 : i32
        %dma_wait3A_99 = tpu.memref_slice %arg11[%dma_wait3A_95, %dma_wait3A_97, %dma_wait3A_98] : memref<2x2x128xi32, #tpu.memory_space<vmem>> -> memref<1x2x128xi32, #tpu.memory_space<vmem>>
        %dma_wait3A_100 = tpu.memref_squeeze %dma_wait3A_99 : memref<1x2x128xi32, #tpu.memory_space<vmem>> -> memref<2x128xi32, #tpu.memory_space<vmem>>
        %dma_wait3A_101 = arith.constant 0 : i32
        %dma_wait3A_102 = arith.constant 0 : i32
        %dma_wait3A_103 = tpu.memref_slice %arg3[%dma_wait3A, %dma_wait3A_101, %dma_wait3A_102] : memref<1250x2x128xi32, #tpu.memory_space<hbm>> -> memref<1x2x128xi32, #tpu.memory_space<hbm>>
        %dma_wait3A_104 = tpu.memref_squeeze %dma_wait3A_103 : memref<1x2x128xi32, #tpu.memory_space<hbm>> -> memref<2x128xi32, #tpu.memory_space<hbm>>
        %dma_wait3A_105 = tpu.memref_slice %arg12[%dma_wait3A_96] : memref<2x!tpu.dma_semaphore, #tpu.memory_space<semaphore_mem>> -> memref<1x!tpu.dma_semaphore, #tpu.memory_space<semaphore_mem>>
        %dma_wait3A_106 = tpu.memref_squeeze %dma_wait3A_105 : memref<1x!tpu.dma_semaphore, #tpu.memory_space<semaphore_mem>> -> memref<!tpu.dma_semaphore, #tpu.memory_space<semaphore_mem>>
        %dma_wait3A_107 = arith.constant 0 : i32
        %dma_wait3A_108 = arith.constant 0 : i32
        %dma_wait3A_109 = tpu.memref_slice %arg11[%dma_wait3A_95, %dma_wait3A_107, %dma_wait3A_108] : memref<2x2x128xi32, #tpu.memory_space<vmem>> -> memref<1x2x128xi32, #tpu.memory_space<vmem>>
        %dma_wait3A_110 = tpu.memref_squeeze %dma_wait3A_109 : memref<1x2x128xi32, #tpu.memory_space<vmem>> -> memref<2x128xi32, #tpu.memory_space<vmem>>
        %dma_wait3A_111 = arith.constant 0 : i32
        %dma_wait3A_112 = arith.constant 0 : i32
        %dma_wait3A_113 = tpu.memref_slice %arg3[%dma_wait3A, %dma_wait3A_111, %dma_wait3A_112] : memref<1250x2x128xi32, #tpu.memory_space<hbm>> -> memref<1x2x128xi32, #tpu.memory_space<hbm>>
        %dma_wait3A_114 = tpu.memref_squeeze %dma_wait3A_113 : memref<1x2x128xi32, #tpu.memory_space<hbm>> -> memref<2x128xi32, #tpu.memory_space<hbm>>
        tpu.wait_dma2 semaphore(%dma_wait3A_106 : memref<!tpu.dma_semaphore, #tpu.memory_space<semaphore_mem>>) src(%dma_wait3A_114 : memref<2x128xi32, #tpu.memory_space<hbm>>) dst(%dma_wait3A_110 : memref<2x128xi32, #tpu.memory_space<vmem>>)
        %add3A_115 = arith.constant 2 : i32
        %add3A_116 = arith.addi %add3A, %add3A_115 : i32
        %ge3A = arith.cmpi sge, %add3A_88, %add3A_116 : i32
        %convert_element_type3A_117 = arith.extui %ge3A : i1 to i32
        %cond3A_118 = arith.constant 0 : i32
        %cond3A_119 = arith.cmpi ne, %convert_element_type3A_117, %cond3A_118 : i32
        scf.if %cond3A_119 {
          %dma_wait3A_156 = arith.constant 0 : i32
          %dma_wait3A_157 = arith.constant 0 : i32
          %dma_wait3A_158 = arith.constant 0 : i32
          %dma_wait3A_159 = arith.constant 0 : i32
          %dma_wait3A_160 = tpu.memref_slice %arg10[%dma_wait3A_156, %dma_wait3A_158, %dma_wait3A_159] : memref<2x256x64xf32, #tpu.memory_space<vmem>> -> memref<1x256x64xf32, #tpu.memory_space<vmem>>
          %dma_wait3A_161 = tpu.memref_squeeze %dma_wait3A_160 : memref<1x256x64xf32, #tpu.memory_space<vmem>> -> memref<256x64xf32, #tpu.memory_space<vmem>>
          %dma_wait3A_162 = arith.constant 0 : i32
          %dma_wait3A_163 = arith.constant 0 : i32
          %dma_wait3A_164 = tpu.memref_slice %arg5[%dma_wait3A_162, %dma_wait3A_163] : memref<160000x64xf32, #tpu.memory_space<hbm>> -> memref<256x64xf32, #tpu.memory_space<hbm>>
          %dma_wait3A_165 = tpu.memref_slice %arg13[%dma_wait3A_157] : memref<2x!tpu.dma_semaphore, #tpu.memory_space<semaphore_mem>> -> memref<1x!tpu.dma_semaphore, #tpu.memory_space<semaphore_mem>>
          %dma_wait3A_166 = tpu.memref_squeeze %dma_wait3A_165 : memref<1x!tpu.dma_semaphore, #tpu.memory_space<semaphore_mem>> -> memref<!tpu.dma_semaphore, #tpu.memory_space<semaphore_mem>>
          %dma_wait3A_167 = arith.constant 0 : i32
          %dma_wait3A_168 = arith.constant 0 : i32
          %dma_wait3A_169 = tpu.memref_slice %arg5[%dma_wait3A_167, %dma_wait3A_168] : memref<160000x64xf32, #tpu.memory_space<hbm>> -> memref<256x64xf32, #tpu.memory_space<hbm>>
          %dma_wait3A_170 = arith.constant 0 : i32
          %dma_wait3A_171 = arith.constant 0 : i32
          %dma_wait3A_172 = tpu.memref_slice %arg10[%dma_wait3A_156, %dma_wait3A_170, %dma_wait3A_171] : memref<2x256x64xf32, #tpu.memory_space<vmem>> -> memref<1x256x64xf32, #tpu.memory_space<vmem>>
          %dma_wait3A_173 = tpu.memref_squeeze %dma_wait3A_172 : memref<1x256x64xf32, #tpu.memory_space<vmem>> -> memref<256x64xf32, #tpu.memory_space<vmem>>
          tpu.wait_dma2 semaphore(%dma_wait3A_166 : memref<!tpu.dma_semaphore, #tpu.memory_space<semaphore_mem>>) src(%dma_wait3A_173 : memref<256x64xf32, #tpu.memory_space<vmem>>) dst(%dma_wait3A_169 : memref<256x64xf32, #tpu.memory_space<hbm>>)
        } else {
        }
        %run_scoped3A = arith.constant 0 : i32
        %run_scoped3A_120 = arith.constant 0 : i32
        %run_scoped3A_121 = arith.constant 0 : i32
        "tpu.region"() ({
          %run_scoped3A_156 = tpu.sem_alloc : memref<!tpu.dma_semaphore, #tpu.memory_space<semaphore_mem>>
          %dma_start3A_157 = arith.constant 0 : i32
          %dma_start3A_158 = arith.constant 0 : i32
          %dma_start3A_159 = tpu.memref_slice %arg10[%run_scoped3A_121, %dma_start3A_157, %dma_start3A_158] : memref<2x256x64xf32, #tpu.memory_space<vmem>> -> memref<1x128x64xf32, #tpu.memory_space<vmem>>
          %dma_start3A_160 = tpu.memref_squeeze %dma_start3A_159 : memref<1x128x64xf32, #tpu.memory_space<vmem>> -> memref<128x64xf32, #tpu.memory_space<vmem>>
          %dma_start3A_161 = arith.constant 0 : i32
          %dma_start3A_162 = tpu.memref_slice %arg11[%run_scoped3A, %run_scoped3A_120, %dma_start3A_161] : memref<2x2x128xi32, #tpu.memory_space<vmem>> -> memref<1x1x128xi32, #tpu.memory_space<vmem>>
          %dma_start3A_163 = tpu.memref_squeeze %dma_start3A_162 : memref<1x1x128xi32, #tpu.memory_space<vmem>> -> memref<128xi32, #tpu.memory_space<vmem>>
          %dma_start3A_164 = arith.constant 0 : i32
          %dma_start3A_165 = arith.constant 0 : i32
          %dma_start3A_166 = tpu.memref_slice %arg9[%dma_start3A_164, %dma_start3A_165] : memref<10000x64xf32, #tpu.memory_space<vmem_shared>> -> memref<10000x64xf32, #tpu.memory_space<vmem_shared>>
          tpu.enqueue_indirect_dma source(%dma_start3A_166 : memref<10000x64xf32, #tpu.memory_space<vmem_shared>>) target(%dma_start3A_160 : memref<128x64xf32, #tpu.memory_space<vmem>>) offsets(%dma_start3A_163 : memref<128xi32, #tpu.memory_space<vmem>>) semaphore(%run_scoped3A_156 : memref<!tpu.dma_semaphore, #tpu.memory_space<semaphore_mem>>)
          %dma_wait3A_167 = arith.constant 0 : i32
          %dma_wait3A_168 = arith.constant 0 : i32
          %dma_wait3A_169 = tpu.memref_slice %arg10[%run_scoped3A_121, %dma_wait3A_167, %dma_wait3A_168] : memref<2x256x64xf32, #tpu.memory_space<vmem>> -> memref<1x128x64xf32, #tpu.memory_space<vmem>>
          %dma_wait3A_170 = tpu.memref_squeeze %dma_wait3A_169 : memref<1x128x64xf32, #tpu.memory_space<vmem>> -> memref<128x64xf32, #tpu.memory_space<vmem>>
          %dma_wait3A_171 = arith.constant 0 : i32
          %dma_wait3A_172 = tpu.memref_slice %arg11[%run_scoped3A, %run_scoped3A_120, %dma_wait3A_171] : memref<2x2x128xi32, #tpu.memory_space<vmem>> -> memref<1x1x128xi32, #tpu.memory_space<vmem>>
          %dma_wait3A_173 = tpu.memref_squeeze %dma_wait3A_172 : memref<1x1x128xi32, #tpu.memory_space<vmem>> -> memref<128xi32, #tpu.memory_space<vmem>>
          %dma_wait3A_174 = arith.constant 0 : i32
          %dma_wait3A_175 = arith.constant 0 : i32
          %dma_wait3A_176 = tpu.memref_slice %arg9[%dma_wait3A_174, %dma_wait3A_175] : memref<10000x64xf32, #tpu.memory_space<vmem_shared>> -> memref<10000x64xf32, #tpu.memory_space<vmem_shared>>
          tpu.wait_indirect_dma semaphore(%run_scoped3A_156 : memref<!tpu.dma_semaphore, #tpu.memory_space<semaphore_mem>>) src(%dma_wait3A_176 : memref<10000x64xf32, #tpu.memory_space<vmem_shared>>) dst(%dma_wait3A_170 : memref<128x64xf32, #tpu.memory_space<vmem>>)
          tpu.yield
        }) : () -> ()
        %run_scoped3A_122 = arith.constant 0 : i32
        %run_scoped3A_123 = arith.constant 1 : i32
        %run_scoped3A_124 = arith.constant 0 : i32
        "tpu.region"() ({
          %run_scoped3A_156 = tpu.sem_alloc : memref<!tpu.dma_semaphore, #tpu.memory_space<semaphore_mem>>
          %dma_start3A_157 = arith.constant 128 : i32
          %dma_start3A_158 = arith.constant 0 : i32
          %dma_start3A_159 = tpu.memref_slice %arg10[%run_scoped3A_124, %dma_start3A_157, %dma_start3A_158] : memref<2x256x64xf32, #tpu.memory_space<vmem>> -> memref<1x128x64xf32, #tpu.memory_space<vmem>>
          %dma_start3A_160 = tpu.memref_squeeze %dma_start3A_159 : memref<1x128x64xf32, #tpu.memory_space<vmem>> -> memref<128x64xf32, #tpu.memory_space<vmem>>
          %dma_start3A_161 = arith.constant 0 : i32
          %dma_start3A_162 = tpu.memref_slice %arg11[%run_scoped3A_122, %run_scoped3A_123, %dma_start3A_161] : memref<2x2x128xi32, #tpu.memory_space<vmem>> -> memref<1x1x128xi32, #tpu.memory_space<vmem>>
          %dma_start3A_163 = tpu.memref_squeeze %dma_start3A_162 : memref<1x1x128xi32, #tpu.memory_space<vmem>> -> memref<128xi32, #tpu.memory_space<vmem>>
          %dma_start3A_164 = arith.constant 0 : i32
          %dma_start3A_165 = arith.constant 0 : i32
          %dma_start3A_166 = tpu.memref_slice %arg9[%dma_start3A_164, %dma_start3A_165] : memref<10000x64xf32, #tpu.memory_space<vmem_shared>> -> memref<10000x64xf32, #tpu.memory_space<vmem_shared>>
          tpu.enqueue_indirect_dma source(%dma_start3A_166 : memref<10000x64xf32, #tpu.memory_space<vmem_shared>>) target(%dma_start3A_160 : memref<128x64xf32, #tpu.memory_space<vmem>>) offsets(%dma_start3A_163 : memref<128xi32, #tpu.memory_space<vmem>>) semaphore(%run_scoped3A_156 : memref<!tpu.dma_semaphore, #tpu.memory_space<semaphore_mem>>)
          %dma_wait3A_167 = arith.constant 128 : i32
          %dma_wait3A_168 = arith.constant 0 : i32
          %dma_wait3A_169 = tpu.memref_slice %arg10[%run_scoped3A_124, %dma_wait3A_167, %dma_wait3A_168] : memref<2x256x64xf32, #tpu.memory_space<vmem>> -> memref<1x128x64xf32, #tpu.memory_space<vmem>>
          %dma_wait3A_170 = tpu.memref_squeeze %dma_wait3A_169 : memref<1x128x64xf32, #tpu.memory_space<vmem>> -> memref<128x64xf32, #tpu.memory_space<vmem>>
          %dma_wait3A_171 = arith.constant 0 : i32
          %dma_wait3A_172 = tpu.memref_slice %arg11[%run_scoped3A_122, %run_scoped3A_123, %dma_wait3A_171] : memref<2x2x128xi32, #tpu.memory_space<vmem>> -> memref<1x1x128xi32, #tpu.memory_space<vmem>>
          %dma_wait3A_173 = tpu.memref_squeeze %dma_wait3A_172 : memref<1x1x128xi32, #tpu.memory_space<vmem>> -> memref<128xi32, #tpu.memory_space<vmem>>
          %dma_wait3A_174 = arith.constant 0 : i32
          %dma_wait3A_175 = arith.constant 0 : i32
          %dma_wait3A_176 = tpu.memref_slice %arg9[%dma_wait3A_174, %dma_wait3A_175] : memref<10000x64xf32, #tpu.memory_space<vmem_shared>> -> memref<10000x64xf32, #tpu.memory_space<vmem_shared>>
          tpu.wait_indirect_dma semaphore(%run_scoped3A_156 : memref<!tpu.dma_semaphore, #tpu.memory_space<semaphore_mem>>) src(%dma_wait3A_176 : memref<10000x64xf32, #tpu.memory_space<vmem_shared>>) dst(%dma_wait3A_170 : memref<128x64xf32, #tpu.memory_space<vmem>>)
          tpu.yield
        }) : () -> ()
        %sub3A_125 = arith.constant 0 : i32
        %sub3A_126 = arith.subi %add3A_88, %sub3A_125 : i32
        %mul3A_127 = arith.constant 256 : i32
        %mul3A_128 = arith.muli %sub3A_126, %mul3A_127 : i32
        %dma_start3A = arith.constant 0 : i32
        %dma_start3A_129 = arith.constant 0 : i32
        %dma_start3A_130 = arith.constant 0 : i32
        %dma_start3A_131 = arith.constant 0 : i32
        %dma_start3A_132 = tpu.memref_slice %arg10[%dma_start3A, %dma_start3A_130, %dma_start3A_131] : memref<2x256x64xf32, #tpu.memory_space<vmem>> -> memref<1x256x64xf32, #tpu.memory_space<vmem>>
        %dma_start3A_133 = tpu.memref_squeeze %dma_start3A_132 : memref<1x256x64xf32, #tpu.memory_space<vmem>> -> memref<256x64xf32, #tpu.memory_space<vmem>>
        %dma_start3A_134 = arith.constant 0 : i32
        %dma_start3A_135 = tpu.memref_slice %arg5[%mul3A_128, %dma_start3A_134] : memref<160000x64xf32, #tpu.memory_space<hbm>> -> memref<256x64xf32, #tpu.memory_space<hbm>>
        %dma_start3A_136 = tpu.memref_slice %arg13[%dma_start3A_129] : memref<2x!tpu.dma_semaphore, #tpu.memory_space<semaphore_mem>> -> memref<1x!tpu.dma_semaphore, #tpu.memory_space<semaphore_mem>>
        %dma_start3A_137 = tpu.memref_squeeze %dma_start3A_136 : memref<1x!tpu.dma_semaphore, #tpu.memory_space<semaphore_mem>> -> memref<!tpu.dma_semaphore, #tpu.memory_space<semaphore_mem>>
        %dma_start3A_138 = arith.constant 0 : i32
        %dma_start3A_139 = tpu.memref_slice %arg5[%mul3A_128, %dma_start3A_138] : memref<160000x64xf32, #tpu.memory_space<hbm>> -> memref<256x64xf32, #tpu.memory_space<hbm>>
        %dma_start3A_140 = arith.constant 0 : i32
        %dma_start3A_141 = arith.constant 0 : i32
        %dma_start3A_142 = tpu.memref_slice %arg10[%dma_start3A, %dma_start3A_140, %dma_start3A_141] : memref<2x256x64xf32, #tpu.memory_space<vmem>> -> memref<1x256x64xf32, #tpu.memory_space<vmem>>
        %dma_start3A_143 = tpu.memref_squeeze %dma_start3A_142 : memref<1x256x64xf32, #tpu.memory_space<vmem>> -> memref<256x64xf32, #tpu.memory_space<vmem>>
        tpu.enqueue_dma source(%dma_start3A_143 : memref<256x64xf32, #tpu.memory_space<vmem>>) target(%dma_start3A_139 : memref<256x64xf32, #tpu.memory_space<hbm>>) target_semaphore(%dma_start3A_137 : memref<!tpu.dma_semaphore, #tpu.memory_space<semaphore_mem>>)
        %add3A_144 = arith.constant 2 : i32
        %add3A_145 = arith.addi %add3A_88, %add3A_144 : i32
        %lt3A_146 = arith.cmpi slt, %add3A_145, %add3A_12 : i32
        %convert_element_type3A_147 = arith.extui %lt3A_146 : i1 to i32
        %cond3A_148 = arith.constant 0 : i32
        %cond3A_149 = arith.cmpi ne, %convert_element_type3A_147, %cond3A_148 : i32
        scf.if %cond3A_149 {
          %add3A_156 = arith.constant 2 : i32
          %add3A_157 = arith.addi %add3A_88, %add3A_156 : i32
          %dma_start3A_158 = arith.constant 0 : i32
          %dma_start3A_159 = arith.constant 0 : i32
          %dma_start3A_160 = arith.constant 0 : i32
          %dma_start3A_161 = arith.constant 0 : i32
          %dma_start3A_162 = tpu.memref_slice %arg11[%dma_start3A_158, %dma_start3A_160, %dma_start3A_161] : memref<2x2x128xi32, #tpu.memory_space<vmem>> -> memref<1x2x128xi32, #tpu.memory_space<vmem>>
          %dma_start3A_163 = tpu.memref_squeeze %dma_start3A_162 : memref<1x2x128xi32, #tpu.memory_space<vmem>> -> memref<2x128xi32, #tpu.memory_space<vmem>>
          %dma_start3A_164 = arith.constant 0 : i32
          %dma_start3A_165 = arith.constant 0 : i32
          %dma_start3A_166 = tpu.memref_slice %arg3[%add3A_157, %dma_start3A_164, %dma_start3A_165] : memref<1250x2x128xi32, #tpu.memory_space<hbm>> -> memref<1x2x128xi32, #tpu.memory_space<hbm>>
          %dma_start3A_167 = tpu.memref_squeeze %dma_start3A_166 : memref<1x2x128xi32, #tpu.memory_space<hbm>> -> memref<2x128xi32, #tpu.memory_space<hbm>>
          %dma_start3A_168 = tpu.memref_slice %arg12[%dma_start3A_159] : memref<2x!tpu.dma_semaphore, #tpu.memory_space<semaphore_mem>> -> memref<1x!tpu.dma_semaphore, #tpu.memory_space<semaphore_mem>>
          %dma_start3A_169 = tpu.memref_squeeze %dma_start3A_168 : memref<1x!tpu.dma_semaphore, #tpu.memory_space<semaphore_mem>> -> memref<!tpu.dma_semaphore, #tpu.memory_space<semaphore_mem>>
          %dma_start3A_170 = arith.constant 0 : i32
          %dma_start3A_171 = arith.constant 0 : i32
          %dma_start3A_172 = tpu.memref_slice %arg11[%dma_start3A_158, %dma_start3A_170, %dma_start3A_171] : memref<2x2x128xi32, #tpu.memory_space<vmem>> -> memref<1x2x128xi32, #tpu.memory_space<vmem>>
          %dma_start3A_173 = tpu.memref_squeeze %dma_start3A_172 : memref<1x2x128xi32, #tpu.memory_space<vmem>> -> memref<2x128xi32, #tpu.memory_space<vmem>>
          %dma_start3A_174 = arith.constant 0 : i32
          %dma_start3A_175 = arith.constant 0 : i32
          %dma_start3A_176 = tpu.memref_slice %arg3[%add3A_157, %dma_start3A_174, %dma_start3A_175] : memref<1250x2x128xi32, #tpu.memory_space<hbm>> -> memref<1x2x128xi32, #tpu.memory_space<hbm>>
          %dma_start3A_177 = tpu.memref_squeeze %dma_start3A_176 : memref<1x2x128xi32, #tpu.memory_space<hbm>> -> memref<2x128xi32, #tpu.memory_space<hbm>>
          tpu.enqueue_dma source(%dma_start3A_177 : memref<2x128xi32, #tpu.memory_space<hbm>>) target(%dma_start3A_173 : memref<2x128xi32, #tpu.memory_space<vmem>>) target_semaphore(%dma_start3A_169 : memref<!tpu.dma_semaphore, #tpu.memory_space<semaphore_mem>>)
        } else {
        }
        %add3A_150 = arith.constant 1 : i32
        %add3A_151 = arith.addi %add3A_88, %add3A_150 : i32
        %lt3A_152 = arith.cmpi slt, %add3A_151, %add3A_12 : i32
        %convert_element_type3A_153 = arith.extui %lt3A_152 : i1 to i32
        %cond3A_154 = arith.constant 0 : i32
        %cond3A_155 = arith.cmpi ne, %convert_element_type3A_153, %cond3A_154 : i32
        scf.if %cond3A_155 {
          %dma_wait3A_156 = arith.constant 0 : i32
          %dma_wait3A_157 = arith.constant 1 : i32
          %dma_wait3A_158 = arith.constant 1 : i32
          %dma_wait3A_159 = arith.constant 0 : i32
          %dma_wait3A_160 = arith.constant 0 : i32
          %dma_wait3A_161 = tpu.memref_slice %arg11[%dma_wait3A_157, %dma_wait3A_159, %dma_wait3A_160] : memref<2x2x128xi32, #tpu.memory_space<vmem>> -> memref<1x2x128xi32, #tpu.memory_space<vmem>>
          %dma_wait3A_162 = tpu.memref_squeeze %dma_wait3A_161 : memref<1x2x128xi32, #tpu.memory_space<vmem>> -> memref<2x128xi32, #tpu.memory_space<vmem>>
          %dma_wait3A_163 = arith.constant 0 : i32
          %dma_wait3A_164 = arith.constant 0 : i32
          %dma_wait3A_165 = tpu.memref_slice %arg3[%dma_wait3A_156, %dma_wait3A_163, %dma_wait3A_164] : memref<1250x2x128xi32, #tpu.memory_space<hbm>> -> memref<1x2x128xi32, #tpu.memory_space<hbm>>
          %dma_wait3A_166 = tpu.memref_squeeze %dma_wait3A_165 : memref<1x2x128xi32, #tpu.memory_space<hbm>> -> memref<2x128xi32, #tpu.memory_space<hbm>>
          %dma_wait3A_167 = tpu.memref_slice %arg12[%dma_wait3A_158] : memref<2x!tpu.dma_semaphore, #tpu.memory_space<semaphore_mem>> -> memref<1x!tpu.dma_semaphore, #tpu.memory_space<semaphore_mem>>
          %dma_wait3A_168 = tpu.memref_squeeze %dma_wait3A_167 : memref<1x!tpu.dma_semaphore, #tpu.memory_space<semaphore_mem>> -> memref<!tpu.dma_semaphore, #tpu.memory_space<semaphore_mem>>
          %dma_wait3A_169 = arith.constant 0 : i32
          %dma_wait3A_170 = arith.constant 0 : i32
          %dma_wait3A_171 = tpu.memref_slice %arg11[%dma_wait3A_157, %dma_wait3A_169, %dma_wait3A_170] : memref<2x2x128xi32, #tpu.memory_space<vmem>> -> memref<1x2x128xi32, #tpu.memory_space<vmem>>
          %dma_wait3A_172 = tpu.memref_squeeze %dma_wait3A_171 : memref<1x2x128xi32, #tpu.memory_space<vmem>> -> memref<2x128xi32, #tpu.memory_space<vmem>>
          %dma_wait3A_173 = arith.constant 0 : i32
          %dma_wait3A_174 = arith.constant 0 : i32
          %dma_wait3A_175 = tpu.memref_slice %arg3[%dma_wait3A_156, %dma_wait3A_173, %dma_wait3A_174] : memref<1250x2x128xi32, #tpu.memory_space<hbm>> -> memref<1x2x128xi32, #tpu.memory_space<hbm>>
          %dma_wait3A_176 = tpu.memref_squeeze %dma_wait3A_175 : memref<1x2x128xi32, #tpu.memory_space<hbm>> -> memref<2x128xi32, #tpu.memory_space<hbm>>
          tpu.wait_dma2 semaphore(%dma_wait3A_168 : memref<!tpu.dma_semaphore, #tpu.memory_space<semaphore_mem>>) src(%dma_wait3A_176 : memref<2x128xi32, #tpu.memory_space<hbm>>) dst(%dma_wait3A_172 : memref<2x128xi32, #tpu.memory_space<vmem>>)
          %add3A_177 = arith.constant 1 : i32
          %add3A_178 = arith.addi %add3A_88, %add3A_177 : i32
          %add3A_179 = arith.constant 1 : i32
          %add3A_180 = arith.addi %add3A, %add3A_179 : i32
          %ge3A_181 = arith.cmpi sge, %add3A_88, %add3A_180 : i32
          %convert_element_type3A_182 = arith.extui %ge3A_181 : i1 to i32
          %cond3A_183 = arith.constant 0 : i32
          %cond3A_184 = arith.cmpi ne, %convert_element_type3A_182, %cond3A_183 : i32
          scf.if %cond3A_184 {
            %dma_wait3A_211 = arith.constant 1 : i32
            %dma_wait3A_212 = arith.constant 1 : i32
            %dma_wait3A_213 = arith.constant 0 : i32
            %dma_wait3A_214 = arith.constant 0 : i32
            %dma_wait3A_215 = tpu.memref_slice %arg10[%dma_wait3A_211, %dma_wait3A_213, %dma_wait3A_214] : memref<2x256x64xf32, #tpu.memory_space<vmem>> -> memref<1x256x64xf32, #tpu.memory_space<vmem>>
            %dma_wait3A_216 = tpu.memref_squeeze %dma_wait3A_215 : memref<1x256x64xf32, #tpu.memory_space<vmem>> -> memref<256x64xf32, #tpu.memory_space<vmem>>
            %dma_wait3A_217 = arith.constant 0 : i32
            %dma_wait3A_218 = arith.constant 0 : i32
            %dma_wait3A_219 = tpu.memref_slice %arg5[%dma_wait3A_217, %dma_wait3A_218] : memref<160000x64xf32, #tpu.memory_space<hbm>> -> memref<256x64xf32, #tpu.memory_space<hbm>>
            %dma_wait3A_220 = tpu.memref_slice %arg13[%dma_wait3A_212] : memref<2x!tpu.dma_semaphore, #tpu.memory_space<semaphore_mem>> -> memref<1x!tpu.dma_semaphore, #tpu.memory_space<semaphore_mem>>
            %dma_wait3A_221 = tpu.memref_squeeze %dma_wait3A_220 : memref<1x!tpu.dma_semaphore, #tpu.memory_space<semaphore_mem>> -> memref<!tpu.dma_semaphore, #tpu.memory_space<semaphore_mem>>
            %dma_wait3A_222 = arith.constant 0 : i32
            %dma_wait3A_223 = arith.constant 0 : i32
            %dma_wait3A_224 = tpu.memref_slice %arg5[%dma_wait3A_222, %dma_wait3A_223] : memref<160000x64xf32, #tpu.memory_space<hbm>> -> memref<256x64xf32, #tpu.memory_space<hbm>>
            %dma_wait3A_225 = arith.constant 0 : i32
            %dma_wait3A_226 = arith.constant 0 : i32
            %dma_wait3A_227 = tpu.memref_slice %arg10[%dma_wait3A_211, %dma_wait3A_225, %dma_wait3A_226] : memref<2x256x64xf32, #tpu.memory_space<vmem>> -> memref<1x256x64xf32, #tpu.memory_space<vmem>>
            %dma_wait3A_228 = tpu.memref_squeeze %dma_wait3A_227 : memref<1x256x64xf32, #tpu.memory_space<vmem>> -> memref<256x64xf32, #tpu.memory_space<vmem>>
            tpu.wait_dma2 semaphore(%dma_wait3A_221 : memref<!tpu.dma_semaphore, #tpu.memory_space<semaphore_mem>>) src(%dma_wait3A_228 : memref<256x64xf32, #tpu.memory_space<vmem>>) dst(%dma_wait3A_224 : memref<256x64xf32, #tpu.memory_space<hbm>>)
          } else {
          }
          %run_scoped3A_185 = arith.constant 1 : i32
          %run_scoped3A_186 = arith.constant 0 : i32
          %run_scoped3A_187 = arith.constant 1 : i32
          "tpu.region"() ({
            %run_scoped3A_211 = tpu.sem_alloc : memref<!tpu.dma_semaphore, #tpu.memory_space<semaphore_mem>>
            %dma_start3A_212 = arith.constant 0 : i32
            %dma_start3A_213 = arith.constant 0 : i32
            %dma_start3A_214 = tpu.memref_slice %arg10[%run_scoped3A_187, %dma_start3A_212, %dma_start3A_213] : memref<2x256x64xf32, #tpu.memory_space<vmem>> -> memref<1x128x64xf32, #tpu.memory_space<vmem>>
            %dma_start3A_215 = tpu.memref_squeeze %dma_start3A_214 : memref<1x128x64xf32, #tpu.memory_space<vmem>> -> memref<128x64xf32, #tpu.memory_space<vmem>>
            %dma_start3A_216 = arith.constant 0 : i32
            %dma_start3A_217 = tpu.memref_slice %arg11[%run_scoped3A_185, %run_scoped3A_186, %dma_start3A_216] : memref<2x2x128xi32, #tpu.memory_space<vmem>> -> memref<1x1x128xi32, #tpu.memory_space<vmem>>
            %dma_start3A_218 = tpu.memref_squeeze %dma_start3A_217 : memref<1x1x128xi32, #tpu.memory_space<vmem>> -> memref<128xi32, #tpu.memory_space<vmem>>
            %dma_start3A_219 = arith.constant 0 : i32
            %dma_start3A_220 = arith.constant 0 : i32
            %dma_start3A_221 = tpu.memref_slice %arg9[%dma_start3A_219, %dma_start3A_220] : memref<10000x64xf32, #tpu.memory_space<vmem_shared>> -> memref<10000x64xf32, #tpu.memory_space<vmem_shared>>
            tpu.enqueue_indirect_dma source(%dma_start3A_221 : memref<10000x64xf32, #tpu.memory_space<vmem_shared>>) target(%dma_start3A_215 : memref<128x64xf32, #tpu.memory_space<vmem>>) offsets(%dma_start3A_218 : memref<128xi32, #tpu.memory_space<vmem>>) semaphore(%run_scoped3A_211 : memref<!tpu.dma_semaphore, #tpu.memory_space<semaphore_mem>>)
            %dma_wait3A_222 = arith.constant 0 : i32
            %dma_wait3A_223 = arith.constant 0 : i32
            %dma_wait3A_224 = tpu.memref_slice %arg10[%run_scoped3A_187, %dma_wait3A_222, %dma_wait3A_223] : memref<2x256x64xf32, #tpu.memory_space<vmem>> -> memref<1x128x64xf32, #tpu.memory_space<vmem>>
            %dma_wait3A_225 = tpu.memref_squeeze %dma_wait3A_224 : memref<1x128x64xf32, #tpu.memory_space<vmem>> -> memref<128x64xf32, #tpu.memory_space<vmem>>
            %dma_wait3A_226 = arith.constant 0 : i32
            %dma_wait3A_227 = tpu.memref_slice %arg11[%run_scoped3A_185, %run_scoped3A_186, %dma_wait3A_226] : memref<2x2x128xi32, #tpu.memory_space<vmem>> -> memref<1x1x128xi32, #tpu.memory_space<vmem>>
            %dma_wait3A_228 = tpu.memref_squeeze %dma_wait3A_227 : memref<1x1x128xi32, #tpu.memory_space<vmem>> -> memref<128xi32, #tpu.memory_space<vmem>>
            %dma_wait3A_229 = arith.constant 0 : i32
            %dma_wait3A_230 = arith.constant 0 : i32
            %dma_wait3A_231 = tpu.memref_slice %arg9[%dma_wait3A_229, %dma_wait3A_230] : memref<10000x64xf32, #tpu.memory_space<vmem_shared>> -> memref<10000x64xf32, #tpu.memory_space<vmem_shared>>
            tpu.wait_indirect_dma semaphore(%run_scoped3A_211 : memref<!tpu.dma_semaphore, #tpu.memory_space<semaphore_mem>>) src(%dma_wait3A_231 : memref<10000x64xf32, #tpu.memory_space<vmem_shared>>) dst(%dma_wait3A_225 : memref<128x64xf32, #tpu.memory_space<vmem>>)
            tpu.yield
          }) : () -> ()
          %run_scoped3A_188 = arith.constant 1 : i32
          %run_scoped3A_189 = arith.constant 1 : i32
          %run_scoped3A_190 = arith.constant 1 : i32
          "tpu.region"() ({
            %run_scoped3A_211 = tpu.sem_alloc : memref<!tpu.dma_semaphore, #tpu.memory_space<semaphore_mem>>
            %dma_start3A_212 = arith.constant 128 : i32
            %dma_start3A_213 = arith.constant 0 : i32
            %dma_start3A_214 = tpu.memref_slice %arg10[%run_scoped3A_190, %dma_start3A_212, %dma_start3A_213] : memref<2x256x64xf32, #tpu.memory_space<vmem>> -> memref<1x128x64xf32, #tpu.memory_space<vmem>>
            %dma_start3A_215 = tpu.memref_squeeze %dma_start3A_214 : memref<1x128x64xf32, #tpu.memory_space<vmem>> -> memref<128x64xf32, #tpu.memory_space<vmem>>
            %dma_start3A_216 = arith.constant 0 : i32
            %dma_start3A_217 = tpu.memref_slice %arg11[%run_scoped3A_188, %run_scoped3A_189, %dma_start3A_216] : memref<2x2x128xi32, #tpu.memory_space<vmem>> -> memref<1x1x128xi32, #tpu.memory_space<vmem>>
            %dma_start3A_218 = tpu.memref_squeeze %dma_start3A_217 : memref<1x1x128xi32, #tpu.memory_space<vmem>> -> memref<128xi32, #tpu.memory_space<vmem>>
            %dma_start3A_219 = arith.constant 0 : i32
            %dma_start3A_220 = arith.constant 0 : i32
            %dma_start3A_221 = tpu.memref_slice %arg9[%dma_start3A_219, %dma_start3A_220] : memref<10000x64xf32, #tpu.memory_space<vmem_shared>> -> memref<10000x64xf32, #tpu.memory_space<vmem_shared>>
            tpu.enqueue_indirect_dma source(%dma_start3A_221 : memref<10000x64xf32, #tpu.memory_space<vmem_shared>>) target(%dma_start3A_215 : memref<128x64xf32, #tpu.memory_space<vmem>>) offsets(%dma_start3A_218 : memref<128xi32, #tpu.memory_space<vmem>>) semaphore(%run_scoped3A_211 : memref<!tpu.dma_semaphore, #tpu.memory_space<semaphore_mem>>)
            %dma_wait3A_222 = arith.constant 128 : i32
            %dma_wait3A_223 = arith.constant 0 : i32
            %dma_wait3A_224 = tpu.memref_slice %arg10[%run_scoped3A_190, %dma_wait3A_222, %dma_wait3A_223] : memref<2x256x64xf32, #tpu.memory_space<vmem>> -> memref<1x128x64xf32, #tpu.memory_space<vmem>>
            %dma_wait3A_225 = tpu.memref_squeeze %dma_wait3A_224 : memref<1x128x64xf32, #tpu.memory_space<vmem>> -> memref<128x64xf32, #tpu.memory_space<vmem>>
            %dma_wait3A_226 = arith.constant 0 : i32
            %dma_wait3A_227 = tpu.memref_slice %arg11[%run_scoped3A_188, %run_scoped3A_189, %dma_wait3A_226] : memref<2x2x128xi32, #tpu.memory_space<vmem>> -> memref<1x1x128xi32, #tpu.memory_space<vmem>>
            %dma_wait3A_228 = tpu.memref_squeeze %dma_wait3A_227 : memref<1x1x128xi32, #tpu.memory_space<vmem>> -> memref<128xi32, #tpu.memory_space<vmem>>
            %dma_wait3A_229 = arith.constant 0 : i32
            %dma_wait3A_230 = arith.constant 0 : i32
            %dma_wait3A_231 = tpu.memref_slice %arg9[%dma_wait3A_229, %dma_wait3A_230] : memref<10000x64xf32, #tpu.memory_space<vmem_shared>> -> memref<10000x64xf32, #tpu.memory_space<vmem_shared>>
            tpu.wait_indirect_dma semaphore(%run_scoped3A_211 : memref<!tpu.dma_semaphore, #tpu.memory_space<semaphore_mem>>) src(%dma_wait3A_231 : memref<10000x64xf32, #tpu.memory_space<vmem_shared>>) dst(%dma_wait3A_225 : memref<128x64xf32, #tpu.memory_space<vmem>>)
            tpu.yield
          }) : () -> ()
          %sub3A_191 = arith.constant 0 : i32
          %sub3A_192 = arith.subi %add3A_178, %sub3A_191 : i32
          %mul3A_193 = arith.constant 256 : i32
          %mul3A_194 = arith.muli %sub3A_192, %mul3A_193 : i32
          %dma_start3A_195 = arith.constant 1 : i32
          %dma_start3A_196 = arith.constant 1 : i32
          %dma_start3A_197 = arith.constant 0 : i32
          %dma_start3A_198 = arith.constant 0 : i32
          %dma_start3A_199 = tpu.memref_slice %arg10[%dma_start3A_195, %dma_start3A_197, %dma_start3A_198] : memref<2x256x64xf32, #tpu.memory_space<vmem>> -> memref<1x256x64xf32, #tpu.memory_space<vmem>>
          %dma_start3A_200 = tpu.memref_squeeze %dma_start3A_199 : memref<1x256x64xf32, #tpu.memory_space<vmem>> -> memref<256x64xf32, #tpu.memory_space<vmem>>
          %dma_start3A_201 = arith.constant 0 : i32
          %dma_start3A_202 = tpu.memref_slice %arg5[%mul3A_194, %dma_start3A_201] : memref<160000x64xf32, #tpu.memory_space<hbm>> -> memref<256x64xf32, #tpu.memory_space<hbm>>
          %dma_start3A_203 = tpu.memref_slice %arg13[%dma_start3A_196] : memref<2x!tpu.dma_semaphore, #tpu.memory_space<semaphore_mem>> -> memref<1x!tpu.dma_semaphore, #tpu.memory_space<semaphore_mem>>
          %dma_start3A_204 = tpu.memref_squeeze %dma_start3A_203 : memref<1x!tpu.dma_semaphore, #tpu.memory_space<semaphore_mem>> -> memref<!tpu.dma_semaphore, #tpu.memory_space<semaphore_mem>>
          %dma_start3A_205 = arith.constant 0 : i32
          %dma_start3A_206 = tpu.memref_slice %arg5[%mul3A_194, %dma_start3A_205] : memref<160000x64xf32, #tpu.memory_space<hbm>> -> memref<256x64xf32, #tpu.memory_space<hbm>>
          %dma_start3A_207 = arith.constant 0 : i32
          %dma_start3A_208 = arith.constant 0 : i32
          %dma_start3A_209 = tpu.memref_slice %arg10[%dma_start3A_195, %dma_start3A_207, %dma_start3A_208] : memref<2x256x64xf32, #tpu.memory_space<vmem>> -> memref<1x256x64xf32, #tpu.memory_space<vmem>>
          %dma_start3A_210 = tpu.memref_squeeze %dma_start3A_209 : memref<1x256x64xf32, #tpu.memory_space<vmem>> -> memref<256x64xf32, #tpu.memory_space<vmem>>
          tpu.enqueue_dma source(%dma_start3A_210 : memref<256x64xf32, #tpu.memory_space<vmem>>) target(%dma_start3A_206 : memref<256x64xf32, #tpu.memory_space<hbm>>) target_semaphore(%dma_start3A_204 : memref<!tpu.dma_semaphore, #tpu.memory_space<semaphore_mem>>)
        } else {
        }
      }
      %lt3A_41 = arith.cmpi slt, %add3A, %add3A_12 : i32
      %convert_element_type3A_42 = arith.extui %lt3A_41 : i1 to i32
      %cond3A_43 = arith.constant 0 : i32
      %cond3A_44 = arith.cmpi ne, %convert_element_type3A_42, %cond3A_43 : i32
      scf.if %cond3A_44 {
        %dma_wait3A = arith.constant 0 : i32
        %dma_wait3A_86 = arith.constant 0 : i32
        %dma_wait3A_87 = arith.constant 0 : i32
        %dma_wait3A_88 = arith.constant 0 : i32
        %dma_wait3A_89 = tpu.memref_slice %arg10[%dma_wait3A, %dma_wait3A_87, %dma_wait3A_88] : memref<2x256x64xf32, #tpu.memory_space<vmem>> -> memref<1x256x64xf32, #tpu.memory_space<vmem>>
        %dma_wait3A_90 = tpu.memref_squeeze %dma_wait3A_89 : memref<1x256x64xf32, #tpu.memory_space<vmem>> -> memref<256x64xf32, #tpu.memory_space<vmem>>
        %dma_wait3A_91 = arith.constant 0 : i32
        %dma_wait3A_92 = arith.constant 0 : i32
        %dma_wait3A_93 = tpu.memref_slice %arg5[%dma_wait3A_91, %dma_wait3A_92] : memref<160000x64xf32, #tpu.memory_space<hbm>> -> memref<256x64xf32, #tpu.memory_space<hbm>>
        %dma_wait3A_94 = tpu.memref_slice %arg13[%dma_wait3A_86] : memref<2x!tpu.dma_semaphore, #tpu.memory_space<semaphore_mem>> -> memref<1x!tpu.dma_semaphore, #tpu.memory_space<semaphore_mem>>
        %dma_wait3A_95 = tpu.memref_squeeze %dma_wait3A_94 : memref<1x!tpu.dma_semaphore, #tpu.memory_space<semaphore_mem>> -> memref<!tpu.dma_semaphore, #tpu.memory_space<semaphore_mem>>
        %dma_wait3A_96 = arith.constant 0 : i32
        %dma_wait3A_97 = arith.constant 0 : i32
        %dma_wait3A_98 = tpu.memref_slice %arg5[%dma_wait3A_96, %dma_wait3A_97] : memref<160000x64xf32, #tpu.memory_space<hbm>> -> memref<256x64xf32, #tpu.memory_space<hbm>>
        %dma_wait3A_99 = arith.constant 0 : i32
        %dma_wait3A_100 = arith.constant 0 : i32
        %dma_wait3A_101 = tpu.memref_slice %arg10[%dma_wait3A, %dma_wait3A_99, %dma_wait3A_100] : memref<2x256x64xf32, #tpu.memory_space<vmem>> -> memref<1x256x64xf32, #tpu.memory_space<vmem>>
        %dma_wait3A_102 = tpu.memref_squeeze %dma_wait3A_101 : memref<1x256x64xf32, #tpu.memory_space<vmem>> -> memref<256x64xf32, #tpu.memory_space<vmem>>
        tpu.wait_dma2 semaphore(%dma_wait3A_95 : memref<!tpu.dma_semaphore, #tpu.memory_space<semaphore_mem>>) src(%dma_wait3A_102 : memref<256x64xf32, #tpu.memory_space<vmem>>) dst(%dma_wait3A_98 : memref<256x64xf32, #tpu.memory_space<hbm>>)
      } else {
      }
      %add3A_45 = arith.constant 1 : i32
      %add3A_46 = arith.addi %add3A, %add3A_45 : i32
      %lt3A_47 = arith.cmpi slt, %add3A_46, %add3A_12 : i32
      %convert_element_type3A_48 = arith.extui %lt3A_47 : i1 to i32
      %cond3A_49 = arith.constant 0 : i32
      %cond3A_50 = arith.cmpi ne, %convert_element_type3A_48, %cond3A_49 : i32
      scf.if %cond3A_50 {
        %dma_wait3A = arith.constant 1 : i32
        %dma_wait3A_86 = arith.constant 1 : i32
        %dma_wait3A_87 = arith.constant 0 : i32
        %dma_wait3A_88 = arith.constant 0 : i32
        %dma_wait3A_89 = tpu.memref_slice %arg10[%dma_wait3A, %dma_wait3A_87, %dma_wait3A_88] : memref<2x256x64xf32, #tpu.memory_space<vmem>> -> memref<1x256x64xf32, #tpu.memory_space<vmem>>
        %dma_wait3A_90 = tpu.memref_squeeze %dma_wait3A_89 : memref<1x256x64xf32, #tpu.memory_space<vmem>> -> memref<256x64xf32, #tpu.memory_space<vmem>>
        %dma_wait3A_91 = arith.constant 0 : i32
        %dma_wait3A_92 = arith.constant 0 : i32
        %dma_wait3A_93 = tpu.memref_slice %arg5[%dma_wait3A_91, %dma_wait3A_92] : memref<160000x64xf32, #tpu.memory_space<hbm>> -> memref<256x64xf32, #tpu.memory_space<hbm>>
        %dma_wait3A_94 = tpu.memref_slice %arg13[%dma_wait3A_86] : memref<2x!tpu.dma_semaphore, #tpu.memory_space<semaphore_mem>> -> memref<1x!tpu.dma_semaphore, #tpu.memory_space<semaphore_mem>>
        %dma_wait3A_95 = tpu.memref_squeeze %dma_wait3A_94 : memref<1x!tpu.dma_semaphore, #tpu.memory_space<semaphore_mem>> -> memref<!tpu.dma_semaphore, #tpu.memory_space<semaphore_mem>>
        %dma_wait3A_96 = arith.constant 0 : i32
        %dma_wait3A_97 = arith.constant 0 : i32
        %dma_wait3A_98 = tpu.memref_slice %arg5[%dma_wait3A_96, %dma_wait3A_97] : memref<160000x64xf32, #tpu.memory_space<hbm>> -> memref<256x64xf32, #tpu.memory_space<hbm>>
        %dma_wait3A_99 = arith.constant 0 : i32
        %dma_wait3A_100 = arith.constant 0 : i32
        %dma_wait3A_101 = tpu.memref_slice %arg10[%dma_wait3A, %dma_wait3A_99, %dma_wait3A_100] : memref<2x256x64xf32, #tpu.memory_space<vmem>> -> memref<1x256x64xf32, #tpu.memory_space<vmem>>
        %dma_wait3A_102 = tpu.memref_squeeze %dma_wait3A_101 : memref<1x256x64xf32, #tpu.memory_space<vmem>> -> memref<256x64xf32, #tpu.memory_space<vmem>>
        tpu.wait_dma2 semaphore(%dma_wait3A_95 : memref<!tpu.dma_semaphore, #tpu.memory_space<semaphore_mem>>) src(%dma_wait3A_102 : memref<256x64xf32, #tpu.memory_space<vmem>>) dst(%dma_wait3A_98 : memref<256x64xf32, #tpu.memory_space<hbm>>)
      } else {
      }
      %add3A_51 = arith.constant 625 : i32
      %add3A_52 = arith.addi %add3A, %add3A_51 : i32
      %add3A_53 = arith.constant 625 : i32
      %add3A_54 = arith.addi %add3A_12, %add3A_53 : i32
      %lt3A_55 = arith.cmpi slt, %add3A_52, %add3A_54 : i32
      %convert_element_type3A_56 = arith.extui %lt3A_55 : i1 to i32
      %cond3A_57 = arith.constant 0 : i32
      %cond3A_58 = arith.cmpi ne, %convert_element_type3A_56, %cond3A_57 : i32
      scf.if %cond3A_58 {
        %dma_start3A = arith.constant 0 : i32
        %dma_start3A_86 = arith.constant 0 : i32
        %dma_start3A_87 = arith.constant 0 : i32
        %dma_start3A_88 = arith.constant 0 : i32
        %dma_start3A_89 = tpu.memref_slice %arg11[%dma_start3A, %dma_start3A_87, %dma_start3A_88] : memref<2x2x128xi32, #tpu.memory_space<vmem>> -> memref<1x2x128xi32, #tpu.memory_space<vmem>>
        %dma_start3A_90 = tpu.memref_squeeze %dma_start3A_89 : memref<1x2x128xi32, #tpu.memory_space<vmem>> -> memref<2x128xi32, #tpu.memory_space<vmem>>
        %dma_start3A_91 = arith.constant 0 : i32
        %dma_start3A_92 = arith.constant 0 : i32
        %dma_start3A_93 = tpu.memref_slice %arg3[%add3A_52, %dma_start3A_91, %dma_start3A_92] : memref<1250x2x128xi32, #tpu.memory_space<hbm>> -> memref<1x2x128xi32, #tpu.memory_space<hbm>>
        %dma_start3A_94 = tpu.memref_squeeze %dma_start3A_93 : memref<1x2x128xi32, #tpu.memory_space<hbm>> -> memref<2x128xi32, #tpu.memory_space<hbm>>
        %dma_start3A_95 = tpu.memref_slice %arg12[%dma_start3A_86] : memref<2x!tpu.dma_semaphore, #tpu.memory_space<semaphore_mem>> -> memref<1x!tpu.dma_semaphore, #tpu.memory_space<semaphore_mem>>
        %dma_start3A_96 = tpu.memref_squeeze %dma_start3A_95 : memref<1x!tpu.dma_semaphore, #tpu.memory_space<semaphore_mem>> -> memref<!tpu.dma_semaphore, #tpu.memory_space<semaphore_mem>>
        %dma_start3A_97 = arith.constant 0 : i32
        %dma_start3A_98 = arith.constant 0 : i32
        %dma_start3A_99 = tpu.memref_slice %arg11[%dma_start3A, %dma_start3A_97, %dma_start3A_98] : memref<2x2x128xi32, #tpu.memory_space<vmem>> -> memref<1x2x128xi32, #tpu.memory_space<vmem>>
        %dma_start3A_100 = tpu.memref_squeeze %dma_start3A_99 : memref<1x2x128xi32, #tpu.memory_space<vmem>> -> memref<2x128xi32, #tpu.memory_space<vmem>>
        %dma_start3A_101 = arith.constant 0 : i32
        %dma_start3A_102 = arith.constant 0 : i32
        %dma_start3A_103 = tpu.memref_slice %arg3[%add3A_52, %dma_start3A_101, %dma_start3A_102] : memref<1250x2x128xi32, #tpu.memory_space<hbm>> -> memref<1x2x128xi32, #tpu.memory_space<hbm>>
        %dma_start3A_104 = tpu.memref_squeeze %dma_start3A_103 : memref<1x2x128xi32, #tpu.memory_space<hbm>> -> memref<2x128xi32, #tpu.memory_space<hbm>>
        tpu.enqueue_dma source(%dma_start3A_104 : memref<2x128xi32, #tpu.memory_space<hbm>>) target(%dma_start3A_100 : memref<2x128xi32, #tpu.memory_space<vmem>>) target_semaphore(%dma_start3A_96 : memref<!tpu.dma_semaphore, #tpu.memory_space<semaphore_mem>>)
      } else {
      }
      %sub3A_59 = arith.subi %add3A_54, %add3A_52 : i32
      %sub3A_60 = arith.constant 2 : i32
      %sub3A_61 = arith.constant 1 : i32
      %sub3A_62 = arith.subi %sub3A_60, %sub3A_61 : i32
      %add3A_63 = arith.addi %sub3A_59, %sub3A_62 : i32
      %div3A_64 = arith.constant 2 : i32
      %div3A_65 = arith.divsi %add3A_63, %div3A_64 : i32
      %while3A_66 = arith.constant 2 : i32
      %while3A_67 = arith.constant 0 : i32
      %while3A_68 = arith.subi %div3A_65, %while3A_67 : i32
      %while3A_69 = arith.addi %while3A_67, %while3A_68 : i32
      %while3A_70 = arith.constant 1 : i32
      %while3A_71 = arith.divsi %while3A_68, %while3A_70 : i32
      %while3A_72 = arith.muli %while3A_71, %while3A_70 : i32
      %while3A_73 = arith.addi %while3A_67, %while3A_72 : i32
      %while3A_74 = arith.constant 1 : i32
      scf.for %while3A_86 = %while3A_67 to %while3A_73 step %while3A_74  : i32 {
        %mul3A_87 = arith.muli %while3A_86, %while3A_66 : i32
        %add3A_88 = arith.addi %add3A_52, %mul3A_87 : i32
        %add3A_89 = arith.constant 1 : i32
        %add3A_90 = arith.addi %add3A_88, %add3A_89 : i32
        %lt3A_91 = arith.cmpi slt, %add3A_90, %add3A_54 : i32
        %convert_element_type3A_92 = arith.extui %lt3A_91 : i1 to i32
        %cond3A_93 = arith.constant 0 : i32
        %cond3A_94 = arith.cmpi ne, %convert_element_type3A_92, %cond3A_93 : i32
        scf.if %cond3A_94 {
          %add3A_156 = arith.constant 1 : i32
          %add3A_157 = arith.addi %add3A_88, %add3A_156 : i32
          %dma_start3A_158 = arith.constant 1 : i32
          %dma_start3A_159 = arith.constant 1 : i32
          %dma_start3A_160 = arith.constant 0 : i32
          %dma_start3A_161 = arith.constant 0 : i32
          %dma_start3A_162 = tpu.memref_slice %arg11[%dma_start3A_158, %dma_start3A_160, %dma_start3A_161] : memref<2x2x128xi32, #tpu.memory_space<vmem>> -> memref<1x2x128xi32, #tpu.memory_space<vmem>>
          %dma_start3A_163 = tpu.memref_squeeze %dma_start3A_162 : memref<1x2x128xi32, #tpu.memory_space<vmem>> -> memref<2x128xi32, #tpu.memory_space<vmem>>
          %dma_start3A_164 = arith.constant 0 : i32
          %dma_start3A_165 = arith.constant 0 : i32
          %dma_start3A_166 = tpu.memref_slice %arg3[%add3A_157, %dma_start3A_164, %dma_start3A_165] : memref<1250x2x128xi32, #tpu.memory_space<hbm>> -> memref<1x2x128xi32, #tpu.memory_space<hbm>>
          %dma_start3A_167 = tpu.memref_squeeze %dma_start3A_166 : memref<1x2x128xi32, #tpu.memory_space<hbm>> -> memref<2x128xi32, #tpu.memory_space<hbm>>
          %dma_start3A_168 = tpu.memref_slice %arg12[%dma_start3A_159] : memref<2x!tpu.dma_semaphore, #tpu.memory_space<semaphore_mem>> -> memref<1x!tpu.dma_semaphore, #tpu.memory_space<semaphore_mem>>
          %dma_start3A_169 = tpu.memref_squeeze %dma_start3A_168 : memref<1x!tpu.dma_semaphore, #tpu.memory_space<semaphore_mem>> -> memref<!tpu.dma_semaphore, #tpu.memory_space<semaphore_mem>>
          %dma_start3A_170 = arith.constant 0 : i32
          %dma_start3A_171 = arith.constant 0 : i32
          %dma_start3A_172 = tpu.memref_slice %arg11[%dma_start3A_158, %dma_start3A_170, %dma_start3A_171] : memref<2x2x128xi32, #tpu.memory_space<vmem>> -> memref<1x2x128xi32, #tpu.memory_space<vmem>>
          %dma_start3A_173 = tpu.memref_squeeze %dma_start3A_172 : memref<1x2x128xi32, #tpu.memory_space<vmem>> -> memref<2x128xi32, #tpu.memory_space<vmem>>
          %dma_start3A_174 = arith.constant 0 : i32
          %dma_start3A_175 = arith.constant 0 : i32
          %dma_start3A_176 = tpu.memref_slice %arg3[%add3A_157, %dma_start3A_174, %dma_start3A_175] : memref<1250x2x128xi32, #tpu.memory_space<hbm>> -> memref<1x2x128xi32, #tpu.memory_space<hbm>>
          %dma_start3A_177 = tpu.memref_squeeze %dma_start3A_176 : memref<1x2x128xi32, #tpu.memory_space<hbm>> -> memref<2x128xi32, #tpu.memory_space<hbm>>
          tpu.enqueue_dma source(%dma_start3A_177 : memref<2x128xi32, #tpu.memory_space<hbm>>) target(%dma_start3A_173 : memref<2x128xi32, #tpu.memory_space<vmem>>) target_semaphore(%dma_start3A_169 : memref<!tpu.dma_semaphore, #tpu.memory_space<semaphore_mem>>)
        } else {
        }
        %dma_wait3A = arith.constant 0 : i32
        %dma_wait3A_95 = arith.constant 0 : i32
        %dma_wait3A_96 = arith.constant 0 : i32
        %dma_wait3A_97 = arith.constant 0 : i32
        %dma_wait3A_98 = arith.constant 0 : i32
        %dma_wait3A_99 = tpu.memref_slice %arg11[%dma_wait3A_95, %dma_wait3A_97, %dma_wait3A_98] : memref<2x2x128xi32, #tpu.memory_space<vmem>> -> memref<1x2x128xi32, #tpu.memory_space<vmem>>
        %dma_wait3A_100 = tpu.memref_squeeze %dma_wait3A_99 : memref<1x2x128xi32, #tpu.memory_space<vmem>> -> memref<2x128xi32, #tpu.memory_space<vmem>>
        %dma_wait3A_101 = arith.constant 0 : i32
        %dma_wait3A_102 = arith.constant 0 : i32
        %dma_wait3A_103 = tpu.memref_slice %arg3[%dma_wait3A, %dma_wait3A_101, %dma_wait3A_102] : memref<1250x2x128xi32, #tpu.memory_space<hbm>> -> memref<1x2x128xi32, #tpu.memory_space<hbm>>
        %dma_wait3A_104 = tpu.memref_squeeze %dma_wait3A_103 : memref<1x2x128xi32, #tpu.memory_space<hbm>> -> memref<2x128xi32, #tpu.memory_space<hbm>>
        %dma_wait3A_105 = tpu.memref_slice %arg12[%dma_wait3A_96] : memref<2x!tpu.dma_semaphore, #tpu.memory_space<semaphore_mem>> -> memref<1x!tpu.dma_semaphore, #tpu.memory_space<semaphore_mem>>
        %dma_wait3A_106 = tpu.memref_squeeze %dma_wait3A_105 : memref<1x!tpu.dma_semaphore, #tpu.memory_space<semaphore_mem>> -> memref<!tpu.dma_semaphore, #tpu.memory_space<semaphore_mem>>
        %dma_wait3A_107 = arith.constant 0 : i32
        %dma_wait3A_108 = arith.constant 0 : i32
        %dma_wait3A_109 = tpu.memref_slice %arg11[%dma_wait3A_95, %dma_wait3A_107, %dma_wait3A_108] : memref<2x2x128xi32, #tpu.memory_space<vmem>> -> memref<1x2x128xi32, #tpu.memory_space<vmem>>
        %dma_wait3A_110 = tpu.memref_squeeze %dma_wait3A_109 : memref<1x2x128xi32, #tpu.memory_space<vmem>> -> memref<2x128xi32, #tpu.memory_space<vmem>>
        %dma_wait3A_111 = arith.constant 0 : i32
        %dma_wait3A_112 = arith.constant 0 : i32
        %dma_wait3A_113 = tpu.memref_slice %arg3[%dma_wait3A, %dma_wait3A_111, %dma_wait3A_112] : memref<1250x2x128xi32, #tpu.memory_space<hbm>> -> memref<1x2x128xi32, #tpu.memory_space<hbm>>
        %dma_wait3A_114 = tpu.memref_squeeze %dma_wait3A_113 : memref<1x2x128xi32, #tpu.memory_space<hbm>> -> memref<2x128xi32, #tpu.memory_space<hbm>>
        tpu.wait_dma2 semaphore(%dma_wait3A_106 : memref<!tpu.dma_semaphore, #tpu.memory_space<semaphore_mem>>) src(%dma_wait3A_114 : memref<2x128xi32, #tpu.memory_space<hbm>>) dst(%dma_wait3A_110 : memref<2x128xi32, #tpu.memory_space<vmem>>)
        %add3A_115 = arith.constant 2 : i32
        %add3A_116 = arith.addi %add3A_52, %add3A_115 : i32
        %ge3A = arith.cmpi sge, %add3A_88, %add3A_116 : i32
        %convert_element_type3A_117 = arith.extui %ge3A : i1 to i32
        %cond3A_118 = arith.constant 0 : i32
        %cond3A_119 = arith.cmpi ne, %convert_element_type3A_117, %cond3A_118 : i32
        scf.if %cond3A_119 {
          %dma_wait3A_156 = arith.constant 0 : i32
          %dma_wait3A_157 = arith.constant 0 : i32
          %dma_wait3A_158 = arith.constant 0 : i32
          %dma_wait3A_159 = arith.constant 0 : i32
          %dma_wait3A_160 = tpu.memref_slice %arg10[%dma_wait3A_156, %dma_wait3A_158, %dma_wait3A_159] : memref<2x256x64xf32, #tpu.memory_space<vmem>> -> memref<1x256x64xf32, #tpu.memory_space<vmem>>
          %dma_wait3A_161 = tpu.memref_squeeze %dma_wait3A_160 : memref<1x256x64xf32, #tpu.memory_space<vmem>> -> memref<256x64xf32, #tpu.memory_space<vmem>>
          %dma_wait3A_162 = arith.constant 0 : i32
          %dma_wait3A_163 = arith.constant 0 : i32
          %dma_wait3A_164 = tpu.memref_slice %arg7[%dma_wait3A_162, %dma_wait3A_163] : memref<160000x64xf32, #tpu.memory_space<hbm>> -> memref<256x64xf32, #tpu.memory_space<hbm>>
          %dma_wait3A_165 = tpu.memref_slice %arg13[%dma_wait3A_157] : memref<2x!tpu.dma_semaphore, #tpu.memory_space<semaphore_mem>> -> memref<1x!tpu.dma_semaphore, #tpu.memory_space<semaphore_mem>>
          %dma_wait3A_166 = tpu.memref_squeeze %dma_wait3A_165 : memref<1x!tpu.dma_semaphore, #tpu.memory_space<semaphore_mem>> -> memref<!tpu.dma_semaphore, #tpu.memory_space<semaphore_mem>>
          %dma_wait3A_167 = arith.constant 0 : i32
          %dma_wait3A_168 = arith.constant 0 : i32
          %dma_wait3A_169 = tpu.memref_slice %arg7[%dma_wait3A_167, %dma_wait3A_168] : memref<160000x64xf32, #tpu.memory_space<hbm>> -> memref<256x64xf32, #tpu.memory_space<hbm>>
          %dma_wait3A_170 = arith.constant 0 : i32
          %dma_wait3A_171 = arith.constant 0 : i32
          %dma_wait3A_172 = tpu.memref_slice %arg10[%dma_wait3A_156, %dma_wait3A_170, %dma_wait3A_171] : memref<2x256x64xf32, #tpu.memory_space<vmem>> -> memref<1x256x64xf32, #tpu.memory_space<vmem>>
          %dma_wait3A_173 = tpu.memref_squeeze %dma_wait3A_172 : memref<1x256x64xf32, #tpu.memory_space<vmem>> -> memref<256x64xf32, #tpu.memory_space<vmem>>
          tpu.wait_dma2 semaphore(%dma_wait3A_166 : memref<!tpu.dma_semaphore, #tpu.memory_space<semaphore_mem>>) src(%dma_wait3A_173 : memref<256x64xf32, #tpu.memory_space<vmem>>) dst(%dma_wait3A_169 : memref<256x64xf32, #tpu.memory_space<hbm>>)
        } else {
        }
        %run_scoped3A = arith.constant 0 : i32
        %run_scoped3A_120 = arith.constant 0 : i32
        %run_scoped3A_121 = arith.constant 0 : i32
        "tpu.region"() ({
          %run_scoped3A_156 = tpu.sem_alloc : memref<!tpu.dma_semaphore, #tpu.memory_space<semaphore_mem>>
          %dma_start3A_157 = arith.constant 0 : i32
          %dma_start3A_158 = arith.constant 0 : i32
          %dma_start3A_159 = tpu.memref_slice %arg10[%run_scoped3A_121, %dma_start3A_157, %dma_start3A_158] : memref<2x256x64xf32, #tpu.memory_space<vmem>> -> memref<1x128x64xf32, #tpu.memory_space<vmem>>
          %dma_start3A_160 = tpu.memref_squeeze %dma_start3A_159 : memref<1x128x64xf32, #tpu.memory_space<vmem>> -> memref<128x64xf32, #tpu.memory_space<vmem>>
          %dma_start3A_161 = arith.constant 0 : i32
          %dma_start3A_162 = tpu.memref_slice %arg11[%run_scoped3A, %run_scoped3A_120, %dma_start3A_161] : memref<2x2x128xi32, #tpu.memory_space<vmem>> -> memref<1x1x128xi32, #tpu.memory_space<vmem>>
          %dma_start3A_163 = tpu.memref_squeeze %dma_start3A_162 : memref<1x1x128xi32, #tpu.memory_space<vmem>> -> memref<128xi32, #tpu.memory_space<vmem>>
          %dma_start3A_164 = arith.constant 0 : i32
          %dma_start3A_165 = arith.constant 0 : i32
          %dma_start3A_166 = tpu.memref_slice %arg9[%dma_start3A_164, %dma_start3A_165] : memref<10000x64xf32, #tpu.memory_space<vmem_shared>> -> memref<10000x64xf32, #tpu.memory_space<vmem_shared>>
          tpu.enqueue_indirect_dma source(%dma_start3A_166 : memref<10000x64xf32, #tpu.memory_space<vmem_shared>>) target(%dma_start3A_160 : memref<128x64xf32, #tpu.memory_space<vmem>>) offsets(%dma_start3A_163 : memref<128xi32, #tpu.memory_space<vmem>>) semaphore(%run_scoped3A_156 : memref<!tpu.dma_semaphore, #tpu.memory_space<semaphore_mem>>)
          %dma_wait3A_167 = arith.constant 0 : i32
          %dma_wait3A_168 = arith.constant 0 : i32
          %dma_wait3A_169 = tpu.memref_slice %arg10[%run_scoped3A_121, %dma_wait3A_167, %dma_wait3A_168] : memref<2x256x64xf32, #tpu.memory_space<vmem>> -> memref<1x128x64xf32, #tpu.memory_space<vmem>>
          %dma_wait3A_170 = tpu.memref_squeeze %dma_wait3A_169 : memref<1x128x64xf32, #tpu.memory_space<vmem>> -> memref<128x64xf32, #tpu.memory_space<vmem>>
          %dma_wait3A_171 = arith.constant 0 : i32
          %dma_wait3A_172 = tpu.memref_slice %arg11[%run_scoped3A, %run_scoped3A_120, %dma_wait3A_171] : memref<2x2x128xi32, #tpu.memory_space<vmem>> -> memref<1x1x128xi32, #tpu.memory_space<vmem>>
          %dma_wait3A_173 = tpu.memref_squeeze %dma_wait3A_172 : memref<1x1x128xi32, #tpu.memory_space<vmem>> -> memref<128xi32, #tpu.memory_space<vmem>>
          %dma_wait3A_174 = arith.constant 0 : i32
          %dma_wait3A_175 = arith.constant 0 : i32
          %dma_wait3A_176 = tpu.memref_slice %arg9[%dma_wait3A_174, %dma_wait3A_175] : memref<10000x64xf32, #tpu.memory_space<vmem_shared>> -> memref<10000x64xf32, #tpu.memory_space<vmem_shared>>
          tpu.wait_indirect_dma semaphore(%run_scoped3A_156 : memref<!tpu.dma_semaphore, #tpu.memory_space<semaphore_mem>>) src(%dma_wait3A_176 : memref<10000x64xf32, #tpu.memory_space<vmem_shared>>) dst(%dma_wait3A_170 : memref<128x64xf32, #tpu.memory_space<vmem>>)
          tpu.yield
        }) : () -> ()
        %run_scoped3A_122 = arith.constant 0 : i32
        %run_scoped3A_123 = arith.constant 1 : i32
        %run_scoped3A_124 = arith.constant 0 : i32
        "tpu.region"() ({
          %run_scoped3A_156 = tpu.sem_alloc : memref<!tpu.dma_semaphore, #tpu.memory_space<semaphore_mem>>
          %dma_start3A_157 = arith.constant 128 : i32
          %dma_start3A_158 = arith.constant 0 : i32
          %dma_start3A_159 = tpu.memref_slice %arg10[%run_scoped3A_124, %dma_start3A_157, %dma_start3A_158] : memref<2x256x64xf32, #tpu.memory_space<vmem>> -> memref<1x128x64xf32, #tpu.memory_space<vmem>>
          %dma_start3A_160 = tpu.memref_squeeze %dma_start3A_159 : memref<1x128x64xf32, #tpu.memory_space<vmem>> -> memref<128x64xf32, #tpu.memory_space<vmem>>
          %dma_start3A_161 = arith.constant 0 : i32
          %dma_start3A_162 = tpu.memref_slice %arg11[%run_scoped3A_122, %run_scoped3A_123, %dma_start3A_161] : memref<2x2x128xi32, #tpu.memory_space<vmem>> -> memref<1x1x128xi32, #tpu.memory_space<vmem>>
          %dma_start3A_163 = tpu.memref_squeeze %dma_start3A_162 : memref<1x1x128xi32, #tpu.memory_space<vmem>> -> memref<128xi32, #tpu.memory_space<vmem>>
          %dma_start3A_164 = arith.constant 0 : i32
          %dma_start3A_165 = arith.constant 0 : i32
          %dma_start3A_166 = tpu.memref_slice %arg9[%dma_start3A_164, %dma_start3A_165] : memref<10000x64xf32, #tpu.memory_space<vmem_shared>> -> memref<10000x64xf32, #tpu.memory_space<vmem_shared>>
          tpu.enqueue_indirect_dma source(%dma_start3A_166 : memref<10000x64xf32, #tpu.memory_space<vmem_shared>>) target(%dma_start3A_160 : memref<128x64xf32, #tpu.memory_space<vmem>>) offsets(%dma_start3A_163 : memref<128xi32, #tpu.memory_space<vmem>>) semaphore(%run_scoped3A_156 : memref<!tpu.dma_semaphore, #tpu.memory_space<semaphore_mem>>)
          %dma_wait3A_167 = arith.constant 128 : i32
          %dma_wait3A_168 = arith.constant 0 : i32
          %dma_wait3A_169 = tpu.memref_slice %arg10[%run_scoped3A_124, %dma_wait3A_167, %dma_wait3A_168] : memref<2x256x64xf32, #tpu.memory_space<vmem>> -> memref<1x128x64xf32, #tpu.memory_space<vmem>>
          %dma_wait3A_170 = tpu.memref_squeeze %dma_wait3A_169 : memref<1x128x64xf32, #tpu.memory_space<vmem>> -> memref<128x64xf32, #tpu.memory_space<vmem>>
          %dma_wait3A_171 = arith.constant 0 : i32
          %dma_wait3A_172 = tpu.memref_slice %arg11[%run_scoped3A_122, %run_scoped3A_123, %dma_wait3A_171] : memref<2x2x128xi32, #tpu.memory_space<vmem>> -> memref<1x1x128xi32, #tpu.memory_space<vmem>>
          %dma_wait3A_173 = tpu.memref_squeeze %dma_wait3A_172 : memref<1x1x128xi32, #tpu.memory_space<vmem>> -> memref<128xi32, #tpu.memory_space<vmem>>
          %dma_wait3A_174 = arith.constant 0 : i32
          %dma_wait3A_175 = arith.constant 0 : i32
          %dma_wait3A_176 = tpu.memref_slice %arg9[%dma_wait3A_174, %dma_wait3A_175] : memref<10000x64xf32, #tpu.memory_space<vmem_shared>> -> memref<10000x64xf32, #tpu.memory_space<vmem_shared>>
          tpu.wait_indirect_dma semaphore(%run_scoped3A_156 : memref<!tpu.dma_semaphore, #tpu.memory_space<semaphore_mem>>) src(%dma_wait3A_176 : memref<10000x64xf32, #tpu.memory_space<vmem_shared>>) dst(%dma_wait3A_170 : memref<128x64xf32, #tpu.memory_space<vmem>>)
          tpu.yield
        }) : () -> ()
        %sub3A_125 = arith.constant 625 : i32
        %sub3A_126 = arith.subi %add3A_88, %sub3A_125 : i32
        %mul3A_127 = arith.constant 256 : i32
        %mul3A_128 = arith.muli %sub3A_126, %mul3A_127 : i32
        %dma_start3A = arith.constant 0 : i32
        %dma_start3A_129 = arith.constant 0 : i32
        %dma_start3A_130 = arith.constant 0 : i32
        %dma_start3A_131 = arith.constant 0 : i32
        %dma_start3A_132 = tpu.memref_slice %arg10[%dma_start3A, %dma_start3A_130, %dma_start3A_131] : memref<2x256x64xf32, #tpu.memory_space<vmem>> -> memref<1x256x64xf32, #tpu.memory_space<vmem>>
        %dma_start3A_133 = tpu.memref_squeeze %dma_start3A_132 : memref<1x256x64xf32, #tpu.memory_space<vmem>> -> memref<256x64xf32, #tpu.memory_space<vmem>>
        %dma_start3A_134 = arith.constant 0 : i32
        %dma_start3A_135 = tpu.memref_slice %arg7[%mul3A_128, %dma_start3A_134] : memref<160000x64xf32, #tpu.memory_space<hbm>> -> memref<256x64xf32, #tpu.memory_space<hbm>>
        %dma_start3A_136 = tpu.memref_slice %arg13[%dma_start3A_129] : memref<2x!tpu.dma_semaphore, #tpu.memory_space<semaphore_mem>> -> memref<1x!tpu.dma_semaphore, #tpu.memory_space<semaphore_mem>>
        %dma_start3A_137 = tpu.memref_squeeze %dma_start3A_136 : memref<1x!tpu.dma_semaphore, #tpu.memory_space<semaphore_mem>> -> memref<!tpu.dma_semaphore, #tpu.memory_space<semaphore_mem>>
        %dma_start3A_138 = arith.constant 0 : i32
        %dma_start3A_139 = tpu.memref_slice %arg7[%mul3A_128, %dma_start3A_138] : memref<160000x64xf32, #tpu.memory_space<hbm>> -> memref<256x64xf32, #tpu.memory_space<hbm>>
        %dma_start3A_140 = arith.constant 0 : i32
        %dma_start3A_141 = arith.constant 0 : i32
        %dma_start3A_142 = tpu.memref_slice %arg10[%dma_start3A, %dma_start3A_140, %dma_start3A_141] : memref<2x256x64xf32, #tpu.memory_space<vmem>> -> memref<1x256x64xf32, #tpu.memory_space<vmem>>
        %dma_start3A_143 = tpu.memref_squeeze %dma_start3A_142 : memref<1x256x64xf32, #tpu.memory_space<vmem>> -> memref<256x64xf32, #tpu.memory_space<vmem>>
        tpu.enqueue_dma source(%dma_start3A_143 : memref<256x64xf32, #tpu.memory_space<vmem>>) target(%dma_start3A_139 : memref<256x64xf32, #tpu.memory_space<hbm>>) target_semaphore(%dma_start3A_137 : memref<!tpu.dma_semaphore, #tpu.memory_space<semaphore_mem>>)
        %add3A_144 = arith.constant 2 : i32
        %add3A_145 = arith.addi %add3A_88, %add3A_144 : i32
        %lt3A_146 = arith.cmpi slt, %add3A_145, %add3A_54 : i32
        %convert_element_type3A_147 = arith.extui %lt3A_146 : i1 to i32
        %cond3A_148 = arith.constant 0 : i32
        %cond3A_149 = arith.cmpi ne, %convert_element_type3A_147, %cond3A_148 : i32
        scf.if %cond3A_149 {
          %add3A_156 = arith.constant 2 : i32
          %add3A_157 = arith.addi %add3A_88, %add3A_156 : i32
          %dma_start3A_158 = arith.constant 0 : i32
          %dma_start3A_159 = arith.constant 0 : i32
          %dma_start3A_160 = arith.constant 0 : i32
          %dma_start3A_161 = arith.constant 0 : i32
          %dma_start3A_162 = tpu.memref_slice %arg11[%dma_start3A_158, %dma_start3A_160, %dma_start3A_161] : memref<2x2x128xi32, #tpu.memory_space<vmem>> -> memref<1x2x128xi32, #tpu.memory_space<vmem>>
          %dma_start3A_163 = tpu.memref_squeeze %dma_start3A_162 : memref<1x2x128xi32, #tpu.memory_space<vmem>> -> memref<2x128xi32, #tpu.memory_space<vmem>>
          %dma_start3A_164 = arith.constant 0 : i32
          %dma_start3A_165 = arith.constant 0 : i32
          %dma_start3A_166 = tpu.memref_slice %arg3[%add3A_157, %dma_start3A_164, %dma_start3A_165] : memref<1250x2x128xi32, #tpu.memory_space<hbm>> -> memref<1x2x128xi32, #tpu.memory_space<hbm>>
          %dma_start3A_167 = tpu.memref_squeeze %dma_start3A_166 : memref<1x2x128xi32, #tpu.memory_space<hbm>> -> memref<2x128xi32, #tpu.memory_space<hbm>>
          %dma_start3A_168 = tpu.memref_slice %arg12[%dma_start3A_159] : memref<2x!tpu.dma_semaphore, #tpu.memory_space<semaphore_mem>> -> memref<1x!tpu.dma_semaphore, #tpu.memory_space<semaphore_mem>>
          %dma_start3A_169 = tpu.memref_squeeze %dma_start3A_168 : memref<1x!tpu.dma_semaphore, #tpu.memory_space<semaphore_mem>> -> memref<!tpu.dma_semaphore, #tpu.memory_space<semaphore_mem>>
          %dma_start3A_170 = arith.constant 0 : i32
          %dma_start3A_171 = arith.constant 0 : i32
          %dma_start3A_172 = tpu.memref_slice %arg11[%dma_start3A_158, %dma_start3A_170, %dma_start3A_171] : memref<2x2x128xi32, #tpu.memory_space<vmem>> -> memref<1x2x128xi32, #tpu.memory_space<vmem>>
          %dma_start3A_173 = tpu.memref_squeeze %dma_start3A_172 : memref<1x2x128xi32, #tpu.memory_space<vmem>> -> memref<2x128xi32, #tpu.memory_space<vmem>>
          %dma_start3A_174 = arith.constant 0 : i32
          %dma_start3A_175 = arith.constant 0 : i32
          %dma_start3A_176 = tpu.memref_slice %arg3[%add3A_157, %dma_start3A_174, %dma_start3A_175] : memref<1250x2x128xi32, #tpu.memory_space<hbm>> -> memref<1x2x128xi32, #tpu.memory_space<hbm>>
          %dma_start3A_177 = tpu.memref_squeeze %dma_start3A_176 : memref<1x2x128xi32, #tpu.memory_space<hbm>> -> memref<2x128xi32, #tpu.memory_space<hbm>>
          tpu.enqueue_dma source(%dma_start3A_177 : memref<2x128xi32, #tpu.memory_space<hbm>>) target(%dma_start3A_173 : memref<2x128xi32, #tpu.memory_space<vmem>>) target_semaphore(%dma_start3A_169 : memref<!tpu.dma_semaphore, #tpu.memory_space<semaphore_mem>>)
        } else {
        }
        %add3A_150 = arith.constant 1 : i32
        %add3A_151 = arith.addi %add3A_88, %add3A_150 : i32
        %lt3A_152 = arith.cmpi slt, %add3A_151, %add3A_54 : i32
        %convert_element_type3A_153 = arith.extui %lt3A_152 : i1 to i32
        %cond3A_154 = arith.constant 0 : i32
        %cond3A_155 = arith.cmpi ne, %convert_element_type3A_153, %cond3A_154 : i32
        scf.if %cond3A_155 {
          %dma_wait3A_156 = arith.constant 0 : i32
          %dma_wait3A_157 = arith.constant 1 : i32
          %dma_wait3A_158 = arith.constant 1 : i32
          %dma_wait3A_159 = arith.constant 0 : i32
          %dma_wait3A_160 = arith.constant 0 : i32
          %dma_wait3A_161 = tpu.memref_slice %arg11[%dma_wait3A_157, %dma_wait3A_159, %dma_wait3A_160] : memref<2x2x128xi32, #tpu.memory_space<vmem>> -> memref<1x2x128xi32, #tpu.memory_space<vmem>>
          %dma_wait3A_162 = tpu.memref_squeeze %dma_wait3A_161 : memref<1x2x128xi32, #tpu.memory_space<vmem>> -> memref<2x128xi32, #tpu.memory_space<vmem>>
          %dma_wait3A_163 = arith.constant 0 : i32
          %dma_wait3A_164 = arith.constant 0 : i32
          %dma_wait3A_165 = tpu.memref_slice %arg3[%dma_wait3A_156, %dma_wait3A_163, %dma_wait3A_164] : memref<1250x2x128xi32, #tpu.memory_space<hbm>> -> memref<1x2x128xi32, #tpu.memory_space<hbm>>
          %dma_wait3A_166 = tpu.memref_squeeze %dma_wait3A_165 : memref<1x2x128xi32, #tpu.memory_space<hbm>> -> memref<2x128xi32, #tpu.memory_space<hbm>>
          %dma_wait3A_167 = tpu.memref_slice %arg12[%dma_wait3A_158] : memref<2x!tpu.dma_semaphore, #tpu.memory_space<semaphore_mem>> -> memref<1x!tpu.dma_semaphore, #tpu.memory_space<semaphore_mem>>
          %dma_wait3A_168 = tpu.memref_squeeze %dma_wait3A_167 : memref<1x!tpu.dma_semaphore, #tpu.memory_space<semaphore_mem>> -> memref<!tpu.dma_semaphore, #tpu.memory_space<semaphore_mem>>
          %dma_wait3A_169 = arith.constant 0 : i32
          %dma_wait3A_170 = arith.constant 0 : i32
          %dma_wait3A_171 = tpu.memref_slice %arg11[%dma_wait3A_157, %dma_wait3A_169, %dma_wait3A_170] : memref<2x2x128xi32, #tpu.memory_space<vmem>> -> memref<1x2x128xi32, #tpu.memory_space<vmem>>
          %dma_wait3A_172 = tpu.memref_squeeze %dma_wait3A_171 : memref<1x2x128xi32, #tpu.memory_space<vmem>> -> memref<2x128xi32, #tpu.memory_space<vmem>>
          %dma_wait3A_173 = arith.constant 0 : i32
          %dma_wait3A_174 = arith.constant 0 : i32
          %dma_wait3A_175 = tpu.memref_slice %arg3[%dma_wait3A_156, %dma_wait3A_173, %dma_wait3A_174] : memref<1250x2x128xi32, #tpu.memory_space<hbm>> -> memref<1x2x128xi32, #tpu.memory_space<hbm>>
          %dma_wait3A_176 = tpu.memref_squeeze %dma_wait3A_175 : memref<1x2x128xi32, #tpu.memory_space<hbm>> -> memref<2x128xi32, #tpu.memory_space<hbm>>
          tpu.wait_dma2 semaphore(%dma_wait3A_168 : memref<!tpu.dma_semaphore, #tpu.memory_space<semaphore_mem>>) src(%dma_wait3A_176 : memref<2x128xi32, #tpu.memory_space<hbm>>) dst(%dma_wait3A_172 : memref<2x128xi32, #tpu.memory_space<vmem>>)
          %add3A_177 = arith.constant 1 : i32
          %add3A_178 = arith.addi %add3A_88, %add3A_177 : i32
          %add3A_179 = arith.constant 1 : i32
          %add3A_180 = arith.addi %add3A_52, %add3A_179 : i32
          %ge3A_181 = arith.cmpi sge, %add3A_88, %add3A_180 : i32
          %convert_element_type3A_182 = arith.extui %ge3A_181 : i1 to i32
          %cond3A_183 = arith.constant 0 : i32
          %cond3A_184 = arith.cmpi ne, %convert_element_type3A_182, %cond3A_183 : i32
          scf.if %cond3A_184 {
            %dma_wait3A_211 = arith.constant 1 : i32
            %dma_wait3A_212 = arith.constant 1 : i32
            %dma_wait3A_213 = arith.constant 0 : i32
            %dma_wait3A_214 = arith.constant 0 : i32
            %dma_wait3A_215 = tpu.memref_slice %arg10[%dma_wait3A_211, %dma_wait3A_213, %dma_wait3A_214] : memref<2x256x64xf32, #tpu.memory_space<vmem>> -> memref<1x256x64xf32, #tpu.memory_space<vmem>>
            %dma_wait3A_216 = tpu.memref_squeeze %dma_wait3A_215 : memref<1x256x64xf32, #tpu.memory_space<vmem>> -> memref<256x64xf32, #tpu.memory_space<vmem>>
            %dma_wait3A_217 = arith.constant 0 : i32
            %dma_wait3A_218 = arith.constant 0 : i32
            %dma_wait3A_219 = tpu.memref_slice %arg7[%dma_wait3A_217, %dma_wait3A_218] : memref<160000x64xf32, #tpu.memory_space<hbm>> -> memref<256x64xf32, #tpu.memory_space<hbm>>
            %dma_wait3A_220 = tpu.memref_slice %arg13[%dma_wait3A_212] : memref<2x!tpu.dma_semaphore, #tpu.memory_space<semaphore_mem>> -> memref<1x!tpu.dma_semaphore, #tpu.memory_space<semaphore_mem>>
            %dma_wait3A_221 = tpu.memref_squeeze %dma_wait3A_220 : memref<1x!tpu.dma_semaphore, #tpu.memory_space<semaphore_mem>> -> memref<!tpu.dma_semaphore, #tpu.memory_space<semaphore_mem>>
            %dma_wait3A_222 = arith.constant 0 : i32
            %dma_wait3A_223 = arith.constant 0 : i32
            %dma_wait3A_224 = tpu.memref_slice %arg7[%dma_wait3A_222, %dma_wait3A_223] : memref<160000x64xf32, #tpu.memory_space<hbm>> -> memref<256x64xf32, #tpu.memory_space<hbm>>
            %dma_wait3A_225 = arith.constant 0 : i32
            %dma_wait3A_226 = arith.constant 0 : i32
            %dma_wait3A_227 = tpu.memref_slice %arg10[%dma_wait3A_211, %dma_wait3A_225, %dma_wait3A_226] : memref<2x256x64xf32, #tpu.memory_space<vmem>> -> memref<1x256x64xf32, #tpu.memory_space<vmem>>
            %dma_wait3A_228 = tpu.memref_squeeze %dma_wait3A_227 : memref<1x256x64xf32, #tpu.memory_space<vmem>> -> memref<256x64xf32, #tpu.memory_space<vmem>>
            tpu.wait_dma2 semaphore(%dma_wait3A_221 : memref<!tpu.dma_semaphore, #tpu.memory_space<semaphore_mem>>) src(%dma_wait3A_228 : memref<256x64xf32, #tpu.memory_space<vmem>>) dst(%dma_wait3A_224 : memref<256x64xf32, #tpu.memory_space<hbm>>)
          } else {
          }
          %run_scoped3A_185 = arith.constant 1 : i32
          %run_scoped3A_186 = arith.constant 0 : i32
          %run_scoped3A_187 = arith.constant 1 : i32
          "tpu.region"() ({
            %run_scoped3A_211 = tpu.sem_alloc : memref<!tpu.dma_semaphore, #tpu.memory_space<semaphore_mem>>
            %dma_start3A_212 = arith.constant 0 : i32
            %dma_start3A_213 = arith.constant 0 : i32
            %dma_start3A_214 = tpu.memref_slice %arg10[%run_scoped3A_187, %dma_start3A_212, %dma_start3A_213] : memref<2x256x64xf32, #tpu.memory_space<vmem>> -> memref<1x128x64xf32, #tpu.memory_space<vmem>>
            %dma_start3A_215 = tpu.memref_squeeze %dma_start3A_214 : memref<1x128x64xf32, #tpu.memory_space<vmem>> -> memref<128x64xf32, #tpu.memory_space<vmem>>
            %dma_start3A_216 = arith.constant 0 : i32
            %dma_start3A_217 = tpu.memref_slice %arg11[%run_scoped3A_185, %run_scoped3A_186, %dma_start3A_216] : memref<2x2x128xi32, #tpu.memory_space<vmem>> -> memref<1x1x128xi32, #tpu.memory_space<vmem>>
            %dma_start3A_218 = tpu.memref_squeeze %dma_start3A_217 : memref<1x1x128xi32, #tpu.memory_space<vmem>> -> memref<128xi32, #tpu.memory_space<vmem>>
            %dma_start3A_219 = arith.constant 0 : i32
            %dma_start3A_220 = arith.constant 0 : i32
            %dma_start3A_221 = tpu.memref_slice %arg9[%dma_start3A_219, %dma_start3A_220] : memref<10000x64xf32, #tpu.memory_space<vmem_shared>> -> memref<10000x64xf32, #tpu.memory_space<vmem_shared>>
            tpu.enqueue_indirect_dma source(%dma_start3A_221 : memref<10000x64xf32, #tpu.memory_space<vmem_shared>>) target(%dma_start3A_215 : memref<128x64xf32, #tpu.memory_space<vmem>>) offsets(%dma_start3A_218 : memref<128xi32, #tpu.memory_space<vmem>>) semaphore(%run_scoped3A_211 : memref<!tpu.dma_semaphore, #tpu.memory_space<semaphore_mem>>)
            %dma_wait3A_222 = arith.constant 0 : i32
            %dma_wait3A_223 = arith.constant 0 : i32
            %dma_wait3A_224 = tpu.memref_slice %arg10[%run_scoped3A_187, %dma_wait3A_222, %dma_wait3A_223] : memref<2x256x64xf32, #tpu.memory_space<vmem>> -> memref<1x128x64xf32, #tpu.memory_space<vmem>>
            %dma_wait3A_225 = tpu.memref_squeeze %dma_wait3A_224 : memref<1x128x64xf32, #tpu.memory_space<vmem>> -> memref<128x64xf32, #tpu.memory_space<vmem>>
            %dma_wait3A_226 = arith.constant 0 : i32
            %dma_wait3A_227 = tpu.memref_slice %arg11[%run_scoped3A_185, %run_scoped3A_186, %dma_wait3A_226] : memref<2x2x128xi32, #tpu.memory_space<vmem>> -> memref<1x1x128xi32, #tpu.memory_space<vmem>>
            %dma_wait3A_228 = tpu.memref_squeeze %dma_wait3A_227 : memref<1x1x128xi32, #tpu.memory_space<vmem>> -> memref<128xi32, #tpu.memory_space<vmem>>
            %dma_wait3A_229 = arith.constant 0 : i32
            %dma_wait3A_230 = arith.constant 0 : i32
            %dma_wait3A_231 = tpu.memref_slice %arg9[%dma_wait3A_229, %dma_wait3A_230] : memref<10000x64xf32, #tpu.memory_space<vmem_shared>> -> memref<10000x64xf32, #tpu.memory_space<vmem_shared>>
            tpu.wait_indirect_dma semaphore(%run_scoped3A_211 : memref<!tpu.dma_semaphore, #tpu.memory_space<semaphore_mem>>) src(%dma_wait3A_231 : memref<10000x64xf32, #tpu.memory_space<vmem_shared>>) dst(%dma_wait3A_225 : memref<128x64xf32, #tpu.memory_space<vmem>>)
            tpu.yield
          }) : () -> ()
          %run_scoped3A_188 = arith.constant 1 : i32
          %run_scoped3A_189 = arith.constant 1 : i32
          %run_scoped3A_190 = arith.constant 1 : i32
          "tpu.region"() ({
            %run_scoped3A_211 = tpu.sem_alloc : memref<!tpu.dma_semaphore, #tpu.memory_space<semaphore_mem>>
            %dma_start3A_212 = arith.constant 128 : i32
            %dma_start3A_213 = arith.constant 0 : i32
            %dma_start3A_214 = tpu.memref_slice %arg10[%run_scoped3A_190, %dma_start3A_212, %dma_start3A_213] : memref<2x256x64xf32, #tpu.memory_space<vmem>> -> memref<1x128x64xf32, #tpu.memory_space<vmem>>
            %dma_start3A_215 = tpu.memref_squeeze %dma_start3A_214 : memref<1x128x64xf32, #tpu.memory_space<vmem>> -> memref<128x64xf32, #tpu.memory_space<vmem>>
            %dma_start3A_216 = arith.constant 0 : i32
            %dma_start3A_217 = tpu.memref_slice %arg11[%run_scoped3A_188, %run_scoped3A_189, %dma_start3A_216] : memref<2x2x128xi32, #tpu.memory_space<vmem>> -> memref<1x1x128xi32, #tpu.memory_space<vmem>>
            %dma_start3A_218 = tpu.memref_squeeze %dma_start3A_217 : memref<1x1x128xi32, #tpu.memory_space<vmem>> -> memref<128xi32, #tpu.memory_space<vmem>>
            %dma_start3A_219 = arith.constant 0 : i32
            %dma_start3A_220 = arith.constant 0 : i32
            %dma_start3A_221 = tpu.memref_slice %arg9[%dma_start3A_219, %dma_start3A_220] : memref<10000x64xf32, #tpu.memory_space<vmem_shared>> -> memref<10000x64xf32, #tpu.memory_space<vmem_shared>>
            tpu.enqueue_indirect_dma source(%dma_start3A_221 : memref<10000x64xf32, #tpu.memory_space<vmem_shared>>) target(%dma_start3A_215 : memref<128x64xf32, #tpu.memory_space<vmem>>) offsets(%dma_start3A_218 : memref<128xi32, #tpu.memory_space<vmem>>) semaphore(%run_scoped3A_211 : memref<!tpu.dma_semaphore, #tpu.memory_space<semaphore_mem>>)
            %dma_wait3A_222 = arith.constant 128 : i32
            %dma_wait3A_223 = arith.constant 0 : i32
            %dma_wait3A_224 = tpu.memref_slice %arg10[%run_scoped3A_190, %dma_wait3A_222, %dma_wait3A_223] : memref<2x256x64xf32, #tpu.memory_space<vmem>> -> memref<1x128x64xf32, #tpu.memory_space<vmem>>
            %dma_wait3A_225 = tpu.memref_squeeze %dma_wait3A_224 : memref<1x128x64xf32, #tpu.memory_space<vmem>> -> memref<128x64xf32, #tpu.memory_space<vmem>>
            %dma_wait3A_226 = arith.constant 0 : i32
            %dma_wait3A_227 = tpu.memref_slice %arg11[%run_scoped3A_188, %run_scoped3A_189, %dma_wait3A_226] : memref<2x2x128xi32, #tpu.memory_space<vmem>> -> memref<1x1x128xi32, #tpu.memory_space<vmem>>
            %dma_wait3A_228 = tpu.memref_squeeze %dma_wait3A_227 : memref<1x1x128xi32, #tpu.memory_space<vmem>> -> memref<128xi32, #tpu.memory_space<vmem>>
            %dma_wait3A_229 = arith.constant 0 : i32
            %dma_wait3A_230 = arith.constant 0 : i32
            %dma_wait3A_231 = tpu.memref_slice %arg9[%dma_wait3A_229, %dma_wait3A_230] : memref<10000x64xf32, #tpu.memory_space<vmem_shared>> -> memref<10000x64xf32, #tpu.memory_space<vmem_shared>>
            tpu.wait_indirect_dma semaphore(%run_scoped3A_211 : memref<!tpu.dma_semaphore, #tpu.memory_space<semaphore_mem>>) src(%dma_wait3A_231 : memref<10000x64xf32, #tpu.memory_space<vmem_shared>>) dst(%dma_wait3A_225 : memref<128x64xf32, #tpu.memory_space<vmem>>)
            tpu.yield
          }) : () -> ()
          %sub3A_191 = arith.constant 625 : i32
          %sub3A_192 = arith.subi %add3A_178, %sub3A_191 : i32
          %mul3A_193 = arith.constant 256 : i32
          %mul3A_194 = arith.muli %sub3A_192, %mul3A_193 : i32
          %dma_start3A_195 = arith.constant 1 : i32
          %dma_start3A_196 = arith.constant 1 : i32
          %dma_start3A_197 = arith.constant 0 : i32
          %dma_start3A_198 = arith.constant 0 : i32
          %dma_start3A_199 = tpu.memref_slice %arg10[%dma_start3A_195, %dma_start3A_197, %dma_start3A_198] : memref<2x256x64xf32, #tpu.memory_space<vmem>> -> memref<1x256x64xf32, #tpu.memory_space<vmem>>
          %dma_start3A_200 = tpu.memref_squeeze %dma_start3A_199 : memref<1x256x64xf32, #tpu.memory_space<vmem>> -> memref<256x64xf32, #tpu.memory_space<vmem>>
          %dma_start3A_201 = arith.constant 0 : i32
          %dma_start3A_202 = tpu.memref_slice %arg7[%mul3A_194, %dma_start3A_201] : memref<160000x64xf32, #tpu.memory_space<hbm>> -> memref<256x64xf32, #tpu.memory_space<hbm>>
          %dma_start3A_203 = tpu.memref_slice %arg13[%dma_start3A_196] : memref<2x!tpu.dma_semaphore, #tpu.memory_space<semaphore_mem>> -> memref<1x!tpu.dma_semaphore, #tpu.memory_space<semaphore_mem>>
          %dma_start3A_204 = tpu.memref_squeeze %dma_start3A_203 : memref<1x!tpu.dma_semaphore, #tpu.memory_space<semaphore_mem>> -> memref<!tpu.dma_semaphore, #tpu.memory_space<semaphore_mem>>
          %dma_start3A_205 = arith.constant 0 : i32
          %dma_start3A_206 = tpu.memref_slice %arg7[%mul3A_194, %dma_start3A_205] : memref<160000x64xf32, #tpu.memory_space<hbm>> -> memref<256x64xf32, #tpu.memory_space<hbm>>
          %dma_start3A_207 = arith.constant 0 : i32
          %dma_start3A_208 = arith.constant 0 : i32
          %dma_start3A_209 = tpu.memref_slice %arg10[%dma_start3A_195, %dma_start3A_207, %dma_start3A_208] : memref<2x256x64xf32, #tpu.memory_space<vmem>> -> memref<1x256x64xf32, #tpu.memory_space<vmem>>
          %dma_start3A_210 = tpu.memref_squeeze %dma_start3A_209 : memref<1x256x64xf32, #tpu.memory_space<vmem>> -> memref<256x64xf32, #tpu.memory_space<vmem>>
          tpu.enqueue_dma source(%dma_start3A_210 : memref<256x64xf32, #tpu.memory_space<vmem>>) target(%dma_start3A_206 : memref<256x64xf32, #tpu.memory_space<hbm>>) target_semaphore(%dma_start3A_204 : memref<!tpu.dma_semaphore, #tpu.memory_space<semaphore_mem>>)
        } else {
        }
      }
      %while3A_75 = arith.constant 1 : i32
      scf.for %while3A_86 = %while3A_73 to %while3A_69 step %while3A_75  : i32 {
        %mul3A_87 = arith.muli %while3A_86, %while3A_66 : i32
        %add3A_88 = arith.addi %add3A_52, %mul3A_87 : i32
        %add3A_89 = arith.constant 1 : i32
        %add3A_90 = arith.addi %add3A_88, %add3A_89 : i32
        %lt3A_91 = arith.cmpi slt, %add3A_90, %add3A_54 : i32
        %convert_element_type3A_92 = arith.extui %lt3A_91 : i1 to i32
        %cond3A_93 = arith.constant 0 : i32
        %cond3A_94 = arith.cmpi ne, %convert_element_type3A_92, %cond3A_93 : i32
        scf.if %cond3A_94 {
          %add3A_156 = arith.constant 1 : i32
          %add3A_157 = arith.addi %add3A_88, %add3A_156 : i32
          %dma_start3A_158 = arith.constant 1 : i32
          %dma_start3A_159 = arith.constant 1 : i32
          %dma_start3A_160 = arith.constant 0 : i32
          %dma_start3A_161 = arith.constant 0 : i32
          %dma_start3A_162 = tpu.memref_slice %arg11[%dma_start3A_158, %dma_start3A_160, %dma_start3A_161] : memref<2x2x128xi32, #tpu.memory_space<vmem>> -> memref<1x2x128xi32, #tpu.memory_space<vmem>>
          %dma_start3A_163 = tpu.memref_squeeze %dma_start3A_162 : memref<1x2x128xi32, #tpu.memory_space<vmem>> -> memref<2x128xi32, #tpu.memory_space<vmem>>
          %dma_start3A_164 = arith.constant 0 : i32
          %dma_start3A_165 = arith.constant 0 : i32
          %dma_start3A_166 = tpu.memref_slice %arg3[%add3A_157, %dma_start3A_164, %dma_start3A_165] : memref<1250x2x128xi32, #tpu.memory_space<hbm>> -> memref<1x2x128xi32, #tpu.memory_space<hbm>>
          %dma_start3A_167 = tpu.memref_squeeze %dma_start3A_166 : memref<1x2x128xi32, #tpu.memory_space<hbm>> -> memref<2x128xi32, #tpu.memory_space<hbm>>
          %dma_start3A_168 = tpu.memref_slice %arg12[%dma_start3A_159] : memref<2x!tpu.dma_semaphore, #tpu.memory_space<semaphore_mem>> -> memref<1x!tpu.dma_semaphore, #tpu.memory_space<semaphore_mem>>
          %dma_start3A_169 = tpu.memref_squeeze %dma_start3A_168 : memref<1x!tpu.dma_semaphore, #tpu.memory_space<semaphore_mem>> -> memref<!tpu.dma_semaphore, #tpu.memory_space<semaphore_mem>>
          %dma_start3A_170 = arith.constant 0 : i32
          %dma_start3A_171 = arith.constant 0 : i32
          %dma_start3A_172 = tpu.memref_slice %arg11[%dma_start3A_158, %dma_start3A_170, %dma_start3A_171] : memref<2x2x128xi32, #tpu.memory_space<vmem>> -> memref<1x2x128xi32, #tpu.memory_space<vmem>>
          %dma_start3A_173 = tpu.memref_squeeze %dma_start3A_172 : memref<1x2x128xi32, #tpu.memory_space<vmem>> -> memref<2x128xi32, #tpu.memory_space<vmem>>
          %dma_start3A_174 = arith.constant 0 : i32
          %dma_start3A_175 = arith.constant 0 : i32
          %dma_start3A_176 = tpu.memref_slice %arg3[%add3A_157, %dma_start3A_174, %dma_start3A_175] : memref<1250x2x128xi32, #tpu.memory_space<hbm>> -> memref<1x2x128xi32, #tpu.memory_space<hbm>>
          %dma_start3A_177 = tpu.memref_squeeze %dma_start3A_176 : memref<1x2x128xi32, #tpu.memory_space<hbm>> -> memref<2x128xi32, #tpu.memory_space<hbm>>
          tpu.enqueue_dma source(%dma_start3A_177 : memref<2x128xi32, #tpu.memory_space<hbm>>) target(%dma_start3A_173 : memref<2x128xi32, #tpu.memory_space<vmem>>) target_semaphore(%dma_start3A_169 : memref<!tpu.dma_semaphore, #tpu.memory_space<semaphore_mem>>)
        } else {
        }
        %dma_wait3A = arith.constant 0 : i32
        %dma_wait3A_95 = arith.constant 0 : i32
        %dma_wait3A_96 = arith.constant 0 : i32
        %dma_wait3A_97 = arith.constant 0 : i32
        %dma_wait3A_98 = arith.constant 0 : i32
        %dma_wait3A_99 = tpu.memref_slice %arg11[%dma_wait3A_95, %dma_wait3A_97, %dma_wait3A_98] : memref<2x2x128xi32, #tpu.memory_space<vmem>> -> memref<1x2x128xi32, #tpu.memory_space<vmem>>
        %dma_wait3A_100 = tpu.memref_squeeze %dma_wait3A_99 : memref<1x2x128xi32, #tpu.memory_space<vmem>> -> memref<2x128xi32, #tpu.memory_space<vmem>>
        %dma_wait3A_101 = arith.constant 0 : i32
        %dma_wait3A_102 = arith.constant 0 : i32
        %dma_wait3A_103 = tpu.memref_slice %arg3[%dma_wait3A, %dma_wait3A_101, %dma_wait3A_102] : memref<1250x2x128xi32, #tpu.memory_space<hbm>> -> memref<1x2x128xi32, #tpu.memory_space<hbm>>
        %dma_wait3A_104 = tpu.memref_squeeze %dma_wait3A_103 : memref<1x2x128xi32, #tpu.memory_space<hbm>> -> memref<2x128xi32, #tpu.memory_space<hbm>>
        %dma_wait3A_105 = tpu.memref_slice %arg12[%dma_wait3A_96] : memref<2x!tpu.dma_semaphore, #tpu.memory_space<semaphore_mem>> -> memref<1x!tpu.dma_semaphore, #tpu.memory_space<semaphore_mem>>
        %dma_wait3A_106 = tpu.memref_squeeze %dma_wait3A_105 : memref<1x!tpu.dma_semaphore, #tpu.memory_space<semaphore_mem>> -> memref<!tpu.dma_semaphore, #tpu.memory_space<semaphore_mem>>
        %dma_wait3A_107 = arith.constant 0 : i32
        %dma_wait3A_108 = arith.constant 0 : i32
        %dma_wait3A_109 = tpu.memref_slice %arg11[%dma_wait3A_95, %dma_wait3A_107, %dma_wait3A_108] : memref<2x2x128xi32, #tpu.memory_space<vmem>> -> memref<1x2x128xi32, #tpu.memory_space<vmem>>
        %dma_wait3A_110 = tpu.memref_squeeze %dma_wait3A_109 : memref<1x2x128xi32, #tpu.memory_space<vmem>> -> memref<2x128xi32, #tpu.memory_space<vmem>>
        %dma_wait3A_111 = arith.constant 0 : i32
        %dma_wait3A_112 = arith.constant 0 : i32
        %dma_wait3A_113 = tpu.memref_slice %arg3[%dma_wait3A, %dma_wait3A_111, %dma_wait3A_112] : memref<1250x2x128xi32, #tpu.memory_space<hbm>> -> memref<1x2x128xi32, #tpu.memory_space<hbm>>
        %dma_wait3A_114 = tpu.memref_squeeze %dma_wait3A_113 : memref<1x2x128xi32, #tpu.memory_space<hbm>> -> memref<2x128xi32, #tpu.memory_space<hbm>>
        tpu.wait_dma2 semaphore(%dma_wait3A_106 : memref<!tpu.dma_semaphore, #tpu.memory_space<semaphore_mem>>) src(%dma_wait3A_114 : memref<2x128xi32, #tpu.memory_space<hbm>>) dst(%dma_wait3A_110 : memref<2x128xi32, #tpu.memory_space<vmem>>)
        %add3A_115 = arith.constant 2 : i32
        %add3A_116 = arith.addi %add3A_52, %add3A_115 : i32
        %ge3A = arith.cmpi sge, %add3A_88, %add3A_116 : i32
        %convert_element_type3A_117 = arith.extui %ge3A : i1 to i32
        %cond3A_118 = arith.constant 0 : i32
        %cond3A_119 = arith.cmpi ne, %convert_element_type3A_117, %cond3A_118 : i32
        scf.if %cond3A_119 {
          %dma_wait3A_156 = arith.constant 0 : i32
          %dma_wait3A_157 = arith.constant 0 : i32
          %dma_wait3A_158 = arith.constant 0 : i32
          %dma_wait3A_159 = arith.constant 0 : i32
          %dma_wait3A_160 = tpu.memref_slice %arg10[%dma_wait3A_156, %dma_wait3A_158, %dma_wait3A_159] : memref<2x256x64xf32, #tpu.memory_space<vmem>> -> memref<1x256x64xf32, #tpu.memory_space<vmem>>
          %dma_wait3A_161 = tpu.memref_squeeze %dma_wait3A_160 : memref<1x256x64xf32, #tpu.memory_space<vmem>> -> memref<256x64xf32, #tpu.memory_space<vmem>>
          %dma_wait3A_162 = arith.constant 0 : i32
          %dma_wait3A_163 = arith.constant 0 : i32
          %dma_wait3A_164 = tpu.memref_slice %arg7[%dma_wait3A_162, %dma_wait3A_163] : memref<160000x64xf32, #tpu.memory_space<hbm>> -> memref<256x64xf32, #tpu.memory_space<hbm>>
          %dma_wait3A_165 = tpu.memref_slice %arg13[%dma_wait3A_157] : memref<2x!tpu.dma_semaphore, #tpu.memory_space<semaphore_mem>> -> memref<1x!tpu.dma_semaphore, #tpu.memory_space<semaphore_mem>>
          %dma_wait3A_166 = tpu.memref_squeeze %dma_wait3A_165 : memref<1x!tpu.dma_semaphore, #tpu.memory_space<semaphore_mem>> -> memref<!tpu.dma_semaphore, #tpu.memory_space<semaphore_mem>>
          %dma_wait3A_167 = arith.constant 0 : i32
          %dma_wait3A_168 = arith.constant 0 : i32
          %dma_wait3A_169 = tpu.memref_slice %arg7[%dma_wait3A_167, %dma_wait3A_168] : memref<160000x64xf32, #tpu.memory_space<hbm>> -> memref<256x64xf32, #tpu.memory_space<hbm>>
          %dma_wait3A_170 = arith.constant 0 : i32
          %dma_wait3A_171 = arith.constant 0 : i32
          %dma_wait3A_172 = tpu.memref_slice %arg10[%dma_wait3A_156, %dma_wait3A_170, %dma_wait3A_171] : memref<2x256x64xf32, #tpu.memory_space<vmem>> -> memref<1x256x64xf32, #tpu.memory_space<vmem>>
          %dma_wait3A_173 = tpu.memref_squeeze %dma_wait3A_172 : memref<1x256x64xf32, #tpu.memory_space<vmem>> -> memref<256x64xf32, #tpu.memory_space<vmem>>
          tpu.wait_dma2 semaphore(%dma_wait3A_166 : memref<!tpu.dma_semaphore, #tpu.memory_space<semaphore_mem>>) src(%dma_wait3A_173 : memref<256x64xf32, #tpu.memory_space<vmem>>) dst(%dma_wait3A_169 : memref<256x64xf32, #tpu.memory_space<hbm>>)
        } else {
        }
        %run_scoped3A = arith.constant 0 : i32
        %run_scoped3A_120 = arith.constant 0 : i32
        %run_scoped3A_121 = arith.constant 0 : i32
        "tpu.region"() ({
          %run_scoped3A_156 = tpu.sem_alloc : memref<!tpu.dma_semaphore, #tpu.memory_space<semaphore_mem>>
          %dma_start3A_157 = arith.constant 0 : i32
          %dma_start3A_158 = arith.constant 0 : i32
          %dma_start3A_159 = tpu.memref_slice %arg10[%run_scoped3A_121, %dma_start3A_157, %dma_start3A_158] : memref<2x256x64xf32, #tpu.memory_space<vmem>> -> memref<1x128x64xf32, #tpu.memory_space<vmem>>
          %dma_start3A_160 = tpu.memref_squeeze %dma_start3A_159 : memref<1x128x64xf32, #tpu.memory_space<vmem>> -> memref<128x64xf32, #tpu.memory_space<vmem>>
          %dma_start3A_161 = arith.constant 0 : i32
          %dma_start3A_162 = tpu.memref_slice %arg11[%run_scoped3A, %run_scoped3A_120, %dma_start3A_161] : memref<2x2x128xi32, #tpu.memory_space<vmem>> -> memref<1x1x128xi32, #tpu.memory_space<vmem>>
          %dma_start3A_163 = tpu.memref_squeeze %dma_start3A_162 : memref<1x1x128xi32, #tpu.memory_space<vmem>> -> memref<128xi32, #tpu.memory_space<vmem>>
          %dma_start3A_164 = arith.constant 0 : i32
          %dma_start3A_165 = arith.constant 0 : i32
          %dma_start3A_166 = tpu.memref_slice %arg9[%dma_start3A_164, %dma_start3A_165] : memref<10000x64xf32, #tpu.memory_space<vmem_shared>> -> memref<10000x64xf32, #tpu.memory_space<vmem_shared>>
          tpu.enqueue_indirect_dma source(%dma_start3A_166 : memref<10000x64xf32, #tpu.memory_space<vmem_shared>>) target(%dma_start3A_160 : memref<128x64xf32, #tpu.memory_space<vmem>>) offsets(%dma_start3A_163 : memref<128xi32, #tpu.memory_space<vmem>>) semaphore(%run_scoped3A_156 : memref<!tpu.dma_semaphore, #tpu.memory_space<semaphore_mem>>)
          %dma_wait3A_167 = arith.constant 0 : i32
          %dma_wait3A_168 = arith.constant 0 : i32
          %dma_wait3A_169 = tpu.memref_slice %arg10[%run_scoped3A_121, %dma_wait3A_167, %dma_wait3A_168] : memref<2x256x64xf32, #tpu.memory_space<vmem>> -> memref<1x128x64xf32, #tpu.memory_space<vmem>>
          %dma_wait3A_170 = tpu.memref_squeeze %dma_wait3A_169 : memref<1x128x64xf32, #tpu.memory_space<vmem>> -> memref<128x64xf32, #tpu.memory_space<vmem>>
          %dma_wait3A_171 = arith.constant 0 : i32
          %dma_wait3A_172 = tpu.memref_slice %arg11[%run_scoped3A, %run_scoped3A_120, %dma_wait3A_171] : memref<2x2x128xi32, #tpu.memory_space<vmem>> -> memref<1x1x128xi32, #tpu.memory_space<vmem>>
          %dma_wait3A_173 = tpu.memref_squeeze %dma_wait3A_172 : memref<1x1x128xi32, #tpu.memory_space<vmem>> -> memref<128xi32, #tpu.memory_space<vmem>>
          %dma_wait3A_174 = arith.constant 0 : i32
          %dma_wait3A_175 = arith.constant 0 : i32
          %dma_wait3A_176 = tpu.memref_slice %arg9[%dma_wait3A_174, %dma_wait3A_175] : memref<10000x64xf32, #tpu.memory_space<vmem_shared>> -> memref<10000x64xf32, #tpu.memory_space<vmem_shared>>
          tpu.wait_indirect_dma semaphore(%run_scoped3A_156 : memref<!tpu.dma_semaphore, #tpu.memory_space<semaphore_mem>>) src(%dma_wait3A_176 : memref<10000x64xf32, #tpu.memory_space<vmem_shared>>) dst(%dma_wait3A_170 : memref<128x64xf32, #tpu.memory_space<vmem>>)
          tpu.yield
        }) : () -> ()
        %run_scoped3A_122 = arith.constant 0 : i32
        %run_scoped3A_123 = arith.constant 1 : i32
        %run_scoped3A_124 = arith.constant 0 : i32
        "tpu.region"() ({
          %run_scoped3A_156 = tpu.sem_alloc : memref<!tpu.dma_semaphore, #tpu.memory_space<semaphore_mem>>
          %dma_start3A_157 = arith.constant 128 : i32
          %dma_start3A_158 = arith.constant 0 : i32
          %dma_start3A_159 = tpu.memref_slice %arg10[%run_scoped3A_124, %dma_start3A_157, %dma_start3A_158] : memref<2x256x64xf32, #tpu.memory_space<vmem>> -> memref<1x128x64xf32, #tpu.memory_space<vmem>>
          %dma_start3A_160 = tpu.memref_squeeze %dma_start3A_159 : memref<1x128x64xf32, #tpu.memory_space<vmem>> -> memref<128x64xf32, #tpu.memory_space<vmem>>
          %dma_start3A_161 = arith.constant 0 : i32
          %dma_start3A_162 = tpu.memref_slice %arg11[%run_scoped3A_122, %run_scoped3A_123, %dma_start3A_161] : memref<2x2x128xi32, #tpu.memory_space<vmem>> -> memref<1x1x128xi32, #tpu.memory_space<vmem>>
          %dma_start3A_163 = tpu.memref_squeeze %dma_start3A_162 : memref<1x1x128xi32, #tpu.memory_space<vmem>> -> memref<128xi32, #tpu.memory_space<vmem>>
          %dma_start3A_164 = arith.constant 0 : i32
          %dma_start3A_165 = arith.constant 0 : i32
          %dma_start3A_166 = tpu.memref_slice %arg9[%dma_start3A_164, %dma_start3A_165] : memref<10000x64xf32, #tpu.memory_space<vmem_shared>> -> memref<10000x64xf32, #tpu.memory_space<vmem_shared>>
          tpu.enqueue_indirect_dma source(%dma_start3A_166 : memref<10000x64xf32, #tpu.memory_space<vmem_shared>>) target(%dma_start3A_160 : memref<128x64xf32, #tpu.memory_space<vmem>>) offsets(%dma_start3A_163 : memref<128xi32, #tpu.memory_space<vmem>>) semaphore(%run_scoped3A_156 : memref<!tpu.dma_semaphore, #tpu.memory_space<semaphore_mem>>)
          %dma_wait3A_167 = arith.constant 128 : i32
          %dma_wait3A_168 = arith.constant 0 : i32
          %dma_wait3A_169 = tpu.memref_slice %arg10[%run_scoped3A_124, %dma_wait3A_167, %dma_wait3A_168] : memref<2x256x64xf32, #tpu.memory_space<vmem>> -> memref<1x128x64xf32, #tpu.memory_space<vmem>>
          %dma_wait3A_170 = tpu.memref_squeeze %dma_wait3A_169 : memref<1x128x64xf32, #tpu.memory_space<vmem>> -> memref<128x64xf32, #tpu.memory_space<vmem>>
          %dma_wait3A_171 = arith.constant 0 : i32
          %dma_wait3A_172 = tpu.memref_slice %arg11[%run_scoped3A_122, %run_scoped3A_123, %dma_wait3A_171] : memref<2x2x128xi32, #tpu.memory_space<vmem>> -> memref<1x1x128xi32, #tpu.memory_space<vmem>>
          %dma_wait3A_173 = tpu.memref_squeeze %dma_wait3A_172 : memref<1x1x128xi32, #tpu.memory_space<vmem>> -> memref<128xi32, #tpu.memory_space<vmem>>
          %dma_wait3A_174 = arith.constant 0 : i32
          %dma_wait3A_175 = arith.constant 0 : i32
          %dma_wait3A_176 = tpu.memref_slice %arg9[%dma_wait3A_174, %dma_wait3A_175] : memref<10000x64xf32, #tpu.memory_space<vmem_shared>> -> memref<10000x64xf32, #tpu.memory_space<vmem_shared>>
          tpu.wait_indirect_dma semaphore(%run_scoped3A_156 : memref<!tpu.dma_semaphore, #tpu.memory_space<semaphore_mem>>) src(%dma_wait3A_176 : memref<10000x64xf32, #tpu.memory_space<vmem_shared>>) dst(%dma_wait3A_170 : memref<128x64xf32, #tpu.memory_space<vmem>>)
          tpu.yield
        }) : () -> ()
        %sub3A_125 = arith.constant 625 : i32
        %sub3A_126 = arith.subi %add3A_88, %sub3A_125 : i32
        %mul3A_127 = arith.constant 256 : i32
        %mul3A_128 = arith.muli %sub3A_126, %mul3A_127 : i32
        %dma_start3A = arith.constant 0 : i32
        %dma_start3A_129 = arith.constant 0 : i32
        %dma_start3A_130 = arith.constant 0 : i32
        %dma_start3A_131 = arith.constant 0 : i32
        %dma_start3A_132 = tpu.memref_slice %arg10[%dma_start3A, %dma_start3A_130, %dma_start3A_131] : memref<2x256x64xf32, #tpu.memory_space<vmem>> -> memref<1x256x64xf32, #tpu.memory_space<vmem>>
        %dma_start3A_133 = tpu.memref_squeeze %dma_start3A_132 : memref<1x256x64xf32, #tpu.memory_space<vmem>> -> memref<256x64xf32, #tpu.memory_space<vmem>>
        %dma_start3A_134 = arith.constant 0 : i32
        %dma_start3A_135 = tpu.memref_slice %arg7[%mul3A_128, %dma_start3A_134] : memref<160000x64xf32, #tpu.memory_space<hbm>> -> memref<256x64xf32, #tpu.memory_space<hbm>>
        %dma_start3A_136 = tpu.memref_slice %arg13[%dma_start3A_129] : memref<2x!tpu.dma_semaphore, #tpu.memory_space<semaphore_mem>> -> memref<1x!tpu.dma_semaphore, #tpu.memory_space<semaphore_mem>>
        %dma_start3A_137 = tpu.memref_squeeze %dma_start3A_136 : memref<1x!tpu.dma_semaphore, #tpu.memory_space<semaphore_mem>> -> memref<!tpu.dma_semaphore, #tpu.memory_space<semaphore_mem>>
        %dma_start3A_138 = arith.constant 0 : i32
        %dma_start3A_139 = tpu.memref_slice %arg7[%mul3A_128, %dma_start3A_138] : memref<160000x64xf32, #tpu.memory_space<hbm>> -> memref<256x64xf32, #tpu.memory_space<hbm>>
        %dma_start3A_140 = arith.constant 0 : i32
        %dma_start3A_141 = arith.constant 0 : i32
        %dma_start3A_142 = tpu.memref_slice %arg10[%dma_start3A, %dma_start3A_140, %dma_start3A_141] : memref<2x256x64xf32, #tpu.memory_space<vmem>> -> memref<1x256x64xf32, #tpu.memory_space<vmem>>
        %dma_start3A_143 = tpu.memref_squeeze %dma_start3A_142 : memref<1x256x64xf32, #tpu.memory_space<vmem>> -> memref<256x64xf32, #tpu.memory_space<vmem>>
        tpu.enqueue_dma source(%dma_start3A_143 : memref<256x64xf32, #tpu.memory_space<vmem>>) target(%dma_start3A_139 : memref<256x64xf32, #tpu.memory_space<hbm>>) target_semaphore(%dma_start3A_137 : memref<!tpu.dma_semaphore, #tpu.memory_space<semaphore_mem>>)
        %add3A_144 = arith.constant 2 : i32
        %add3A_145 = arith.addi %add3A_88, %add3A_144 : i32
        %lt3A_146 = arith.cmpi slt, %add3A_145, %add3A_54 : i32
        %convert_element_type3A_147 = arith.extui %lt3A_146 : i1 to i32
        %cond3A_148 = arith.constant 0 : i32
        %cond3A_149 = arith.cmpi ne, %convert_element_type3A_147, %cond3A_148 : i32
        scf.if %cond3A_149 {
          %add3A_156 = arith.constant 2 : i32
          %add3A_157 = arith.addi %add3A_88, %add3A_156 : i32
          %dma_start3A_158 = arith.constant 0 : i32
          %dma_start3A_159 = arith.constant 0 : i32
          %dma_start3A_160 = arith.constant 0 : i32
          %dma_start3A_161 = arith.constant 0 : i32
          %dma_start3A_162 = tpu.memref_slice %arg11[%dma_start3A_158, %dma_start3A_160, %dma_start3A_161] : memref<2x2x128xi32, #tpu.memory_space<vmem>> -> memref<1x2x128xi32, #tpu.memory_space<vmem>>
          %dma_start3A_163 = tpu.memref_squeeze %dma_start3A_162 : memref<1x2x128xi32, #tpu.memory_space<vmem>> -> memref<2x128xi32, #tpu.memory_space<vmem>>
          %dma_start3A_164 = arith.constant 0 : i32
          %dma_start3A_165 = arith.constant 0 : i32
          %dma_start3A_166 = tpu.memref_slice %arg3[%add3A_157, %dma_start3A_164, %dma_start3A_165] : memref<1250x2x128xi32, #tpu.memory_space<hbm>> -> memref<1x2x128xi32, #tpu.memory_space<hbm>>
          %dma_start3A_167 = tpu.memref_squeeze %dma_start3A_166 : memref<1x2x128xi32, #tpu.memory_space<hbm>> -> memref<2x128xi32, #tpu.memory_space<hbm>>
          %dma_start3A_168 = tpu.memref_slice %arg12[%dma_start3A_159] : memref<2x!tpu.dma_semaphore, #tpu.memory_space<semaphore_mem>> -> memref<1x!tpu.dma_semaphore, #tpu.memory_space<semaphore_mem>>
          %dma_start3A_169 = tpu.memref_squeeze %dma_start3A_168 : memref<1x!tpu.dma_semaphore, #tpu.memory_space<semaphore_mem>> -> memref<!tpu.dma_semaphore, #tpu.memory_space<semaphore_mem>>
          %dma_start3A_170 = arith.constant 0 : i32
          %dma_start3A_171 = arith.constant 0 : i32
          %dma_start3A_172 = tpu.memref_slice %arg11[%dma_start3A_158, %dma_start3A_170, %dma_start3A_171] : memref<2x2x128xi32, #tpu.memory_space<vmem>> -> memref<1x2x128xi32, #tpu.memory_space<vmem>>
          %dma_start3A_173 = tpu.memref_squeeze %dma_start3A_172 : memref<1x2x128xi32, #tpu.memory_space<vmem>> -> memref<2x128xi32, #tpu.memory_space<vmem>>
          %dma_start3A_174 = arith.constant 0 : i32
          %dma_start3A_175 = arith.constant 0 : i32
          %dma_start3A_176 = tpu.memref_slice %arg3[%add3A_157, %dma_start3A_174, %dma_start3A_175] : memref<1250x2x128xi32, #tpu.memory_space<hbm>> -> memref<1x2x128xi32, #tpu.memory_space<hbm>>
          %dma_start3A_177 = tpu.memref_squeeze %dma_start3A_176 : memref<1x2x128xi32, #tpu.memory_space<hbm>> -> memref<2x128xi32, #tpu.memory_space<hbm>>
          tpu.enqueue_dma source(%dma_start3A_177 : memref<2x128xi32, #tpu.memory_space<hbm>>) target(%dma_start3A_173 : memref<2x128xi32, #tpu.memory_space<vmem>>) target_semaphore(%dma_start3A_169 : memref<!tpu.dma_semaphore, #tpu.memory_space<semaphore_mem>>)
        } else {
        }
        %add3A_150 = arith.constant 1 : i32
        %add3A_151 = arith.addi %add3A_88, %add3A_150 : i32
        %lt3A_152 = arith.cmpi slt, %add3A_151, %add3A_54 : i32
        %convert_element_type3A_153 = arith.extui %lt3A_152 : i1 to i32
        %cond3A_154 = arith.constant 0 : i32
        %cond3A_155 = arith.cmpi ne, %convert_element_type3A_153, %cond3A_154 : i32
        scf.if %cond3A_155 {
          %dma_wait3A_156 = arith.constant 0 : i32
          %dma_wait3A_157 = arith.constant 1 : i32
          %dma_wait3A_158 = arith.constant 1 : i32
          %dma_wait3A_159 = arith.constant 0 : i32
          %dma_wait3A_160 = arith.constant 0 : i32
          %dma_wait3A_161 = tpu.memref_slice %arg11[%dma_wait3A_157, %dma_wait3A_159, %dma_wait3A_160] : memref<2x2x128xi32, #tpu.memory_space<vmem>> -> memref<1x2x128xi32, #tpu.memory_space<vmem>>
          %dma_wait3A_162 = tpu.memref_squeeze %dma_wait3A_161 : memref<1x2x128xi32, #tpu.memory_space<vmem>> -> memref<2x128xi32, #tpu.memory_space<vmem>>
          %dma_wait3A_163 = arith.constant 0 : i32
          %dma_wait3A_164 = arith.constant 0 : i32
          %dma_wait3A_165 = tpu.memref_slice %arg3[%dma_wait3A_156, %dma_wait3A_163, %dma_wait3A_164] : memref<1250x2x128xi32, #tpu.memory_space<hbm>> -> memref<1x2x128xi32, #tpu.memory_space<hbm>>
          %dma_wait3A_166 = tpu.memref_squeeze %dma_wait3A_165 : memref<1x2x128xi32, #tpu.memory_space<hbm>> -> memref<2x128xi32, #tpu.memory_space<hbm>>
          %dma_wait3A_167 = tpu.memref_slice %arg12[%dma_wait3A_158] : memref<2x!tpu.dma_semaphore, #tpu.memory_space<semaphore_mem>> -> memref<1x!tpu.dma_semaphore, #tpu.memory_space<semaphore_mem>>
          %dma_wait3A_168 = tpu.memref_squeeze %dma_wait3A_167 : memref<1x!tpu.dma_semaphore, #tpu.memory_space<semaphore_mem>> -> memref<!tpu.dma_semaphore, #tpu.memory_space<semaphore_mem>>
          %dma_wait3A_169 = arith.constant 0 : i32
          %dma_wait3A_170 = arith.constant 0 : i32
          %dma_wait3A_171 = tpu.memref_slice %arg11[%dma_wait3A_157, %dma_wait3A_169, %dma_wait3A_170] : memref<2x2x128xi32, #tpu.memory_space<vmem>> -> memref<1x2x128xi32, #tpu.memory_space<vmem>>
          %dma_wait3A_172 = tpu.memref_squeeze %dma_wait3A_171 : memref<1x2x128xi32, #tpu.memory_space<vmem>> -> memref<2x128xi32, #tpu.memory_space<vmem>>
          %dma_wait3A_173 = arith.constant 0 : i32
          %dma_wait3A_174 = arith.constant 0 : i32
          %dma_wait3A_175 = tpu.memref_slice %arg3[%dma_wait3A_156, %dma_wait3A_173, %dma_wait3A_174] : memref<1250x2x128xi32, #tpu.memory_space<hbm>> -> memref<1x2x128xi32, #tpu.memory_space<hbm>>
          %dma_wait3A_176 = tpu.memref_squeeze %dma_wait3A_175 : memref<1x2x128xi32, #tpu.memory_space<hbm>> -> memref<2x128xi32, #tpu.memory_space<hbm>>
          tpu.wait_dma2 semaphore(%dma_wait3A_168 : memref<!tpu.dma_semaphore, #tpu.memory_space<semaphore_mem>>) src(%dma_wait3A_176 : memref<2x128xi32, #tpu.memory_space<hbm>>) dst(%dma_wait3A_172 : memref<2x128xi32, #tpu.memory_space<vmem>>)
          %add3A_177 = arith.constant 1 : i32
          %add3A_178 = arith.addi %add3A_88, %add3A_177 : i32
          %add3A_179 = arith.constant 1 : i32
          %add3A_180 = arith.addi %add3A_52, %add3A_179 : i32
          %ge3A_181 = arith.cmpi sge, %add3A_88, %add3A_180 : i32
          %convert_element_type3A_182 = arith.extui %ge3A_181 : i1 to i32
          %cond3A_183 = arith.constant 0 : i32
          %cond3A_184 = arith.cmpi ne, %convert_element_type3A_182, %cond3A_183 : i32
          scf.if %cond3A_184 {
            %dma_wait3A_211 = arith.constant 1 : i32
            %dma_wait3A_212 = arith.constant 1 : i32
            %dma_wait3A_213 = arith.constant 0 : i32
            %dma_wait3A_214 = arith.constant 0 : i32
            %dma_wait3A_215 = tpu.memref_slice %arg10[%dma_wait3A_211, %dma_wait3A_213, %dma_wait3A_214] : memref<2x256x64xf32, #tpu.memory_space<vmem>> -> memref<1x256x64xf32, #tpu.memory_space<vmem>>
            %dma_wait3A_216 = tpu.memref_squeeze %dma_wait3A_215 : memref<1x256x64xf32, #tpu.memory_space<vmem>> -> memref<256x64xf32, #tpu.memory_space<vmem>>
            %dma_wait3A_217 = arith.constant 0 : i32
            %dma_wait3A_218 = arith.constant 0 : i32
            %dma_wait3A_219 = tpu.memref_slice %arg7[%dma_wait3A_217, %dma_wait3A_218] : memref<160000x64xf32, #tpu.memory_space<hbm>> -> memref<256x64xf32, #tpu.memory_space<hbm>>
            %dma_wait3A_220 = tpu.memref_slice %arg13[%dma_wait3A_212] : memref<2x!tpu.dma_semaphore, #tpu.memory_space<semaphore_mem>> -> memref<1x!tpu.dma_semaphore, #tpu.memory_space<semaphore_mem>>
            %dma_wait3A_221 = tpu.memref_squeeze %dma_wait3A_220 : memref<1x!tpu.dma_semaphore, #tpu.memory_space<semaphore_mem>> -> memref<!tpu.dma_semaphore, #tpu.memory_space<semaphore_mem>>
            %dma_wait3A_222 = arith.constant 0 : i32
            %dma_wait3A_223 = arith.constant 0 : i32
            %dma_wait3A_224 = tpu.memref_slice %arg7[%dma_wait3A_222, %dma_wait3A_223] : memref<160000x64xf32, #tpu.memory_space<hbm>> -> memref<256x64xf32, #tpu.memory_space<hbm>>
            %dma_wait3A_225 = arith.constant 0 : i32
            %dma_wait3A_226 = arith.constant 0 : i32
            %dma_wait3A_227 = tpu.memref_slice %arg10[%dma_wait3A_211, %dma_wait3A_225, %dma_wait3A_226] : memref<2x256x64xf32, #tpu.memory_space<vmem>> -> memref<1x256x64xf32, #tpu.memory_space<vmem>>
            %dma_wait3A_228 = tpu.memref_squeeze %dma_wait3A_227 : memref<1x256x64xf32, #tpu.memory_space<vmem>> -> memref<256x64xf32, #tpu.memory_space<vmem>>
            tpu.wait_dma2 semaphore(%dma_wait3A_221 : memref<!tpu.dma_semaphore, #tpu.memory_space<semaphore_mem>>) src(%dma_wait3A_228 : memref<256x64xf32, #tpu.memory_space<vmem>>) dst(%dma_wait3A_224 : memref<256x64xf32, #tpu.memory_space<hbm>>)
          } else {
          }
          %run_scoped3A_185 = arith.constant 1 : i32
          %run_scoped3A_186 = arith.constant 0 : i32
          %run_scoped3A_187 = arith.constant 1 : i32
          "tpu.region"() ({
            %run_scoped3A_211 = tpu.sem_alloc : memref<!tpu.dma_semaphore, #tpu.memory_space<semaphore_mem>>
            %dma_start3A_212 = arith.constant 0 : i32
            %dma_start3A_213 = arith.constant 0 : i32
            %dma_start3A_214 = tpu.memref_slice %arg10[%run_scoped3A_187, %dma_start3A_212, %dma_start3A_213] : memref<2x256x64xf32, #tpu.memory_space<vmem>> -> memref<1x128x64xf32, #tpu.memory_space<vmem>>
            %dma_start3A_215 = tpu.memref_squeeze %dma_start3A_214 : memref<1x128x64xf32, #tpu.memory_space<vmem>> -> memref<128x64xf32, #tpu.memory_space<vmem>>
            %dma_start3A_216 = arith.constant 0 : i32
            %dma_start3A_217 = tpu.memref_slice %arg11[%run_scoped3A_185, %run_scoped3A_186, %dma_start3A_216] : memref<2x2x128xi32, #tpu.memory_space<vmem>> -> memref<1x1x128xi32, #tpu.memory_space<vmem>>
            %dma_start3A_218 = tpu.memref_squeeze %dma_start3A_217 : memref<1x1x128xi32, #tpu.memory_space<vmem>> -> memref<128xi32, #tpu.memory_space<vmem>>
            %dma_start3A_219 = arith.constant 0 : i32
            %dma_start3A_220 = arith.constant 0 : i32
            %dma_start3A_221 = tpu.memref_slice %arg9[%dma_start3A_219, %dma_start3A_220] : memref<10000x64xf32, #tpu.memory_space<vmem_shared>> -> memref<10000x64xf32, #tpu.memory_space<vmem_shared>>
            tpu.enqueue_indirect_dma source(%dma_start3A_221 : memref<10000x64xf32, #tpu.memory_space<vmem_shared>>) target(%dma_start3A_215 : memref<128x64xf32, #tpu.memory_space<vmem>>) offsets(%dma_start3A_218 : memref<128xi32, #tpu.memory_space<vmem>>) semaphore(%run_scoped3A_211 : memref<!tpu.dma_semaphore, #tpu.memory_space<semaphore_mem>>)
            %dma_wait3A_222 = arith.constant 0 : i32
            %dma_wait3A_223 = arith.constant 0 : i32
            %dma_wait3A_224 = tpu.memref_slice %arg10[%run_scoped3A_187, %dma_wait3A_222, %dma_wait3A_223] : memref<2x256x64xf32, #tpu.memory_space<vmem>> -> memref<1x128x64xf32, #tpu.memory_space<vmem>>
            %dma_wait3A_225 = tpu.memref_squeeze %dma_wait3A_224 : memref<1x128x64xf32, #tpu.memory_space<vmem>> -> memref<128x64xf32, #tpu.memory_space<vmem>>
            %dma_wait3A_226 = arith.constant 0 : i32
            %dma_wait3A_227 = tpu.memref_slice %arg11[%run_scoped3A_185, %run_scoped3A_186, %dma_wait3A_226] : memref<2x2x128xi32, #tpu.memory_space<vmem>> -> memref<1x1x128xi32, #tpu.memory_space<vmem>>
            %dma_wait3A_228 = tpu.memref_squeeze %dma_wait3A_227 : memref<1x1x128xi32, #tpu.memory_space<vmem>> -> memref<128xi32, #tpu.memory_space<vmem>>
            %dma_wait3A_229 = arith.constant 0 : i32
            %dma_wait3A_230 = arith.constant 0 : i32
            %dma_wait3A_231 = tpu.memref_slice %arg9[%dma_wait3A_229, %dma_wait3A_230] : memref<10000x64xf32, #tpu.memory_space<vmem_shared>> -> memref<10000x64xf32, #tpu.memory_space<vmem_shared>>
            tpu.wait_indirect_dma semaphore(%run_scoped3A_211 : memref<!tpu.dma_semaphore, #tpu.memory_space<semaphore_mem>>) src(%dma_wait3A_231 : memref<10000x64xf32, #tpu.memory_space<vmem_shared>>) dst(%dma_wait3A_225 : memref<128x64xf32, #tpu.memory_space<vmem>>)
            tpu.yield
          }) : () -> ()
          %run_scoped3A_188 = arith.constant 1 : i32
          %run_scoped3A_189 = arith.constant 1 : i32
          %run_scoped3A_190 = arith.constant 1 : i32
          "tpu.region"() ({
            %run_scoped3A_211 = tpu.sem_alloc : memref<!tpu.dma_semaphore, #tpu.memory_space<semaphore_mem>>
            %dma_start3A_212 = arith.constant 128 : i32
            %dma_start3A_213 = arith.constant 0 : i32
            %dma_start3A_214 = tpu.memref_slice %arg10[%run_scoped3A_190, %dma_start3A_212, %dma_start3A_213] : memref<2x256x64xf32, #tpu.memory_space<vmem>> -> memref<1x128x64xf32, #tpu.memory_space<vmem>>
            %dma_start3A_215 = tpu.memref_squeeze %dma_start3A_214 : memref<1x128x64xf32, #tpu.memory_space<vmem>> -> memref<128x64xf32, #tpu.memory_space<vmem>>
            %dma_start3A_216 = arith.constant 0 : i32
            %dma_start3A_217 = tpu.memref_slice %arg11[%run_scoped3A_188, %run_scoped3A_189, %dma_start3A_216] : memref<2x2x128xi32, #tpu.memory_space<vmem>> -> memref<1x1x128xi32, #tpu.memory_space<vmem>>
            %dma_start3A_218 = tpu.memref_squeeze %dma_start3A_217 : memref<1x1x128xi32, #tpu.memory_space<vmem>> -> memref<128xi32, #tpu.memory_space<vmem>>
            %dma_start3A_219 = arith.constant 0 : i32
            %dma_start3A_220 = arith.constant 0 : i32
            %dma_start3A_221 = tpu.memref_slice %arg9[%dma_start3A_219, %dma_start3A_220] : memref<10000x64xf32, #tpu.memory_space<vmem_shared>> -> memref<10000x64xf32, #tpu.memory_space<vmem_shared>>
            tpu.enqueue_indirect_dma source(%dma_start3A_221 : memref<10000x64xf32, #tpu.memory_space<vmem_shared>>) target(%dma_start3A_215 : memref<128x64xf32, #tpu.memory_space<vmem>>) offsets(%dma_start3A_218 : memref<128xi32, #tpu.memory_space<vmem>>) semaphore(%run_scoped3A_211 : memref<!tpu.dma_semaphore, #tpu.memory_space<semaphore_mem>>)
            %dma_wait3A_222 = arith.constant 128 : i32
            %dma_wait3A_223 = arith.constant 0 : i32
            %dma_wait3A_224 = tpu.memref_slice %arg10[%run_scoped3A_190, %dma_wait3A_222, %dma_wait3A_223] : memref<2x256x64xf32, #tpu.memory_space<vmem>> -> memref<1x128x64xf32, #tpu.memory_space<vmem>>
            %dma_wait3A_225 = tpu.memref_squeeze %dma_wait3A_224 : memref<1x128x64xf32, #tpu.memory_space<vmem>> -> memref<128x64xf32, #tpu.memory_space<vmem>>
            %dma_wait3A_226 = arith.constant 0 : i32
            %dma_wait3A_227 = tpu.memref_slice %arg11[%run_scoped3A_188, %run_scoped3A_189, %dma_wait3A_226] : memref<2x2x128xi32, #tpu.memory_space<vmem>> -> memref<1x1x128xi32, #tpu.memory_space<vmem>>
            %dma_wait3A_228 = tpu.memref_squeeze %dma_wait3A_227 : memref<1x1x128xi32, #tpu.memory_space<vmem>> -> memref<128xi32, #tpu.memory_space<vmem>>
            %dma_wait3A_229 = arith.constant 0 : i32
            %dma_wait3A_230 = arith.constant 0 : i32
            %dma_wait3A_231 = tpu.memref_slice %arg9[%dma_wait3A_229, %dma_wait3A_230] : memref<10000x64xf32, #tpu.memory_space<vmem_shared>> -> memref<10000x64xf32, #tpu.memory_space<vmem_shared>>
            tpu.wait_indirect_dma semaphore(%run_scoped3A_211 : memref<!tpu.dma_semaphore, #tpu.memory_space<semaphore_mem>>) src(%dma_wait3A_231 : memref<10000x64xf32, #tpu.memory_space<vmem_shared>>) dst(%dma_wait3A_225 : memref<128x64xf32, #tpu.memory_space<vmem>>)
            tpu.yield
          }) : () -> ()
          %sub3A_191 = arith.constant 625 : i32
          %sub3A_192 = arith.subi %add3A_178, %sub3A_191 : i32
          %mul3A_193 = arith.constant 256 : i32
          %mul3A_194 = arith.muli %sub3A_192, %mul3A_193 : i32
          %dma_start3A_195 = arith.constant 1 : i32
          %dma_start3A_196 = arith.constant 1 : i32
          %dma_start3A_197 = arith.constant 0 : i32
          %dma_start3A_198 = arith.constant 0 : i32
          %dma_start3A_199 = tpu.memref_slice %arg10[%dma_start3A_195, %dma_start3A_197, %dma_start3A_198] : memref<2x256x64xf32, #tpu.memory_space<vmem>> -> memref<1x256x64xf32, #tpu.memory_space<vmem>>
          %dma_start3A_200 = tpu.memref_squeeze %dma_start3A_199 : memref<1x256x64xf32, #tpu.memory_space<vmem>> -> memref<256x64xf32, #tpu.memory_space<vmem>>
          %dma_start3A_201 = arith.constant 0 : i32
          %dma_start3A_202 = tpu.memref_slice %arg7[%mul3A_194, %dma_start3A_201] : memref<160000x64xf32, #tpu.memory_space<hbm>> -> memref<256x64xf32, #tpu.memory_space<hbm>>
          %dma_start3A_203 = tpu.memref_slice %arg13[%dma_start3A_196] : memref<2x!tpu.dma_semaphore, #tpu.memory_space<semaphore_mem>> -> memref<1x!tpu.dma_semaphore, #tpu.memory_space<semaphore_mem>>
          %dma_start3A_204 = tpu.memref_squeeze %dma_start3A_203 : memref<1x!tpu.dma_semaphore, #tpu.memory_space<semaphore_mem>> -> memref<!tpu.dma_semaphore, #tpu.memory_space<semaphore_mem>>
          %dma_start3A_205 = arith.constant 0 : i32
          %dma_start3A_206 = tpu.memref_slice %arg7[%mul3A_194, %dma_start3A_205] : memref<160000x64xf32, #tpu.memory_space<hbm>> -> memref<256x64xf32, #tpu.memory_space<hbm>>
          %dma_start3A_207 = arith.constant 0 : i32
          %dma_start3A_208 = arith.constant 0 : i32
          %dma_start3A_209 = tpu.memref_slice %arg10[%dma_start3A_195, %dma_start3A_207, %dma_start3A_208] : memref<2x256x64xf32, #tpu.memory_space<vmem>> -> memref<1x256x64xf32, #tpu.memory_space<vmem>>
          %dma_start3A_210 = tpu.memref_squeeze %dma_start3A_209 : memref<1x256x64xf32, #tpu.memory_space<vmem>> -> memref<256x64xf32, #tpu.memory_space<vmem>>
          tpu.enqueue_dma source(%dma_start3A_210 : memref<256x64xf32, #tpu.memory_space<vmem>>) target(%dma_start3A_206 : memref<256x64xf32, #tpu.memory_space<hbm>>) target_semaphore(%dma_start3A_204 : memref<!tpu.dma_semaphore, #tpu.memory_space<semaphore_mem>>)
        } else {
        }
      }
      %lt3A_76 = arith.cmpi slt, %add3A_52, %add3A_54 : i32
      %convert_element_type3A_77 = arith.extui %lt3A_76 : i1 to i32
      %cond3A_78 = arith.constant 0 : i32
      %cond3A_79 = arith.cmpi ne, %convert_element_type3A_77, %cond3A_78 : i32
      scf.if %cond3A_79 {
        %dma_wait3A = arith.constant 0 : i32
        %dma_wait3A_86 = arith.constant 0 : i32
        %dma_wait3A_87 = arith.constant 0 : i32
        %dma_wait3A_88 = arith.constant 0 : i32
        %dma_wait3A_89 = tpu.memref_slice %arg10[%dma_wait3A, %dma_wait3A_87, %dma_wait3A_88] : memref<2x256x64xf32, #tpu.memory_space<vmem>> -> memref<1x256x64xf32, #tpu.memory_space<vmem>>
        %dma_wait3A_90 = tpu.memref_squeeze %dma_wait3A_89 : memref<1x256x64xf32, #tpu.memory_space<vmem>> -> memref<256x64xf32, #tpu.memory_space<vmem>>
        %dma_wait3A_91 = arith.constant 0 : i32
        %dma_wait3A_92 = arith.constant 0 : i32
        %dma_wait3A_93 = tpu.memref_slice %arg7[%dma_wait3A_91, %dma_wait3A_92] : memref<160000x64xf32, #tpu.memory_space<hbm>> -> memref<256x64xf32, #tpu.memory_space<hbm>>
        %dma_wait3A_94 = tpu.memref_slice %arg13[%dma_wait3A_86] : memref<2x!tpu.dma_semaphore, #tpu.memory_space<semaphore_mem>> -> memref<1x!tpu.dma_semaphore, #tpu.memory_space<semaphore_mem>>
        %dma_wait3A_95 = tpu.memref_squeeze %dma_wait3A_94 : memref<1x!tpu.dma_semaphore, #tpu.memory_space<semaphore_mem>> -> memref<!tpu.dma_semaphore, #tpu.memory_space<semaphore_mem>>
        %dma_wait3A_96 = arith.constant 0 : i32
        %dma_wait3A_97 = arith.constant 0 : i32
        %dma_wait3A_98 = tpu.memref_slice %arg7[%dma_wait3A_96, %dma_wait3A_97] : memref<160000x64xf32, #tpu.memory_space<hbm>> -> memref<256x64xf32, #tpu.memory_space<hbm>>
        %dma_wait3A_99 = arith.constant 0 : i32
        %dma_wait3A_100 = arith.constant 0 : i32
        %dma_wait3A_101 = tpu.memref_slice %arg10[%dma_wait3A, %dma_wait3A_99, %dma_wait3A_100] : memref<2x256x64xf32, #tpu.memory_space<vmem>> -> memref<1x256x64xf32, #tpu.memory_space<vmem>>
        %dma_wait3A_102 = tpu.memref_squeeze %dma_wait3A_101 : memref<1x256x64xf32, #tpu.memory_space<vmem>> -> memref<256x64xf32, #tpu.memory_space<vmem>>
        tpu.wait_dma2 semaphore(%dma_wait3A_95 : memref<!tpu.dma_semaphore, #tpu.memory_space<semaphore_mem>>) src(%dma_wait3A_102 : memref<256x64xf32, #tpu.memory_space<vmem>>) dst(%dma_wait3A_98 : memref<256x64xf32, #tpu.memory_space<hbm>>)
      } else {
      }
      %add3A_80 = arith.constant 1 : i32
      %add3A_81 = arith.addi %add3A_52, %add3A_80 : i32
      %lt3A_82 = arith.cmpi slt, %add3A_81, %add3A_54 : i32
      %convert_element_type3A_83 = arith.extui %lt3A_82 : i1 to i32
      %cond3A_84 = arith.constant 0 : i32
      %cond3A_85 = arith.cmpi ne, %convert_element_type3A_83, %cond3A_84 : i32
      scf.if %cond3A_85 {
        %dma_wait3A = arith.constant 1 : i32
        %dma_wait3A_86 = arith.constant 1 : i32
        %dma_wait3A_87 = arith.constant 0 : i32
        %dma_wait3A_88 = arith.constant 0 : i32
        %dma_wait3A_89 = tpu.memref_slice %arg10[%dma_wait3A, %dma_wait3A_87, %dma_wait3A_88] : memref<2x256x64xf32, #tpu.memory_space<vmem>> -> memref<1x256x64xf32, #tpu.memory_space<vmem>>
        %dma_wait3A_90 = tpu.memref_squeeze %dma_wait3A_89 : memref<1x256x64xf32, #tpu.memory_space<vmem>> -> memref<256x64xf32, #tpu.memory_space<vmem>>
        %dma_wait3A_91 = arith.constant 0 : i32
        %dma_wait3A_92 = arith.constant 0 : i32
        %dma_wait3A_93 = tpu.memref_slice %arg7[%dma_wait3A_91, %dma_wait3A_92] : memref<160000x64xf32, #tpu.memory_space<hbm>> -> memref<256x64xf32, #tpu.memory_space<hbm>>
        %dma_wait3A_94 = tpu.memref_slice %arg13[%dma_wait3A_86] : memref<2x!tpu.dma_semaphore, #tpu.memory_space<semaphore_mem>> -> memref<1x!tpu.dma_semaphore, #tpu.memory_space<semaphore_mem>>
        %dma_wait3A_95 = tpu.memref_squeeze %dma_wait3A_94 : memref<1x!tpu.dma_semaphore, #tpu.memory_space<semaphore_mem>> -> memref<!tpu.dma_semaphore, #tpu.memory_space<semaphore_mem>>
        %dma_wait3A_96 = arith.constant 0 : i32
        %dma_wait3A_97 = arith.constant 0 : i32
        %dma_wait3A_98 = tpu.memref_slice %arg7[%dma_wait3A_96, %dma_wait3A_97] : memref<160000x64xf32, #tpu.memory_space<hbm>> -> memref<256x64xf32, #tpu.memory_space<hbm>>
        %dma_wait3A_99 = arith.constant 0 : i32
        %dma_wait3A_100 = arith.constant 0 : i32
        %dma_wait3A_101 = tpu.memref_slice %arg10[%dma_wait3A, %dma_wait3A_99, %dma_wait3A_100] : memref<2x256x64xf32, #tpu.memory_space<vmem>> -> memref<1x256x64xf32, #tpu.memory_space<vmem>>
        %dma_wait3A_102 = tpu.memref_squeeze %dma_wait3A_101 : memref<1x256x64xf32, #tpu.memory_space<vmem>> -> memref<256x64xf32, #tpu.memory_space<vmem>>
        tpu.wait_dma2 semaphore(%dma_wait3A_95 : memref<!tpu.dma_semaphore, #tpu.memory_space<semaphore_mem>>) src(%dma_wait3A_102 : memref<256x64xf32, #tpu.memory_space<vmem>>) dst(%dma_wait3A_98 : memref<256x64xf32, #tpu.memory_space<hbm>>)
      } else {
      }
    } else {
    }
    %eq3A_18 = arith.constant 1 : i32
    %eq3A_19 = arith.cmpi eq, %arg0, %eq3A_18 : i32
    %convert_element_type3A_20 = arith.extui %eq3A_19 : i1 to i32
    %cond3A_21 = arith.constant 0 : i32
    %cond3A_22 = arith.cmpi ne, %convert_element_type3A_20, %cond3A_21 : i32
    scf.if %cond3A_22 {
      %lt3A_23 = arith.cmpi slt, %add3A, %add3A_12 : i32
      %convert_element_type3A_24 = arith.extui %lt3A_23 : i1 to i32
      %cond3A_25 = arith.constant 0 : i32
      %cond3A_26 = arith.cmpi ne, %convert_element_type3A_24, %cond3A_25 : i32
      scf.if %cond3A_26 {
        %dma_start3A = arith.constant 0 : i32
        %dma_start3A_86 = arith.constant 0 : i32
        %dma_start3A_87 = arith.constant 0 : i32
        %dma_start3A_88 = arith.constant 0 : i32
        %dma_start3A_89 = tpu.memref_slice %arg11[%dma_start3A, %dma_start3A_87, %dma_start3A_88] : memref<2x2x128xi32, #tpu.memory_space<vmem>> -> memref<1x2x128xi32, #tpu.memory_space<vmem>>
        %dma_start3A_90 = tpu.memref_squeeze %dma_start3A_89 : memref<1x2x128xi32, #tpu.memory_space<vmem>> -> memref<2x128xi32, #tpu.memory_space<vmem>>
        %dma_start3A_91 = arith.constant 0 : i32
        %dma_start3A_92 = arith.constant 0 : i32
        %dma_start3A_93 = tpu.memref_slice %arg4[%add3A, %dma_start3A_91, %dma_start3A_92] : memref<1250x2x128xi32, #tpu.memory_space<hbm>> -> memref<1x2x128xi32, #tpu.memory_space<hbm>>
        %dma_start3A_94 = tpu.memref_squeeze %dma_start3A_93 : memref<1x2x128xi32, #tpu.memory_space<hbm>> -> memref<2x128xi32, #tpu.memory_space<hbm>>
        %dma_start3A_95 = tpu.memref_slice %arg12[%dma_start3A_86] : memref<2x!tpu.dma_semaphore, #tpu.memory_space<semaphore_mem>> -> memref<1x!tpu.dma_semaphore, #tpu.memory_space<semaphore_mem>>
        %dma_start3A_96 = tpu.memref_squeeze %dma_start3A_95 : memref<1x!tpu.dma_semaphore, #tpu.memory_space<semaphore_mem>> -> memref<!tpu.dma_semaphore, #tpu.memory_space<semaphore_mem>>
        %dma_start3A_97 = arith.constant 0 : i32
        %dma_start3A_98 = arith.constant 0 : i32
        %dma_start3A_99 = tpu.memref_slice %arg11[%dma_start3A, %dma_start3A_97, %dma_start3A_98] : memref<2x2x128xi32, #tpu.memory_space<vmem>> -> memref<1x2x128xi32, #tpu.memory_space<vmem>>
        %dma_start3A_100 = tpu.memref_squeeze %dma_start3A_99 : memref<1x2x128xi32, #tpu.memory_space<vmem>> -> memref<2x128xi32, #tpu.memory_space<vmem>>
        %dma_start3A_101 = arith.constant 0 : i32
        %dma_start3A_102 = arith.constant 0 : i32
        %dma_start3A_103 = tpu.memref_slice %arg4[%add3A, %dma_start3A_101, %dma_start3A_102] : memref<1250x2x128xi32, #tpu.memory_space<hbm>> -> memref<1x2x128xi32, #tpu.memory_space<hbm>>
        %dma_start3A_104 = tpu.memref_squeeze %dma_start3A_103 : memref<1x2x128xi32, #tpu.memory_space<hbm>> -> memref<2x128xi32, #tpu.memory_space<hbm>>
        tpu.enqueue_dma source(%dma_start3A_104 : memref<2x128xi32, #tpu.memory_space<hbm>>) target(%dma_start3A_100 : memref<2x128xi32, #tpu.memory_space<vmem>>) target_semaphore(%dma_start3A_96 : memref<!tpu.dma_semaphore, #tpu.memory_space<semaphore_mem>>)
      } else {
      }
      %sub3A = arith.subi %add3A_12, %add3A : i32
      %sub3A_27 = arith.constant 2 : i32
      %sub3A_28 = arith.constant 1 : i32
      %sub3A_29 = arith.subi %sub3A_27, %sub3A_28 : i32
      %add3A_30 = arith.addi %sub3A, %sub3A_29 : i32
      %div3A = arith.constant 2 : i32
      %div3A_31 = arith.divsi %add3A_30, %div3A : i32
      %while3A = arith.constant 2 : i32
      %while3A_32 = arith.constant 0 : i32
      %while3A_33 = arith.subi %div3A_31, %while3A_32 : i32
      %while3A_34 = arith.addi %while3A_32, %while3A_33 : i32
      %while3A_35 = arith.constant 1 : i32
      %while3A_36 = arith.divsi %while3A_33, %while3A_35 : i32
      %while3A_37 = arith.muli %while3A_36, %while3A_35 : i32
      %while3A_38 = arith.addi %while3A_32, %while3A_37 : i32
      %while3A_39 = arith.constant 1 : i32
      scf.for %while3A_86 = %while3A_32 to %while3A_38 step %while3A_39  : i32 {
        %mul3A_87 = arith.muli %while3A_86, %while3A : i32
        %add3A_88 = arith.addi %add3A, %mul3A_87 : i32
        %add3A_89 = arith.constant 1 : i32
        %add3A_90 = arith.addi %add3A_88, %add3A_89 : i32
        %lt3A_91 = arith.cmpi slt, %add3A_90, %add3A_12 : i32
        %convert_element_type3A_92 = arith.extui %lt3A_91 : i1 to i32
        %cond3A_93 = arith.constant 0 : i32
        %cond3A_94 = arith.cmpi ne, %convert_element_type3A_92, %cond3A_93 : i32
        scf.if %cond3A_94 {
          %add3A_156 = arith.constant 1 : i32
          %add3A_157 = arith.addi %add3A_88, %add3A_156 : i32
          %dma_start3A_158 = arith.constant 1 : i32
          %dma_start3A_159 = arith.constant 1 : i32
          %dma_start3A_160 = arith.constant 0 : i32
          %dma_start3A_161 = arith.constant 0 : i32
          %dma_start3A_162 = tpu.memref_slice %arg11[%dma_start3A_158, %dma_start3A_160, %dma_start3A_161] : memref<2x2x128xi32, #tpu.memory_space<vmem>> -> memref<1x2x128xi32, #tpu.memory_space<vmem>>
          %dma_start3A_163 = tpu.memref_squeeze %dma_start3A_162 : memref<1x2x128xi32, #tpu.memory_space<vmem>> -> memref<2x128xi32, #tpu.memory_space<vmem>>
          %dma_start3A_164 = arith.constant 0 : i32
          %dma_start3A_165 = arith.constant 0 : i32
          %dma_start3A_166 = tpu.memref_slice %arg4[%add3A_157, %dma_start3A_164, %dma_start3A_165] : memref<1250x2x128xi32, #tpu.memory_space<hbm>> -> memref<1x2x128xi32, #tpu.memory_space<hbm>>
          %dma_start3A_167 = tpu.memref_squeeze %dma_start3A_166 : memref<1x2x128xi32, #tpu.memory_space<hbm>> -> memref<2x128xi32, #tpu.memory_space<hbm>>
          %dma_start3A_168 = tpu.memref_slice %arg12[%dma_start3A_159] : memref<2x!tpu.dma_semaphore, #tpu.memory_space<semaphore_mem>> -> memref<1x!tpu.dma_semaphore, #tpu.memory_space<semaphore_mem>>
          %dma_start3A_169 = tpu.memref_squeeze %dma_start3A_168 : memref<1x!tpu.dma_semaphore, #tpu.memory_space<semaphore_mem>> -> memref<!tpu.dma_semaphore, #tpu.memory_space<semaphore_mem>>
          %dma_start3A_170 = arith.constant 0 : i32
          %dma_start3A_171 = arith.constant 0 : i32
          %dma_start3A_172 = tpu.memref_slice %arg11[%dma_start3A_158, %dma_start3A_170, %dma_start3A_171] : memref<2x2x128xi32, #tpu.memory_space<vmem>> -> memref<1x2x128xi32, #tpu.memory_space<vmem>>
          %dma_start3A_173 = tpu.memref_squeeze %dma_start3A_172 : memref<1x2x128xi32, #tpu.memory_space<vmem>> -> memref<2x128xi32, #tpu.memory_space<vmem>>
          %dma_start3A_174 = arith.constant 0 : i32
          %dma_start3A_175 = arith.constant 0 : i32
          %dma_start3A_176 = tpu.memref_slice %arg4[%add3A_157, %dma_start3A_174, %dma_start3A_175] : memref<1250x2x128xi32, #tpu.memory_space<hbm>> -> memref<1x2x128xi32, #tpu.memory_space<hbm>>
          %dma_start3A_177 = tpu.memref_squeeze %dma_start3A_176 : memref<1x2x128xi32, #tpu.memory_space<hbm>> -> memref<2x128xi32, #tpu.memory_space<hbm>>
          tpu.enqueue_dma source(%dma_start3A_177 : memref<2x128xi32, #tpu.memory_space<hbm>>) target(%dma_start3A_173 : memref<2x128xi32, #tpu.memory_space<vmem>>) target_semaphore(%dma_start3A_169 : memref<!tpu.dma_semaphore, #tpu.memory_space<semaphore_mem>>)
        } else {
        }
        %dma_wait3A = arith.constant 0 : i32
        %dma_wait3A_95 = arith.constant 0 : i32
        %dma_wait3A_96 = arith.constant 0 : i32
        %dma_wait3A_97 = arith.constant 0 : i32
        %dma_wait3A_98 = arith.constant 0 : i32
        %dma_wait3A_99 = tpu.memref_slice %arg11[%dma_wait3A_95, %dma_wait3A_97, %dma_wait3A_98] : memref<2x2x128xi32, #tpu.memory_space<vmem>> -> memref<1x2x128xi32, #tpu.memory_space<vmem>>
        %dma_wait3A_100 = tpu.memref_squeeze %dma_wait3A_99 : memref<1x2x128xi32, #tpu.memory_space<vmem>> -> memref<2x128xi32, #tpu.memory_space<vmem>>
        %dma_wait3A_101 = arith.constant 0 : i32
        %dma_wait3A_102 = arith.constant 0 : i32
        %dma_wait3A_103 = tpu.memref_slice %arg4[%dma_wait3A, %dma_wait3A_101, %dma_wait3A_102] : memref<1250x2x128xi32, #tpu.memory_space<hbm>> -> memref<1x2x128xi32, #tpu.memory_space<hbm>>
        %dma_wait3A_104 = tpu.memref_squeeze %dma_wait3A_103 : memref<1x2x128xi32, #tpu.memory_space<hbm>> -> memref<2x128xi32, #tpu.memory_space<hbm>>
        %dma_wait3A_105 = tpu.memref_slice %arg12[%dma_wait3A_96] : memref<2x!tpu.dma_semaphore, #tpu.memory_space<semaphore_mem>> -> memref<1x!tpu.dma_semaphore, #tpu.memory_space<semaphore_mem>>
        %dma_wait3A_106 = tpu.memref_squeeze %dma_wait3A_105 : memref<1x!tpu.dma_semaphore, #tpu.memory_space<semaphore_mem>> -> memref<!tpu.dma_semaphore, #tpu.memory_space<semaphore_mem>>
        %dma_wait3A_107 = arith.constant 0 : i32
        %dma_wait3A_108 = arith.constant 0 : i32
        %dma_wait3A_109 = tpu.memref_slice %arg11[%dma_wait3A_95, %dma_wait3A_107, %dma_wait3A_108] : memref<2x2x128xi32, #tpu.memory_space<vmem>> -> memref<1x2x128xi32, #tpu.memory_space<vmem>>
        %dma_wait3A_110 = tpu.memref_squeeze %dma_wait3A_109 : memref<1x2x128xi32, #tpu.memory_space<vmem>> -> memref<2x128xi32, #tpu.memory_space<vmem>>
        %dma_wait3A_111 = arith.constant 0 : i32
        %dma_wait3A_112 = arith.constant 0 : i32
        %dma_wait3A_113 = tpu.memref_slice %arg4[%dma_wait3A, %dma_wait3A_111, %dma_wait3A_112] : memref<1250x2x128xi32, #tpu.memory_space<hbm>> -> memref<1x2x128xi32, #tpu.memory_space<hbm>>
        %dma_wait3A_114 = tpu.memref_squeeze %dma_wait3A_113 : memref<1x2x128xi32, #tpu.memory_space<hbm>> -> memref<2x128xi32, #tpu.memory_space<hbm>>
        tpu.wait_dma2 semaphore(%dma_wait3A_106 : memref<!tpu.dma_semaphore, #tpu.memory_space<semaphore_mem>>) src(%dma_wait3A_114 : memref<2x128xi32, #tpu.memory_space<hbm>>) dst(%dma_wait3A_110 : memref<2x128xi32, #tpu.memory_space<vmem>>)
        %add3A_115 = arith.constant 2 : i32
        %add3A_116 = arith.addi %add3A, %add3A_115 : i32
        %ge3A = arith.cmpi sge, %add3A_88, %add3A_116 : i32
        %convert_element_type3A_117 = arith.extui %ge3A : i1 to i32
        %cond3A_118 = arith.constant 0 : i32
        %cond3A_119 = arith.cmpi ne, %convert_element_type3A_117, %cond3A_118 : i32
        scf.if %cond3A_119 {
          %dma_wait3A_156 = arith.constant 0 : i32
          %dma_wait3A_157 = arith.constant 0 : i32
          %dma_wait3A_158 = arith.constant 0 : i32
          %dma_wait3A_159 = arith.constant 0 : i32
          %dma_wait3A_160 = tpu.memref_slice %arg10[%dma_wait3A_156, %dma_wait3A_158, %dma_wait3A_159] : memref<2x256x64xf32, #tpu.memory_space<vmem>> -> memref<1x256x64xf32, #tpu.memory_space<vmem>>
          %dma_wait3A_161 = tpu.memref_squeeze %dma_wait3A_160 : memref<1x256x64xf32, #tpu.memory_space<vmem>> -> memref<256x64xf32, #tpu.memory_space<vmem>>
          %dma_wait3A_162 = arith.constant 0 : i32
          %dma_wait3A_163 = arith.constant 0 : i32
          %dma_wait3A_164 = tpu.memref_slice %arg6[%dma_wait3A_162, %dma_wait3A_163] : memref<160000x64xf32, #tpu.memory_space<hbm>> -> memref<256x64xf32, #tpu.memory_space<hbm>>
          %dma_wait3A_165 = tpu.memref_slice %arg13[%dma_wait3A_157] : memref<2x!tpu.dma_semaphore, #tpu.memory_space<semaphore_mem>> -> memref<1x!tpu.dma_semaphore, #tpu.memory_space<semaphore_mem>>
          %dma_wait3A_166 = tpu.memref_squeeze %dma_wait3A_165 : memref<1x!tpu.dma_semaphore, #tpu.memory_space<semaphore_mem>> -> memref<!tpu.dma_semaphore, #tpu.memory_space<semaphore_mem>>
          %dma_wait3A_167 = arith.constant 0 : i32
          %dma_wait3A_168 = arith.constant 0 : i32
          %dma_wait3A_169 = tpu.memref_slice %arg6[%dma_wait3A_167, %dma_wait3A_168] : memref<160000x64xf32, #tpu.memory_space<hbm>> -> memref<256x64xf32, #tpu.memory_space<hbm>>
          %dma_wait3A_170 = arith.constant 0 : i32
          %dma_wait3A_171 = arith.constant 0 : i32
          %dma_wait3A_172 = tpu.memref_slice %arg10[%dma_wait3A_156, %dma_wait3A_170, %dma_wait3A_171] : memref<2x256x64xf32, #tpu.memory_space<vmem>> -> memref<1x256x64xf32, #tpu.memory_space<vmem>>
          %dma_wait3A_173 = tpu.memref_squeeze %dma_wait3A_172 : memref<1x256x64xf32, #tpu.memory_space<vmem>> -> memref<256x64xf32, #tpu.memory_space<vmem>>
          tpu.wait_dma2 semaphore(%dma_wait3A_166 : memref<!tpu.dma_semaphore, #tpu.memory_space<semaphore_mem>>) src(%dma_wait3A_173 : memref<256x64xf32, #tpu.memory_space<vmem>>) dst(%dma_wait3A_169 : memref<256x64xf32, #tpu.memory_space<hbm>>)
        } else {
        }
        %run_scoped3A = arith.constant 0 : i32
        %run_scoped3A_120 = arith.constant 0 : i32
        %run_scoped3A_121 = arith.constant 0 : i32
        "tpu.region"() ({
          %run_scoped3A_156 = tpu.sem_alloc : memref<!tpu.dma_semaphore, #tpu.memory_space<semaphore_mem>>
          %dma_start3A_157 = arith.constant 0 : i32
          %dma_start3A_158 = arith.constant 0 : i32
          %dma_start3A_159 = tpu.memref_slice %arg10[%run_scoped3A_121, %dma_start3A_157, %dma_start3A_158] : memref<2x256x64xf32, #tpu.memory_space<vmem>> -> memref<1x128x64xf32, #tpu.memory_space<vmem>>
          %dma_start3A_160 = tpu.memref_squeeze %dma_start3A_159 : memref<1x128x64xf32, #tpu.memory_space<vmem>> -> memref<128x64xf32, #tpu.memory_space<vmem>>
          %dma_start3A_161 = arith.constant 0 : i32
          %dma_start3A_162 = tpu.memref_slice %arg11[%run_scoped3A, %run_scoped3A_120, %dma_start3A_161] : memref<2x2x128xi32, #tpu.memory_space<vmem>> -> memref<1x1x128xi32, #tpu.memory_space<vmem>>
          %dma_start3A_163 = tpu.memref_squeeze %dma_start3A_162 : memref<1x1x128xi32, #tpu.memory_space<vmem>> -> memref<128xi32, #tpu.memory_space<vmem>>
          %dma_start3A_164 = arith.constant 0 : i32
          %dma_start3A_165 = arith.constant 0 : i32
          %dma_start3A_166 = tpu.memref_slice %arg9[%dma_start3A_164, %dma_start3A_165] : memref<10000x64xf32, #tpu.memory_space<vmem_shared>> -> memref<10000x64xf32, #tpu.memory_space<vmem_shared>>
          tpu.enqueue_indirect_dma source(%dma_start3A_166 : memref<10000x64xf32, #tpu.memory_space<vmem_shared>>) target(%dma_start3A_160 : memref<128x64xf32, #tpu.memory_space<vmem>>) offsets(%dma_start3A_163 : memref<128xi32, #tpu.memory_space<vmem>>) semaphore(%run_scoped3A_156 : memref<!tpu.dma_semaphore, #tpu.memory_space<semaphore_mem>>)
          %dma_wait3A_167 = arith.constant 0 : i32
          %dma_wait3A_168 = arith.constant 0 : i32
          %dma_wait3A_169 = tpu.memref_slice %arg10[%run_scoped3A_121, %dma_wait3A_167, %dma_wait3A_168] : memref<2x256x64xf32, #tpu.memory_space<vmem>> -> memref<1x128x64xf32, #tpu.memory_space<vmem>>
          %dma_wait3A_170 = tpu.memref_squeeze %dma_wait3A_169 : memref<1x128x64xf32, #tpu.memory_space<vmem>> -> memref<128x64xf32, #tpu.memory_space<vmem>>
          %dma_wait3A_171 = arith.constant 0 : i32
          %dma_wait3A_172 = tpu.memref_slice %arg11[%run_scoped3A, %run_scoped3A_120, %dma_wait3A_171] : memref<2x2x128xi32, #tpu.memory_space<vmem>> -> memref<1x1x128xi32, #tpu.memory_space<vmem>>
          %dma_wait3A_173 = tpu.memref_squeeze %dma_wait3A_172 : memref<1x1x128xi32, #tpu.memory_space<vmem>> -> memref<128xi32, #tpu.memory_space<vmem>>
          %dma_wait3A_174 = arith.constant 0 : i32
          %dma_wait3A_175 = arith.constant 0 : i32
          %dma_wait3A_176 = tpu.memref_slice %arg9[%dma_wait3A_174, %dma_wait3A_175] : memref<10000x64xf32, #tpu.memory_space<vmem_shared>> -> memref<10000x64xf32, #tpu.memory_space<vmem_shared>>
          tpu.wait_indirect_dma semaphore(%run_scoped3A_156 : memref<!tpu.dma_semaphore, #tpu.memory_space<semaphore_mem>>) src(%dma_wait3A_176 : memref<10000x64xf32, #tpu.memory_space<vmem_shared>>) dst(%dma_wait3A_170 : memref<128x64xf32, #tpu.memory_space<vmem>>)
          tpu.yield
        }) : () -> ()
        %run_scoped3A_122 = arith.constant 0 : i32
        %run_scoped3A_123 = arith.constant 1 : i32
        %run_scoped3A_124 = arith.constant 0 : i32
        "tpu.region"() ({
          %run_scoped3A_156 = tpu.sem_alloc : memref<!tpu.dma_semaphore, #tpu.memory_space<semaphore_mem>>
          %dma_start3A_157 = arith.constant 128 : i32
          %dma_start3A_158 = arith.constant 0 : i32
          %dma_start3A_159 = tpu.memref_slice %arg10[%run_scoped3A_124, %dma_start3A_157, %dma_start3A_158] : memref<2x256x64xf32, #tpu.memory_space<vmem>> -> memref<1x128x64xf32, #tpu.memory_space<vmem>>
          %dma_start3A_160 = tpu.memref_squeeze %dma_start3A_159 : memref<1x128x64xf32, #tpu.memory_space<vmem>> -> memref<128x64xf32, #tpu.memory_space<vmem>>
          %dma_start3A_161 = arith.constant 0 : i32
          %dma_start3A_162 = tpu.memref_slice %arg11[%run_scoped3A_122, %run_scoped3A_123, %dma_start3A_161] : memref<2x2x128xi32, #tpu.memory_space<vmem>> -> memref<1x1x128xi32, #tpu.memory_space<vmem>>
          %dma_start3A_163 = tpu.memref_squeeze %dma_start3A_162 : memref<1x1x128xi32, #tpu.memory_space<vmem>> -> memref<128xi32, #tpu.memory_space<vmem>>
          %dma_start3A_164 = arith.constant 0 : i32
          %dma_start3A_165 = arith.constant 0 : i32
          %dma_start3A_166 = tpu.memref_slice %arg9[%dma_start3A_164, %dma_start3A_165] : memref<10000x64xf32, #tpu.memory_space<vmem_shared>> -> memref<10000x64xf32, #tpu.memory_space<vmem_shared>>
          tpu.enqueue_indirect_dma source(%dma_start3A_166 : memref<10000x64xf32, #tpu.memory_space<vmem_shared>>) target(%dma_start3A_160 : memref<128x64xf32, #tpu.memory_space<vmem>>) offsets(%dma_start3A_163 : memref<128xi32, #tpu.memory_space<vmem>>) semaphore(%run_scoped3A_156 : memref<!tpu.dma_semaphore, #tpu.memory_space<semaphore_mem>>)
          %dma_wait3A_167 = arith.constant 128 : i32
          %dma_wait3A_168 = arith.constant 0 : i32
          %dma_wait3A_169 = tpu.memref_slice %arg10[%run_scoped3A_124, %dma_wait3A_167, %dma_wait3A_168] : memref<2x256x64xf32, #tpu.memory_space<vmem>> -> memref<1x128x64xf32, #tpu.memory_space<vmem>>
          %dma_wait3A_170 = tpu.memref_squeeze %dma_wait3A_169 : memref<1x128x64xf32, #tpu.memory_space<vmem>> -> memref<128x64xf32, #tpu.memory_space<vmem>>
          %dma_wait3A_171 = arith.constant 0 : i32
          %dma_wait3A_172 = tpu.memref_slice %arg11[%run_scoped3A_122, %run_scoped3A_123, %dma_wait3A_171] : memref<2x2x128xi32, #tpu.memory_space<vmem>> -> memref<1x1x128xi32, #tpu.memory_space<vmem>>
          %dma_wait3A_173 = tpu.memref_squeeze %dma_wait3A_172 : memref<1x1x128xi32, #tpu.memory_space<vmem>> -> memref<128xi32, #tpu.memory_space<vmem>>
          %dma_wait3A_174 = arith.constant 0 : i32
          %dma_wait3A_175 = arith.constant 0 : i32
          %dma_wait3A_176 = tpu.memref_slice %arg9[%dma_wait3A_174, %dma_wait3A_175] : memref<10000x64xf32, #tpu.memory_space<vmem_shared>> -> memref<10000x64xf32, #tpu.memory_space<vmem_shared>>
          tpu.wait_indirect_dma semaphore(%run_scoped3A_156 : memref<!tpu.dma_semaphore, #tpu.memory_space<semaphore_mem>>) src(%dma_wait3A_176 : memref<10000x64xf32, #tpu.memory_space<vmem_shared>>) dst(%dma_wait3A_170 : memref<128x64xf32, #tpu.memory_space<vmem>>)
          tpu.yield
        }) : () -> ()
        %sub3A_125 = arith.constant 0 : i32
        %sub3A_126 = arith.subi %add3A_88, %sub3A_125 : i32
        %mul3A_127 = arith.constant 256 : i32
        %mul3A_128 = arith.muli %sub3A_126, %mul3A_127 : i32
        %dma_start3A = arith.constant 0 : i32
        %dma_start3A_129 = arith.constant 0 : i32
        %dma_start3A_130 = arith.constant 0 : i32
        %dma_start3A_131 = arith.constant 0 : i32
        %dma_start3A_132 = tpu.memref_slice %arg10[%dma_start3A, %dma_start3A_130, %dma_start3A_131] : memref<2x256x64xf32, #tpu.memory_space<vmem>> -> memref<1x256x64xf32, #tpu.memory_space<vmem>>
        %dma_start3A_133 = tpu.memref_squeeze %dma_start3A_132 : memref<1x256x64xf32, #tpu.memory_space<vmem>> -> memref<256x64xf32, #tpu.memory_space<vmem>>
        %dma_start3A_134 = arith.constant 0 : i32
        %dma_start3A_135 = tpu.memref_slice %arg6[%mul3A_128, %dma_start3A_134] : memref<160000x64xf32, #tpu.memory_space<hbm>> -> memref<256x64xf32, #tpu.memory_space<hbm>>
        %dma_start3A_136 = tpu.memref_slice %arg13[%dma_start3A_129] : memref<2x!tpu.dma_semaphore, #tpu.memory_space<semaphore_mem>> -> memref<1x!tpu.dma_semaphore, #tpu.memory_space<semaphore_mem>>
        %dma_start3A_137 = tpu.memref_squeeze %dma_start3A_136 : memref<1x!tpu.dma_semaphore, #tpu.memory_space<semaphore_mem>> -> memref<!tpu.dma_semaphore, #tpu.memory_space<semaphore_mem>>
        %dma_start3A_138 = arith.constant 0 : i32
        %dma_start3A_139 = tpu.memref_slice %arg6[%mul3A_128, %dma_start3A_138] : memref<160000x64xf32, #tpu.memory_space<hbm>> -> memref<256x64xf32, #tpu.memory_space<hbm>>
        %dma_start3A_140 = arith.constant 0 : i32
        %dma_start3A_141 = arith.constant 0 : i32
        %dma_start3A_142 = tpu.memref_slice %arg10[%dma_start3A, %dma_start3A_140, %dma_start3A_141] : memref<2x256x64xf32, #tpu.memory_space<vmem>> -> memref<1x256x64xf32, #tpu.memory_space<vmem>>
        %dma_start3A_143 = tpu.memref_squeeze %dma_start3A_142 : memref<1x256x64xf32, #tpu.memory_space<vmem>> -> memref<256x64xf32, #tpu.memory_space<vmem>>
        tpu.enqueue_dma source(%dma_start3A_143 : memref<256x64xf32, #tpu.memory_space<vmem>>) target(%dma_start3A_139 : memref<256x64xf32, #tpu.memory_space<hbm>>) target_semaphore(%dma_start3A_137 : memref<!tpu.dma_semaphore, #tpu.memory_space<semaphore_mem>>)
        %add3A_144 = arith.constant 2 : i32
        %add3A_145 = arith.addi %add3A_88, %add3A_144 : i32
        %lt3A_146 = arith.cmpi slt, %add3A_145, %add3A_12 : i32
        %convert_element_type3A_147 = arith.extui %lt3A_146 : i1 to i32
        %cond3A_148 = arith.constant 0 : i32
        %cond3A_149 = arith.cmpi ne, %convert_element_type3A_147, %cond3A_148 : i32
        scf.if %cond3A_149 {
          %add3A_156 = arith.constant 2 : i32
          %add3A_157 = arith.addi %add3A_88, %add3A_156 : i32
          %dma_start3A_158 = arith.constant 0 : i32
          %dma_start3A_159 = arith.constant 0 : i32
          %dma_start3A_160 = arith.constant 0 : i32
          %dma_start3A_161 = arith.constant 0 : i32
          %dma_start3A_162 = tpu.memref_slice %arg11[%dma_start3A_158, %dma_start3A_160, %dma_start3A_161] : memref<2x2x128xi32, #tpu.memory_space<vmem>> -> memref<1x2x128xi32, #tpu.memory_space<vmem>>
          %dma_start3A_163 = tpu.memref_squeeze %dma_start3A_162 : memref<1x2x128xi32, #tpu.memory_space<vmem>> -> memref<2x128xi32, #tpu.memory_space<vmem>>
          %dma_start3A_164 = arith.constant 0 : i32
          %dma_start3A_165 = arith.constant 0 : i32
          %dma_start3A_166 = tpu.memref_slice %arg4[%add3A_157, %dma_start3A_164, %dma_start3A_165] : memref<1250x2x128xi32, #tpu.memory_space<hbm>> -> memref<1x2x128xi32, #tpu.memory_space<hbm>>
          %dma_start3A_167 = tpu.memref_squeeze %dma_start3A_166 : memref<1x2x128xi32, #tpu.memory_space<hbm>> -> memref<2x128xi32, #tpu.memory_space<hbm>>
          %dma_start3A_168 = tpu.memref_slice %arg12[%dma_start3A_159] : memref<2x!tpu.dma_semaphore, #tpu.memory_space<semaphore_mem>> -> memref<1x!tpu.dma_semaphore, #tpu.memory_space<semaphore_mem>>
          %dma_start3A_169 = tpu.memref_squeeze %dma_start3A_168 : memref<1x!tpu.dma_semaphore, #tpu.memory_space<semaphore_mem>> -> memref<!tpu.dma_semaphore, #tpu.memory_space<semaphore_mem>>
          %dma_start3A_170 = arith.constant 0 : i32
          %dma_start3A_171 = arith.constant 0 : i32
          %dma_start3A_172 = tpu.memref_slice %arg11[%dma_start3A_158, %dma_start3A_170, %dma_start3A_171] : memref<2x2x128xi32, #tpu.memory_space<vmem>> -> memref<1x2x128xi32, #tpu.memory_space<vmem>>
          %dma_start3A_173 = tpu.memref_squeeze %dma_start3A_172 : memref<1x2x128xi32, #tpu.memory_space<vmem>> -> memref<2x128xi32, #tpu.memory_space<vmem>>
          %dma_start3A_174 = arith.constant 0 : i32
          %dma_start3A_175 = arith.constant 0 : i32
          %dma_start3A_176 = tpu.memref_slice %arg4[%add3A_157, %dma_start3A_174, %dma_start3A_175] : memref<1250x2x128xi32, #tpu.memory_space<hbm>> -> memref<1x2x128xi32, #tpu.memory_space<hbm>>
          %dma_start3A_177 = tpu.memref_squeeze %dma_start3A_176 : memref<1x2x128xi32, #tpu.memory_space<hbm>> -> memref<2x128xi32, #tpu.memory_space<hbm>>
          tpu.enqueue_dma source(%dma_start3A_177 : memref<2x128xi32, #tpu.memory_space<hbm>>) target(%dma_start3A_173 : memref<2x128xi32, #tpu.memory_space<vmem>>) target_semaphore(%dma_start3A_169 : memref<!tpu.dma_semaphore, #tpu.memory_space<semaphore_mem>>)
        } else {
        }
        %add3A_150 = arith.constant 1 : i32
        %add3A_151 = arith.addi %add3A_88, %add3A_150 : i32
        %lt3A_152 = arith.cmpi slt, %add3A_151, %add3A_12 : i32
        %convert_element_type3A_153 = arith.extui %lt3A_152 : i1 to i32
        %cond3A_154 = arith.constant 0 : i32
        %cond3A_155 = arith.cmpi ne, %convert_element_type3A_153, %cond3A_154 : i32
        scf.if %cond3A_155 {
          %dma_wait3A_156 = arith.constant 0 : i32
          %dma_wait3A_157 = arith.constant 1 : i32
          %dma_wait3A_158 = arith.constant 1 : i32
          %dma_wait3A_159 = arith.constant 0 : i32
          %dma_wait3A_160 = arith.constant 0 : i32
          %dma_wait3A_161 = tpu.memref_slice %arg11[%dma_wait3A_157, %dma_wait3A_159, %dma_wait3A_160] : memref<2x2x128xi32, #tpu.memory_space<vmem>> -> memref<1x2x128xi32, #tpu.memory_space<vmem>>
          %dma_wait3A_162 = tpu.memref_squeeze %dma_wait3A_161 : memref<1x2x128xi32, #tpu.memory_space<vmem>> -> memref<2x128xi32, #tpu.memory_space<vmem>>
          %dma_wait3A_163 = arith.constant 0 : i32
          %dma_wait3A_164 = arith.constant 0 : i32
          %dma_wait3A_165 = tpu.memref_slice %arg4[%dma_wait3A_156, %dma_wait3A_163, %dma_wait3A_164] : memref<1250x2x128xi32, #tpu.memory_space<hbm>> -> memref<1x2x128xi32, #tpu.memory_space<hbm>>
          %dma_wait3A_166 = tpu.memref_squeeze %dma_wait3A_165 : memref<1x2x128xi32, #tpu.memory_space<hbm>> -> memref<2x128xi32, #tpu.memory_space<hbm>>
          %dma_wait3A_167 = tpu.memref_slice %arg12[%dma_wait3A_158] : memref<2x!tpu.dma_semaphore, #tpu.memory_space<semaphore_mem>> -> memref<1x!tpu.dma_semaphore, #tpu.memory_space<semaphore_mem>>
          %dma_wait3A_168 = tpu.memref_squeeze %dma_wait3A_167 : memref<1x!tpu.dma_semaphore, #tpu.memory_space<semaphore_mem>> -> memref<!tpu.dma_semaphore, #tpu.memory_space<semaphore_mem>>
          %dma_wait3A_169 = arith.constant 0 : i32
          %dma_wait3A_170 = arith.constant 0 : i32
          %dma_wait3A_171 = tpu.memref_slice %arg11[%dma_wait3A_157, %dma_wait3A_169, %dma_wait3A_170] : memref<2x2x128xi32, #tpu.memory_space<vmem>> -> memref<1x2x128xi32, #tpu.memory_space<vmem>>
          %dma_wait3A_172 = tpu.memref_squeeze %dma_wait3A_171 : memref<1x2x128xi32, #tpu.memory_space<vmem>> -> memref<2x128xi32, #tpu.memory_space<vmem>>
          %dma_wait3A_173 = arith.constant 0 : i32
          %dma_wait3A_174 = arith.constant 0 : i32
          %dma_wait3A_175 = tpu.memref_slice %arg4[%dma_wait3A_156, %dma_wait3A_173, %dma_wait3A_174] : memref<1250x2x128xi32, #tpu.memory_space<hbm>> -> memref<1x2x128xi32, #tpu.memory_space<hbm>>
          %dma_wait3A_176 = tpu.memref_squeeze %dma_wait3A_175 : memref<1x2x128xi32, #tpu.memory_space<hbm>> -> memref<2x128xi32, #tpu.memory_space<hbm>>
          tpu.wait_dma2 semaphore(%dma_wait3A_168 : memref<!tpu.dma_semaphore, #tpu.memory_space<semaphore_mem>>) src(%dma_wait3A_176 : memref<2x128xi32, #tpu.memory_space<hbm>>) dst(%dma_wait3A_172 : memref<2x128xi32, #tpu.memory_space<vmem>>)
          %add3A_177 = arith.constant 1 : i32
          %add3A_178 = arith.addi %add3A_88, %add3A_177 : i32
          %add3A_179 = arith.constant 1 : i32
          %add3A_180 = arith.addi %add3A, %add3A_179 : i32
          %ge3A_181 = arith.cmpi sge, %add3A_88, %add3A_180 : i32
          %convert_element_type3A_182 = arith.extui %ge3A_181 : i1 to i32
          %cond3A_183 = arith.constant 0 : i32
          %cond3A_184 = arith.cmpi ne, %convert_element_type3A_182, %cond3A_183 : i32
          scf.if %cond3A_184 {
            %dma_wait3A_211 = arith.constant 1 : i32
            %dma_wait3A_212 = arith.constant 1 : i32
            %dma_wait3A_213 = arith.constant 0 : i32
            %dma_wait3A_214 = arith.constant 0 : i32
            %dma_wait3A_215 = tpu.memref_slice %arg10[%dma_wait3A_211, %dma_wait3A_213, %dma_wait3A_214] : memref<2x256x64xf32, #tpu.memory_space<vmem>> -> memref<1x256x64xf32, #tpu.memory_space<vmem>>
            %dma_wait3A_216 = tpu.memref_squeeze %dma_wait3A_215 : memref<1x256x64xf32, #tpu.memory_space<vmem>> -> memref<256x64xf32, #tpu.memory_space<vmem>>
            %dma_wait3A_217 = arith.constant 0 : i32
            %dma_wait3A_218 = arith.constant 0 : i32
            %dma_wait3A_219 = tpu.memref_slice %arg6[%dma_wait3A_217, %dma_wait3A_218] : memref<160000x64xf32, #tpu.memory_space<hbm>> -> memref<256x64xf32, #tpu.memory_space<hbm>>
            %dma_wait3A_220 = tpu.memref_slice %arg13[%dma_wait3A_212] : memref<2x!tpu.dma_semaphore, #tpu.memory_space<semaphore_mem>> -> memref<1x!tpu.dma_semaphore, #tpu.memory_space<semaphore_mem>>
            %dma_wait3A_221 = tpu.memref_squeeze %dma_wait3A_220 : memref<1x!tpu.dma_semaphore, #tpu.memory_space<semaphore_mem>> -> memref<!tpu.dma_semaphore, #tpu.memory_space<semaphore_mem>>
            %dma_wait3A_222 = arith.constant 0 : i32
            %dma_wait3A_223 = arith.constant 0 : i32
            %dma_wait3A_224 = tpu.memref_slice %arg6[%dma_wait3A_222, %dma_wait3A_223] : memref<160000x64xf32, #tpu.memory_space<hbm>> -> memref<256x64xf32, #tpu.memory_space<hbm>>
            %dma_wait3A_225 = arith.constant 0 : i32
            %dma_wait3A_226 = arith.constant 0 : i32
            %dma_wait3A_227 = tpu.memref_slice %arg10[%dma_wait3A_211, %dma_wait3A_225, %dma_wait3A_226] : memref<2x256x64xf32, #tpu.memory_space<vmem>> -> memref<1x256x64xf32, #tpu.memory_space<vmem>>
            %dma_wait3A_228 = tpu.memref_squeeze %dma_wait3A_227 : memref<1x256x64xf32, #tpu.memory_space<vmem>> -> memref<256x64xf32, #tpu.memory_space<vmem>>
            tpu.wait_dma2 semaphore(%dma_wait3A_221 : memref<!tpu.dma_semaphore, #tpu.memory_space<semaphore_mem>>) src(%dma_wait3A_228 : memref<256x64xf32, #tpu.memory_space<vmem>>) dst(%dma_wait3A_224 : memref<256x64xf32, #tpu.memory_space<hbm>>)
          } else {
          }
          %run_scoped3A_185 = arith.constant 1 : i32
          %run_scoped3A_186 = arith.constant 0 : i32
          %run_scoped3A_187 = arith.constant 1 : i32
          "tpu.region"() ({
            %run_scoped3A_211 = tpu.sem_alloc : memref<!tpu.dma_semaphore, #tpu.memory_space<semaphore_mem>>
            %dma_start3A_212 = arith.constant 0 : i32
            %dma_start3A_213 = arith.constant 0 : i32
            %dma_start3A_214 = tpu.memref_slice %arg10[%run_scoped3A_187, %dma_start3A_212, %dma_start3A_213] : memref<2x256x64xf32, #tpu.memory_space<vmem>> -> memref<1x128x64xf32, #tpu.memory_space<vmem>>
            %dma_start3A_215 = tpu.memref_squeeze %dma_start3A_214 : memref<1x128x64xf32, #tpu.memory_space<vmem>> -> memref<128x64xf32, #tpu.memory_space<vmem>>
            %dma_start3A_216 = arith.constant 0 : i32
            %dma_start3A_217 = tpu.memref_slice %arg11[%run_scoped3A_185, %run_scoped3A_186, %dma_start3A_216] : memref<2x2x128xi32, #tpu.memory_space<vmem>> -> memref<1x1x128xi32, #tpu.memory_space<vmem>>
            %dma_start3A_218 = tpu.memref_squeeze %dma_start3A_217 : memref<1x1x128xi32, #tpu.memory_space<vmem>> -> memref<128xi32, #tpu.memory_space<vmem>>
            %dma_start3A_219 = arith.constant 0 : i32
            %dma_start3A_220 = arith.constant 0 : i32
            %dma_start3A_221 = tpu.memref_slice %arg9[%dma_start3A_219, %dma_start3A_220] : memref<10000x64xf32, #tpu.memory_space<vmem_shared>> -> memref<10000x64xf32, #tpu.memory_space<vmem_shared>>
            tpu.enqueue_indirect_dma source(%dma_start3A_221 : memref<10000x64xf32, #tpu.memory_space<vmem_shared>>) target(%dma_start3A_215 : memref<128x64xf32, #tpu.memory_space<vmem>>) offsets(%dma_start3A_218 : memref<128xi32, #tpu.memory_space<vmem>>) semaphore(%run_scoped3A_211 : memref<!tpu.dma_semaphore, #tpu.memory_space<semaphore_mem>>)
            %dma_wait3A_222 = arith.constant 0 : i32
            %dma_wait3A_223 = arith.constant 0 : i32
            %dma_wait3A_224 = tpu.memref_slice %arg10[%run_scoped3A_187, %dma_wait3A_222, %dma_wait3A_223] : memref<2x256x64xf32, #tpu.memory_space<vmem>> -> memref<1x128x64xf32, #tpu.memory_space<vmem>>
            %dma_wait3A_225 = tpu.memref_squeeze %dma_wait3A_224 : memref<1x128x64xf32, #tpu.memory_space<vmem>> -> memref<128x64xf32, #tpu.memory_space<vmem>>
            %dma_wait3A_226 = arith.constant 0 : i32
            %dma_wait3A_227 = tpu.memref_slice %arg11[%run_scoped3A_185, %run_scoped3A_186, %dma_wait3A_226] : memref<2x2x128xi32, #tpu.memory_space<vmem>> -> memref<1x1x128xi32, #tpu.memory_space<vmem>>
            %dma_wait3A_228 = tpu.memref_squeeze %dma_wait3A_227 : memref<1x1x128xi32, #tpu.memory_space<vmem>> -> memref<128xi32, #tpu.memory_space<vmem>>
            %dma_wait3A_229 = arith.constant 0 : i32
            %dma_wait3A_230 = arith.constant 0 : i32
            %dma_wait3A_231 = tpu.memref_slice %arg9[%dma_wait3A_229, %dma_wait3A_230] : memref<10000x64xf32, #tpu.memory_space<vmem_shared>> -> memref<10000x64xf32, #tpu.memory_space<vmem_shared>>
            tpu.wait_indirect_dma semaphore(%run_scoped3A_211 : memref<!tpu.dma_semaphore, #tpu.memory_space<semaphore_mem>>) src(%dma_wait3A_231 : memref<10000x64xf32, #tpu.memory_space<vmem_shared>>) dst(%dma_wait3A_225 : memref<128x64xf32, #tpu.memory_space<vmem>>)
            tpu.yield
          }) : () -> ()
          %run_scoped3A_188 = arith.constant 1 : i32
          %run_scoped3A_189 = arith.constant 1 : i32
          %run_scoped3A_190 = arith.constant 1 : i32
          "tpu.region"() ({
            %run_scoped3A_211 = tpu.sem_alloc : memref<!tpu.dma_semaphore, #tpu.memory_space<semaphore_mem>>
            %dma_start3A_212 = arith.constant 128 : i32
            %dma_start3A_213 = arith.constant 0 : i32
            %dma_start3A_214 = tpu.memref_slice %arg10[%run_scoped3A_190, %dma_start3A_212, %dma_start3A_213] : memref<2x256x64xf32, #tpu.memory_space<vmem>> -> memref<1x128x64xf32, #tpu.memory_space<vmem>>
            %dma_start3A_215 = tpu.memref_squeeze %dma_start3A_214 : memref<1x128x64xf32, #tpu.memory_space<vmem>> -> memref<128x64xf32, #tpu.memory_space<vmem>>
            %dma_start3A_216 = arith.constant 0 : i32
            %dma_start3A_217 = tpu.memref_slice %arg11[%run_scoped3A_188, %run_scoped3A_189, %dma_start3A_216] : memref<2x2x128xi32, #tpu.memory_space<vmem>> -> memref<1x1x128xi32, #tpu.memory_space<vmem>>
            %dma_start3A_218 = tpu.memref_squeeze %dma_start3A_217 : memref<1x1x128xi32, #tpu.memory_space<vmem>> -> memref<128xi32, #tpu.memory_space<vmem>>
            %dma_start3A_219 = arith.constant 0 : i32
            %dma_start3A_220 = arith.constant 0 : i32
            %dma_start3A_221 = tpu.memref_slice %arg9[%dma_start3A_219, %dma_start3A_220] : memref<10000x64xf32, #tpu.memory_space<vmem_shared>> -> memref<10000x64xf32, #tpu.memory_space<vmem_shared>>
            tpu.enqueue_indirect_dma source(%dma_start3A_221 : memref<10000x64xf32, #tpu.memory_space<vmem_shared>>) target(%dma_start3A_215 : memref<128x64xf32, #tpu.memory_space<vmem>>) offsets(%dma_start3A_218 : memref<128xi32, #tpu.memory_space<vmem>>) semaphore(%run_scoped3A_211 : memref<!tpu.dma_semaphore, #tpu.memory_space<semaphore_mem>>)
            %dma_wait3A_222 = arith.constant 128 : i32
            %dma_wait3A_223 = arith.constant 0 : i32
            %dma_wait3A_224 = tpu.memref_slice %arg10[%run_scoped3A_190, %dma_wait3A_222, %dma_wait3A_223] : memref<2x256x64xf32, #tpu.memory_space<vmem>> -> memref<1x128x64xf32, #tpu.memory_space<vmem>>
            %dma_wait3A_225 = tpu.memref_squeeze %dma_wait3A_224 : memref<1x128x64xf32, #tpu.memory_space<vmem>> -> memref<128x64xf32, #tpu.memory_space<vmem>>
            %dma_wait3A_226 = arith.constant 0 : i32
            %dma_wait3A_227 = tpu.memref_slice %arg11[%run_scoped3A_188, %run_scoped3A_189, %dma_wait3A_226] : memref<2x2x128xi32, #tpu.memory_space<vmem>> -> memref<1x1x128xi32, #tpu.memory_space<vmem>>
            %dma_wait3A_228 = tpu.memref_squeeze %dma_wait3A_227 : memref<1x1x128xi32, #tpu.memory_space<vmem>> -> memref<128xi32, #tpu.memory_space<vmem>>
            %dma_wait3A_229 = arith.constant 0 : i32
            %dma_wait3A_230 = arith.constant 0 : i32
            %dma_wait3A_231 = tpu.memref_slice %arg9[%dma_wait3A_229, %dma_wait3A_230] : memref<10000x64xf32, #tpu.memory_space<vmem_shared>> -> memref<10000x64xf32, #tpu.memory_space<vmem_shared>>
            tpu.wait_indirect_dma semaphore(%run_scoped3A_211 : memref<!tpu.dma_semaphore, #tpu.memory_space<semaphore_mem>>) src(%dma_wait3A_231 : memref<10000x64xf32, #tpu.memory_space<vmem_shared>>) dst(%dma_wait3A_225 : memref<128x64xf32, #tpu.memory_space<vmem>>)
            tpu.yield
          }) : () -> ()
          %sub3A_191 = arith.constant 0 : i32
          %sub3A_192 = arith.subi %add3A_178, %sub3A_191 : i32
          %mul3A_193 = arith.constant 256 : i32
          %mul3A_194 = arith.muli %sub3A_192, %mul3A_193 : i32
          %dma_start3A_195 = arith.constant 1 : i32
          %dma_start3A_196 = arith.constant 1 : i32
          %dma_start3A_197 = arith.constant 0 : i32
          %dma_start3A_198 = arith.constant 0 : i32
          %dma_start3A_199 = tpu.memref_slice %arg10[%dma_start3A_195, %dma_start3A_197, %dma_start3A_198] : memref<2x256x64xf32, #tpu.memory_space<vmem>> -> memref<1x256x64xf32, #tpu.memory_space<vmem>>
          %dma_start3A_200 = tpu.memref_squeeze %dma_start3A_199 : memref<1x256x64xf32, #tpu.memory_space<vmem>> -> memref<256x64xf32, #tpu.memory_space<vmem>>
          %dma_start3A_201 = arith.constant 0 : i32
          %dma_start3A_202 = tpu.memref_slice %arg6[%mul3A_194, %dma_start3A_201] : memref<160000x64xf32, #tpu.memory_space<hbm>> -> memref<256x64xf32, #tpu.memory_space<hbm>>
          %dma_start3A_203 = tpu.memref_slice %arg13[%dma_start3A_196] : memref<2x!tpu.dma_semaphore, #tpu.memory_space<semaphore_mem>> -> memref<1x!tpu.dma_semaphore, #tpu.memory_space<semaphore_mem>>
          %dma_start3A_204 = tpu.memref_squeeze %dma_start3A_203 : memref<1x!tpu.dma_semaphore, #tpu.memory_space<semaphore_mem>> -> memref<!tpu.dma_semaphore, #tpu.memory_space<semaphore_mem>>
          %dma_start3A_205 = arith.constant 0 : i32
          %dma_start3A_206 = tpu.memref_slice %arg6[%mul3A_194, %dma_start3A_205] : memref<160000x64xf32, #tpu.memory_space<hbm>> -> memref<256x64xf32, #tpu.memory_space<hbm>>
          %dma_start3A_207 = arith.constant 0 : i32
          %dma_start3A_208 = arith.constant 0 : i32
          %dma_start3A_209 = tpu.memref_slice %arg10[%dma_start3A_195, %dma_start3A_207, %dma_start3A_208] : memref<2x256x64xf32, #tpu.memory_space<vmem>> -> memref<1x256x64xf32, #tpu.memory_space<vmem>>
          %dma_start3A_210 = tpu.memref_squeeze %dma_start3A_209 : memref<1x256x64xf32, #tpu.memory_space<vmem>> -> memref<256x64xf32, #tpu.memory_space<vmem>>
          tpu.enqueue_dma source(%dma_start3A_210 : memref<256x64xf32, #tpu.memory_space<vmem>>) target(%dma_start3A_206 : memref<256x64xf32, #tpu.memory_space<hbm>>) target_semaphore(%dma_start3A_204 : memref<!tpu.dma_semaphore, #tpu.memory_space<semaphore_mem>>)
        } else {
        }
      }
      %while3A_40 = arith.constant 1 : i32
      scf.for %while3A_86 = %while3A_38 to %while3A_34 step %while3A_40  : i32 {
        %mul3A_87 = arith.muli %while3A_86, %while3A : i32
        %add3A_88 = arith.addi %add3A, %mul3A_87 : i32
        %add3A_89 = arith.constant 1 : i32
        %add3A_90 = arith.addi %add3A_88, %add3A_89 : i32
        %lt3A_91 = arith.cmpi slt, %add3A_90, %add3A_12 : i32
        %convert_element_type3A_92 = arith.extui %lt3A_91 : i1 to i32
        %cond3A_93 = arith.constant 0 : i32
        %cond3A_94 = arith.cmpi ne, %convert_element_type3A_92, %cond3A_93 : i32
        scf.if %cond3A_94 {
          %add3A_156 = arith.constant 1 : i32
          %add3A_157 = arith.addi %add3A_88, %add3A_156 : i32
          %dma_start3A_158 = arith.constant 1 : i32
          %dma_start3A_159 = arith.constant 1 : i32
          %dma_start3A_160 = arith.constant 0 : i32
          %dma_start3A_161 = arith.constant 0 : i32
          %dma_start3A_162 = tpu.memref_slice %arg11[%dma_start3A_158, %dma_start3A_160, %dma_start3A_161] : memref<2x2x128xi32, #tpu.memory_space<vmem>> -> memref<1x2x128xi32, #tpu.memory_space<vmem>>
          %dma_start3A_163 = tpu.memref_squeeze %dma_start3A_162 : memref<1x2x128xi32, #tpu.memory_space<vmem>> -> memref<2x128xi32, #tpu.memory_space<vmem>>
          %dma_start3A_164 = arith.constant 0 : i32
          %dma_start3A_165 = arith.constant 0 : i32
          %dma_start3A_166 = tpu.memref_slice %arg4[%add3A_157, %dma_start3A_164, %dma_start3A_165] : memref<1250x2x128xi32, #tpu.memory_space<hbm>> -> memref<1x2x128xi32, #tpu.memory_space<hbm>>
          %dma_start3A_167 = tpu.memref_squeeze %dma_start3A_166 : memref<1x2x128xi32, #tpu.memory_space<hbm>> -> memref<2x128xi32, #tpu.memory_space<hbm>>
          %dma_start3A_168 = tpu.memref_slice %arg12[%dma_start3A_159] : memref<2x!tpu.dma_semaphore, #tpu.memory_space<semaphore_mem>> -> memref<1x!tpu.dma_semaphore, #tpu.memory_space<semaphore_mem>>
          %dma_start3A_169 = tpu.memref_squeeze %dma_start3A_168 : memref<1x!tpu.dma_semaphore, #tpu.memory_space<semaphore_mem>> -> memref<!tpu.dma_semaphore, #tpu.memory_space<semaphore_mem>>
          %dma_start3A_170 = arith.constant 0 : i32
          %dma_start3A_171 = arith.constant 0 : i32
          %dma_start3A_172 = tpu.memref_slice %arg11[%dma_start3A_158, %dma_start3A_170, %dma_start3A_171] : memref<2x2x128xi32, #tpu.memory_space<vmem>> -> memref<1x2x128xi32, #tpu.memory_space<vmem>>
          %dma_start3A_173 = tpu.memref_squeeze %dma_start3A_172 : memref<1x2x128xi32, #tpu.memory_space<vmem>> -> memref<2x128xi32, #tpu.memory_space<vmem>>
          %dma_start3A_174 = arith.constant 0 : i32
          %dma_start3A_175 = arith.constant 0 : i32
          %dma_start3A_176 = tpu.memref_slice %arg4[%add3A_157, %dma_start3A_174, %dma_start3A_175] : memref<1250x2x128xi32, #tpu.memory_space<hbm>> -> memref<1x2x128xi32, #tpu.memory_space<hbm>>
          %dma_start3A_177 = tpu.memref_squeeze %dma_start3A_176 : memref<1x2x128xi32, #tpu.memory_space<hbm>> -> memref<2x128xi32, #tpu.memory_space<hbm>>
          tpu.enqueue_dma source(%dma_start3A_177 : memref<2x128xi32, #tpu.memory_space<hbm>>) target(%dma_start3A_173 : memref<2x128xi32, #tpu.memory_space<vmem>>) target_semaphore(%dma_start3A_169 : memref<!tpu.dma_semaphore, #tpu.memory_space<semaphore_mem>>)
        } else {
        }
        %dma_wait3A = arith.constant 0 : i32
        %dma_wait3A_95 = arith.constant 0 : i32
        %dma_wait3A_96 = arith.constant 0 : i32
        %dma_wait3A_97 = arith.constant 0 : i32
        %dma_wait3A_98 = arith.constant 0 : i32
        %dma_wait3A_99 = tpu.memref_slice %arg11[%dma_wait3A_95, %dma_wait3A_97, %dma_wait3A_98] : memref<2x2x128xi32, #tpu.memory_space<vmem>> -> memref<1x2x128xi32, #tpu.memory_space<vmem>>
        %dma_wait3A_100 = tpu.memref_squeeze %dma_wait3A_99 : memref<1x2x128xi32, #tpu.memory_space<vmem>> -> memref<2x128xi32, #tpu.memory_space<vmem>>
        %dma_wait3A_101 = arith.constant 0 : i32
        %dma_wait3A_102 = arith.constant 0 : i32
        %dma_wait3A_103 = tpu.memref_slice %arg4[%dma_wait3A, %dma_wait3A_101, %dma_wait3A_102] : memref<1250x2x128xi32, #tpu.memory_space<hbm>> -> memref<1x2x128xi32, #tpu.memory_space<hbm>>
        %dma_wait3A_104 = tpu.memref_squeeze %dma_wait3A_103 : memref<1x2x128xi32, #tpu.memory_space<hbm>> -> memref<2x128xi32, #tpu.memory_space<hbm>>
        %dma_wait3A_105 = tpu.memref_slice %arg12[%dma_wait3A_96] : memref<2x!tpu.dma_semaphore, #tpu.memory_space<semaphore_mem>> -> memref<1x!tpu.dma_semaphore, #tpu.memory_space<semaphore_mem>>
        %dma_wait3A_106 = tpu.memref_squeeze %dma_wait3A_105 : memref<1x!tpu.dma_semaphore, #tpu.memory_space<semaphore_mem>> -> memref<!tpu.dma_semaphore, #tpu.memory_space<semaphore_mem>>
        %dma_wait3A_107 = arith.constant 0 : i32
        %dma_wait3A_108 = arith.constant 0 : i32
        %dma_wait3A_109 = tpu.memref_slice %arg11[%dma_wait3A_95, %dma_wait3A_107, %dma_wait3A_108] : memref<2x2x128xi32, #tpu.memory_space<vmem>> -> memref<1x2x128xi32, #tpu.memory_space<vmem>>
        %dma_wait3A_110 = tpu.memref_squeeze %dma_wait3A_109 : memref<1x2x128xi32, #tpu.memory_space<vmem>> -> memref<2x128xi32, #tpu.memory_space<vmem>>
        %dma_wait3A_111 = arith.constant 0 : i32
        %dma_wait3A_112 = arith.constant 0 : i32
        %dma_wait3A_113 = tpu.memref_slice %arg4[%dma_wait3A, %dma_wait3A_111, %dma_wait3A_112] : memref<1250x2x128xi32, #tpu.memory_space<hbm>> -> memref<1x2x128xi32, #tpu.memory_space<hbm>>
        %dma_wait3A_114 = tpu.memref_squeeze %dma_wait3A_113 : memref<1x2x128xi32, #tpu.memory_space<hbm>> -> memref<2x128xi32, #tpu.memory_space<hbm>>
        tpu.wait_dma2 semaphore(%dma_wait3A_106 : memref<!tpu.dma_semaphore, #tpu.memory_space<semaphore_mem>>) src(%dma_wait3A_114 : memref<2x128xi32, #tpu.memory_space<hbm>>) dst(%dma_wait3A_110 : memref<2x128xi32, #tpu.memory_space<vmem>>)
        %add3A_115 = arith.constant 2 : i32
        %add3A_116 = arith.addi %add3A, %add3A_115 : i32
        %ge3A = arith.cmpi sge, %add3A_88, %add3A_116 : i32
        %convert_element_type3A_117 = arith.extui %ge3A : i1 to i32
        %cond3A_118 = arith.constant 0 : i32
        %cond3A_119 = arith.cmpi ne, %convert_element_type3A_117, %cond3A_118 : i32
        scf.if %cond3A_119 {
          %dma_wait3A_156 = arith.constant 0 : i32
          %dma_wait3A_157 = arith.constant 0 : i32
          %dma_wait3A_158 = arith.constant 0 : i32
          %dma_wait3A_159 = arith.constant 0 : i32
          %dma_wait3A_160 = tpu.memref_slice %arg10[%dma_wait3A_156, %dma_wait3A_158, %dma_wait3A_159] : memref<2x256x64xf32, #tpu.memory_space<vmem>> -> memref<1x256x64xf32, #tpu.memory_space<vmem>>
          %dma_wait3A_161 = tpu.memref_squeeze %dma_wait3A_160 : memref<1x256x64xf32, #tpu.memory_space<vmem>> -> memref<256x64xf32, #tpu.memory_space<vmem>>
          %dma_wait3A_162 = arith.constant 0 : i32
          %dma_wait3A_163 = arith.constant 0 : i32
          %dma_wait3A_164 = tpu.memref_slice %arg6[%dma_wait3A_162, %dma_wait3A_163] : memref<160000x64xf32, #tpu.memory_space<hbm>> -> memref<256x64xf32, #tpu.memory_space<hbm>>
          %dma_wait3A_165 = tpu.memref_slice %arg13[%dma_wait3A_157] : memref<2x!tpu.dma_semaphore, #tpu.memory_space<semaphore_mem>> -> memref<1x!tpu.dma_semaphore, #tpu.memory_space<semaphore_mem>>
          %dma_wait3A_166 = tpu.memref_squeeze %dma_wait3A_165 : memref<1x!tpu.dma_semaphore, #tpu.memory_space<semaphore_mem>> -> memref<!tpu.dma_semaphore, #tpu.memory_space<semaphore_mem>>
          %dma_wait3A_167 = arith.constant 0 : i32
          %dma_wait3A_168 = arith.constant 0 : i32
          %dma_wait3A_169 = tpu.memref_slice %arg6[%dma_wait3A_167, %dma_wait3A_168] : memref<160000x64xf32, #tpu.memory_space<hbm>> -> memref<256x64xf32, #tpu.memory_space<hbm>>
          %dma_wait3A_170 = arith.constant 0 : i32
          %dma_wait3A_171 = arith.constant 0 : i32
          %dma_wait3A_172 = tpu.memref_slice %arg10[%dma_wait3A_156, %dma_wait3A_170, %dma_wait3A_171] : memref<2x256x64xf32, #tpu.memory_space<vmem>> -> memref<1x256x64xf32, #tpu.memory_space<vmem>>
          %dma_wait3A_173 = tpu.memref_squeeze %dma_wait3A_172 : memref<1x256x64xf32, #tpu.memory_space<vmem>> -> memref<256x64xf32, #tpu.memory_space<vmem>>
          tpu.wait_dma2 semaphore(%dma_wait3A_166 : memref<!tpu.dma_semaphore, #tpu.memory_space<semaphore_mem>>) src(%dma_wait3A_173 : memref<256x64xf32, #tpu.memory_space<vmem>>) dst(%dma_wait3A_169 : memref<256x64xf32, #tpu.memory_space<hbm>>)
        } else {
        }
        %run_scoped3A = arith.constant 0 : i32
        %run_scoped3A_120 = arith.constant 0 : i32
        %run_scoped3A_121 = arith.constant 0 : i32
        "tpu.region"() ({
          %run_scoped3A_156 = tpu.sem_alloc : memref<!tpu.dma_semaphore, #tpu.memory_space<semaphore_mem>>
          %dma_start3A_157 = arith.constant 0 : i32
          %dma_start3A_158 = arith.constant 0 : i32
          %dma_start3A_159 = tpu.memref_slice %arg10[%run_scoped3A_121, %dma_start3A_157, %dma_start3A_158] : memref<2x256x64xf32, #tpu.memory_space<vmem>> -> memref<1x128x64xf32, #tpu.memory_space<vmem>>
          %dma_start3A_160 = tpu.memref_squeeze %dma_start3A_159 : memref<1x128x64xf32, #tpu.memory_space<vmem>> -> memref<128x64xf32, #tpu.memory_space<vmem>>
          %dma_start3A_161 = arith.constant 0 : i32
          %dma_start3A_162 = tpu.memref_slice %arg11[%run_scoped3A, %run_scoped3A_120, %dma_start3A_161] : memref<2x2x128xi32, #tpu.memory_space<vmem>> -> memref<1x1x128xi32, #tpu.memory_space<vmem>>
          %dma_start3A_163 = tpu.memref_squeeze %dma_start3A_162 : memref<1x1x128xi32, #tpu.memory_space<vmem>> -> memref<128xi32, #tpu.memory_space<vmem>>
          %dma_start3A_164 = arith.constant 0 : i32
          %dma_start3A_165 = arith.constant 0 : i32
          %dma_start3A_166 = tpu.memref_slice %arg9[%dma_start3A_164, %dma_start3A_165] : memref<10000x64xf32, #tpu.memory_space<vmem_shared>> -> memref<10000x64xf32, #tpu.memory_space<vmem_shared>>
          tpu.enqueue_indirect_dma source(%dma_start3A_166 : memref<10000x64xf32, #tpu.memory_space<vmem_shared>>) target(%dma_start3A_160 : memref<128x64xf32, #tpu.memory_space<vmem>>) offsets(%dma_start3A_163 : memref<128xi32, #tpu.memory_space<vmem>>) semaphore(%run_scoped3A_156 : memref<!tpu.dma_semaphore, #tpu.memory_space<semaphore_mem>>)
          %dma_wait3A_167 = arith.constant 0 : i32
          %dma_wait3A_168 = arith.constant 0 : i32
          %dma_wait3A_169 = tpu.memref_slice %arg10[%run_scoped3A_121, %dma_wait3A_167, %dma_wait3A_168] : memref<2x256x64xf32, #tpu.memory_space<vmem>> -> memref<1x128x64xf32, #tpu.memory_space<vmem>>
          %dma_wait3A_170 = tpu.memref_squeeze %dma_wait3A_169 : memref<1x128x64xf32, #tpu.memory_space<vmem>> -> memref<128x64xf32, #tpu.memory_space<vmem>>
          %dma_wait3A_171 = arith.constant 0 : i32
          %dma_wait3A_172 = tpu.memref_slice %arg11[%run_scoped3A, %run_scoped3A_120, %dma_wait3A_171] : memref<2x2x128xi32, #tpu.memory_space<vmem>> -> memref<1x1x128xi32, #tpu.memory_space<vmem>>
          %dma_wait3A_173 = tpu.memref_squeeze %dma_wait3A_172 : memref<1x1x128xi32, #tpu.memory_space<vmem>> -> memref<128xi32, #tpu.memory_space<vmem>>
          %dma_wait3A_174 = arith.constant 0 : i32
          %dma_wait3A_175 = arith.constant 0 : i32
          %dma_wait3A_176 = tpu.memref_slice %arg9[%dma_wait3A_174, %dma_wait3A_175] : memref<10000x64xf32, #tpu.memory_space<vmem_shared>> -> memref<10000x64xf32, #tpu.memory_space<vmem_shared>>
          tpu.wait_indirect_dma semaphore(%run_scoped3A_156 : memref<!tpu.dma_semaphore, #tpu.memory_space<semaphore_mem>>) src(%dma_wait3A_176 : memref<10000x64xf32, #tpu.memory_space<vmem_shared>>) dst(%dma_wait3A_170 : memref<128x64xf32, #tpu.memory_space<vmem>>)
          tpu.yield
        }) : () -> ()
        %run_scoped3A_122 = arith.constant 0 : i32
        %run_scoped3A_123 = arith.constant 1 : i32
        %run_scoped3A_124 = arith.constant 0 : i32
        "tpu.region"() ({
          %run_scoped3A_156 = tpu.sem_alloc : memref<!tpu.dma_semaphore, #tpu.memory_space<semaphore_mem>>
          %dma_start3A_157 = arith.constant 128 : i32
          %dma_start3A_158 = arith.constant 0 : i32
          %dma_start3A_159 = tpu.memref_slice %arg10[%run_scoped3A_124, %dma_start3A_157, %dma_start3A_158] : memref<2x256x64xf32, #tpu.memory_space<vmem>> -> memref<1x128x64xf32, #tpu.memory_space<vmem>>
          %dma_start3A_160 = tpu.memref_squeeze %dma_start3A_159 : memref<1x128x64xf32, #tpu.memory_space<vmem>> -> memref<128x64xf32, #tpu.memory_space<vmem>>
          %dma_start3A_161 = arith.constant 0 : i32
          %dma_start3A_162 = tpu.memref_slice %arg11[%run_scoped3A_122, %run_scoped3A_123, %dma_start3A_161] : memref<2x2x128xi32, #tpu.memory_space<vmem>> -> memref<1x1x128xi32, #tpu.memory_space<vmem>>
          %dma_start3A_163 = tpu.memref_squeeze %dma_start3A_162 : memref<1x1x128xi32, #tpu.memory_space<vmem>> -> memref<128xi32, #tpu.memory_space<vmem>>
          %dma_start3A_164 = arith.constant 0 : i32
          %dma_start3A_165 = arith.constant 0 : i32
          %dma_start3A_166 = tpu.memref_slice %arg9[%dma_start3A_164, %dma_start3A_165] : memref<10000x64xf32, #tpu.memory_space<vmem_shared>> -> memref<10000x64xf32, #tpu.memory_space<vmem_shared>>
          tpu.enqueue_indirect_dma source(%dma_start3A_166 : memref<10000x64xf32, #tpu.memory_space<vmem_shared>>) target(%dma_start3A_160 : memref<128x64xf32, #tpu.memory_space<vmem>>) offsets(%dma_start3A_163 : memref<128xi32, #tpu.memory_space<vmem>>) semaphore(%run_scoped3A_156 : memref<!tpu.dma_semaphore, #tpu.memory_space<semaphore_mem>>)
          %dma_wait3A_167 = arith.constant 128 : i32
          %dma_wait3A_168 = arith.constant 0 : i32
          %dma_wait3A_169 = tpu.memref_slice %arg10[%run_scoped3A_124, %dma_wait3A_167, %dma_wait3A_168] : memref<2x256x64xf32, #tpu.memory_space<vmem>> -> memref<1x128x64xf32, #tpu.memory_space<vmem>>
          %dma_wait3A_170 = tpu.memref_squeeze %dma_wait3A_169 : memref<1x128x64xf32, #tpu.memory_space<vmem>> -> memref<128x64xf32, #tpu.memory_space<vmem>>
          %dma_wait3A_171 = arith.constant 0 : i32
          %dma_wait3A_172 = tpu.memref_slice %arg11[%run_scoped3A_122, %run_scoped3A_123, %dma_wait3A_171] : memref<2x2x128xi32, #tpu.memory_space<vmem>> -> memref<1x1x128xi32, #tpu.memory_space<vmem>>
          %dma_wait3A_173 = tpu.memref_squeeze %dma_wait3A_172 : memref<1x1x128xi32, #tpu.memory_space<vmem>> -> memref<128xi32, #tpu.memory_space<vmem>>
          %dma_wait3A_174 = arith.constant 0 : i32
          %dma_wait3A_175 = arith.constant 0 : i32
          %dma_wait3A_176 = tpu.memref_slice %arg9[%dma_wait3A_174, %dma_wait3A_175] : memref<10000x64xf32, #tpu.memory_space<vmem_shared>> -> memref<10000x64xf32, #tpu.memory_space<vmem_shared>>
          tpu.wait_indirect_dma semaphore(%run_scoped3A_156 : memref<!tpu.dma_semaphore, #tpu.memory_space<semaphore_mem>>) src(%dma_wait3A_176 : memref<10000x64xf32, #tpu.memory_space<vmem_shared>>) dst(%dma_wait3A_170 : memref<128x64xf32, #tpu.memory_space<vmem>>)
          tpu.yield
        }) : () -> ()
        %sub3A_125 = arith.constant 0 : i32
        %sub3A_126 = arith.subi %add3A_88, %sub3A_125 : i32
        %mul3A_127 = arith.constant 256 : i32
        %mul3A_128 = arith.muli %sub3A_126, %mul3A_127 : i32
        %dma_start3A = arith.constant 0 : i32
        %dma_start3A_129 = arith.constant 0 : i32
        %dma_start3A_130 = arith.constant 0 : i32
        %dma_start3A_131 = arith.constant 0 : i32
        %dma_start3A_132 = tpu.memref_slice %arg10[%dma_start3A, %dma_start3A_130, %dma_start3A_131] : memref<2x256x64xf32, #tpu.memory_space<vmem>> -> memref<1x256x64xf32, #tpu.memory_space<vmem>>
        %dma_start3A_133 = tpu.memref_squeeze %dma_start3A_132 : memref<1x256x64xf32, #tpu.memory_space<vmem>> -> memref<256x64xf32, #tpu.memory_space<vmem>>
        %dma_start3A_134 = arith.constant 0 : i32
        %dma_start3A_135 = tpu.memref_slice %arg6[%mul3A_128, %dma_start3A_134] : memref<160000x64xf32, #tpu.memory_space<hbm>> -> memref<256x64xf32, #tpu.memory_space<hbm>>
        %dma_start3A_136 = tpu.memref_slice %arg13[%dma_start3A_129] : memref<2x!tpu.dma_semaphore, #tpu.memory_space<semaphore_mem>> -> memref<1x!tpu.dma_semaphore, #tpu.memory_space<semaphore_mem>>
        %dma_start3A_137 = tpu.memref_squeeze %dma_start3A_136 : memref<1x!tpu.dma_semaphore, #tpu.memory_space<semaphore_mem>> -> memref<!tpu.dma_semaphore, #tpu.memory_space<semaphore_mem>>
        %dma_start3A_138 = arith.constant 0 : i32
        %dma_start3A_139 = tpu.memref_slice %arg6[%mul3A_128, %dma_start3A_138] : memref<160000x64xf32, #tpu.memory_space<hbm>> -> memref<256x64xf32, #tpu.memory_space<hbm>>
        %dma_start3A_140 = arith.constant 0 : i32
        %dma_start3A_141 = arith.constant 0 : i32
        %dma_start3A_142 = tpu.memref_slice %arg10[%dma_start3A, %dma_start3A_140, %dma_start3A_141] : memref<2x256x64xf32, #tpu.memory_space<vmem>> -> memref<1x256x64xf32, #tpu.memory_space<vmem>>
        %dma_start3A_143 = tpu.memref_squeeze %dma_start3A_142 : memref<1x256x64xf32, #tpu.memory_space<vmem>> -> memref<256x64xf32, #tpu.memory_space<vmem>>
        tpu.enqueue_dma source(%dma_start3A_143 : memref<256x64xf32, #tpu.memory_space<vmem>>) target(%dma_start3A_139 : memref<256x64xf32, #tpu.memory_space<hbm>>) target_semaphore(%dma_start3A_137 : memref<!tpu.dma_semaphore, #tpu.memory_space<semaphore_mem>>)
        %add3A_144 = arith.constant 2 : i32
        %add3A_145 = arith.addi %add3A_88, %add3A_144 : i32
        %lt3A_146 = arith.cmpi slt, %add3A_145, %add3A_12 : i32
        %convert_element_type3A_147 = arith.extui %lt3A_146 : i1 to i32
        %cond3A_148 = arith.constant 0 : i32
        %cond3A_149 = arith.cmpi ne, %convert_element_type3A_147, %cond3A_148 : i32
        scf.if %cond3A_149 {
          %add3A_156 = arith.constant 2 : i32
          %add3A_157 = arith.addi %add3A_88, %add3A_156 : i32
          %dma_start3A_158 = arith.constant 0 : i32
          %dma_start3A_159 = arith.constant 0 : i32
          %dma_start3A_160 = arith.constant 0 : i32
          %dma_start3A_161 = arith.constant 0 : i32
          %dma_start3A_162 = tpu.memref_slice %arg11[%dma_start3A_158, %dma_start3A_160, %dma_start3A_161] : memref<2x2x128xi32, #tpu.memory_space<vmem>> -> memref<1x2x128xi32, #tpu.memory_space<vmem>>
          %dma_start3A_163 = tpu.memref_squeeze %dma_start3A_162 : memref<1x2x128xi32, #tpu.memory_space<vmem>> -> memref<2x128xi32, #tpu.memory_space<vmem>>
          %dma_start3A_164 = arith.constant 0 : i32
          %dma_start3A_165 = arith.constant 0 : i32
          %dma_start3A_166 = tpu.memref_slice %arg4[%add3A_157, %dma_start3A_164, %dma_start3A_165] : memref<1250x2x128xi32, #tpu.memory_space<hbm>> -> memref<1x2x128xi32, #tpu.memory_space<hbm>>
          %dma_start3A_167 = tpu.memref_squeeze %dma_start3A_166 : memref<1x2x128xi32, #tpu.memory_space<hbm>> -> memref<2x128xi32, #tpu.memory_space<hbm>>
          %dma_start3A_168 = tpu.memref_slice %arg12[%dma_start3A_159] : memref<2x!tpu.dma_semaphore, #tpu.memory_space<semaphore_mem>> -> memref<1x!tpu.dma_semaphore, #tpu.memory_space<semaphore_mem>>
          %dma_start3A_169 = tpu.memref_squeeze %dma_start3A_168 : memref<1x!tpu.dma_semaphore, #tpu.memory_space<semaphore_mem>> -> memref<!tpu.dma_semaphore, #tpu.memory_space<semaphore_mem>>
          %dma_start3A_170 = arith.constant 0 : i32
          %dma_start3A_171 = arith.constant 0 : i32
          %dma_start3A_172 = tpu.memref_slice %arg11[%dma_start3A_158, %dma_start3A_170, %dma_start3A_171] : memref<2x2x128xi32, #tpu.memory_space<vmem>> -> memref<1x2x128xi32, #tpu.memory_space<vmem>>
          %dma_start3A_173 = tpu.memref_squeeze %dma_start3A_172 : memref<1x2x128xi32, #tpu.memory_space<vmem>> -> memref<2x128xi32, #tpu.memory_space<vmem>>
          %dma_start3A_174 = arith.constant 0 : i32
          %dma_start3A_175 = arith.constant 0 : i32
          %dma_start3A_176 = tpu.memref_slice %arg4[%add3A_157, %dma_start3A_174, %dma_start3A_175] : memref<1250x2x128xi32, #tpu.memory_space<hbm>> -> memref<1x2x128xi32, #tpu.memory_space<hbm>>
          %dma_start3A_177 = tpu.memref_squeeze %dma_start3A_176 : memref<1x2x128xi32, #tpu.memory_space<hbm>> -> memref<2x128xi32, #tpu.memory_space<hbm>>
          tpu.enqueue_dma source(%dma_start3A_177 : memref<2x128xi32, #tpu.memory_space<hbm>>) target(%dma_start3A_173 : memref<2x128xi32, #tpu.memory_space<vmem>>) target_semaphore(%dma_start3A_169 : memref<!tpu.dma_semaphore, #tpu.memory_space<semaphore_mem>>)
        } else {
        }
        %add3A_150 = arith.constant 1 : i32
        %add3A_151 = arith.addi %add3A_88, %add3A_150 : i32
        %lt3A_152 = arith.cmpi slt, %add3A_151, %add3A_12 : i32
        %convert_element_type3A_153 = arith.extui %lt3A_152 : i1 to i32
        %cond3A_154 = arith.constant 0 : i32
        %cond3A_155 = arith.cmpi ne, %convert_element_type3A_153, %cond3A_154 : i32
        scf.if %cond3A_155 {
          %dma_wait3A_156 = arith.constant 0 : i32
          %dma_wait3A_157 = arith.constant 1 : i32
          %dma_wait3A_158 = arith.constant 1 : i32
          %dma_wait3A_159 = arith.constant 0 : i32
          %dma_wait3A_160 = arith.constant 0 : i32
          %dma_wait3A_161 = tpu.memref_slice %arg11[%dma_wait3A_157, %dma_wait3A_159, %dma_wait3A_160] : memref<2x2x128xi32, #tpu.memory_space<vmem>> -> memref<1x2x128xi32, #tpu.memory_space<vmem>>
          %dma_wait3A_162 = tpu.memref_squeeze %dma_wait3A_161 : memref<1x2x128xi32, #tpu.memory_space<vmem>> -> memref<2x128xi32, #tpu.memory_space<vmem>>
          %dma_wait3A_163 = arith.constant 0 : i32
          %dma_wait3A_164 = arith.constant 0 : i32
          %dma_wait3A_165 = tpu.memref_slice %arg4[%dma_wait3A_156, %dma_wait3A_163, %dma_wait3A_164] : memref<1250x2x128xi32, #tpu.memory_space<hbm>> -> memref<1x2x128xi32, #tpu.memory_space<hbm>>
          %dma_wait3A_166 = tpu.memref_squeeze %dma_wait3A_165 : memref<1x2x128xi32, #tpu.memory_space<hbm>> -> memref<2x128xi32, #tpu.memory_space<hbm>>
          %dma_wait3A_167 = tpu.memref_slice %arg12[%dma_wait3A_158] : memref<2x!tpu.dma_semaphore, #tpu.memory_space<semaphore_mem>> -> memref<1x!tpu.dma_semaphore, #tpu.memory_space<semaphore_mem>>
          %dma_wait3A_168 = tpu.memref_squeeze %dma_wait3A_167 : memref<1x!tpu.dma_semaphore, #tpu.memory_space<semaphore_mem>> -> memref<!tpu.dma_semaphore, #tpu.memory_space<semaphore_mem>>
          %dma_wait3A_169 = arith.constant 0 : i32
          %dma_wait3A_170 = arith.constant 0 : i32
          %dma_wait3A_171 = tpu.memref_slice %arg11[%dma_wait3A_157, %dma_wait3A_169, %dma_wait3A_170] : memref<2x2x128xi32, #tpu.memory_space<vmem>> -> memref<1x2x128xi32, #tpu.memory_space<vmem>>
          %dma_wait3A_172 = tpu.memref_squeeze %dma_wait3A_171 : memref<1x2x128xi32, #tpu.memory_space<vmem>> -> memref<2x128xi32, #tpu.memory_space<vmem>>
          %dma_wait3A_173 = arith.constant 0 : i32
          %dma_wait3A_174 = arith.constant 0 : i32
          %dma_wait3A_175 = tpu.memref_slice %arg4[%dma_wait3A_156, %dma_wait3A_173, %dma_wait3A_174] : memref<1250x2x128xi32, #tpu.memory_space<hbm>> -> memref<1x2x128xi32, #tpu.memory_space<hbm>>
          %dma_wait3A_176 = tpu.memref_squeeze %dma_wait3A_175 : memref<1x2x128xi32, #tpu.memory_space<hbm>> -> memref<2x128xi32, #tpu.memory_space<hbm>>
          tpu.wait_dma2 semaphore(%dma_wait3A_168 : memref<!tpu.dma_semaphore, #tpu.memory_space<semaphore_mem>>) src(%dma_wait3A_176 : memref<2x128xi32, #tpu.memory_space<hbm>>) dst(%dma_wait3A_172 : memref<2x128xi32, #tpu.memory_space<vmem>>)
          %add3A_177 = arith.constant 1 : i32
          %add3A_178 = arith.addi %add3A_88, %add3A_177 : i32
          %add3A_179 = arith.constant 1 : i32
          %add3A_180 = arith.addi %add3A, %add3A_179 : i32
          %ge3A_181 = arith.cmpi sge, %add3A_88, %add3A_180 : i32
          %convert_element_type3A_182 = arith.extui %ge3A_181 : i1 to i32
          %cond3A_183 = arith.constant 0 : i32
          %cond3A_184 = arith.cmpi ne, %convert_element_type3A_182, %cond3A_183 : i32
          scf.if %cond3A_184 {
            %dma_wait3A_211 = arith.constant 1 : i32
            %dma_wait3A_212 = arith.constant 1 : i32
            %dma_wait3A_213 = arith.constant 0 : i32
            %dma_wait3A_214 = arith.constant 0 : i32
            %dma_wait3A_215 = tpu.memref_slice %arg10[%dma_wait3A_211, %dma_wait3A_213, %dma_wait3A_214] : memref<2x256x64xf32, #tpu.memory_space<vmem>> -> memref<1x256x64xf32, #tpu.memory_space<vmem>>
            %dma_wait3A_216 = tpu.memref_squeeze %dma_wait3A_215 : memref<1x256x64xf32, #tpu.memory_space<vmem>> -> memref<256x64xf32, #tpu.memory_space<vmem>>
            %dma_wait3A_217 = arith.constant 0 : i32
            %dma_wait3A_218 = arith.constant 0 : i32
            %dma_wait3A_219 = tpu.memref_slice %arg6[%dma_wait3A_217, %dma_wait3A_218] : memref<160000x64xf32, #tpu.memory_space<hbm>> -> memref<256x64xf32, #tpu.memory_space<hbm>>
            %dma_wait3A_220 = tpu.memref_slice %arg13[%dma_wait3A_212] : memref<2x!tpu.dma_semaphore, #tpu.memory_space<semaphore_mem>> -> memref<1x!tpu.dma_semaphore, #tpu.memory_space<semaphore_mem>>
            %dma_wait3A_221 = tpu.memref_squeeze %dma_wait3A_220 : memref<1x!tpu.dma_semaphore, #tpu.memory_space<semaphore_mem>> -> memref<!tpu.dma_semaphore, #tpu.memory_space<semaphore_mem>>
            %dma_wait3A_222 = arith.constant 0 : i32
            %dma_wait3A_223 = arith.constant 0 : i32
            %dma_wait3A_224 = tpu.memref_slice %arg6[%dma_wait3A_222, %dma_wait3A_223] : memref<160000x64xf32, #tpu.memory_space<hbm>> -> memref<256x64xf32, #tpu.memory_space<hbm>>
            %dma_wait3A_225 = arith.constant 0 : i32
            %dma_wait3A_226 = arith.constant 0 : i32
            %dma_wait3A_227 = tpu.memref_slice %arg10[%dma_wait3A_211, %dma_wait3A_225, %dma_wait3A_226] : memref<2x256x64xf32, #tpu.memory_space<vmem>> -> memref<1x256x64xf32, #tpu.memory_space<vmem>>
            %dma_wait3A_228 = tpu.memref_squeeze %dma_wait3A_227 : memref<1x256x64xf32, #tpu.memory_space<vmem>> -> memref<256x64xf32, #tpu.memory_space<vmem>>
            tpu.wait_dma2 semaphore(%dma_wait3A_221 : memref<!tpu.dma_semaphore, #tpu.memory_space<semaphore_mem>>) src(%dma_wait3A_228 : memref<256x64xf32, #tpu.memory_space<vmem>>) dst(%dma_wait3A_224 : memref<256x64xf32, #tpu.memory_space<hbm>>)
          } else {
          }
          %run_scoped3A_185 = arith.constant 1 : i32
          %run_scoped3A_186 = arith.constant 0 : i32
          %run_scoped3A_187 = arith.constant 1 : i32
          "tpu.region"() ({
            %run_scoped3A_211 = tpu.sem_alloc : memref<!tpu.dma_semaphore, #tpu.memory_space<semaphore_mem>>
            %dma_start3A_212 = arith.constant 0 : i32
            %dma_start3A_213 = arith.constant 0 : i32
            %dma_start3A_214 = tpu.memref_slice %arg10[%run_scoped3A_187, %dma_start3A_212, %dma_start3A_213] : memref<2x256x64xf32, #tpu.memory_space<vmem>> -> memref<1x128x64xf32, #tpu.memory_space<vmem>>
            %dma_start3A_215 = tpu.memref_squeeze %dma_start3A_214 : memref<1x128x64xf32, #tpu.memory_space<vmem>> -> memref<128x64xf32, #tpu.memory_space<vmem>>
            %dma_start3A_216 = arith.constant 0 : i32
            %dma_start3A_217 = tpu.memref_slice %arg11[%run_scoped3A_185, %run_scoped3A_186, %dma_start3A_216] : memref<2x2x128xi32, #tpu.memory_space<vmem>> -> memref<1x1x128xi32, #tpu.memory_space<vmem>>
            %dma_start3A_218 = tpu.memref_squeeze %dma_start3A_217 : memref<1x1x128xi32, #tpu.memory_space<vmem>> -> memref<128xi32, #tpu.memory_space<vmem>>
            %dma_start3A_219 = arith.constant 0 : i32
            %dma_start3A_220 = arith.constant 0 : i32
            %dma_start3A_221 = tpu.memref_slice %arg9[%dma_start3A_219, %dma_start3A_220] : memref<10000x64xf32, #tpu.memory_space<vmem_shared>> -> memref<10000x64xf32, #tpu.memory_space<vmem_shared>>
            tpu.enqueue_indirect_dma source(%dma_start3A_221 : memref<10000x64xf32, #tpu.memory_space<vmem_shared>>) target(%dma_start3A_215 : memref<128x64xf32, #tpu.memory_space<vmem>>) offsets(%dma_start3A_218 : memref<128xi32, #tpu.memory_space<vmem>>) semaphore(%run_scoped3A_211 : memref<!tpu.dma_semaphore, #tpu.memory_space<semaphore_mem>>)
            %dma_wait3A_222 = arith.constant 0 : i32
            %dma_wait3A_223 = arith.constant 0 : i32
            %dma_wait3A_224 = tpu.memref_slice %arg10[%run_scoped3A_187, %dma_wait3A_222, %dma_wait3A_223] : memref<2x256x64xf32, #tpu.memory_space<vmem>> -> memref<1x128x64xf32, #tpu.memory_space<vmem>>
            %dma_wait3A_225 = tpu.memref_squeeze %dma_wait3A_224 : memref<1x128x64xf32, #tpu.memory_space<vmem>> -> memref<128x64xf32, #tpu.memory_space<vmem>>
            %dma_wait3A_226 = arith.constant 0 : i32
            %dma_wait3A_227 = tpu.memref_slice %arg11[%run_scoped3A_185, %run_scoped3A_186, %dma_wait3A_226] : memref<2x2x128xi32, #tpu.memory_space<vmem>> -> memref<1x1x128xi32, #tpu.memory_space<vmem>>
            %dma_wait3A_228 = tpu.memref_squeeze %dma_wait3A_227 : memref<1x1x128xi32, #tpu.memory_space<vmem>> -> memref<128xi32, #tpu.memory_space<vmem>>
            %dma_wait3A_229 = arith.constant 0 : i32
            %dma_wait3A_230 = arith.constant 0 : i32
            %dma_wait3A_231 = tpu.memref_slice %arg9[%dma_wait3A_229, %dma_wait3A_230] : memref<10000x64xf32, #tpu.memory_space<vmem_shared>> -> memref<10000x64xf32, #tpu.memory_space<vmem_shared>>
            tpu.wait_indirect_dma semaphore(%run_scoped3A_211 : memref<!tpu.dma_semaphore, #tpu.memory_space<semaphore_mem>>) src(%dma_wait3A_231 : memref<10000x64xf32, #tpu.memory_space<vmem_shared>>) dst(%dma_wait3A_225 : memref<128x64xf32, #tpu.memory_space<vmem>>)
            tpu.yield
          }) : () -> ()
          %run_scoped3A_188 = arith.constant 1 : i32
          %run_scoped3A_189 = arith.constant 1 : i32
          %run_scoped3A_190 = arith.constant 1 : i32
          "tpu.region"() ({
            %run_scoped3A_211 = tpu.sem_alloc : memref<!tpu.dma_semaphore, #tpu.memory_space<semaphore_mem>>
            %dma_start3A_212 = arith.constant 128 : i32
            %dma_start3A_213 = arith.constant 0 : i32
            %dma_start3A_214 = tpu.memref_slice %arg10[%run_scoped3A_190, %dma_start3A_212, %dma_start3A_213] : memref<2x256x64xf32, #tpu.memory_space<vmem>> -> memref<1x128x64xf32, #tpu.memory_space<vmem>>
            %dma_start3A_215 = tpu.memref_squeeze %dma_start3A_214 : memref<1x128x64xf32, #tpu.memory_space<vmem>> -> memref<128x64xf32, #tpu.memory_space<vmem>>
            %dma_start3A_216 = arith.constant 0 : i32
            %dma_start3A_217 = tpu.memref_slice %arg11[%run_scoped3A_188, %run_scoped3A_189, %dma_start3A_216] : memref<2x2x128xi32, #tpu.memory_space<vmem>> -> memref<1x1x128xi32, #tpu.memory_space<vmem>>
            %dma_start3A_218 = tpu.memref_squeeze %dma_start3A_217 : memref<1x1x128xi32, #tpu.memory_space<vmem>> -> memref<128xi32, #tpu.memory_space<vmem>>
            %dma_start3A_219 = arith.constant 0 : i32
            %dma_start3A_220 = arith.constant 0 : i32
            %dma_start3A_221 = tpu.memref_slice %arg9[%dma_start3A_219, %dma_start3A_220] : memref<10000x64xf32, #tpu.memory_space<vmem_shared>> -> memref<10000x64xf32, #tpu.memory_space<vmem_shared>>
            tpu.enqueue_indirect_dma source(%dma_start3A_221 : memref<10000x64xf32, #tpu.memory_space<vmem_shared>>) target(%dma_start3A_215 : memref<128x64xf32, #tpu.memory_space<vmem>>) offsets(%dma_start3A_218 : memref<128xi32, #tpu.memory_space<vmem>>) semaphore(%run_scoped3A_211 : memref<!tpu.dma_semaphore, #tpu.memory_space<semaphore_mem>>)
            %dma_wait3A_222 = arith.constant 128 : i32
            %dma_wait3A_223 = arith.constant 0 : i32
            %dma_wait3A_224 = tpu.memref_slice %arg10[%run_scoped3A_190, %dma_wait3A_222, %dma_wait3A_223] : memref<2x256x64xf32, #tpu.memory_space<vmem>> -> memref<1x128x64xf32, #tpu.memory_space<vmem>>
            %dma_wait3A_225 = tpu.memref_squeeze %dma_wait3A_224 : memref<1x128x64xf32, #tpu.memory_space<vmem>> -> memref<128x64xf32, #tpu.memory_space<vmem>>
            %dma_wait3A_226 = arith.constant 0 : i32
            %dma_wait3A_227 = tpu.memref_slice %arg11[%run_scoped3A_188, %run_scoped3A_189, %dma_wait3A_226] : memref<2x2x128xi32, #tpu.memory_space<vmem>> -> memref<1x1x128xi32, #tpu.memory_space<vmem>>
            %dma_wait3A_228 = tpu.memref_squeeze %dma_wait3A_227 : memref<1x1x128xi32, #tpu.memory_space<vmem>> -> memref<128xi32, #tpu.memory_space<vmem>>
            %dma_wait3A_229 = arith.constant 0 : i32
            %dma_wait3A_230 = arith.constant 0 : i32
            %dma_wait3A_231 = tpu.memref_slice %arg9[%dma_wait3A_229, %dma_wait3A_230] : memref<10000x64xf32, #tpu.memory_space<vmem_shared>> -> memref<10000x64xf32, #tpu.memory_space<vmem_shared>>
            tpu.wait_indirect_dma semaphore(%run_scoped3A_211 : memref<!tpu.dma_semaphore, #tpu.memory_space<semaphore_mem>>) src(%dma_wait3A_231 : memref<10000x64xf32, #tpu.memory_space<vmem_shared>>) dst(%dma_wait3A_225 : memref<128x64xf32, #tpu.memory_space<vmem>>)
            tpu.yield
          }) : () -> ()
          %sub3A_191 = arith.constant 0 : i32
          %sub3A_192 = arith.subi %add3A_178, %sub3A_191 : i32
          %mul3A_193 = arith.constant 256 : i32
          %mul3A_194 = arith.muli %sub3A_192, %mul3A_193 : i32
          %dma_start3A_195 = arith.constant 1 : i32
          %dma_start3A_196 = arith.constant 1 : i32
          %dma_start3A_197 = arith.constant 0 : i32
          %dma_start3A_198 = arith.constant 0 : i32
          %dma_start3A_199 = tpu.memref_slice %arg10[%dma_start3A_195, %dma_start3A_197, %dma_start3A_198] : memref<2x256x64xf32, #tpu.memory_space<vmem>> -> memref<1x256x64xf32, #tpu.memory_space<vmem>>
          %dma_start3A_200 = tpu.memref_squeeze %dma_start3A_199 : memref<1x256x64xf32, #tpu.memory_space<vmem>> -> memref<256x64xf32, #tpu.memory_space<vmem>>
          %dma_start3A_201 = arith.constant 0 : i32
          %dma_start3A_202 = tpu.memref_slice %arg6[%mul3A_194, %dma_start3A_201] : memref<160000x64xf32, #tpu.memory_space<hbm>> -> memref<256x64xf32, #tpu.memory_space<hbm>>
          %dma_start3A_203 = tpu.memref_slice %arg13[%dma_start3A_196] : memref<2x!tpu.dma_semaphore, #tpu.memory_space<semaphore_mem>> -> memref<1x!tpu.dma_semaphore, #tpu.memory_space<semaphore_mem>>
          %dma_start3A_204 = tpu.memref_squeeze %dma_start3A_203 : memref<1x!tpu.dma_semaphore, #tpu.memory_space<semaphore_mem>> -> memref<!tpu.dma_semaphore, #tpu.memory_space<semaphore_mem>>
          %dma_start3A_205 = arith.constant 0 : i32
          %dma_start3A_206 = tpu.memref_slice %arg6[%mul3A_194, %dma_start3A_205] : memref<160000x64xf32, #tpu.memory_space<hbm>> -> memref<256x64xf32, #tpu.memory_space<hbm>>
          %dma_start3A_207 = arith.constant 0 : i32
          %dma_start3A_208 = arith.constant 0 : i32
          %dma_start3A_209 = tpu.memref_slice %arg10[%dma_start3A_195, %dma_start3A_207, %dma_start3A_208] : memref<2x256x64xf32, #tpu.memory_space<vmem>> -> memref<1x256x64xf32, #tpu.memory_space<vmem>>
          %dma_start3A_210 = tpu.memref_squeeze %dma_start3A_209 : memref<1x256x64xf32, #tpu.memory_space<vmem>> -> memref<256x64xf32, #tpu.memory_space<vmem>>
          tpu.enqueue_dma source(%dma_start3A_210 : memref<256x64xf32, #tpu.memory_space<vmem>>) target(%dma_start3A_206 : memref<256x64xf32, #tpu.memory_space<hbm>>) target_semaphore(%dma_start3A_204 : memref<!tpu.dma_semaphore, #tpu.memory_space<semaphore_mem>>)
        } else {
        }
      }
      %lt3A_41 = arith.cmpi slt, %add3A, %add3A_12 : i32
      %convert_element_type3A_42 = arith.extui %lt3A_41 : i1 to i32
      %cond3A_43 = arith.constant 0 : i32
      %cond3A_44 = arith.cmpi ne, %convert_element_type3A_42, %cond3A_43 : i32
      scf.if %cond3A_44 {
        %dma_wait3A = arith.constant 0 : i32
        %dma_wait3A_86 = arith.constant 0 : i32
        %dma_wait3A_87 = arith.constant 0 : i32
        %dma_wait3A_88 = arith.constant 0 : i32
        %dma_wait3A_89 = tpu.memref_slice %arg10[%dma_wait3A, %dma_wait3A_87, %dma_wait3A_88] : memref<2x256x64xf32, #tpu.memory_space<vmem>> -> memref<1x256x64xf32, #tpu.memory_space<vmem>>
        %dma_wait3A_90 = tpu.memref_squeeze %dma_wait3A_89 : memref<1x256x64xf32, #tpu.memory_space<vmem>> -> memref<256x64xf32, #tpu.memory_space<vmem>>
        %dma_wait3A_91 = arith.constant 0 : i32
        %dma_wait3A_92 = arith.constant 0 : i32
        %dma_wait3A_93 = tpu.memref_slice %arg6[%dma_wait3A_91, %dma_wait3A_92] : memref<160000x64xf32, #tpu.memory_space<hbm>> -> memref<256x64xf32, #tpu.memory_space<hbm>>
        %dma_wait3A_94 = tpu.memref_slice %arg13[%dma_wait3A_86] : memref<2x!tpu.dma_semaphore, #tpu.memory_space<semaphore_mem>> -> memref<1x!tpu.dma_semaphore, #tpu.memory_space<semaphore_mem>>
        %dma_wait3A_95 = tpu.memref_squeeze %dma_wait3A_94 : memref<1x!tpu.dma_semaphore, #tpu.memory_space<semaphore_mem>> -> memref<!tpu.dma_semaphore, #tpu.memory_space<semaphore_mem>>
        %dma_wait3A_96 = arith.constant 0 : i32
        %dma_wait3A_97 = arith.constant 0 : i32
        %dma_wait3A_98 = tpu.memref_slice %arg6[%dma_wait3A_96, %dma_wait3A_97] : memref<160000x64xf32, #tpu.memory_space<hbm>> -> memref<256x64xf32, #tpu.memory_space<hbm>>
        %dma_wait3A_99 = arith.constant 0 : i32
        %dma_wait3A_100 = arith.constant 0 : i32
        %dma_wait3A_101 = tpu.memref_slice %arg10[%dma_wait3A, %dma_wait3A_99, %dma_wait3A_100] : memref<2x256x64xf32, #tpu.memory_space<vmem>> -> memref<1x256x64xf32, #tpu.memory_space<vmem>>
        %dma_wait3A_102 = tpu.memref_squeeze %dma_wait3A_101 : memref<1x256x64xf32, #tpu.memory_space<vmem>> -> memref<256x64xf32, #tpu.memory_space<vmem>>
        tpu.wait_dma2 semaphore(%dma_wait3A_95 : memref<!tpu.dma_semaphore, #tpu.memory_space<semaphore_mem>>) src(%dma_wait3A_102 : memref<256x64xf32, #tpu.memory_space<vmem>>) dst(%dma_wait3A_98 : memref<256x64xf32, #tpu.memory_space<hbm>>)
      } else {
      }
      %add3A_45 = arith.constant 1 : i32
      %add3A_46 = arith.addi %add3A, %add3A_45 : i32
      %lt3A_47 = arith.cmpi slt, %add3A_46, %add3A_12 : i32
      %convert_element_type3A_48 = arith.extui %lt3A_47 : i1 to i32
      %cond3A_49 = arith.constant 0 : i32
      %cond3A_50 = arith.cmpi ne, %convert_element_type3A_48, %cond3A_49 : i32
      scf.if %cond3A_50 {
        %dma_wait3A = arith.constant 1 : i32
        %dma_wait3A_86 = arith.constant 1 : i32
        %dma_wait3A_87 = arith.constant 0 : i32
        %dma_wait3A_88 = arith.constant 0 : i32
        %dma_wait3A_89 = tpu.memref_slice %arg10[%dma_wait3A, %dma_wait3A_87, %dma_wait3A_88] : memref<2x256x64xf32, #tpu.memory_space<vmem>> -> memref<1x256x64xf32, #tpu.memory_space<vmem>>
        %dma_wait3A_90 = tpu.memref_squeeze %dma_wait3A_89 : memref<1x256x64xf32, #tpu.memory_space<vmem>> -> memref<256x64xf32, #tpu.memory_space<vmem>>
        %dma_wait3A_91 = arith.constant 0 : i32
        %dma_wait3A_92 = arith.constant 0 : i32
        %dma_wait3A_93 = tpu.memref_slice %arg6[%dma_wait3A_91, %dma_wait3A_92] : memref<160000x64xf32, #tpu.memory_space<hbm>> -> memref<256x64xf32, #tpu.memory_space<hbm>>
        %dma_wait3A_94 = tpu.memref_slice %arg13[%dma_wait3A_86] : memref<2x!tpu.dma_semaphore, #tpu.memory_space<semaphore_mem>> -> memref<1x!tpu.dma_semaphore, #tpu.memory_space<semaphore_mem>>
        %dma_wait3A_95 = tpu.memref_squeeze %dma_wait3A_94 : memref<1x!tpu.dma_semaphore, #tpu.memory_space<semaphore_mem>> -> memref<!tpu.dma_semaphore, #tpu.memory_space<semaphore_mem>>
        %dma_wait3A_96 = arith.constant 0 : i32
        %dma_wait3A_97 = arith.constant 0 : i32
        %dma_wait3A_98 = tpu.memref_slice %arg6[%dma_wait3A_96, %dma_wait3A_97] : memref<160000x64xf32, #tpu.memory_space<hbm>> -> memref<256x64xf32, #tpu.memory_space<hbm>>
        %dma_wait3A_99 = arith.constant 0 : i32
        %dma_wait3A_100 = arith.constant 0 : i32
        %dma_wait3A_101 = tpu.memref_slice %arg10[%dma_wait3A, %dma_wait3A_99, %dma_wait3A_100] : memref<2x256x64xf32, #tpu.memory_space<vmem>> -> memref<1x256x64xf32, #tpu.memory_space<vmem>>
        %dma_wait3A_102 = tpu.memref_squeeze %dma_wait3A_101 : memref<1x256x64xf32, #tpu.memory_space<vmem>> -> memref<256x64xf32, #tpu.memory_space<vmem>>
        tpu.wait_dma2 semaphore(%dma_wait3A_95 : memref<!tpu.dma_semaphore, #tpu.memory_space<semaphore_mem>>) src(%dma_wait3A_102 : memref<256x64xf32, #tpu.memory_space<vmem>>) dst(%dma_wait3A_98 : memref<256x64xf32, #tpu.memory_space<hbm>>)
      } else {
      }
      %add3A_51 = arith.constant 625 : i32
      %add3A_52 = arith.addi %add3A, %add3A_51 : i32
      %add3A_53 = arith.constant 625 : i32
      %add3A_54 = arith.addi %add3A_12, %add3A_53 : i32
      %lt3A_55 = arith.cmpi slt, %add3A_52, %add3A_54 : i32
      %convert_element_type3A_56 = arith.extui %lt3A_55 : i1 to i32
      %cond3A_57 = arith.constant 0 : i32
      %cond3A_58 = arith.cmpi ne, %convert_element_type3A_56, %cond3A_57 : i32
      scf.if %cond3A_58 {
        %dma_start3A = arith.constant 0 : i32
        %dma_start3A_86 = arith.constant 0 : i32
        %dma_start3A_87 = arith.constant 0 : i32
        %dma_start3A_88 = arith.constant 0 : i32
        %dma_start3A_89 = tpu.memref_slice %arg11[%dma_start3A, %dma_start3A_87, %dma_start3A_88] : memref<2x2x128xi32, #tpu.memory_space<vmem>> -> memref<1x2x128xi32, #tpu.memory_space<vmem>>
        %dma_start3A_90 = tpu.memref_squeeze %dma_start3A_89 : memref<1x2x128xi32, #tpu.memory_space<vmem>> -> memref<2x128xi32, #tpu.memory_space<vmem>>
        %dma_start3A_91 = arith.constant 0 : i32
        %dma_start3A_92 = arith.constant 0 : i32
        %dma_start3A_93 = tpu.memref_slice %arg4[%add3A_52, %dma_start3A_91, %dma_start3A_92] : memref<1250x2x128xi32, #tpu.memory_space<hbm>> -> memref<1x2x128xi32, #tpu.memory_space<hbm>>
        %dma_start3A_94 = tpu.memref_squeeze %dma_start3A_93 : memref<1x2x128xi32, #tpu.memory_space<hbm>> -> memref<2x128xi32, #tpu.memory_space<hbm>>
        %dma_start3A_95 = tpu.memref_slice %arg12[%dma_start3A_86] : memref<2x!tpu.dma_semaphore, #tpu.memory_space<semaphore_mem>> -> memref<1x!tpu.dma_semaphore, #tpu.memory_space<semaphore_mem>>
        %dma_start3A_96 = tpu.memref_squeeze %dma_start3A_95 : memref<1x!tpu.dma_semaphore, #tpu.memory_space<semaphore_mem>> -> memref<!tpu.dma_semaphore, #tpu.memory_space<semaphore_mem>>
        %dma_start3A_97 = arith.constant 0 : i32
        %dma_start3A_98 = arith.constant 0 : i32
        %dma_start3A_99 = tpu.memref_slice %arg11[%dma_start3A, %dma_start3A_97, %dma_start3A_98] : memref<2x2x128xi32, #tpu.memory_space<vmem>> -> memref<1x2x128xi32, #tpu.memory_space<vmem>>
        %dma_start3A_100 = tpu.memref_squeeze %dma_start3A_99 : memref<1x2x128xi32, #tpu.memory_space<vmem>> -> memref<2x128xi32, #tpu.memory_space<vmem>>
        %dma_start3A_101 = arith.constant 0 : i32
        %dma_start3A_102 = arith.constant 0 : i32
        %dma_start3A_103 = tpu.memref_slice %arg4[%add3A_52, %dma_start3A_101, %dma_start3A_102] : memref<1250x2x128xi32, #tpu.memory_space<hbm>> -> memref<1x2x128xi32, #tpu.memory_space<hbm>>
        %dma_start3A_104 = tpu.memref_squeeze %dma_start3A_103 : memref<1x2x128xi32, #tpu.memory_space<hbm>> -> memref<2x128xi32, #tpu.memory_space<hbm>>
        tpu.enqueue_dma source(%dma_start3A_104 : memref<2x128xi32, #tpu.memory_space<hbm>>) target(%dma_start3A_100 : memref<2x128xi32, #tpu.memory_space<vmem>>) target_semaphore(%dma_start3A_96 : memref<!tpu.dma_semaphore, #tpu.memory_space<semaphore_mem>>)
      } else {
      }
      %sub3A_59 = arith.subi %add3A_54, %add3A_52 : i32
      %sub3A_60 = arith.constant 2 : i32
      %sub3A_61 = arith.constant 1 : i32
      %sub3A_62 = arith.subi %sub3A_60, %sub3A_61 : i32
      %add3A_63 = arith.addi %sub3A_59, %sub3A_62 : i32
      %div3A_64 = arith.constant 2 : i32
      %div3A_65 = arith.divsi %add3A_63, %div3A_64 : i32
      %while3A_66 = arith.constant 2 : i32
      %while3A_67 = arith.constant 0 : i32
      %while3A_68 = arith.subi %div3A_65, %while3A_67 : i32
      %while3A_69 = arith.addi %while3A_67, %while3A_68 : i32
      %while3A_70 = arith.constant 1 : i32
      %while3A_71 = arith.divsi %while3A_68, %while3A_70 : i32
      %while3A_72 = arith.muli %while3A_71, %while3A_70 : i32
      %while3A_73 = arith.addi %while3A_67, %while3A_72 : i32
      %while3A_74 = arith.constant 1 : i32
      scf.for %while3A_86 = %while3A_67 to %while3A_73 step %while3A_74  : i32 {
        %mul3A_87 = arith.muli %while3A_86, %while3A_66 : i32
        %add3A_88 = arith.addi %add3A_52, %mul3A_87 : i32
        %add3A_89 = arith.constant 1 : i32
        %add3A_90 = arith.addi %add3A_88, %add3A_89 : i32
        %lt3A_91 = arith.cmpi slt, %add3A_90, %add3A_54 : i32
        %convert_element_type3A_92 = arith.extui %lt3A_91 : i1 to i32
        %cond3A_93 = arith.constant 0 : i32
        %cond3A_94 = arith.cmpi ne, %convert_element_type3A_92, %cond3A_93 : i32
        scf.if %cond3A_94 {
          %add3A_156 = arith.constant 1 : i32
          %add3A_157 = arith.addi %add3A_88, %add3A_156 : i32
          %dma_start3A_158 = arith.constant 1 : i32
          %dma_start3A_159 = arith.constant 1 : i32
          %dma_start3A_160 = arith.constant 0 : i32
          %dma_start3A_161 = arith.constant 0 : i32
          %dma_start3A_162 = tpu.memref_slice %arg11[%dma_start3A_158, %dma_start3A_160, %dma_start3A_161] : memref<2x2x128xi32, #tpu.memory_space<vmem>> -> memref<1x2x128xi32, #tpu.memory_space<vmem>>
          %dma_start3A_163 = tpu.memref_squeeze %dma_start3A_162 : memref<1x2x128xi32, #tpu.memory_space<vmem>> -> memref<2x128xi32, #tpu.memory_space<vmem>>
          %dma_start3A_164 = arith.constant 0 : i32
          %dma_start3A_165 = arith.constant 0 : i32
          %dma_start3A_166 = tpu.memref_slice %arg4[%add3A_157, %dma_start3A_164, %dma_start3A_165] : memref<1250x2x128xi32, #tpu.memory_space<hbm>> -> memref<1x2x128xi32, #tpu.memory_space<hbm>>
          %dma_start3A_167 = tpu.memref_squeeze %dma_start3A_166 : memref<1x2x128xi32, #tpu.memory_space<hbm>> -> memref<2x128xi32, #tpu.memory_space<hbm>>
          %dma_start3A_168 = tpu.memref_slice %arg12[%dma_start3A_159] : memref<2x!tpu.dma_semaphore, #tpu.memory_space<semaphore_mem>> -> memref<1x!tpu.dma_semaphore, #tpu.memory_space<semaphore_mem>>
          %dma_start3A_169 = tpu.memref_squeeze %dma_start3A_168 : memref<1x!tpu.dma_semaphore, #tpu.memory_space<semaphore_mem>> -> memref<!tpu.dma_semaphore, #tpu.memory_space<semaphore_mem>>
          %dma_start3A_170 = arith.constant 0 : i32
          %dma_start3A_171 = arith.constant 0 : i32
          %dma_start3A_172 = tpu.memref_slice %arg11[%dma_start3A_158, %dma_start3A_170, %dma_start3A_171] : memref<2x2x128xi32, #tpu.memory_space<vmem>> -> memref<1x2x128xi32, #tpu.memory_space<vmem>>
          %dma_start3A_173 = tpu.memref_squeeze %dma_start3A_172 : memref<1x2x128xi32, #tpu.memory_space<vmem>> -> memref<2x128xi32, #tpu.memory_space<vmem>>
          %dma_start3A_174 = arith.constant 0 : i32
          %dma_start3A_175 = arith.constant 0 : i32
          %dma_start3A_176 = tpu.memref_slice %arg4[%add3A_157, %dma_start3A_174, %dma_start3A_175] : memref<1250x2x128xi32, #tpu.memory_space<hbm>> -> memref<1x2x128xi32, #tpu.memory_space<hbm>>
          %dma_start3A_177 = tpu.memref_squeeze %dma_start3A_176 : memref<1x2x128xi32, #tpu.memory_space<hbm>> -> memref<2x128xi32, #tpu.memory_space<hbm>>
          tpu.enqueue_dma source(%dma_start3A_177 : memref<2x128xi32, #tpu.memory_space<hbm>>) target(%dma_start3A_173 : memref<2x128xi32, #tpu.memory_space<vmem>>) target_semaphore(%dma_start3A_169 : memref<!tpu.dma_semaphore, #tpu.memory_space<semaphore_mem>>)
        } else {
        }
        %dma_wait3A = arith.constant 0 : i32
        %dma_wait3A_95 = arith.constant 0 : i32
        %dma_wait3A_96 = arith.constant 0 : i32
        %dma_wait3A_97 = arith.constant 0 : i32
        %dma_wait3A_98 = arith.constant 0 : i32
        %dma_wait3A_99 = tpu.memref_slice %arg11[%dma_wait3A_95, %dma_wait3A_97, %dma_wait3A_98] : memref<2x2x128xi32, #tpu.memory_space<vmem>> -> memref<1x2x128xi32, #tpu.memory_space<vmem>>
        %dma_wait3A_100 = tpu.memref_squeeze %dma_wait3A_99 : memref<1x2x128xi32, #tpu.memory_space<vmem>> -> memref<2x128xi32, #tpu.memory_space<vmem>>
        %dma_wait3A_101 = arith.constant 0 : i32
        %dma_wait3A_102 = arith.constant 0 : i32
        %dma_wait3A_103 = tpu.memref_slice %arg4[%dma_wait3A, %dma_wait3A_101, %dma_wait3A_102] : memref<1250x2x128xi32, #tpu.memory_space<hbm>> -> memref<1x2x128xi32, #tpu.memory_space<hbm>>
        %dma_wait3A_104 = tpu.memref_squeeze %dma_wait3A_103 : memref<1x2x128xi32, #tpu.memory_space<hbm>> -> memref<2x128xi32, #tpu.memory_space<hbm>>
        %dma_wait3A_105 = tpu.memref_slice %arg12[%dma_wait3A_96] : memref<2x!tpu.dma_semaphore, #tpu.memory_space<semaphore_mem>> -> memref<1x!tpu.dma_semaphore, #tpu.memory_space<semaphore_mem>>
        %dma_wait3A_106 = tpu.memref_squeeze %dma_wait3A_105 : memref<1x!tpu.dma_semaphore, #tpu.memory_space<semaphore_mem>> -> memref<!tpu.dma_semaphore, #tpu.memory_space<semaphore_mem>>
        %dma_wait3A_107 = arith.constant 0 : i32
        %dma_wait3A_108 = arith.constant 0 : i32
        %dma_wait3A_109 = tpu.memref_slice %arg11[%dma_wait3A_95, %dma_wait3A_107, %dma_wait3A_108] : memref<2x2x128xi32, #tpu.memory_space<vmem>> -> memref<1x2x128xi32, #tpu.memory_space<vmem>>
        %dma_wait3A_110 = tpu.memref_squeeze %dma_wait3A_109 : memref<1x2x128xi32, #tpu.memory_space<vmem>> -> memref<2x128xi32, #tpu.memory_space<vmem>>
        %dma_wait3A_111 = arith.constant 0 : i32
        %dma_wait3A_112 = arith.constant 0 : i32
        %dma_wait3A_113 = tpu.memref_slice %arg4[%dma_wait3A, %dma_wait3A_111, %dma_wait3A_112] : memref<1250x2x128xi32, #tpu.memory_space<hbm>> -> memref<1x2x128xi32, #tpu.memory_space<hbm>>
        %dma_wait3A_114 = tpu.memref_squeeze %dma_wait3A_113 : memref<1x2x128xi32, #tpu.memory_space<hbm>> -> memref<2x128xi32, #tpu.memory_space<hbm>>
        tpu.wait_dma2 semaphore(%dma_wait3A_106 : memref<!tpu.dma_semaphore, #tpu.memory_space<semaphore_mem>>) src(%dma_wait3A_114 : memref<2x128xi32, #tpu.memory_space<hbm>>) dst(%dma_wait3A_110 : memref<2x128xi32, #tpu.memory_space<vmem>>)
        %add3A_115 = arith.constant 2 : i32
        %add3A_116 = arith.addi %add3A_52, %add3A_115 : i32
        %ge3A = arith.cmpi sge, %add3A_88, %add3A_116 : i32
        %convert_element_type3A_117 = arith.extui %ge3A : i1 to i32
        %cond3A_118 = arith.constant 0 : i32
        %cond3A_119 = arith.cmpi ne, %convert_element_type3A_117, %cond3A_118 : i32
        scf.if %cond3A_119 {
          %dma_wait3A_156 = arith.constant 0 : i32
          %dma_wait3A_157 = arith.constant 0 : i32
          %dma_wait3A_158 = arith.constant 0 : i32
          %dma_wait3A_159 = arith.constant 0 : i32
          %dma_wait3A_160 = tpu.memref_slice %arg10[%dma_wait3A_156, %dma_wait3A_158, %dma_wait3A_159] : memref<2x256x64xf32, #tpu.memory_space<vmem>> -> memref<1x256x64xf32, #tpu.memory_space<vmem>>
          %dma_wait3A_161 = tpu.memref_squeeze %dma_wait3A_160 : memref<1x256x64xf32, #tpu.memory_space<vmem>> -> memref<256x64xf32, #tpu.memory_space<vmem>>
          %dma_wait3A_162 = arith.constant 0 : i32
          %dma_wait3A_163 = arith.constant 0 : i32
          %dma_wait3A_164 = tpu.memref_slice %arg8[%dma_wait3A_162, %dma_wait3A_163] : memref<160000x64xf32, #tpu.memory_space<hbm>> -> memref<256x64xf32, #tpu.memory_space<hbm>>
          %dma_wait3A_165 = tpu.memref_slice %arg13[%dma_wait3A_157] : memref<2x!tpu.dma_semaphore, #tpu.memory_space<semaphore_mem>> -> memref<1x!tpu.dma_semaphore, #tpu.memory_space<semaphore_mem>>
          %dma_wait3A_166 = tpu.memref_squeeze %dma_wait3A_165 : memref<1x!tpu.dma_semaphore, #tpu.memory_space<semaphore_mem>> -> memref<!tpu.dma_semaphore, #tpu.memory_space<semaphore_mem>>
          %dma_wait3A_167 = arith.constant 0 : i32
          %dma_wait3A_168 = arith.constant 0 : i32
          %dma_wait3A_169 = tpu.memref_slice %arg8[%dma_wait3A_167, %dma_wait3A_168] : memref<160000x64xf32, #tpu.memory_space<hbm>> -> memref<256x64xf32, #tpu.memory_space<hbm>>
          %dma_wait3A_170 = arith.constant 0 : i32
          %dma_wait3A_171 = arith.constant 0 : i32
          %dma_wait3A_172 = tpu.memref_slice %arg10[%dma_wait3A_156, %dma_wait3A_170, %dma_wait3A_171] : memref<2x256x64xf32, #tpu.memory_space<vmem>> -> memref<1x256x64xf32, #tpu.memory_space<vmem>>
          %dma_wait3A_173 = tpu.memref_squeeze %dma_wait3A_172 : memref<1x256x64xf32, #tpu.memory_space<vmem>> -> memref<256x64xf32, #tpu.memory_space<vmem>>
          tpu.wait_dma2 semaphore(%dma_wait3A_166 : memref<!tpu.dma_semaphore, #tpu.memory_space<semaphore_mem>>) src(%dma_wait3A_173 : memref<256x64xf32, #tpu.memory_space<vmem>>) dst(%dma_wait3A_169 : memref<256x64xf32, #tpu.memory_space<hbm>>)
        } else {
        }
        %run_scoped3A = arith.constant 0 : i32
        %run_scoped3A_120 = arith.constant 0 : i32
        %run_scoped3A_121 = arith.constant 0 : i32
        "tpu.region"() ({
          %run_scoped3A_156 = tpu.sem_alloc : memref<!tpu.dma_semaphore, #tpu.memory_space<semaphore_mem>>
          %dma_start3A_157 = arith.constant 0 : i32
          %dma_start3A_158 = arith.constant 0 : i32
          %dma_start3A_159 = tpu.memref_slice %arg10[%run_scoped3A_121, %dma_start3A_157, %dma_start3A_158] : memref<2x256x64xf32, #tpu.memory_space<vmem>> -> memref<1x128x64xf32, #tpu.memory_space<vmem>>
          %dma_start3A_160 = tpu.memref_squeeze %dma_start3A_159 : memref<1x128x64xf32, #tpu.memory_space<vmem>> -> memref<128x64xf32, #tpu.memory_space<vmem>>
          %dma_start3A_161 = arith.constant 0 : i32
          %dma_start3A_162 = tpu.memref_slice %arg11[%run_scoped3A, %run_scoped3A_120, %dma_start3A_161] : memref<2x2x128xi32, #tpu.memory_space<vmem>> -> memref<1x1x128xi32, #tpu.memory_space<vmem>>
          %dma_start3A_163 = tpu.memref_squeeze %dma_start3A_162 : memref<1x1x128xi32, #tpu.memory_space<vmem>> -> memref<128xi32, #tpu.memory_space<vmem>>
          %dma_start3A_164 = arith.constant 0 : i32
          %dma_start3A_165 = arith.constant 0 : i32
          %dma_start3A_166 = tpu.memref_slice %arg9[%dma_start3A_164, %dma_start3A_165] : memref<10000x64xf32, #tpu.memory_space<vmem_shared>> -> memref<10000x64xf32, #tpu.memory_space<vmem_shared>>
          tpu.enqueue_indirect_dma source(%dma_start3A_166 : memref<10000x64xf32, #tpu.memory_space<vmem_shared>>) target(%dma_start3A_160 : memref<128x64xf32, #tpu.memory_space<vmem>>) offsets(%dma_start3A_163 : memref<128xi32, #tpu.memory_space<vmem>>) semaphore(%run_scoped3A_156 : memref<!tpu.dma_semaphore, #tpu.memory_space<semaphore_mem>>)
          %dma_wait3A_167 = arith.constant 0 : i32
          %dma_wait3A_168 = arith.constant 0 : i32
          %dma_wait3A_169 = tpu.memref_slice %arg10[%run_scoped3A_121, %dma_wait3A_167, %dma_wait3A_168] : memref<2x256x64xf32, #tpu.memory_space<vmem>> -> memref<1x128x64xf32, #tpu.memory_space<vmem>>
          %dma_wait3A_170 = tpu.memref_squeeze %dma_wait3A_169 : memref<1x128x64xf32, #tpu.memory_space<vmem>> -> memref<128x64xf32, #tpu.memory_space<vmem>>
          %dma_wait3A_171 = arith.constant 0 : i32
          %dma_wait3A_172 = tpu.memref_slice %arg11[%run_scoped3A, %run_scoped3A_120, %dma_wait3A_171] : memref<2x2x128xi32, #tpu.memory_space<vmem>> -> memref<1x1x128xi32, #tpu.memory_space<vmem>>
          %dma_wait3A_173 = tpu.memref_squeeze %dma_wait3A_172 : memref<1x1x128xi32, #tpu.memory_space<vmem>> -> memref<128xi32, #tpu.memory_space<vmem>>
          %dma_wait3A_174 = arith.constant 0 : i32
          %dma_wait3A_175 = arith.constant 0 : i32
          %dma_wait3A_176 = tpu.memref_slice %arg9[%dma_wait3A_174, %dma_wait3A_175] : memref<10000x64xf32, #tpu.memory_space<vmem_shared>> -> memref<10000x64xf32, #tpu.memory_space<vmem_shared>>
          tpu.wait_indirect_dma semaphore(%run_scoped3A_156 : memref<!tpu.dma_semaphore, #tpu.memory_space<semaphore_mem>>) src(%dma_wait3A_176 : memref<10000x64xf32, #tpu.memory_space<vmem_shared>>) dst(%dma_wait3A_170 : memref<128x64xf32, #tpu.memory_space<vmem>>)
          tpu.yield
        }) : () -> ()
        %run_scoped3A_122 = arith.constant 0 : i32
        %run_scoped3A_123 = arith.constant 1 : i32
        %run_scoped3A_124 = arith.constant 0 : i32
        "tpu.region"() ({
          %run_scoped3A_156 = tpu.sem_alloc : memref<!tpu.dma_semaphore, #tpu.memory_space<semaphore_mem>>
          %dma_start3A_157 = arith.constant 128 : i32
          %dma_start3A_158 = arith.constant 0 : i32
          %dma_start3A_159 = tpu.memref_slice %arg10[%run_scoped3A_124, %dma_start3A_157, %dma_start3A_158] : memref<2x256x64xf32, #tpu.memory_space<vmem>> -> memref<1x128x64xf32, #tpu.memory_space<vmem>>
          %dma_start3A_160 = tpu.memref_squeeze %dma_start3A_159 : memref<1x128x64xf32, #tpu.memory_space<vmem>> -> memref<128x64xf32, #tpu.memory_space<vmem>>
          %dma_start3A_161 = arith.constant 0 : i32
          %dma_start3A_162 = tpu.memref_slice %arg11[%run_scoped3A_122, %run_scoped3A_123, %dma_start3A_161] : memref<2x2x128xi32, #tpu.memory_space<vmem>> -> memref<1x1x128xi32, #tpu.memory_space<vmem>>
          %dma_start3A_163 = tpu.memref_squeeze %dma_start3A_162 : memref<1x1x128xi32, #tpu.memory_space<vmem>> -> memref<128xi32, #tpu.memory_space<vmem>>
          %dma_start3A_164 = arith.constant 0 : i32
          %dma_start3A_165 = arith.constant 0 : i32
          %dma_start3A_166 = tpu.memref_slice %arg9[%dma_start3A_164, %dma_start3A_165] : memref<10000x64xf32, #tpu.memory_space<vmem_shared>> -> memref<10000x64xf32, #tpu.memory_space<vmem_shared>>
          tpu.enqueue_indirect_dma source(%dma_start3A_166 : memref<10000x64xf32, #tpu.memory_space<vmem_shared>>) target(%dma_start3A_160 : memref<128x64xf32, #tpu.memory_space<vmem>>) offsets(%dma_start3A_163 : memref<128xi32, #tpu.memory_space<vmem>>) semaphore(%run_scoped3A_156 : memref<!tpu.dma_semaphore, #tpu.memory_space<semaphore_mem>>)
          %dma_wait3A_167 = arith.constant 128 : i32
          %dma_wait3A_168 = arith.constant 0 : i32
          %dma_wait3A_169 = tpu.memref_slice %arg10[%run_scoped3A_124, %dma_wait3A_167, %dma_wait3A_168] : memref<2x256x64xf32, #tpu.memory_space<vmem>> -> memref<1x128x64xf32, #tpu.memory_space<vmem>>
          %dma_wait3A_170 = tpu.memref_squeeze %dma_wait3A_169 : memref<1x128x64xf32, #tpu.memory_space<vmem>> -> memref<128x64xf32, #tpu.memory_space<vmem>>
          %dma_wait3A_171 = arith.constant 0 : i32
          %dma_wait3A_172 = tpu.memref_slice %arg11[%run_scoped3A_122, %run_scoped3A_123, %dma_wait3A_171] : memref<2x2x128xi32, #tpu.memory_space<vmem>> -> memref<1x1x128xi32, #tpu.memory_space<vmem>>
          %dma_wait3A_173 = tpu.memref_squeeze %dma_wait3A_172 : memref<1x1x128xi32, #tpu.memory_space<vmem>> -> memref<128xi32, #tpu.memory_space<vmem>>
          %dma_wait3A_174 = arith.constant 0 : i32
          %dma_wait3A_175 = arith.constant 0 : i32
          %dma_wait3A_176 = tpu.memref_slice %arg9[%dma_wait3A_174, %dma_wait3A_175] : memref<10000x64xf32, #tpu.memory_space<vmem_shared>> -> memref<10000x64xf32, #tpu.memory_space<vmem_shared>>
          tpu.wait_indirect_dma semaphore(%run_scoped3A_156 : memref<!tpu.dma_semaphore, #tpu.memory_space<semaphore_mem>>) src(%dma_wait3A_176 : memref<10000x64xf32, #tpu.memory_space<vmem_shared>>) dst(%dma_wait3A_170 : memref<128x64xf32, #tpu.memory_space<vmem>>)
          tpu.yield
        }) : () -> ()
        %sub3A_125 = arith.constant 625 : i32
        %sub3A_126 = arith.subi %add3A_88, %sub3A_125 : i32
        %mul3A_127 = arith.constant 256 : i32
        %mul3A_128 = arith.muli %sub3A_126, %mul3A_127 : i32
        %dma_start3A = arith.constant 0 : i32
        %dma_start3A_129 = arith.constant 0 : i32
        %dma_start3A_130 = arith.constant 0 : i32
        %dma_start3A_131 = arith.constant 0 : i32
        %dma_start3A_132 = tpu.memref_slice %arg10[%dma_start3A, %dma_start3A_130, %dma_start3A_131] : memref<2x256x64xf32, #tpu.memory_space<vmem>> -> memref<1x256x64xf32, #tpu.memory_space<vmem>>
        %dma_start3A_133 = tpu.memref_squeeze %dma_start3A_132 : memref<1x256x64xf32, #tpu.memory_space<vmem>> -> memref<256x64xf32, #tpu.memory_space<vmem>>
        %dma_start3A_134 = arith.constant 0 : i32
        %dma_start3A_135 = tpu.memref_slice %arg8[%mul3A_128, %dma_start3A_134] : memref<160000x64xf32, #tpu.memory_space<hbm>> -> memref<256x64xf32, #tpu.memory_space<hbm>>
        %dma_start3A_136 = tpu.memref_slice %arg13[%dma_start3A_129] : memref<2x!tpu.dma_semaphore, #tpu.memory_space<semaphore_mem>> -> memref<1x!tpu.dma_semaphore, #tpu.memory_space<semaphore_mem>>
        %dma_start3A_137 = tpu.memref_squeeze %dma_start3A_136 : memref<1x!tpu.dma_semaphore, #tpu.memory_space<semaphore_mem>> -> memref<!tpu.dma_semaphore, #tpu.memory_space<semaphore_mem>>
        %dma_start3A_138 = arith.constant 0 : i32
        %dma_start3A_139 = tpu.memref_slice %arg8[%mul3A_128, %dma_start3A_138] : memref<160000x64xf32, #tpu.memory_space<hbm>> -> memref<256x64xf32, #tpu.memory_space<hbm>>
        %dma_start3A_140 = arith.constant 0 : i32
        %dma_start3A_141 = arith.constant 0 : i32
        %dma_start3A_142 = tpu.memref_slice %arg10[%dma_start3A, %dma_start3A_140, %dma_start3A_141] : memref<2x256x64xf32, #tpu.memory_space<vmem>> -> memref<1x256x64xf32, #tpu.memory_space<vmem>>
        %dma_start3A_143 = tpu.memref_squeeze %dma_start3A_142 : memref<1x256x64xf32, #tpu.memory_space<vmem>> -> memref<256x64xf32, #tpu.memory_space<vmem>>
        tpu.enqueue_dma source(%dma_start3A_143 : memref<256x64xf32, #tpu.memory_space<vmem>>) target(%dma_start3A_139 : memref<256x64xf32, #tpu.memory_space<hbm>>) target_semaphore(%dma_start3A_137 : memref<!tpu.dma_semaphore, #tpu.memory_space<semaphore_mem>>)
        %add3A_144 = arith.constant 2 : i32
        %add3A_145 = arith.addi %add3A_88, %add3A_144 : i32
        %lt3A_146 = arith.cmpi slt, %add3A_145, %add3A_54 : i32
        %convert_element_type3A_147 = arith.extui %lt3A_146 : i1 to i32
        %cond3A_148 = arith.constant 0 : i32
        %cond3A_149 = arith.cmpi ne, %convert_element_type3A_147, %cond3A_148 : i32
        scf.if %cond3A_149 {
          %add3A_156 = arith.constant 2 : i32
          %add3A_157 = arith.addi %add3A_88, %add3A_156 : i32
          %dma_start3A_158 = arith.constant 0 : i32
          %dma_start3A_159 = arith.constant 0 : i32
          %dma_start3A_160 = arith.constant 0 : i32
          %dma_start3A_161 = arith.constant 0 : i32
          %dma_start3A_162 = tpu.memref_slice %arg11[%dma_start3A_158, %dma_start3A_160, %dma_start3A_161] : memref<2x2x128xi32, #tpu.memory_space<vmem>> -> memref<1x2x128xi32, #tpu.memory_space<vmem>>
          %dma_start3A_163 = tpu.memref_squeeze %dma_start3A_162 : memref<1x2x128xi32, #tpu.memory_space<vmem>> -> memref<2x128xi32, #tpu.memory_space<vmem>>
          %dma_start3A_164 = arith.constant 0 : i32
          %dma_start3A_165 = arith.constant 0 : i32
          %dma_start3A_166 = tpu.memref_slice %arg4[%add3A_157, %dma_start3A_164, %dma_start3A_165] : memref<1250x2x128xi32, #tpu.memory_space<hbm>> -> memref<1x2x128xi32, #tpu.memory_space<hbm>>
          %dma_start3A_167 = tpu.memref_squeeze %dma_start3A_166 : memref<1x2x128xi32, #tpu.memory_space<hbm>> -> memref<2x128xi32, #tpu.memory_space<hbm>>
          %dma_start3A_168 = tpu.memref_slice %arg12[%dma_start3A_159] : memref<2x!tpu.dma_semaphore, #tpu.memory_space<semaphore_mem>> -> memref<1x!tpu.dma_semaphore, #tpu.memory_space<semaphore_mem>>
          %dma_start3A_169 = tpu.memref_squeeze %dma_start3A_168 : memref<1x!tpu.dma_semaphore, #tpu.memory_space<semaphore_mem>> -> memref<!tpu.dma_semaphore, #tpu.memory_space<semaphore_mem>>
          %dma_start3A_170 = arith.constant 0 : i32
          %dma_start3A_171 = arith.constant 0 : i32
          %dma_start3A_172 = tpu.memref_slice %arg11[%dma_start3A_158, %dma_start3A_170, %dma_start3A_171] : memref<2x2x128xi32, #tpu.memory_space<vmem>> -> memref<1x2x128xi32, #tpu.memory_space<vmem>>
          %dma_start3A_173 = tpu.memref_squeeze %dma_start3A_172 : memref<1x2x128xi32, #tpu.memory_space<vmem>> -> memref<2x128xi32, #tpu.memory_space<vmem>>
          %dma_start3A_174 = arith.constant 0 : i32
          %dma_start3A_175 = arith.constant 0 : i32
          %dma_start3A_176 = tpu.memref_slice %arg4[%add3A_157, %dma_start3A_174, %dma_start3A_175] : memref<1250x2x128xi32, #tpu.memory_space<hbm>> -> memref<1x2x128xi32, #tpu.memory_space<hbm>>
          %dma_start3A_177 = tpu.memref_squeeze %dma_start3A_176 : memref<1x2x128xi32, #tpu.memory_space<hbm>> -> memref<2x128xi32, #tpu.memory_space<hbm>>
          tpu.enqueue_dma source(%dma_start3A_177 : memref<2x128xi32, #tpu.memory_space<hbm>>) target(%dma_start3A_173 : memref<2x128xi32, #tpu.memory_space<vmem>>) target_semaphore(%dma_start3A_169 : memref<!tpu.dma_semaphore, #tpu.memory_space<semaphore_mem>>)
        } else {
        }
        %add3A_150 = arith.constant 1 : i32
        %add3A_151 = arith.addi %add3A_88, %add3A_150 : i32
        %lt3A_152 = arith.cmpi slt, %add3A_151, %add3A_54 : i32
        %convert_element_type3A_153 = arith.extui %lt3A_152 : i1 to i32
        %cond3A_154 = arith.constant 0 : i32
        %cond3A_155 = arith.cmpi ne, %convert_element_type3A_153, %cond3A_154 : i32
        scf.if %cond3A_155 {
          %dma_wait3A_156 = arith.constant 0 : i32
          %dma_wait3A_157 = arith.constant 1 : i32
          %dma_wait3A_158 = arith.constant 1 : i32
          %dma_wait3A_159 = arith.constant 0 : i32
          %dma_wait3A_160 = arith.constant 0 : i32
          %dma_wait3A_161 = tpu.memref_slice %arg11[%dma_wait3A_157, %dma_wait3A_159, %dma_wait3A_160] : memref<2x2x128xi32, #tpu.memory_space<vmem>> -> memref<1x2x128xi32, #tpu.memory_space<vmem>>
          %dma_wait3A_162 = tpu.memref_squeeze %dma_wait3A_161 : memref<1x2x128xi32, #tpu.memory_space<vmem>> -> memref<2x128xi32, #tpu.memory_space<vmem>>
          %dma_wait3A_163 = arith.constant 0 : i32
          %dma_wait3A_164 = arith.constant 0 : i32
          %dma_wait3A_165 = tpu.memref_slice %arg4[%dma_wait3A_156, %dma_wait3A_163, %dma_wait3A_164] : memref<1250x2x128xi32, #tpu.memory_space<hbm>> -> memref<1x2x128xi32, #tpu.memory_space<hbm>>
          %dma_wait3A_166 = tpu.memref_squeeze %dma_wait3A_165 : memref<1x2x128xi32, #tpu.memory_space<hbm>> -> memref<2x128xi32, #tpu.memory_space<hbm>>
          %dma_wait3A_167 = tpu.memref_slice %arg12[%dma_wait3A_158] : memref<2x!tpu.dma_semaphore, #tpu.memory_space<semaphore_mem>> -> memref<1x!tpu.dma_semaphore, #tpu.memory_space<semaphore_mem>>
          %dma_wait3A_168 = tpu.memref_squeeze %dma_wait3A_167 : memref<1x!tpu.dma_semaphore, #tpu.memory_space<semaphore_mem>> -> memref<!tpu.dma_semaphore, #tpu.memory_space<semaphore_mem>>
          %dma_wait3A_169 = arith.constant 0 : i32
          %dma_wait3A_170 = arith.constant 0 : i32
          %dma_wait3A_171 = tpu.memref_slice %arg11[%dma_wait3A_157, %dma_wait3A_169, %dma_wait3A_170] : memref<2x2x128xi32, #tpu.memory_space<vmem>> -> memref<1x2x128xi32, #tpu.memory_space<vmem>>
          %dma_wait3A_172 = tpu.memref_squeeze %dma_wait3A_171 : memref<1x2x128xi32, #tpu.memory_space<vmem>> -> memref<2x128xi32, #tpu.memory_space<vmem>>
          %dma_wait3A_173 = arith.constant 0 : i32
          %dma_wait3A_174 = arith.constant 0 : i32
          %dma_wait3A_175 = tpu.memref_slice %arg4[%dma_wait3A_156, %dma_wait3A_173, %dma_wait3A_174] : memref<1250x2x128xi32, #tpu.memory_space<hbm>> -> memref<1x2x128xi32, #tpu.memory_space<hbm>>
          %dma_wait3A_176 = tpu.memref_squeeze %dma_wait3A_175 : memref<1x2x128xi32, #tpu.memory_space<hbm>> -> memref<2x128xi32, #tpu.memory_space<hbm>>
          tpu.wait_dma2 semaphore(%dma_wait3A_168 : memref<!tpu.dma_semaphore, #tpu.memory_space<semaphore_mem>>) src(%dma_wait3A_176 : memref<2x128xi32, #tpu.memory_space<hbm>>) dst(%dma_wait3A_172 : memref<2x128xi32, #tpu.memory_space<vmem>>)
          %add3A_177 = arith.constant 1 : i32
          %add3A_178 = arith.addi %add3A_88, %add3A_177 : i32
          %add3A_179 = arith.constant 1 : i32
          %add3A_180 = arith.addi %add3A_52, %add3A_179 : i32
          %ge3A_181 = arith.cmpi sge, %add3A_88, %add3A_180 : i32
          %convert_element_type3A_182 = arith.extui %ge3A_181 : i1 to i32
          %cond3A_183 = arith.constant 0 : i32
          %cond3A_184 = arith.cmpi ne, %convert_element_type3A_182, %cond3A_183 : i32
          scf.if %cond3A_184 {
            %dma_wait3A_211 = arith.constant 1 : i32
            %dma_wait3A_212 = arith.constant 1 : i32
            %dma_wait3A_213 = arith.constant 0 : i32
            %dma_wait3A_214 = arith.constant 0 : i32
            %dma_wait3A_215 = tpu.memref_slice %arg10[%dma_wait3A_211, %dma_wait3A_213, %dma_wait3A_214] : memref<2x256x64xf32, #tpu.memory_space<vmem>> -> memref<1x256x64xf32, #tpu.memory_space<vmem>>
            %dma_wait3A_216 = tpu.memref_squeeze %dma_wait3A_215 : memref<1x256x64xf32, #tpu.memory_space<vmem>> -> memref<256x64xf32, #tpu.memory_space<vmem>>
            %dma_wait3A_217 = arith.constant 0 : i32
            %dma_wait3A_218 = arith.constant 0 : i32
            %dma_wait3A_219 = tpu.memref_slice %arg8[%dma_wait3A_217, %dma_wait3A_218] : memref<160000x64xf32, #tpu.memory_space<hbm>> -> memref<256x64xf32, #tpu.memory_space<hbm>>
            %dma_wait3A_220 = tpu.memref_slice %arg13[%dma_wait3A_212] : memref<2x!tpu.dma_semaphore, #tpu.memory_space<semaphore_mem>> -> memref<1x!tpu.dma_semaphore, #tpu.memory_space<semaphore_mem>>
            %dma_wait3A_221 = tpu.memref_squeeze %dma_wait3A_220 : memref<1x!tpu.dma_semaphore, #tpu.memory_space<semaphore_mem>> -> memref<!tpu.dma_semaphore, #tpu.memory_space<semaphore_mem>>
            %dma_wait3A_222 = arith.constant 0 : i32
            %dma_wait3A_223 = arith.constant 0 : i32
            %dma_wait3A_224 = tpu.memref_slice %arg8[%dma_wait3A_222, %dma_wait3A_223] : memref<160000x64xf32, #tpu.memory_space<hbm>> -> memref<256x64xf32, #tpu.memory_space<hbm>>
            %dma_wait3A_225 = arith.constant 0 : i32
            %dma_wait3A_226 = arith.constant 0 : i32
            %dma_wait3A_227 = tpu.memref_slice %arg10[%dma_wait3A_211, %dma_wait3A_225, %dma_wait3A_226] : memref<2x256x64xf32, #tpu.memory_space<vmem>> -> memref<1x256x64xf32, #tpu.memory_space<vmem>>
            %dma_wait3A_228 = tpu.memref_squeeze %dma_wait3A_227 : memref<1x256x64xf32, #tpu.memory_space<vmem>> -> memref<256x64xf32, #tpu.memory_space<vmem>>
            tpu.wait_dma2 semaphore(%dma_wait3A_221 : memref<!tpu.dma_semaphore, #tpu.memory_space<semaphore_mem>>) src(%dma_wait3A_228 : memref<256x64xf32, #tpu.memory_space<vmem>>) dst(%dma_wait3A_224 : memref<256x64xf32, #tpu.memory_space<hbm>>)
          } else {
          }
          %run_scoped3A_185 = arith.constant 1 : i32
          %run_scoped3A_186 = arith.constant 0 : i32
          %run_scoped3A_187 = arith.constant 1 : i32
          "tpu.region"() ({
            %run_scoped3A_211 = tpu.sem_alloc : memref<!tpu.dma_semaphore, #tpu.memory_space<semaphore_mem>>
            %dma_start3A_212 = arith.constant 0 : i32
            %dma_start3A_213 = arith.constant 0 : i32
            %dma_start3A_214 = tpu.memref_slice %arg10[%run_scoped3A_187, %dma_start3A_212, %dma_start3A_213] : memref<2x256x64xf32, #tpu.memory_space<vmem>> -> memref<1x128x64xf32, #tpu.memory_space<vmem>>
            %dma_start3A_215 = tpu.memref_squeeze %dma_start3A_214 : memref<1x128x64xf32, #tpu.memory_space<vmem>> -> memref<128x64xf32, #tpu.memory_space<vmem>>
            %dma_start3A_216 = arith.constant 0 : i32
            %dma_start3A_217 = tpu.memref_slice %arg11[%run_scoped3A_185, %run_scoped3A_186, %dma_start3A_216] : memref<2x2x128xi32, #tpu.memory_space<vmem>> -> memref<1x1x128xi32, #tpu.memory_space<vmem>>
            %dma_start3A_218 = tpu.memref_squeeze %dma_start3A_217 : memref<1x1x128xi32, #tpu.memory_space<vmem>> -> memref<128xi32, #tpu.memory_space<vmem>>
            %dma_start3A_219 = arith.constant 0 : i32
            %dma_start3A_220 = arith.constant 0 : i32
            %dma_start3A_221 = tpu.memref_slice %arg9[%dma_start3A_219, %dma_start3A_220] : memref<10000x64xf32, #tpu.memory_space<vmem_shared>> -> memref<10000x64xf32, #tpu.memory_space<vmem_shared>>
            tpu.enqueue_indirect_dma source(%dma_start3A_221 : memref<10000x64xf32, #tpu.memory_space<vmem_shared>>) target(%dma_start3A_215 : memref<128x64xf32, #tpu.memory_space<vmem>>) offsets(%dma_start3A_218 : memref<128xi32, #tpu.memory_space<vmem>>) semaphore(%run_scoped3A_211 : memref<!tpu.dma_semaphore, #tpu.memory_space<semaphore_mem>>)
            %dma_wait3A_222 = arith.constant 0 : i32
            %dma_wait3A_223 = arith.constant 0 : i32
            %dma_wait3A_224 = tpu.memref_slice %arg10[%run_scoped3A_187, %dma_wait3A_222, %dma_wait3A_223] : memref<2x256x64xf32, #tpu.memory_space<vmem>> -> memref<1x128x64xf32, #tpu.memory_space<vmem>>
            %dma_wait3A_225 = tpu.memref_squeeze %dma_wait3A_224 : memref<1x128x64xf32, #tpu.memory_space<vmem>> -> memref<128x64xf32, #tpu.memory_space<vmem>>
            %dma_wait3A_226 = arith.constant 0 : i32
            %dma_wait3A_227 = tpu.memref_slice %arg11[%run_scoped3A_185, %run_scoped3A_186, %dma_wait3A_226] : memref<2x2x128xi32, #tpu.memory_space<vmem>> -> memref<1x1x128xi32, #tpu.memory_space<vmem>>
            %dma_wait3A_228 = tpu.memref_squeeze %dma_wait3A_227 : memref<1x1x128xi32, #tpu.memory_space<vmem>> -> memref<128xi32, #tpu.memory_space<vmem>>
            %dma_wait3A_229 = arith.constant 0 : i32
            %dma_wait3A_230 = arith.constant 0 : i32
            %dma_wait3A_231 = tpu.memref_slice %arg9[%dma_wait3A_229, %dma_wait3A_230] : memref<10000x64xf32, #tpu.memory_space<vmem_shared>> -> memref<10000x64xf32, #tpu.memory_space<vmem_shared>>
            tpu.wait_indirect_dma semaphore(%run_scoped3A_211 : memref<!tpu.dma_semaphore, #tpu.memory_space<semaphore_mem>>) src(%dma_wait3A_231 : memref<10000x64xf32, #tpu.memory_space<vmem_shared>>) dst(%dma_wait3A_225 : memref<128x64xf32, #tpu.memory_space<vmem>>)
            tpu.yield
          }) : () -> ()
          %run_scoped3A_188 = arith.constant 1 : i32
          %run_scoped3A_189 = arith.constant 1 : i32
          %run_scoped3A_190 = arith.constant 1 : i32
          "tpu.region"() ({
            %run_scoped3A_211 = tpu.sem_alloc : memref<!tpu.dma_semaphore, #tpu.memory_space<semaphore_mem>>
            %dma_start3A_212 = arith.constant 128 : i32
            %dma_start3A_213 = arith.constant 0 : i32
            %dma_start3A_214 = tpu.memref_slice %arg10[%run_scoped3A_190, %dma_start3A_212, %dma_start3A_213] : memref<2x256x64xf32, #tpu.memory_space<vmem>> -> memref<1x128x64xf32, #tpu.memory_space<vmem>>
            %dma_start3A_215 = tpu.memref_squeeze %dma_start3A_214 : memref<1x128x64xf32, #tpu.memory_space<vmem>> -> memref<128x64xf32, #tpu.memory_space<vmem>>
            %dma_start3A_216 = arith.constant 0 : i32
            %dma_start3A_217 = tpu.memref_slice %arg11[%run_scoped3A_188, %run_scoped3A_189, %dma_start3A_216] : memref<2x2x128xi32, #tpu.memory_space<vmem>> -> memref<1x1x128xi32, #tpu.memory_space<vmem>>
            %dma_start3A_218 = tpu.memref_squeeze %dma_start3A_217 : memref<1x1x128xi32, #tpu.memory_space<vmem>> -> memref<128xi32, #tpu.memory_space<vmem>>
            %dma_start3A_219 = arith.constant 0 : i32
            %dma_start3A_220 = arith.constant 0 : i32
            %dma_start3A_221 = tpu.memref_slice %arg9[%dma_start3A_219, %dma_start3A_220] : memref<10000x64xf32, #tpu.memory_space<vmem_shared>> -> memref<10000x64xf32, #tpu.memory_space<vmem_shared>>
            tpu.enqueue_indirect_dma source(%dma_start3A_221 : memref<10000x64xf32, #tpu.memory_space<vmem_shared>>) target(%dma_start3A_215 : memref<128x64xf32, #tpu.memory_space<vmem>>) offsets(%dma_start3A_218 : memref<128xi32, #tpu.memory_space<vmem>>) semaphore(%run_scoped3A_211 : memref<!tpu.dma_semaphore, #tpu.memory_space<semaphore_mem>>)
            %dma_wait3A_222 = arith.constant 128 : i32
            %dma_wait3A_223 = arith.constant 0 : i32
            %dma_wait3A_224 = tpu.memref_slice %arg10[%run_scoped3A_190, %dma_wait3A_222, %dma_wait3A_223] : memref<2x256x64xf32, #tpu.memory_space<vmem>> -> memref<1x128x64xf32, #tpu.memory_space<vmem>>
            %dma_wait3A_225 = tpu.memref_squeeze %dma_wait3A_224 : memref<1x128x64xf32, #tpu.memory_space<vmem>> -> memref<128x64xf32, #tpu.memory_space<vmem>>
            %dma_wait3A_226 = arith.constant 0 : i32
            %dma_wait3A_227 = tpu.memref_slice %arg11[%run_scoped3A_188, %run_scoped3A_189, %dma_wait3A_226] : memref<2x2x128xi32, #tpu.memory_space<vmem>> -> memref<1x1x128xi32, #tpu.memory_space<vmem>>
            %dma_wait3A_228 = tpu.memref_squeeze %dma_wait3A_227 : memref<1x1x128xi32, #tpu.memory_space<vmem>> -> memref<128xi32, #tpu.memory_space<vmem>>
            %dma_wait3A_229 = arith.constant 0 : i32
            %dma_wait3A_230 = arith.constant 0 : i32
            %dma_wait3A_231 = tpu.memref_slice %arg9[%dma_wait3A_229, %dma_wait3A_230] : memref<10000x64xf32, #tpu.memory_space<vmem_shared>> -> memref<10000x64xf32, #tpu.memory_space<vmem_shared>>
            tpu.wait_indirect_dma semaphore(%run_scoped3A_211 : memref<!tpu.dma_semaphore, #tpu.memory_space<semaphore_mem>>) src(%dma_wait3A_231 : memref<10000x64xf32, #tpu.memory_space<vmem_shared>>) dst(%dma_wait3A_225 : memref<128x64xf32, #tpu.memory_space<vmem>>)
            tpu.yield
          }) : () -> ()
          %sub3A_191 = arith.constant 625 : i32
          %sub3A_192 = arith.subi %add3A_178, %sub3A_191 : i32
          %mul3A_193 = arith.constant 256 : i32
          %mul3A_194 = arith.muli %sub3A_192, %mul3A_193 : i32
          %dma_start3A_195 = arith.constant 1 : i32
          %dma_start3A_196 = arith.constant 1 : i32
          %dma_start3A_197 = arith.constant 0 : i32
          %dma_start3A_198 = arith.constant 0 : i32
          %dma_start3A_199 = tpu.memref_slice %arg10[%dma_start3A_195, %dma_start3A_197, %dma_start3A_198] : memref<2x256x64xf32, #tpu.memory_space<vmem>> -> memref<1x256x64xf32, #tpu.memory_space<vmem>>
          %dma_start3A_200 = tpu.memref_squeeze %dma_start3A_199 : memref<1x256x64xf32, #tpu.memory_space<vmem>> -> memref<256x64xf32, #tpu.memory_space<vmem>>
          %dma_start3A_201 = arith.constant 0 : i32
          %dma_start3A_202 = tpu.memref_slice %arg8[%mul3A_194, %dma_start3A_201] : memref<160000x64xf32, #tpu.memory_space<hbm>> -> memref<256x64xf32, #tpu.memory_space<hbm>>
          %dma_start3A_203 = tpu.memref_slice %arg13[%dma_start3A_196] : memref<2x!tpu.dma_semaphore, #tpu.memory_space<semaphore_mem>> -> memref<1x!tpu.dma_semaphore, #tpu.memory_space<semaphore_mem>>
          %dma_start3A_204 = tpu.memref_squeeze %dma_start3A_203 : memref<1x!tpu.dma_semaphore, #tpu.memory_space<semaphore_mem>> -> memref<!tpu.dma_semaphore, #tpu.memory_space<semaphore_mem>>
          %dma_start3A_205 = arith.constant 0 : i32
          %dma_start3A_206 = tpu.memref_slice %arg8[%mul3A_194, %dma_start3A_205] : memref<160000x64xf32, #tpu.memory_space<hbm>> -> memref<256x64xf32, #tpu.memory_space<hbm>>
          %dma_start3A_207 = arith.constant 0 : i32
          %dma_start3A_208 = arith.constant 0 : i32
          %dma_start3A_209 = tpu.memref_slice %arg10[%dma_start3A_195, %dma_start3A_207, %dma_start3A_208] : memref<2x256x64xf32, #tpu.memory_space<vmem>> -> memref<1x256x64xf32, #tpu.memory_space<vmem>>
          %dma_start3A_210 = tpu.memref_squeeze %dma_start3A_209 : memref<1x256x64xf32, #tpu.memory_space<vmem>> -> memref<256x64xf32, #tpu.memory_space<vmem>>
          tpu.enqueue_dma source(%dma_start3A_210 : memref<256x64xf32, #tpu.memory_space<vmem>>) target(%dma_start3A_206 : memref<256x64xf32, #tpu.memory_space<hbm>>) target_semaphore(%dma_start3A_204 : memref<!tpu.dma_semaphore, #tpu.memory_space<semaphore_mem>>)
        } else {
        }
      }
      %while3A_75 = arith.constant 1 : i32
      scf.for %while3A_86 = %while3A_73 to %while3A_69 step %while3A_75  : i32 {
        %mul3A_87 = arith.muli %while3A_86, %while3A_66 : i32
        %add3A_88 = arith.addi %add3A_52, %mul3A_87 : i32
        %add3A_89 = arith.constant 1 : i32
        %add3A_90 = arith.addi %add3A_88, %add3A_89 : i32
        %lt3A_91 = arith.cmpi slt, %add3A_90, %add3A_54 : i32
        %convert_element_type3A_92 = arith.extui %lt3A_91 : i1 to i32
        %cond3A_93 = arith.constant 0 : i32
        %cond3A_94 = arith.cmpi ne, %convert_element_type3A_92, %cond3A_93 : i32
        scf.if %cond3A_94 {
          %add3A_156 = arith.constant 1 : i32
          %add3A_157 = arith.addi %add3A_88, %add3A_156 : i32
          %dma_start3A_158 = arith.constant 1 : i32
          %dma_start3A_159 = arith.constant 1 : i32
          %dma_start3A_160 = arith.constant 0 : i32
          %dma_start3A_161 = arith.constant 0 : i32
          %dma_start3A_162 = tpu.memref_slice %arg11[%dma_start3A_158, %dma_start3A_160, %dma_start3A_161] : memref<2x2x128xi32, #tpu.memory_space<vmem>> -> memref<1x2x128xi32, #tpu.memory_space<vmem>>
          %dma_start3A_163 = tpu.memref_squeeze %dma_start3A_162 : memref<1x2x128xi32, #tpu.memory_space<vmem>> -> memref<2x128xi32, #tpu.memory_space<vmem>>
          %dma_start3A_164 = arith.constant 0 : i32
          %dma_start3A_165 = arith.constant 0 : i32
          %dma_start3A_166 = tpu.memref_slice %arg4[%add3A_157, %dma_start3A_164, %dma_start3A_165] : memref<1250x2x128xi32, #tpu.memory_space<hbm>> -> memref<1x2x128xi32, #tpu.memory_space<hbm>>
          %dma_start3A_167 = tpu.memref_squeeze %dma_start3A_166 : memref<1x2x128xi32, #tpu.memory_space<hbm>> -> memref<2x128xi32, #tpu.memory_space<hbm>>
          %dma_start3A_168 = tpu.memref_slice %arg12[%dma_start3A_159] : memref<2x!tpu.dma_semaphore, #tpu.memory_space<semaphore_mem>> -> memref<1x!tpu.dma_semaphore, #tpu.memory_space<semaphore_mem>>
          %dma_start3A_169 = tpu.memref_squeeze %dma_start3A_168 : memref<1x!tpu.dma_semaphore, #tpu.memory_space<semaphore_mem>> -> memref<!tpu.dma_semaphore, #tpu.memory_space<semaphore_mem>>
          %dma_start3A_170 = arith.constant 0 : i32
          %dma_start3A_171 = arith.constant 0 : i32
          %dma_start3A_172 = tpu.memref_slice %arg11[%dma_start3A_158, %dma_start3A_170, %dma_start3A_171] : memref<2x2x128xi32, #tpu.memory_space<vmem>> -> memref<1x2x128xi32, #tpu.memory_space<vmem>>
          %dma_start3A_173 = tpu.memref_squeeze %dma_start3A_172 : memref<1x2x128xi32, #tpu.memory_space<vmem>> -> memref<2x128xi32, #tpu.memory_space<vmem>>
          %dma_start3A_174 = arith.constant 0 : i32
          %dma_start3A_175 = arith.constant 0 : i32
          %dma_start3A_176 = tpu.memref_slice %arg4[%add3A_157, %dma_start3A_174, %dma_start3A_175] : memref<1250x2x128xi32, #tpu.memory_space<hbm>> -> memref<1x2x128xi32, #tpu.memory_space<hbm>>
          %dma_start3A_177 = tpu.memref_squeeze %dma_start3A_176 : memref<1x2x128xi32, #tpu.memory_space<hbm>> -> memref<2x128xi32, #tpu.memory_space<hbm>>
          tpu.enqueue_dma source(%dma_start3A_177 : memref<2x128xi32, #tpu.memory_space<hbm>>) target(%dma_start3A_173 : memref<2x128xi32, #tpu.memory_space<vmem>>) target_semaphore(%dma_start3A_169 : memref<!tpu.dma_semaphore, #tpu.memory_space<semaphore_mem>>)
        } else {
        }
        %dma_wait3A = arith.constant 0 : i32
        %dma_wait3A_95 = arith.constant 0 : i32
        %dma_wait3A_96 = arith.constant 0 : i32
        %dma_wait3A_97 = arith.constant 0 : i32
        %dma_wait3A_98 = arith.constant 0 : i32
        %dma_wait3A_99 = tpu.memref_slice %arg11[%dma_wait3A_95, %dma_wait3A_97, %dma_wait3A_98] : memref<2x2x128xi32, #tpu.memory_space<vmem>> -> memref<1x2x128xi32, #tpu.memory_space<vmem>>
        %dma_wait3A_100 = tpu.memref_squeeze %dma_wait3A_99 : memref<1x2x128xi32, #tpu.memory_space<vmem>> -> memref<2x128xi32, #tpu.memory_space<vmem>>
        %dma_wait3A_101 = arith.constant 0 : i32
        %dma_wait3A_102 = arith.constant 0 : i32
        %dma_wait3A_103 = tpu.memref_slice %arg4[%dma_wait3A, %dma_wait3A_101, %dma_wait3A_102] : memref<1250x2x128xi32, #tpu.memory_space<hbm>> -> memref<1x2x128xi32, #tpu.memory_space<hbm>>
        %dma_wait3A_104 = tpu.memref_squeeze %dma_wait3A_103 : memref<1x2x128xi32, #tpu.memory_space<hbm>> -> memref<2x128xi32, #tpu.memory_space<hbm>>
        %dma_wait3A_105 = tpu.memref_slice %arg12[%dma_wait3A_96] : memref<2x!tpu.dma_semaphore, #tpu.memory_space<semaphore_mem>> -> memref<1x!tpu.dma_semaphore, #tpu.memory_space<semaphore_mem>>
        %dma_wait3A_106 = tpu.memref_squeeze %dma_wait3A_105 : memref<1x!tpu.dma_semaphore, #tpu.memory_space<semaphore_mem>> -> memref<!tpu.dma_semaphore, #tpu.memory_space<semaphore_mem>>
        %dma_wait3A_107 = arith.constant 0 : i32
        %dma_wait3A_108 = arith.constant 0 : i32
        %dma_wait3A_109 = tpu.memref_slice %arg11[%dma_wait3A_95, %dma_wait3A_107, %dma_wait3A_108] : memref<2x2x128xi32, #tpu.memory_space<vmem>> -> memref<1x2x128xi32, #tpu.memory_space<vmem>>
        %dma_wait3A_110 = tpu.memref_squeeze %dma_wait3A_109 : memref<1x2x128xi32, #tpu.memory_space<vmem>> -> memref<2x128xi32, #tpu.memory_space<vmem>>
        %dma_wait3A_111 = arith.constant 0 : i32
        %dma_wait3A_112 = arith.constant 0 : i32
        %dma_wait3A_113 = tpu.memref_slice %arg4[%dma_wait3A, %dma_wait3A_111, %dma_wait3A_112] : memref<1250x2x128xi32, #tpu.memory_space<hbm>> -> memref<1x2x128xi32, #tpu.memory_space<hbm>>
        %dma_wait3A_114 = tpu.memref_squeeze %dma_wait3A_113 : memref<1x2x128xi32, #tpu.memory_space<hbm>> -> memref<2x128xi32, #tpu.memory_space<hbm>>
        tpu.wait_dma2 semaphore(%dma_wait3A_106 : memref<!tpu.dma_semaphore, #tpu.memory_space<semaphore_mem>>) src(%dma_wait3A_114 : memref<2x128xi32, #tpu.memory_space<hbm>>) dst(%dma_wait3A_110 : memref<2x128xi32, #tpu.memory_space<vmem>>)
        %add3A_115 = arith.constant 2 : i32
        %add3A_116 = arith.addi %add3A_52, %add3A_115 : i32
        %ge3A = arith.cmpi sge, %add3A_88, %add3A_116 : i32
        %convert_element_type3A_117 = arith.extui %ge3A : i1 to i32
        %cond3A_118 = arith.constant 0 : i32
        %cond3A_119 = arith.cmpi ne, %convert_element_type3A_117, %cond3A_118 : i32
        scf.if %cond3A_119 {
          %dma_wait3A_156 = arith.constant 0 : i32
          %dma_wait3A_157 = arith.constant 0 : i32
          %dma_wait3A_158 = arith.constant 0 : i32
          %dma_wait3A_159 = arith.constant 0 : i32
          %dma_wait3A_160 = tpu.memref_slice %arg10[%dma_wait3A_156, %dma_wait3A_158, %dma_wait3A_159] : memref<2x256x64xf32, #tpu.memory_space<vmem>> -> memref<1x256x64xf32, #tpu.memory_space<vmem>>
          %dma_wait3A_161 = tpu.memref_squeeze %dma_wait3A_160 : memref<1x256x64xf32, #tpu.memory_space<vmem>> -> memref<256x64xf32, #tpu.memory_space<vmem>>
          %dma_wait3A_162 = arith.constant 0 : i32
          %dma_wait3A_163 = arith.constant 0 : i32
          %dma_wait3A_164 = tpu.memref_slice %arg8[%dma_wait3A_162, %dma_wait3A_163] : memref<160000x64xf32, #tpu.memory_space<hbm>> -> memref<256x64xf32, #tpu.memory_space<hbm>>
          %dma_wait3A_165 = tpu.memref_slice %arg13[%dma_wait3A_157] : memref<2x!tpu.dma_semaphore, #tpu.memory_space<semaphore_mem>> -> memref<1x!tpu.dma_semaphore, #tpu.memory_space<semaphore_mem>>
          %dma_wait3A_166 = tpu.memref_squeeze %dma_wait3A_165 : memref<1x!tpu.dma_semaphore, #tpu.memory_space<semaphore_mem>> -> memref<!tpu.dma_semaphore, #tpu.memory_space<semaphore_mem>>
          %dma_wait3A_167 = arith.constant 0 : i32
          %dma_wait3A_168 = arith.constant 0 : i32
          %dma_wait3A_169 = tpu.memref_slice %arg8[%dma_wait3A_167, %dma_wait3A_168] : memref<160000x64xf32, #tpu.memory_space<hbm>> -> memref<256x64xf32, #tpu.memory_space<hbm>>
          %dma_wait3A_170 = arith.constant 0 : i32
          %dma_wait3A_171 = arith.constant 0 : i32
          %dma_wait3A_172 = tpu.memref_slice %arg10[%dma_wait3A_156, %dma_wait3A_170, %dma_wait3A_171] : memref<2x256x64xf32, #tpu.memory_space<vmem>> -> memref<1x256x64xf32, #tpu.memory_space<vmem>>
          %dma_wait3A_173 = tpu.memref_squeeze %dma_wait3A_172 : memref<1x256x64xf32, #tpu.memory_space<vmem>> -> memref<256x64xf32, #tpu.memory_space<vmem>>
          tpu.wait_dma2 semaphore(%dma_wait3A_166 : memref<!tpu.dma_semaphore, #tpu.memory_space<semaphore_mem>>) src(%dma_wait3A_173 : memref<256x64xf32, #tpu.memory_space<vmem>>) dst(%dma_wait3A_169 : memref<256x64xf32, #tpu.memory_space<hbm>>)
        } else {
        }
        %run_scoped3A = arith.constant 0 : i32
        %run_scoped3A_120 = arith.constant 0 : i32
        %run_scoped3A_121 = arith.constant 0 : i32
        "tpu.region"() ({
          %run_scoped3A_156 = tpu.sem_alloc : memref<!tpu.dma_semaphore, #tpu.memory_space<semaphore_mem>>
          %dma_start3A_157 = arith.constant 0 : i32
          %dma_start3A_158 = arith.constant 0 : i32
          %dma_start3A_159 = tpu.memref_slice %arg10[%run_scoped3A_121, %dma_start3A_157, %dma_start3A_158] : memref<2x256x64xf32, #tpu.memory_space<vmem>> -> memref<1x128x64xf32, #tpu.memory_space<vmem>>
          %dma_start3A_160 = tpu.memref_squeeze %dma_start3A_159 : memref<1x128x64xf32, #tpu.memory_space<vmem>> -> memref<128x64xf32, #tpu.memory_space<vmem>>
          %dma_start3A_161 = arith.constant 0 : i32
          %dma_start3A_162 = tpu.memref_slice %arg11[%run_scoped3A, %run_scoped3A_120, %dma_start3A_161] : memref<2x2x128xi32, #tpu.memory_space<vmem>> -> memref<1x1x128xi32, #tpu.memory_space<vmem>>
          %dma_start3A_163 = tpu.memref_squeeze %dma_start3A_162 : memref<1x1x128xi32, #tpu.memory_space<vmem>> -> memref<128xi32, #tpu.memory_space<vmem>>
          %dma_start3A_164 = arith.constant 0 : i32
          %dma_start3A_165 = arith.constant 0 : i32
          %dma_start3A_166 = tpu.memref_slice %arg9[%dma_start3A_164, %dma_start3A_165] : memref<10000x64xf32, #tpu.memory_space<vmem_shared>> -> memref<10000x64xf32, #tpu.memory_space<vmem_shared>>
          tpu.enqueue_indirect_dma source(%dma_start3A_166 : memref<10000x64xf32, #tpu.memory_space<vmem_shared>>) target(%dma_start3A_160 : memref<128x64xf32, #tpu.memory_space<vmem>>) offsets(%dma_start3A_163 : memref<128xi32, #tpu.memory_space<vmem>>) semaphore(%run_scoped3A_156 : memref<!tpu.dma_semaphore, #tpu.memory_space<semaphore_mem>>)
          %dma_wait3A_167 = arith.constant 0 : i32
          %dma_wait3A_168 = arith.constant 0 : i32
          %dma_wait3A_169 = tpu.memref_slice %arg10[%run_scoped3A_121, %dma_wait3A_167, %dma_wait3A_168] : memref<2x256x64xf32, #tpu.memory_space<vmem>> -> memref<1x128x64xf32, #tpu.memory_space<vmem>>
          %dma_wait3A_170 = tpu.memref_squeeze %dma_wait3A_169 : memref<1x128x64xf32, #tpu.memory_space<vmem>> -> memref<128x64xf32, #tpu.memory_space<vmem>>
          %dma_wait3A_171 = arith.constant 0 : i32
          %dma_wait3A_172 = tpu.memref_slice %arg11[%run_scoped3A, %run_scoped3A_120, %dma_wait3A_171] : memref<2x2x128xi32, #tpu.memory_space<vmem>> -> memref<1x1x128xi32, #tpu.memory_space<vmem>>
          %dma_wait3A_173 = tpu.memref_squeeze %dma_wait3A_172 : memref<1x1x128xi32, #tpu.memory_space<vmem>> -> memref<128xi32, #tpu.memory_space<vmem>>
          %dma_wait3A_174 = arith.constant 0 : i32
          %dma_wait3A_175 = arith.constant 0 : i32
          %dma_wait3A_176 = tpu.memref_slice %arg9[%dma_wait3A_174, %dma_wait3A_175] : memref<10000x64xf32, #tpu.memory_space<vmem_shared>> -> memref<10000x64xf32, #tpu.memory_space<vmem_shared>>
          tpu.wait_indirect_dma semaphore(%run_scoped3A_156 : memref<!tpu.dma_semaphore, #tpu.memory_space<semaphore_mem>>) src(%dma_wait3A_176 : memref<10000x64xf32, #tpu.memory_space<vmem_shared>>) dst(%dma_wait3A_170 : memref<128x64xf32, #tpu.memory_space<vmem>>)
          tpu.yield
        }) : () -> ()
        %run_scoped3A_122 = arith.constant 0 : i32
        %run_scoped3A_123 = arith.constant 1 : i32
        %run_scoped3A_124 = arith.constant 0 : i32
        "tpu.region"() ({
          %run_scoped3A_156 = tpu.sem_alloc : memref<!tpu.dma_semaphore, #tpu.memory_space<semaphore_mem>>
          %dma_start3A_157 = arith.constant 128 : i32
          %dma_start3A_158 = arith.constant 0 : i32
          %dma_start3A_159 = tpu.memref_slice %arg10[%run_scoped3A_124, %dma_start3A_157, %dma_start3A_158] : memref<2x256x64xf32, #tpu.memory_space<vmem>> -> memref<1x128x64xf32, #tpu.memory_space<vmem>>
          %dma_start3A_160 = tpu.memref_squeeze %dma_start3A_159 : memref<1x128x64xf32, #tpu.memory_space<vmem>> -> memref<128x64xf32, #tpu.memory_space<vmem>>
          %dma_start3A_161 = arith.constant 0 : i32
          %dma_start3A_162 = tpu.memref_slice %arg11[%run_scoped3A_122, %run_scoped3A_123, %dma_start3A_161] : memref<2x2x128xi32, #tpu.memory_space<vmem>> -> memref<1x1x128xi32, #tpu.memory_space<vmem>>
          %dma_start3A_163 = tpu.memref_squeeze %dma_start3A_162 : memref<1x1x128xi32, #tpu.memory_space<vmem>> -> memref<128xi32, #tpu.memory_space<vmem>>
          %dma_start3A_164 = arith.constant 0 : i32
          %dma_start3A_165 = arith.constant 0 : i32
          %dma_start3A_166 = tpu.memref_slice %arg9[%dma_start3A_164, %dma_start3A_165] : memref<10000x64xf32, #tpu.memory_space<vmem_shared>> -> memref<10000x64xf32, #tpu.memory_space<vmem_shared>>
          tpu.enqueue_indirect_dma source(%dma_start3A_166 : memref<10000x64xf32, #tpu.memory_space<vmem_shared>>) target(%dma_start3A_160 : memref<128x64xf32, #tpu.memory_space<vmem>>) offsets(%dma_start3A_163 : memref<128xi32, #tpu.memory_space<vmem>>) semaphore(%run_scoped3A_156 : memref<!tpu.dma_semaphore, #tpu.memory_space<semaphore_mem>>)
          %dma_wait3A_167 = arith.constant 128 : i32
          %dma_wait3A_168 = arith.constant 0 : i32
          %dma_wait3A_169 = tpu.memref_slice %arg10[%run_scoped3A_124, %dma_wait3A_167, %dma_wait3A_168] : memref<2x256x64xf32, #tpu.memory_space<vmem>> -> memref<1x128x64xf32, #tpu.memory_space<vmem>>
          %dma_wait3A_170 = tpu.memref_squeeze %dma_wait3A_169 : memref<1x128x64xf32, #tpu.memory_space<vmem>> -> memref<128x64xf32, #tpu.memory_space<vmem>>
          %dma_wait3A_171 = arith.constant 0 : i32
          %dma_wait3A_172 = tpu.memref_slice %arg11[%run_scoped3A_122, %run_scoped3A_123, %dma_wait3A_171] : memref<2x2x128xi32, #tpu.memory_space<vmem>> -> memref<1x1x128xi32, #tpu.memory_space<vmem>>
          %dma_wait3A_173 = tpu.memref_squeeze %dma_wait3A_172 : memref<1x1x128xi32, #tpu.memory_space<vmem>> -> memref<128xi32, #tpu.memory_space<vmem>>
          %dma_wait3A_174 = arith.constant 0 : i32
          %dma_wait3A_175 = arith.constant 0 : i32
          %dma_wait3A_176 = tpu.memref_slice %arg9[%dma_wait3A_174, %dma_wait3A_175] : memref<10000x64xf32, #tpu.memory_space<vmem_shared>> -> memref<10000x64xf32, #tpu.memory_space<vmem_shared>>
          tpu.wait_indirect_dma semaphore(%run_scoped3A_156 : memref<!tpu.dma_semaphore, #tpu.memory_space<semaphore_mem>>) src(%dma_wait3A_176 : memref<10000x64xf32, #tpu.memory_space<vmem_shared>>) dst(%dma_wait3A_170 : memref<128x64xf32, #tpu.memory_space<vmem>>)
          tpu.yield
        }) : () -> ()
        %sub3A_125 = arith.constant 625 : i32
        %sub3A_126 = arith.subi %add3A_88, %sub3A_125 : i32
        %mul3A_127 = arith.constant 256 : i32
        %mul3A_128 = arith.muli %sub3A_126, %mul3A_127 : i32
        %dma_start3A = arith.constant 0 : i32
        %dma_start3A_129 = arith.constant 0 : i32
        %dma_start3A_130 = arith.constant 0 : i32
        %dma_start3A_131 = arith.constant 0 : i32
        %dma_start3A_132 = tpu.memref_slice %arg10[%dma_start3A, %dma_start3A_130, %dma_start3A_131] : memref<2x256x64xf32, #tpu.memory_space<vmem>> -> memref<1x256x64xf32, #tpu.memory_space<vmem>>
        %dma_start3A_133 = tpu.memref_squeeze %dma_start3A_132 : memref<1x256x64xf32, #tpu.memory_space<vmem>> -> memref<256x64xf32, #tpu.memory_space<vmem>>
        %dma_start3A_134 = arith.constant 0 : i32
        %dma_start3A_135 = tpu.memref_slice %arg8[%mul3A_128, %dma_start3A_134] : memref<160000x64xf32, #tpu.memory_space<hbm>> -> memref<256x64xf32, #tpu.memory_space<hbm>>
        %dma_start3A_136 = tpu.memref_slice %arg13[%dma_start3A_129] : memref<2x!tpu.dma_semaphore, #tpu.memory_space<semaphore_mem>> -> memref<1x!tpu.dma_semaphore, #tpu.memory_space<semaphore_mem>>
        %dma_start3A_137 = tpu.memref_squeeze %dma_start3A_136 : memref<1x!tpu.dma_semaphore, #tpu.memory_space<semaphore_mem>> -> memref<!tpu.dma_semaphore, #tpu.memory_space<semaphore_mem>>
        %dma_start3A_138 = arith.constant 0 : i32
        %dma_start3A_139 = tpu.memref_slice %arg8[%mul3A_128, %dma_start3A_138] : memref<160000x64xf32, #tpu.memory_space<hbm>> -> memref<256x64xf32, #tpu.memory_space<hbm>>
        %dma_start3A_140 = arith.constant 0 : i32
        %dma_start3A_141 = arith.constant 0 : i32
        %dma_start3A_142 = tpu.memref_slice %arg10[%dma_start3A, %dma_start3A_140, %dma_start3A_141] : memref<2x256x64xf32, #tpu.memory_space<vmem>> -> memref<1x256x64xf32, #tpu.memory_space<vmem>>
        %dma_start3A_143 = tpu.memref_squeeze %dma_start3A_142 : memref<1x256x64xf32, #tpu.memory_space<vmem>> -> memref<256x64xf32, #tpu.memory_space<vmem>>
        tpu.enqueue_dma source(%dma_start3A_143 : memref<256x64xf32, #tpu.memory_space<vmem>>) target(%dma_start3A_139 : memref<256x64xf32, #tpu.memory_space<hbm>>) target_semaphore(%dma_start3A_137 : memref<!tpu.dma_semaphore, #tpu.memory_space<semaphore_mem>>)
        %add3A_144 = arith.constant 2 : i32
        %add3A_145 = arith.addi %add3A_88, %add3A_144 : i32
        %lt3A_146 = arith.cmpi slt, %add3A_145, %add3A_54 : i32
        %convert_element_type3A_147 = arith.extui %lt3A_146 : i1 to i32
        %cond3A_148 = arith.constant 0 : i32
        %cond3A_149 = arith.cmpi ne, %convert_element_type3A_147, %cond3A_148 : i32
        scf.if %cond3A_149 {
          %add3A_156 = arith.constant 2 : i32
          %add3A_157 = arith.addi %add3A_88, %add3A_156 : i32
          %dma_start3A_158 = arith.constant 0 : i32
          %dma_start3A_159 = arith.constant 0 : i32
          %dma_start3A_160 = arith.constant 0 : i32
          %dma_start3A_161 = arith.constant 0 : i32
          %dma_start3A_162 = tpu.memref_slice %arg11[%dma_start3A_158, %dma_start3A_160, %dma_start3A_161] : memref<2x2x128xi32, #tpu.memory_space<vmem>> -> memref<1x2x128xi32, #tpu.memory_space<vmem>>
          %dma_start3A_163 = tpu.memref_squeeze %dma_start3A_162 : memref<1x2x128xi32, #tpu.memory_space<vmem>> -> memref<2x128xi32, #tpu.memory_space<vmem>>
          %dma_start3A_164 = arith.constant 0 : i32
          %dma_start3A_165 = arith.constant 0 : i32
          %dma_start3A_166 = tpu.memref_slice %arg4[%add3A_157, %dma_start3A_164, %dma_start3A_165] : memref<1250x2x128xi32, #tpu.memory_space<hbm>> -> memref<1x2x128xi32, #tpu.memory_space<hbm>>
          %dma_start3A_167 = tpu.memref_squeeze %dma_start3A_166 : memref<1x2x128xi32, #tpu.memory_space<hbm>> -> memref<2x128xi32, #tpu.memory_space<hbm>>
          %dma_start3A_168 = tpu.memref_slice %arg12[%dma_start3A_159] : memref<2x!tpu.dma_semaphore, #tpu.memory_space<semaphore_mem>> -> memref<1x!tpu.dma_semaphore, #tpu.memory_space<semaphore_mem>>
          %dma_start3A_169 = tpu.memref_squeeze %dma_start3A_168 : memref<1x!tpu.dma_semaphore, #tpu.memory_space<semaphore_mem>> -> memref<!tpu.dma_semaphore, #tpu.memory_space<semaphore_mem>>
          %dma_start3A_170 = arith.constant 0 : i32
          %dma_start3A_171 = arith.constant 0 : i32
          %dma_start3A_172 = tpu.memref_slice %arg11[%dma_start3A_158, %dma_start3A_170, %dma_start3A_171] : memref<2x2x128xi32, #tpu.memory_space<vmem>> -> memref<1x2x128xi32, #tpu.memory_space<vmem>>
          %dma_start3A_173 = tpu.memref_squeeze %dma_start3A_172 : memref<1x2x128xi32, #tpu.memory_space<vmem>> -> memref<2x128xi32, #tpu.memory_space<vmem>>
          %dma_start3A_174 = arith.constant 0 : i32
          %dma_start3A_175 = arith.constant 0 : i32
          %dma_start3A_176 = tpu.memref_slice %arg4[%add3A_157, %dma_start3A_174, %dma_start3A_175] : memref<1250x2x128xi32, #tpu.memory_space<hbm>> -> memref<1x2x128xi32, #tpu.memory_space<hbm>>
          %dma_start3A_177 = tpu.memref_squeeze %dma_start3A_176 : memref<1x2x128xi32, #tpu.memory_space<hbm>> -> memref<2x128xi32, #tpu.memory_space<hbm>>
          tpu.enqueue_dma source(%dma_start3A_177 : memref<2x128xi32, #tpu.memory_space<hbm>>) target(%dma_start3A_173 : memref<2x128xi32, #tpu.memory_space<vmem>>) target_semaphore(%dma_start3A_169 : memref<!tpu.dma_semaphore, #tpu.memory_space<semaphore_mem>>)
        } else {
        }
        %add3A_150 = arith.constant 1 : i32
        %add3A_151 = arith.addi %add3A_88, %add3A_150 : i32
        %lt3A_152 = arith.cmpi slt, %add3A_151, %add3A_54 : i32
        %convert_element_type3A_153 = arith.extui %lt3A_152 : i1 to i32
        %cond3A_154 = arith.constant 0 : i32
        %cond3A_155 = arith.cmpi ne, %convert_element_type3A_153, %cond3A_154 : i32
        scf.if %cond3A_155 {
          %dma_wait3A_156 = arith.constant 0 : i32
          %dma_wait3A_157 = arith.constant 1 : i32
          %dma_wait3A_158 = arith.constant 1 : i32
          %dma_wait3A_159 = arith.constant 0 : i32
          %dma_wait3A_160 = arith.constant 0 : i32
          %dma_wait3A_161 = tpu.memref_slice %arg11[%dma_wait3A_157, %dma_wait3A_159, %dma_wait3A_160] : memref<2x2x128xi32, #tpu.memory_space<vmem>> -> memref<1x2x128xi32, #tpu.memory_space<vmem>>
          %dma_wait3A_162 = tpu.memref_squeeze %dma_wait3A_161 : memref<1x2x128xi32, #tpu.memory_space<vmem>> -> memref<2x128xi32, #tpu.memory_space<vmem>>
          %dma_wait3A_163 = arith.constant 0 : i32
          %dma_wait3A_164 = arith.constant 0 : i32
          %dma_wait3A_165 = tpu.memref_slice %arg4[%dma_wait3A_156, %dma_wait3A_163, %dma_wait3A_164] : memref<1250x2x128xi32, #tpu.memory_space<hbm>> -> memref<1x2x128xi32, #tpu.memory_space<hbm>>
          %dma_wait3A_166 = tpu.memref_squeeze %dma_wait3A_165 : memref<1x2x128xi32, #tpu.memory_space<hbm>> -> memref<2x128xi32, #tpu.memory_space<hbm>>
          %dma_wait3A_167 = tpu.memref_slice %arg12[%dma_wait3A_158] : memref<2x!tpu.dma_semaphore, #tpu.memory_space<semaphore_mem>> -> memref<1x!tpu.dma_semaphore, #tpu.memory_space<semaphore_mem>>
          %dma_wait3A_168 = tpu.memref_squeeze %dma_wait3A_167 : memref<1x!tpu.dma_semaphore, #tpu.memory_space<semaphore_mem>> -> memref<!tpu.dma_semaphore, #tpu.memory_space<semaphore_mem>>
          %dma_wait3A_169 = arith.constant 0 : i32
          %dma_wait3A_170 = arith.constant 0 : i32
          %dma_wait3A_171 = tpu.memref_slice %arg11[%dma_wait3A_157, %dma_wait3A_169, %dma_wait3A_170] : memref<2x2x128xi32, #tpu.memory_space<vmem>> -> memref<1x2x128xi32, #tpu.memory_space<vmem>>
          %dma_wait3A_172 = tpu.memref_squeeze %dma_wait3A_171 : memref<1x2x128xi32, #tpu.memory_space<vmem>> -> memref<2x128xi32, #tpu.memory_space<vmem>>
          %dma_wait3A_173 = arith.constant 0 : i32
          %dma_wait3A_174 = arith.constant 0 : i32
          %dma_wait3A_175 = tpu.memref_slice %arg4[%dma_wait3A_156, %dma_wait3A_173, %dma_wait3A_174] : memref<1250x2x128xi32, #tpu.memory_space<hbm>> -> memref<1x2x128xi32, #tpu.memory_space<hbm>>
          %dma_wait3A_176 = tpu.memref_squeeze %dma_wait3A_175 : memref<1x2x128xi32, #tpu.memory_space<hbm>> -> memref<2x128xi32, #tpu.memory_space<hbm>>
          tpu.wait_dma2 semaphore(%dma_wait3A_168 : memref<!tpu.dma_semaphore, #tpu.memory_space<semaphore_mem>>) src(%dma_wait3A_176 : memref<2x128xi32, #tpu.memory_space<hbm>>) dst(%dma_wait3A_172 : memref<2x128xi32, #tpu.memory_space<vmem>>)
          %add3A_177 = arith.constant 1 : i32
          %add3A_178 = arith.addi %add3A_88, %add3A_177 : i32
          %add3A_179 = arith.constant 1 : i32
          %add3A_180 = arith.addi %add3A_52, %add3A_179 : i32
          %ge3A_181 = arith.cmpi sge, %add3A_88, %add3A_180 : i32
          %convert_element_type3A_182 = arith.extui %ge3A_181 : i1 to i32
          %cond3A_183 = arith.constant 0 : i32
          %cond3A_184 = arith.cmpi ne, %convert_element_type3A_182, %cond3A_183 : i32
          scf.if %cond3A_184 {
            %dma_wait3A_211 = arith.constant 1 : i32
            %dma_wait3A_212 = arith.constant 1 : i32
            %dma_wait3A_213 = arith.constant 0 : i32
            %dma_wait3A_214 = arith.constant 0 : i32
            %dma_wait3A_215 = tpu.memref_slice %arg10[%dma_wait3A_211, %dma_wait3A_213, %dma_wait3A_214] : memref<2x256x64xf32, #tpu.memory_space<vmem>> -> memref<1x256x64xf32, #tpu.memory_space<vmem>>
            %dma_wait3A_216 = tpu.memref_squeeze %dma_wait3A_215 : memref<1x256x64xf32, #tpu.memory_space<vmem>> -> memref<256x64xf32, #tpu.memory_space<vmem>>
            %dma_wait3A_217 = arith.constant 0 : i32
            %dma_wait3A_218 = arith.constant 0 : i32
            %dma_wait3A_219 = tpu.memref_slice %arg8[%dma_wait3A_217, %dma_wait3A_218] : memref<160000x64xf32, #tpu.memory_space<hbm>> -> memref<256x64xf32, #tpu.memory_space<hbm>>
            %dma_wait3A_220 = tpu.memref_slice %arg13[%dma_wait3A_212] : memref<2x!tpu.dma_semaphore, #tpu.memory_space<semaphore_mem>> -> memref<1x!tpu.dma_semaphore, #tpu.memory_space<semaphore_mem>>
            %dma_wait3A_221 = tpu.memref_squeeze %dma_wait3A_220 : memref<1x!tpu.dma_semaphore, #tpu.memory_space<semaphore_mem>> -> memref<!tpu.dma_semaphore, #tpu.memory_space<semaphore_mem>>
            %dma_wait3A_222 = arith.constant 0 : i32
            %dma_wait3A_223 = arith.constant 0 : i32
            %dma_wait3A_224 = tpu.memref_slice %arg8[%dma_wait3A_222, %dma_wait3A_223] : memref<160000x64xf32, #tpu.memory_space<hbm>> -> memref<256x64xf32, #tpu.memory_space<hbm>>
            %dma_wait3A_225 = arith.constant 0 : i32
            %dma_wait3A_226 = arith.constant 0 : i32
            %dma_wait3A_227 = tpu.memref_slice %arg10[%dma_wait3A_211, %dma_wait3A_225, %dma_wait3A_226] : memref<2x256x64xf32, #tpu.memory_space<vmem>> -> memref<1x256x64xf32, #tpu.memory_space<vmem>>
            %dma_wait3A_228 = tpu.memref_squeeze %dma_wait3A_227 : memref<1x256x64xf32, #tpu.memory_space<vmem>> -> memref<256x64xf32, #tpu.memory_space<vmem>>
            tpu.wait_dma2 semaphore(%dma_wait3A_221 : memref<!tpu.dma_semaphore, #tpu.memory_space<semaphore_mem>>) src(%dma_wait3A_228 : memref<256x64xf32, #tpu.memory_space<vmem>>) dst(%dma_wait3A_224 : memref<256x64xf32, #tpu.memory_space<hbm>>)
          } else {
          }
          %run_scoped3A_185 = arith.constant 1 : i32
          %run_scoped3A_186 = arith.constant 0 : i32
          %run_scoped3A_187 = arith.constant 1 : i32
          "tpu.region"() ({
            %run_scoped3A_211 = tpu.sem_alloc : memref<!tpu.dma_semaphore, #tpu.memory_space<semaphore_mem>>
            %dma_start3A_212 = arith.constant 0 : i32
            %dma_start3A_213 = arith.constant 0 : i32
            %dma_start3A_214 = tpu.memref_slice %arg10[%run_scoped3A_187, %dma_start3A_212, %dma_start3A_213] : memref<2x256x64xf32, #tpu.memory_space<vmem>> -> memref<1x128x64xf32, #tpu.memory_space<vmem>>
            %dma_start3A_215 = tpu.memref_squeeze %dma_start3A_214 : memref<1x128x64xf32, #tpu.memory_space<vmem>> -> memref<128x64xf32, #tpu.memory_space<vmem>>
            %dma_start3A_216 = arith.constant 0 : i32
            %dma_start3A_217 = tpu.memref_slice %arg11[%run_scoped3A_185, %run_scoped3A_186, %dma_start3A_216] : memref<2x2x128xi32, #tpu.memory_space<vmem>> -> memref<1x1x128xi32, #tpu.memory_space<vmem>>
            %dma_start3A_218 = tpu.memref_squeeze %dma_start3A_217 : memref<1x1x128xi32, #tpu.memory_space<vmem>> -> memref<128xi32, #tpu.memory_space<vmem>>
            %dma_start3A_219 = arith.constant 0 : i32
            %dma_start3A_220 = arith.constant 0 : i32
            %dma_start3A_221 = tpu.memref_slice %arg9[%dma_start3A_219, %dma_start3A_220] : memref<10000x64xf32, #tpu.memory_space<vmem_shared>> -> memref<10000x64xf32, #tpu.memory_space<vmem_shared>>
            tpu.enqueue_indirect_dma source(%dma_start3A_221 : memref<10000x64xf32, #tpu.memory_space<vmem_shared>>) target(%dma_start3A_215 : memref<128x64xf32, #tpu.memory_space<vmem>>) offsets(%dma_start3A_218 : memref<128xi32, #tpu.memory_space<vmem>>) semaphore(%run_scoped3A_211 : memref<!tpu.dma_semaphore, #tpu.memory_space<semaphore_mem>>)
            %dma_wait3A_222 = arith.constant 0 : i32
            %dma_wait3A_223 = arith.constant 0 : i32
            %dma_wait3A_224 = tpu.memref_slice %arg10[%run_scoped3A_187, %dma_wait3A_222, %dma_wait3A_223] : memref<2x256x64xf32, #tpu.memory_space<vmem>> -> memref<1x128x64xf32, #tpu.memory_space<vmem>>
            %dma_wait3A_225 = tpu.memref_squeeze %dma_wait3A_224 : memref<1x128x64xf32, #tpu.memory_space<vmem>> -> memref<128x64xf32, #tpu.memory_space<vmem>>
            %dma_wait3A_226 = arith.constant 0 : i32
            %dma_wait3A_227 = tpu.memref_slice %arg11[%run_scoped3A_185, %run_scoped3A_186, %dma_wait3A_226] : memref<2x2x128xi32, #tpu.memory_space<vmem>> -> memref<1x1x128xi32, #tpu.memory_space<vmem>>
            %dma_wait3A_228 = tpu.memref_squeeze %dma_wait3A_227 : memref<1x1x128xi32, #tpu.memory_space<vmem>> -> memref<128xi32, #tpu.memory_space<vmem>>
            %dma_wait3A_229 = arith.constant 0 : i32
            %dma_wait3A_230 = arith.constant 0 : i32
            %dma_wait3A_231 = tpu.memref_slice %arg9[%dma_wait3A_229, %dma_wait3A_230] : memref<10000x64xf32, #tpu.memory_space<vmem_shared>> -> memref<10000x64xf32, #tpu.memory_space<vmem_shared>>
            tpu.wait_indirect_dma semaphore(%run_scoped3A_211 : memref<!tpu.dma_semaphore, #tpu.memory_space<semaphore_mem>>) src(%dma_wait3A_231 : memref<10000x64xf32, #tpu.memory_space<vmem_shared>>) dst(%dma_wait3A_225 : memref<128x64xf32, #tpu.memory_space<vmem>>)
            tpu.yield
          }) : () -> ()
          %run_scoped3A_188 = arith.constant 1 : i32
          %run_scoped3A_189 = arith.constant 1 : i32
          %run_scoped3A_190 = arith.constant 1 : i32
          "tpu.region"() ({
            %run_scoped3A_211 = tpu.sem_alloc : memref<!tpu.dma_semaphore, #tpu.memory_space<semaphore_mem>>
            %dma_start3A_212 = arith.constant 128 : i32
            %dma_start3A_213 = arith.constant 0 : i32
            %dma_start3A_214 = tpu.memref_slice %arg10[%run_scoped3A_190, %dma_start3A_212, %dma_start3A_213] : memref<2x256x64xf32, #tpu.memory_space<vmem>> -> memref<1x128x64xf32, #tpu.memory_space<vmem>>
            %dma_start3A_215 = tpu.memref_squeeze %dma_start3A_214 : memref<1x128x64xf32, #tpu.memory_space<vmem>> -> memref<128x64xf32, #tpu.memory_space<vmem>>
            %dma_start3A_216 = arith.constant 0 : i32
            %dma_start3A_217 = tpu.memref_slice %arg11[%run_scoped3A_188, %run_scoped3A_189, %dma_start3A_216] : memref<2x2x128xi32, #tpu.memory_space<vmem>> -> memref<1x1x128xi32, #tpu.memory_space<vmem>>
            %dma_start3A_218 = tpu.memref_squeeze %dma_start3A_217 : memref<1x1x128xi32, #tpu.memory_space<vmem>> -> memref<128xi32, #tpu.memory_space<vmem>>
            %dma_start3A_219 = arith.constant 0 : i32
            %dma_start3A_220 = arith.constant 0 : i32
            %dma_start3A_221 = tpu.memref_slice %arg9[%dma_start3A_219, %dma_start3A_220] : memref<10000x64xf32, #tpu.memory_space<vmem_shared>> -> memref<10000x64xf32, #tpu.memory_space<vmem_shared>>
            tpu.enqueue_indirect_dma source(%dma_start3A_221 : memref<10000x64xf32, #tpu.memory_space<vmem_shared>>) target(%dma_start3A_215 : memref<128x64xf32, #tpu.memory_space<vmem>>) offsets(%dma_start3A_218 : memref<128xi32, #tpu.memory_space<vmem>>) semaphore(%run_scoped3A_211 : memref<!tpu.dma_semaphore, #tpu.memory_space<semaphore_mem>>)
            %dma_wait3A_222 = arith.constant 128 : i32
            %dma_wait3A_223 = arith.constant 0 : i32
            %dma_wait3A_224 = tpu.memref_slice %arg10[%run_scoped3A_190, %dma_wait3A_222, %dma_wait3A_223] : memref<2x256x64xf32, #tpu.memory_space<vmem>> -> memref<1x128x64xf32, #tpu.memory_space<vmem>>
            %dma_wait3A_225 = tpu.memref_squeeze %dma_wait3A_224 : memref<1x128x64xf32, #tpu.memory_space<vmem>> -> memref<128x64xf32, #tpu.memory_space<vmem>>
            %dma_wait3A_226 = arith.constant 0 : i32
            %dma_wait3A_227 = tpu.memref_slice %arg11[%run_scoped3A_188, %run_scoped3A_189, %dma_wait3A_226] : memref<2x2x128xi32, #tpu.memory_space<vmem>> -> memref<1x1x128xi32, #tpu.memory_space<vmem>>
            %dma_wait3A_228 = tpu.memref_squeeze %dma_wait3A_227 : memref<1x1x128xi32, #tpu.memory_space<vmem>> -> memref<128xi32, #tpu.memory_space<vmem>>
            %dma_wait3A_229 = arith.constant 0 : i32
            %dma_wait3A_230 = arith.constant 0 : i32
            %dma_wait3A_231 = tpu.memref_slice %arg9[%dma_wait3A_229, %dma_wait3A_230] : memref<10000x64xf32, #tpu.memory_space<vmem_shared>> -> memref<10000x64xf32, #tpu.memory_space<vmem_shared>>
            tpu.wait_indirect_dma semaphore(%run_scoped3A_211 : memref<!tpu.dma_semaphore, #tpu.memory_space<semaphore_mem>>) src(%dma_wait3A_231 : memref<10000x64xf32, #tpu.memory_space<vmem_shared>>) dst(%dma_wait3A_225 : memref<128x64xf32, #tpu.memory_space<vmem>>)
            tpu.yield
          }) : () -> ()
          %sub3A_191 = arith.constant 625 : i32
          %sub3A_192 = arith.subi %add3A_178, %sub3A_191 : i32
          %mul3A_193 = arith.constant 256 : i32
          %mul3A_194 = arith.muli %sub3A_192, %mul3A_193 : i32
          %dma_start3A_195 = arith.constant 1 : i32
          %dma_start3A_196 = arith.constant 1 : i32
          %dma_start3A_197 = arith.constant 0 : i32
          %dma_start3A_198 = arith.constant 0 : i32
          %dma_start3A_199 = tpu.memref_slice %arg10[%dma_start3A_195, %dma_start3A_197, %dma_start3A_198] : memref<2x256x64xf32, #tpu.memory_space<vmem>> -> memref<1x256x64xf32, #tpu.memory_space<vmem>>
          %dma_start3A_200 = tpu.memref_squeeze %dma_start3A_199 : memref<1x256x64xf32, #tpu.memory_space<vmem>> -> memref<256x64xf32, #tpu.memory_space<vmem>>
          %dma_start3A_201 = arith.constant 0 : i32
          %dma_start3A_202 = tpu.memref_slice %arg8[%mul3A_194, %dma_start3A_201] : memref<160000x64xf32, #tpu.memory_space<hbm>> -> memref<256x64xf32, #tpu.memory_space<hbm>>
          %dma_start3A_203 = tpu.memref_slice %arg13[%dma_start3A_196] : memref<2x!tpu.dma_semaphore, #tpu.memory_space<semaphore_mem>> -> memref<1x!tpu.dma_semaphore, #tpu.memory_space<semaphore_mem>>
          %dma_start3A_204 = tpu.memref_squeeze %dma_start3A_203 : memref<1x!tpu.dma_semaphore, #tpu.memory_space<semaphore_mem>> -> memref<!tpu.dma_semaphore, #tpu.memory_space<semaphore_mem>>
          %dma_start3A_205 = arith.constant 0 : i32
          %dma_start3A_206 = tpu.memref_slice %arg8[%mul3A_194, %dma_start3A_205] : memref<160000x64xf32, #tpu.memory_space<hbm>> -> memref<256x64xf32, #tpu.memory_space<hbm>>
          %dma_start3A_207 = arith.constant 0 : i32
          %dma_start3A_208 = arith.constant 0 : i32
          %dma_start3A_209 = tpu.memref_slice %arg10[%dma_start3A_195, %dma_start3A_207, %dma_start3A_208] : memref<2x256x64xf32, #tpu.memory_space<vmem>> -> memref<1x256x64xf32, #tpu.memory_space<vmem>>
          %dma_start3A_210 = tpu.memref_squeeze %dma_start3A_209 : memref<1x256x64xf32, #tpu.memory_space<vmem>> -> memref<256x64xf32, #tpu.memory_space<vmem>>
          tpu.enqueue_dma source(%dma_start3A_210 : memref<256x64xf32, #tpu.memory_space<vmem>>) target(%dma_start3A_206 : memref<256x64xf32, #tpu.memory_space<hbm>>) target_semaphore(%dma_start3A_204 : memref<!tpu.dma_semaphore, #tpu.memory_space<semaphore_mem>>)
        } else {
        }
      }
      %lt3A_76 = arith.cmpi slt, %add3A_52, %add3A_54 : i32
      %convert_element_type3A_77 = arith.extui %lt3A_76 : i1 to i32
      %cond3A_78 = arith.constant 0 : i32
      %cond3A_79 = arith.cmpi ne, %convert_element_type3A_77, %cond3A_78 : i32
      scf.if %cond3A_79 {
        %dma_wait3A = arith.constant 0 : i32
        %dma_wait3A_86 = arith.constant 0 : i32
        %dma_wait3A_87 = arith.constant 0 : i32
        %dma_wait3A_88 = arith.constant 0 : i32
        %dma_wait3A_89 = tpu.memref_slice %arg10[%dma_wait3A, %dma_wait3A_87, %dma_wait3A_88] : memref<2x256x64xf32, #tpu.memory_space<vmem>> -> memref<1x256x64xf32, #tpu.memory_space<vmem>>
        %dma_wait3A_90 = tpu.memref_squeeze %dma_wait3A_89 : memref<1x256x64xf32, #tpu.memory_space<vmem>> -> memref<256x64xf32, #tpu.memory_space<vmem>>
        %dma_wait3A_91 = arith.constant 0 : i32
        %dma_wait3A_92 = arith.constant 0 : i32
        %dma_wait3A_93 = tpu.memref_slice %arg8[%dma_wait3A_91, %dma_wait3A_92] : memref<160000x64xf32, #tpu.memory_space<hbm>> -> memref<256x64xf32, #tpu.memory_space<hbm>>
        %dma_wait3A_94 = tpu.memref_slice %arg13[%dma_wait3A_86] : memref<2x!tpu.dma_semaphore, #tpu.memory_space<semaphore_mem>> -> memref<1x!tpu.dma_semaphore, #tpu.memory_space<semaphore_mem>>
        %dma_wait3A_95 = tpu.memref_squeeze %dma_wait3A_94 : memref<1x!tpu.dma_semaphore, #tpu.memory_space<semaphore_mem>> -> memref<!tpu.dma_semaphore, #tpu.memory_space<semaphore_mem>>
        %dma_wait3A_96 = arith.constant 0 : i32
        %dma_wait3A_97 = arith.constant 0 : i32
        %dma_wait3A_98 = tpu.memref_slice %arg8[%dma_wait3A_96, %dma_wait3A_97] : memref<160000x64xf32, #tpu.memory_space<hbm>> -> memref<256x64xf32, #tpu.memory_space<hbm>>
        %dma_wait3A_99 = arith.constant 0 : i32
        %dma_wait3A_100 = arith.constant 0 : i32
        %dma_wait3A_101 = tpu.memref_slice %arg10[%dma_wait3A, %dma_wait3A_99, %dma_wait3A_100] : memref<2x256x64xf32, #tpu.memory_space<vmem>> -> memref<1x256x64xf32, #tpu.memory_space<vmem>>
        %dma_wait3A_102 = tpu.memref_squeeze %dma_wait3A_101 : memref<1x256x64xf32, #tpu.memory_space<vmem>> -> memref<256x64xf32, #tpu.memory_space<vmem>>
        tpu.wait_dma2 semaphore(%dma_wait3A_95 : memref<!tpu.dma_semaphore, #tpu.memory_space<semaphore_mem>>) src(%dma_wait3A_102 : memref<256x64xf32, #tpu.memory_space<vmem>>) dst(%dma_wait3A_98 : memref<256x64xf32, #tpu.memory_space<hbm>>)
      } else {
      }
      %add3A_80 = arith.constant 1 : i32
      %add3A_81 = arith.addi %add3A_52, %add3A_80 : i32
      %lt3A_82 = arith.cmpi slt, %add3A_81, %add3A_54 : i32
      %convert_element_type3A_83 = arith.extui %lt3A_82 : i1 to i32
      %cond3A_84 = arith.constant 0 : i32
      %cond3A_85 = arith.cmpi ne, %convert_element_type3A_83, %cond3A_84 : i32
      scf.if %cond3A_85 {
        %dma_wait3A = arith.constant 1 : i32
        %dma_wait3A_86 = arith.constant 1 : i32
        %dma_wait3A_87 = arith.constant 0 : i32
        %dma_wait3A_88 = arith.constant 0 : i32
        %dma_wait3A_89 = tpu.memref_slice %arg10[%dma_wait3A, %dma_wait3A_87, %dma_wait3A_88] : memref<2x256x64xf32, #tpu.memory_space<vmem>> -> memref<1x256x64xf32, #tpu.memory_space<vmem>>
        %dma_wait3A_90 = tpu.memref_squeeze %dma_wait3A_89 : memref<1x256x64xf32, #tpu.memory_space<vmem>> -> memref<256x64xf32, #tpu.memory_space<vmem>>
        %dma_wait3A_91 = arith.constant 0 : i32
        %dma_wait3A_92 = arith.constant 0 : i32
        %dma_wait3A_93 = tpu.memref_slice %arg8[%dma_wait3A_91, %dma_wait3A_92] : memref<160000x64xf32, #tpu.memory_space<hbm>> -> memref<256x64xf32, #tpu.memory_space<hbm>>
        %dma_wait3A_94 = tpu.memref_slice %arg13[%dma_wait3A_86] : memref<2x!tpu.dma_semaphore, #tpu.memory_space<semaphore_mem>> -> memref<1x!tpu.dma_semaphore, #tpu.memory_space<semaphore_mem>>
        %dma_wait3A_95 = tpu.memref_squeeze %dma_wait3A_94 : memref<1x!tpu.dma_semaphore, #tpu.memory_space<semaphore_mem>> -> memref<!tpu.dma_semaphore, #tpu.memory_space<semaphore_mem>>
        %dma_wait3A_96 = arith.constant 0 : i32
        %dma_wait3A_97 = arith.constant 0 : i32
        %dma_wait3A_98 = tpu.memref_slice %arg8[%dma_wait3A_96, %dma_wait3A_97] : memref<160000x64xf32, #tpu.memory_space<hbm>> -> memref<256x64xf32, #tpu.memory_space<hbm>>
        %dma_wait3A_99 = arith.constant 0 : i32
        %dma_wait3A_100 = arith.constant 0 : i32
        %dma_wait3A_101 = tpu.memref_slice %arg10[%dma_wait3A, %dma_wait3A_99, %dma_wait3A_100] : memref<2x256x64xf32, #tpu.memory_space<vmem>> -> memref<1x256x64xf32, #tpu.memory_space<vmem>>
        %dma_wait3A_102 = tpu.memref_squeeze %dma_wait3A_101 : memref<1x256x64xf32, #tpu.memory_space<vmem>> -> memref<256x64xf32, #tpu.memory_space<vmem>>
        tpu.wait_dma2 semaphore(%dma_wait3A_95 : memref<!tpu.dma_semaphore, #tpu.memory_space<semaphore_mem>>) src(%dma_wait3A_102 : memref<256x64xf32, #tpu.memory_space<vmem>>) dst(%dma_wait3A_98 : memref<256x64xf32, #tpu.memory_space<hbm>>)
      } else {
      }
    } else {
    }
    return
  }
}

</mosaic_0001>

<sc_bundles>
// kernel: _sparse_init_gather.3.cloned.1.call-start
scs
__scs_entry_jumppad:
0x0: {  	(pc) =	sbr.rel $0x88, $3  }
0x1: {  	(tag) =	ssettag $0x0;
	lr =	simm.s32 $0x1  }
0x2: {  	[smem:$0x3F9E] =	sst lr;
	_ =	strace $0xD0000000  }
0x3: {  	_ = 	snop  }
0x4: {  	_ = 	snop  }
0x5: {  	_ = 	snop  }
0x6: {  	_ = 	snop  }
0x7: {  	_ = 	snop  }
__scs_overlays_trampoline_lowered:
0x8: {  	[smem:$0x3FAD] =	sst s0  }
0x9: {  	[smem:$0x3FAE] =	sst s1  }
0xa: {  	[smem:$0x3FAF] =	sst s2  }
0xb: {  	[smem:$0x3FB0] =	sst s3  }
0xc: {  	[smem:$0x3FB1] =	sst s4  }
0xd: {  	[smem:$0x3FB2] =	sst s5  }
0xe: {  	[smem:$0x3FB3] =	sst s6  }
0xf: {  	[smem:$0x3FB4] =	sst s7  }
0x10: {  	[smem:$0x3FB5] =	sst s8  }
0x11: {  	[smem:$0x3FB6] =	sst s9;
	s0 =	simm.s32 @!p0 $0x0  }
0x12: {  	s1 =	sld [smem:$0x3F9C];
	s0 =	simm.s32 @p0 $0x1  }
0x13: {  	[smem:$0x3FB7] =	sst s0;
	s0 =	simm.s32 @!p1 $0x0  }
0x14: {  	s2 =	sld [smem:$0x3F9B];
	s0 =	simm.s32 @p1 $0x1  }
0x15: {  	[smem:$0x3FB8] =	sst s0;
	s0 =	simm.s32 @!p2 $0x0  }
0x16: {  	s3 =	sld [smem:$0x3FDB];
	s0 =	simm.s32 @p2 $0x1  }
0x17: {  	s4 =	simm.s32 $0x1BF5;
	[smem:$0x3FBA] =	sst s0  }
0x18: {  	s0 =	sld [smem:$0x3F9D];
	_ =	swait.ge [sflag:s4], $0x0  }
0x19: {  	s7 =	sld [smem:$0x3F9E]  }
0x1a: {  	s8 =	sadd.s32 $0xFFFFE003, lr  }
0x1b: {  	s9 =	sadd.s32 $0xFFFFFEF7, lr;
	s5 =	simm.s32 $0xFFFFFFFF;
	p2 =	slt.u32 s8, $0xFFFFF086  }
0x1c: {  	p1 =	slt.u32 s9, $0xF7A;
	s5 =	simm.s32 @!p2 $0x0  }
0x1d: {  	s5 =	simm.s32 @p1 $0x1;
	p0 =	seq.s32 s7, s2  }
0x1e: {  	s7 =	smul.u32 @!p0 $0xF7A, s2;
	p2 =	seq.s32 @!p0 s5, $0x0  }
0x1f: {  	s9 =	smul.u32 $0xF7A, s1;
	s8 =	simm.s32 @!p0 $0x1BF5;
	p2 =	por !p2, p0  }
0x20: {  	[sflag:s8] =	ssyncset.s32 @!p0 $0xFFFFF086;
	s6 =	sadd.s32 @!p0 s3, s7;
	s7 =	simm.s32 @!p0 $0x108  }
0x21: {  	s3 =	sadd.s32 s3, s9;
	s6 =	sadd.s32 @!p0 $0x88, s6;
	s7 =	simm.s32 @p2 $0x1082  }
0x22: {  	[simem:s7], [sflag:s8] =	dma.local @!p0 [hbm:s6], $0xF7A  }
0x23: {  	s9 =	sor.u32 $0xD0000000, s2;
	s6 =	simm.s32 $0x108;
	_ =	swait.ge @!p0 [sflag:s8], $0x0  }
0x24: {  	s3 =	sadd.s32 $0x88, s3;
	s6 =	simm.s32 @!p1 $0x1082;
	[sflag:s4] =	ssyncset.s32 $0xFFFFF086  }
0x25: {  	[simem:s6], [sflag:s4] =	dma.local [hbm:s3], $0xF7A  }
0x26: {  	[smem:$0x3F9E] =	sst s1;
	(tag) =	ssettag s2;
	_ =	strace s9  }
0x27: {  	s1 =	sld [smem:$0x3FAE]  }
0x28: {  	s2 =	sld [smem:$0x3FAF]  }
0x29: {  	s4 =	sld [smem:$0x3FB1]  }
0x2a: {  	p0 =	seq.s32 s5, $0x0;
	s5 =	sld [smem:$0x3FB2]  }
0x2b: {  	s6 =	sld [smem:$0x3FB3]  }
0x2c: {  	s7 =	sld [smem:$0x3FB4]  }
0x2d: {  	s3 =	simm.s32 $0x108;
	s8 =	sld [smem:$0x3FB5]  }
0x2e: {  	s3 =	simm.s32 @!p0 $0x1082;
	s9 =	sld [smem:$0x3FB6]  }
0x2f: {  	lr =	sadd.s32 s0, s3;
	s0 =	sld [smem:$0x3FAD]  }
0x30: {  	s3 =	sld [smem:$0x3FB0]  }
0x31: {  	[smem:$0x3FB9] =	sst s10  }
0x32: {  	s10 =	sld [smem:$0x3FB7];
	_ =	sdelay $0x3  }
0x33: {  	p0 =	seq.s32 s10, $0x1;
	s10 =	sld [smem:$0x3FB9];
	_ =	sdelay $0x3  }
0x34: {  	[smem:$0x3FB9] =	sst s10  }
0x35: {  	s10 =	sld [smem:$0x3FB8];
	_ =	sdelay $0x3  }
0x36: {  	p1 =	seq.s32 s10, $0x1;
	s10 =	sld [smem:$0x3FB9];
	_ =	sdelay $0x3  }
0x37: {  	[smem:$0x3FB9] =	sst s10  }
0x38: {  	s10 =	sld [smem:$0x3FBA]  }
0x39: {  	_ = 	snop;
	(pc) =	sbr.ind lr, $3  }
0x3a: {  	_ = 	snop  }
0x3b: {  	_ = 	snop  }
0x3c: {  	p2 =	seq.s32 s10, $0x1;
	s10 =	sld [smem:$0x3FB9]  }
0x3d: {  	_ =	shalt  }
0x3e: {  	_ =	shalt  }
0x3f: {  	_ =	shalt  }
0x40: {  	_ =	shalt  }
0x41: {  	_ =	shalt  }
0x42: {  	_ =	shalt  }
0x43: {  	_ =	shalt  }
0x44: {  	_ =	shalt  }
0x45: {  	_ =	shalt  }
0x46: {  	_ =	shalt  }
0x47: {  	_ =	shalt  }
0x48: {  	_ =	shalt  }
0x49: {  	_ =	shalt  }
0x4a: {  	_ =	shalt  }
0x4b: {  	_ =	shalt  }
0x4c: {  	_ =	shalt  }
0x4d: {  	_ =	shalt  }
0x4e: {  	_ =	shalt  }
0x4f: {  	_ =	shalt  }
0x50: {  	_ =	shalt  }
0x51: {  	_ =	shalt  }
0x52: {  	_ =	shalt  }
0x53: {  	_ =	shalt  }
0x54: {  	_ =	shalt  }
0x55: {  	_ =	shalt  }
0x56: {  	_ =	shalt  }
0x57: {  	_ =	shalt  }
0x58: {  	_ =	shalt  }
0x59: {  	_ =	shalt  }
0x5a: {  	_ =	shalt  }
0x5b: {  	_ =	shalt  }
0x5c: {  	_ =	shalt  }
0x5d: {  	_ =	shalt  }
0x5e: {  	_ =	shalt  }
0x5f: {  	_ =	shalt  }
0x60: {  	_ =	shalt  }
0x61: {  	_ =	shalt  }
0x62: {  	_ =	shalt  }
0x63: {  	_ =	shalt  }
0x64: {  	_ =	shalt  }
0x65: {  	_ =	shalt  }
0x66: {  	_ =	shalt  }
0x67: {  	_ =	shalt  }
0x68: {  	_ =	shalt  }
0x69: {  	_ =	shalt  }
0x6a: {  	_ =	shalt  }
0x6b: {  	_ =	shalt  }
0x6c: {  	_ =	shalt  }
0x6d: {  	_ =	shalt  }
0x6e: {  	_ =	shalt  }
0x6f: {  	_ =	shalt  }
0x70: {  	_ =	shalt  }
0x71: {  	_ =	shalt  }
0x72: {  	_ =	shalt  }
0x73: {  	_ =	shalt  }
0x74: {  	_ =	shalt  }
0x75: {  	_ =	shalt  }
0x76: {  	_ =	shalt  }
0x77: {  	_ =	shalt  }
0x78: {  	_ =	shalt  }
0x79: {  	_ =	shalt  }
0x7a: {  	_ =	shalt  }
0x7b: {  	_ =	shalt  }
0x7c: {  	_ =	shalt  }
0x7d: {  	_ =	shalt  }
0x7e: {  	_ =	shalt  }
0x7f: {  	_ =	shalt  }
0x80: {  	_ =	shalt  }
0x81: {  	_ =	shalt  }
0x82: {  	_ =	shalt  }
0x83: {  	_ =	shalt  }
0x84: {  	_ =	shalt  }
0x85: {  	_ =	shalt  }
0x86: {  	_ =	shalt  }
0x87: {  	_ =	shalt  }
.Lfunc_end0:
.L_simem_size_0:
called_computation.4_lowered:
.L_overlay_start_0:
0x88: {  	s2 =	sld [smem:$0x3FD9]  }
0x89: {  	s3 =	sld [smem:$0x3FFE];
	_ =	sdelay $0x1  }
0x8a: {  	s1 =	srdreg.scid  }
0x8b: {  	s0 =	sand.u32 $0x1, s1  }
0x8c: {  	s14 =	sshll.u32 s0, $0xA;
	s2 =	sadd.s32 s3, s2  }
0x8d: {  	s2 =	sadd.s32 s2, s14  }
0x8e: {  	[smem:$0x3FC5] =	sst s2  }
0x8f: {  	_ = 	snop  }
0x90: {  	s2 =	sld [smem:$0x3FD0];
	_ =	sdelay $0x2  }
0x91: {  	s15 =	simm.s32 $0xD;
	s4 =	simm.s32 $0x10  }
0x92: {  	[smem:s4], [sflag:s15] =	dma.local [hbm:s2], $0x1  }
0x93: {  	_ =	swait.eq [sflag:s15], $0x1  }
0x94: {  	s16 =	sld [smem:$0x10]  }
0x95: {  	s17 =	sld [smem:$0x11];
	[sflag:s15] =	ssyncset.done $0x0  }
0x96: {  	s5 =	sld [smem:$0x12];
	[sflag:s15] =	ssyncadd.s32 $0xFFFFFFFF  }
0x97: {  	s18 =	sld [smem:$0x13];
	(tm) =	ssettm $0x1  }
0x98: {  	s6 =	sld [smem:$0x3FFB];
	_ =	sdelay $0x3  }
0x99: {  	_ =	strace s6  }
0x9a: {  	s6 =	sld [smem:$0x3FFC];
	_ =	sdelay $0x3  }
0x9b: {  	_ =	strace s6  }
0x9c: {  	s6 =	sld [smem:$0x3FFD];
	_ =	sdelay $0x3  }
0x9d: {  	_ =	strace s6  }
0x9e: {  	_ =	strace $0x8FFFFFFF  }
0x9f: {  	s19 =	sld [smem:$0x3FDB];
	_ =	sdelay $0x1  }
0xa0: {  	s7 =	simm.s32 $_scs_section_size  }
0xa1: {  	s8 =	simm.s32 $_size__tile_overlayer_lowered;
	s9 =	simm.s32 $_tile_overlayer_lowered  }
0xa2: {  	s22 =	simm.s32 $0x1BFF;
	s21 =	sshll.u32 s9, $0x1;
	s6 =	sadd.s32 s7, s19  }
0xa3: {  	s10 =	simm.s32 $0x0;
	s20 =	sshll.u32 s8, $0x1;
	s8 =	sadd.s32 s21, s6  }
0xa4: {  	[timem:s10], [sflag:s22] =	dma.local [hbm:s8], s20  }
0xa5: {  	_ =	swait.ge [sflag:s22], s20  }
0xa6: {  	s7 =	ssub.s32 $0x0, s20;
	[sflag:s22] =	ssyncset.done $0x0  }
0xa7: {  	[sflag:s22] =	ssyncadd.s32 s7;
	_ =	sdelay $0x1  }
0xa8: {  	s23 =	simm.s32 $0x1B8B  }
0xa9: {  	_ =	swait.ge [sflag:s23], $0x1  }
0xaa: {  	[sflag:s23] =	ssyncset.done $0x0  }
0xab: {  	s25 =	simm.s32 $0x1B8E;
	s24 =	sld [smem:$0x3FFE];
	[sflag:s23] =	ssyncadd.s32 $0xFFFFFFFF  }
0xac: {  	s26 =	simm.s32 $execute0_lowered;
	[smem:$0x3FD2] =	sst s25  }
0xad: {  	s8 =	sshll.u32 s26, $0x1;
	_ =	strace $0x80000046;
	[dreg:$0x1] =	wrdreg $0xFFFFFFFF  }
0xae: {  	s28 =	simm.s32 $_size_execute0_lowered;
	s6 =	sadd.s32 s6, s8;
	[dreg:$0x0] =	wrdreg $0x0  }
0xaf: {  	s8 =	sshll.u32 s28, $0x1;
	[dreg:$0x2] =	wrdreg s6  }
0xb0: {  	[dreg:$0x3] =	wrdreg s8  }
0xb1: {  	[dreg:$0x4] =	wrdreg $0xC0  }
0xb2: {  	_ =	task [dreg:s10], $0x5FFFF  }
0xb3: {  	[dreg:$0x1] =	wrdreg $0xFFFFFFFF  }
0xb4: {  	[dreg:$0x0] =	wrdreg $0x60  }
0xb5: {  	[dreg:$0x2] =	wrdreg s24  }
0xb6: {  	[dreg:$0x3] =	wrdreg s16  }
0xb7: {  	[dreg:$0x4] =	wrdreg s17  }
0xb8: {  	[dreg:$0x5] =	wrdreg s5  }
0xb9: {  	[dreg:$0x6] =	wrdreg s18  }
0xba: {  	[dreg:$0x7] =	wrdreg $0x0  }
0xbb: {  	[dreg:$0x8] =	wrdreg $0x9  }
0xbc: {  	_ =	task.clear_ibuf [dreg:s10], $0x9FFFF;
	_ =	strace $0x90000046  }
0xbd: {  	s29 =	simm.s32 $0x9;
	_ =	strace $0x80000048  }
0xbe: {  	_ =	swait.ge [sflag:s29], $0x1  }
0xbf: {  	[sflag:s29] =	ssyncadd.s32 $0xFFFFFFFF  }
0xc0: {  	_ =	strace $0x90000048  }
0xc1: {  	_ =	sfence  }
0xc2: {  	s30 =	sld [smem:$0x0];
	_ =	sdelay $0x2  }
0xc3: {  	s31 =	sshll.u32 s1, $0xD;
	s1 =	sshrl.u32 s1, $0x2  }
0xc4: {  	s3 =	sand.u32 $0x4000, s31;
	s1 =	sadd.s32 s1, s30  }
0xc5: {  	s0 =	sor.u32 s3, s0;
	s1 =	sshll.u32 s1, $0x11  }
0xc6: {  	s0 =	sor.u32 s1, s0  }
0xc7: {  	s0 =	sadd.s32 $0x8F2B, s0  }
0xc8: {  	[sflag:s0] =	ssyncadd.remote.s32 $0x1  }
0xc9: {  	_ =	sfence.sel $0xFFFF  }
0xca: {  	[dreg:$0x0] =	wrdreg $0xFFFFFFFF;
	(pc) =	sbr.abs _section_cstart, $3  }
0xcb: {  	[dreg:$0x1] =	wrdreg $0xFFFFFFFF  }
0xcc: {  	_ =	task.clear_ibuf [dreg:s10], $0x2FFFF;
	_ =	strace $0x9FFFFFFF  }
0xcd: {  	(tm) =	ssettm $0x7FFFFFFF  }
tec
execute0_lowered:
.L_overlay_start_1:
0x0: {  	(tag) =	ssettag $0x1  }
0x1: {  	s0 =	rddreg [dreg:$0x0]  }
0x2: {  	s4 =	rddreg [dreg:$0x1]  }
0x3: {  	s5 =	rddreg [dreg:$0x2]  }
0x4: {  	s6 =	rddreg [dreg:$0x3]  }
0x5: {  	s7 =	rddreg [dreg:$0x4]  }
0x6: {  	s1 =	rddreg [dreg:$0x5]  }
0x7: {  	s2 =	simm.s32 $0x0;
	s3 =	srdreg.scid;
	s9 =	stileid.u32  }
0x8: {  	s14 =	simm.s32 $0x1;
	s29 =	simm.s32 $0x1;
	[smem:$0x7FF] =	sst s2  }
0x9: {  	s8 =	sand.u32 $0x1, s3;
	s11 =	sadd.s32 $0x1F000, s0;
	s13 =	smul.u32 $0x27, s9  }
0xa: {  	s12 =	sadd.s32 $0x15200, s0;
	p0 =	sne.s32 s9, $0x0;
	s17 =	smul.u32 $0x13800, s9  }
0xb: {  	s24 =	smul.u32 $0x9C000, s9;
	p4 =	sne.s32 s9, $0xF;
	_ =	strace $0x80000047  }
0xc: {  	s3 =	ssub.s32 $0x2, s8;
	s15 =	simm.s32 @!p0 $0x0;
	s14 =	simm.s32 @!p0 $0x0  }
0xd: {  	s10 =	sshrl.u32 s3, $0x1;
	s15 =	simm.s32 @p0 $0x1;
	p0 =	seq.s32 s9, $0x0  }
0xe: {  	s21 =	sadd.s32 s17, s4;
	s19 =	sshll.u32 s14, $0xB;
	s26 =	sadd.s32 s17, s5  }
0xf: {  	[smem:$0x7FA] =	sst s15;
	s15 =	simm.s32 $0x1;
	s16 =	ssub.s32 s3, s10  }
0x10: {  	s3 =	sadd.s32 s14, s13;
	s10 =	sadd.s32 s19, s21;
	s14 =	sshll.u32 s14, $0xE  }
0x11: {  	s15 =	simm.s32 @!p0 $0x0;
	p0 =	seq.s32 s8, $0x1;
	s18 =	sadd.s32 $0x1, s3  }
0x12: {  	[dreg:$0x7] =	wrdreg s10;
	s14 =	sadd.s32 s14, s24;
	s24 =	sadd.s32 s17, s7  }
0x13: {  	s30 =	sadd.s32 $0x273, s3;
	s31 =	sadd.s32 $0x272, s3;
	s8 =	simm.s32 @!p0 $0x0  }
0x14: {  	s13 =	sadd.s32 s15, s3;
	s15 =	sshll.u32 s3, $0x5;
	s8 =	simm.s32 @p0 $0x1  }
0x15: {  	s25 =	sshll.u32 s18, $0xB;
	s22 =	sadd.s32 s11, s15;
	[smem:$0x7FB] =	sst s8  }
0x16: {  	s28 =	sadd.s32 $0x4E20, s15;
	s23 =	sadd.s32 s12, s15;
	[dreg:$0x9] =	wrdreg s22  }
0x17: {  	s14 =	sadd.s32 $0x4000, s14;
	s20 =	sadd.s32 s11, s28;
	[dreg:$0xb] =	wrdreg s23  }
0x18: {  	s21 =	sadd.s32 $0x20, s15;
	s8 =	sadd.s32 s12, s28;
	[dreg:$0xa] =	wrdreg s20  }
0x19: {  	s10 =	sadd.s32 s25, s5;
	s28 =	sadd.s32 s21, s11;
	[dreg:$0xc] =	wrdreg s8  }
0x1a: {  	s5 =	sadd.s32 s17, s6;
	s20 =	sadd.s32 s19, s26;
	[dreg:$0xd] =	wrdreg s28  }
0x1b: {  	s8 =	sadd.s32 s25, s4;
	s4 =	sadd.s32 s19, s5;
	[dreg:$0x8] =	wrdreg s20  }
0x1c: {  	s17 =	sshll.u32 s9, $0x6;
	s5 =	sadd.s32 s19, s24;
	[dreg:$0xe] =	wrdreg s4  }
0x1d: {  	s25 =	sadd.s32 $0x4E60, s15;
	s19 =	smax.u32 s16, $0x1;
	[dreg:$0x10] =	wrdreg s5  }
0x1e: {  	s28 =	sadd.s32 $0x4E40, s15;
	s26 =	sadd.s32 s25, s11;
	[dreg:$0x1a] =	wrdreg s19  }
0x1f: {  	s24 =	sadd.s32 $0x298, s13;
	s5 =	sadd.s32 s25, s12;
	[dreg:$0x12] =	wrdreg s26  }
0x20: {  	s20 =	sshrl.u32 s14, $0x3;
	s25 =	sadd.s32 $0x40, s22;
	[dreg:$0x15] =	wrdreg s5  }
0x21: {  	s16 =	simm.s32 $0x0;
	s6 =	sadd.s32 s20, s6;
	[dreg:$0x1d] =	wrdreg s25  }
0x22: {  	s14 =	smul.u32 $0x9C00, s9;
	s4 =	sadd.s32 s20, s7;
	[dreg:$0xf] =	wrdreg s6  }
0x23: {  	s9 =	simm.s32 $0x11C40;
	s7 =	sadd.s32 s28, s11;
	[dreg:$0x11] =	wrdreg s4  }
0x24: {  	s11 =	sadd.s32 s21, s12;
	s20 =	sadd.s32 $0x27, s13;
	[dreg:$0x13] =	wrdreg s7  }
0x25: {  	s26 =	sadd.s32 $0x2, s3;
	s13 =	simm.s32 $0x11CC0;
	[dreg:$0x14] =	wrdreg s11  }
0x26: {  	s4 =	sadd.s32 s28, s12;
	p0 =	sge.u32 s18, s20;
	s15 =	sshrl.u32 s14, $0x3  }
0x27: {  	s6 =	sadd.s32 s14, s1;
	p5 =	sge.u32 s3, s20;
	[dreg:$0x1e] =	wrdreg s26  }
0x28: {  	s28 =	sadd.s32 $0x40, s23;
	s11 =	simm.s32 $0x9C40;
	[dreg:$0x16] =	wrdreg s4  }
0x29: {  	s4 =	simm.s32 @!p0 $0x0;
	s21 =	sshrl.u32 s6, $0x3;
	[dreg:$0x1f] =	wrdreg s28  }
0x2a: {  	s4 =	simm.s32 @p0 $0x1;
	p0 =	slt.u32 s18, s20;
	[dreg:$0x1b] =	wrdreg s21  }
0x2b: {  	s18 =	sor.u32 $0x1C05, s17;
	[smem:$0x7FC] =	sst s4;
	s4 =	simm.s32 @!p0 $0x0  }
.Ltmp0:
0x2c: {  	[dreg:$0x18] =	wrdreg s18;
	s4 =	simm.s32 @p0 $0x1;
	(pc) =	sbr.rel .LBB2_1-.Ltmp0, $4  }
0x2d: {  	[smem:$0x7FD] =	sst s4;
	s4 =	sadd.s32 s15, s0;
	s0 =	sadd.s32 $0x15000, s0  }
0x2e: {  	s4 =	sadd.s32 $0x1800, s4;
	[dreg:$0x19] =	wrdreg s0;
	s0 =	sadd.s32 $0x9C000, s1  }
0x2f: {  	s6 =	simm.s32 $0x80;
	[dreg:$0x17] =	wrdreg s4;
	s0 =	sshrl.u32 @!p4 s0, $0x3  }
0x30: {  	s15 =	simm.s32 $0xBC40;
	s4 =	simm.s32 $0x5;
	[dreg:$0x1c] =	wrdreg s0  }
.LBB2_12:
0x31: {  	s0 =	simm.s32 $0x4  }
0x32: {  	_ =	swait.ge [sflag:s0], $0x4000  }
0x33: {  	[sflag:s0] =	ssyncset.done $0x0  }
0x34: {  	[sflag:s0] =	ssyncadd.s32 $0xFFFFC000  }
.LBB2_13:
0x35: {  	s16 =	sadd.s32 $0x1, s16;
	s0 =	rddreg [dreg:$0x1a]  }
0x36: {  	p0 =	sne.s32 s16, s0  }
.Ltmp1:
0x37: {  	_ = 	snop;
	(pc) =	sbr.rel @!p0 .LBB2_14-.Ltmp1, $1  }
0x38: {  	_ =	sdelay $0x3  }
.LBB2_1:
0x39: {  	s0 =	rddreg [dreg:$0x17]  }
0x3a: {  	s5 =	rddreg [dreg:$0x18]  }
0x3b: {  	s7 =	rddreg [dreg:$0x1b]  }
0x3c: {  	[spmem:s7], [sflag:s5] =	dma.local [hbm:s0], $0x1380  }
0x3d: {  	_ =	swait.ge [sflag:s4], $0x1380  }
0x3e: {  	[sflag:s4] =	ssyncset.done $0x0;
	s0 =	rddreg [dreg:$0x19]  }
0x3f: {  	s7 =	rddreg [dreg:$0x1c];
	[sflag:s4] =	ssyncadd.s32 $0xFFFFEC80  }
0x40: {  	[spmem:s7], [sflag:s5] =	dma.local @!p4 [hbm:s0], $0x80  }
0x41: {  	s0 =	simm.s32 @!p4 $0x5  }
0x42: {  	_ =	swait.ge @!p4 [sflag:s0], $0x80  }
0x43: {  	[sflag:s0] =	ssyncset.done @!p4 $0x0  }
0x44: {  	[sflag:s0] =	ssyncadd.s32 @!p4 $0xFFFFFF80  }
0x45: {  	[bflag:$0x0] =	sbarrier.arrive $0xFFFF  }
0x46: {  	s28 =	sld [smem:$0x7FB];
	_ =	sdelay $0x2  }
0x47: {  	p0 =	seq.s32 s28, $0x1  }
.Ltmp2:
0x48: {  	_ = 	snop;
	(pc) =	sbr.rel @!p0 .LBB2_2-.Ltmp2, $1  }
0x49: {  	_ =	sdelay $0x3  }
0x4a: {  	s12 =	rddreg [dreg:$0xb]  }
0x4b: {  	s0 =	simm.s32 @!p5 $0x0;
	s7 =	simm.s32 @!p5 $0x11C40;
	s23 =	rddreg [dreg:$0x1e]  }
0x4c: {  	[tilespmem:s7], [sflag:$0x1] =	stream.linear.gather @!p5 [hbm4b:s12+s0], $0x100, $0x38;
	[tilespmem:$0x11E40] =	vst v63  }
0x4d: {  	s26 =	sadd.s32 $0xFFFFFFFF, s23  }
0x4e: {  	p0 =	sge.u32 s26, s20  }
0x4f: {  	s5 =	rddreg [dreg:$0x14];
	s18 =	simm.s32 @!p0 $0x0;
	s12 =	simm.s32 @!p0 $0x11D40  }
0x50: {  	[tilespmem:s12], [sflag:$0x2] =	stream.linear.gather @!p0 [hbm4b:s5+s18], $0x100, $0x38;
	[tilespmem:$0x11E40] =	vst v63  }
0x51: {  	_ =	swait.ge [sflag:s29], $0x100  }
0x52: {  	p1 =	por $0x1, $0x1;
	[sflag:s29] =	ssyncset.done $0x0  }
0x53: {  	s0 =	simm.s32 @!p1 $0x3;
	[sflag:s29] =	ssyncadd.s32 $0xFFFFFF00  }
0x54: {  	_ =	swait.ge @!p1 [sflag:s0], $0x4000  }
0x55: {  	[sflag:s0] =	ssyncset.done @!p1 $0x0  }
0x56: {  	[sflag:s0] =	ssyncadd.s32 @!p1 $0xFFFFC000  }
0x57: {  	[tilespmem:s11], [sflag:$0x5] =	stream.indirect.gather [spmem:s1], $0x40, s9, s6, $0xb8;
	[tilespmem:$0x11E40] =	vst v63  }
0x58: {  	_ =	swait.ge [sflag:s4], $0x2000  }
0x59: {  	[sflag:s4] =	ssyncset.done $0x0  }
0x5a: {  	[sflag:s4] =	ssyncadd.s32 $0xFFFFE000  }
0x5b: {  	[tilespmem:s15], [sflag:$0x5] =	stream.indirect.gather [spmem:s1], $0x40, s13, s6, $0xb8;
	[tilespmem:$0x11E40] =	vst v63  }
0x5c: {  	p6 =	por p0, p0;
	_ =	swait.ge [sflag:s4], $0x2000  }
0x5d: {  	s14 =	simm.s32 @!p6 $0x2;
	s28 =	rddreg [dreg:$0x8];
	[sflag:s4] =	ssyncset.done $0x0  }
0x5e: {  	p1 =	sge.u32 s23, s20;
	[sflag:s4] =	ssyncadd.s32 $0xFFFFE000;
	s0 =	sadd.s32 $0x0, s28  }
0x5f: {  	[hbm4b:s0+s2] =	stream.linear.scatter [tilespmem:s11], [sflag:$0x3], $0x4000, $0x38;
	[tilespmem:$0x11E40] =	vst v63  }
0x60: {  	s7 =	simm.s32 @!p1 $0x11C40;
	s25 =	rddreg [dreg:$0x1f];
	s0 =	simm.s32 @!p1 $0x0  }
0x61: {  	[tilespmem:s7], [sflag:$0x1] =	stream.linear.gather @!p1 [hbm4b:s25+s0], $0x100, $0x38;
	[tilespmem:$0x11E40] =	vst v63  }
0x62: {  	p0 =	por @!p0 $0x1, $0x1;
	_ =	swait.ge @!p6 [sflag:s14], $0x100  }
0x63: {  	p0 =	por p0, p6;
	[sflag:s14] =	ssyncset.done @!p6 $0x0  }
0x64: {  	s7 =	simm.s32 @!p0 $0x4;
	[sflag:s14] =	ssyncadd.s32 @!p6 $0xFFFFFF00  }
0x65: {  	_ =	swait.ge @!p0 [sflag:s7], $0x4000  }
0x66: {  	s19 =	simm.s32 @!p6 $0x80;
	[sflag:s7] =	ssyncset.done @!p0 $0x0  }
0x67: {  	s0 =	simm.s32 @!p6 $0x5;
	[sflag:s7] =	ssyncadd.s32 @!p0 $0xFFFFC000;
	s7 =	simm.s32 @!p6 $0xDC40  }
0x68: {  	[tilespmem:s7], [sflag:$0x5] =	stream.indirect.gather @!p6 [spmem:s1], $0x40, s12, s19, $0xb8;
	[tilespmem:$0x11E40] =	vst v63  }
0x69: {  	s17 =	simm.s32 $0x1000;
	_ =	swait.ge @!p6 [sflag:s0], $0x2000  }
0x6a: {  	s21 =	simm.s32 $0x2000;
	s22 =	simm.s32 @!p6 $0xFC40;
	[sflag:s0] =	ssyncset.done @!p6 $0x0  }
0x6b: {  	s14 =	sadd.s32 $0x40, s5;
	s12 =	simm.s32 @!p6 $0x11DC0;
	[sflag:s0] =	ssyncadd.s32 @!p6 $0xFFFFE000  }
0x6c: {  	[tilespmem:s22], [sflag:$0x5] =	stream.indirect.gather @!p6 [spmem:s1], $0x40, s12, s19, $0xb8;
	[tilespmem:$0x11E40] =	vst v63  }
0x6d: {  	s12 =	sadd.s32 $0x40, s25;
	s19 =	sadd.s32 $0x2, s23;
	_ =	swait.ge @!p6 [sflag:s0], $0x2000  }
0x6e: {  	s25 =	sadd.s32 @!p6 $0x0, s10;
	s26 =	sadd.s32 $0xFFFFFFFF, s19;
	[sflag:s0] =	ssyncset.done @!p6 $0x0  }
.LBB2_8:
0x6f: {  	p1 =	sge.u32 s26, s20;
	[sflag:s0] =	ssyncadd.s32 @!p6 $0xFFFFE000  }
0x70: {  	[hbm4b:s25+s18] =	stream.linear.scatter @!p6 [tilespmem:s7], [sflag:$0x4], $0x4000, $0x38;
	[tilespmem:$0x11E40] =	vst v63  }
0x71: {  	s23 =	smov.u32 s17;
	s18 =	simm.s32 @!p1 $0x0;
	s25 =	simm.s32 @!p1 $0x11D40  }
0x72: {  	[tilespmem:s25], [sflag:$0x2] =	stream.linear.gather @!p1 [hbm4b:s14+s18], $0x100, $0x38;
	[tilespmem:$0x11E40] =	vst v63  }
0x73: {  	p3 =	seq.s32 @!p1 s23, $0x0;
	_ =	swait.ge [sflag:s29], $0x100  }
0x74: {  	p6 =	por p1, p1;
	p1 =	seq.s32 s23, $0x0;
	[sflag:s29] =	ssyncset.done $0x0  }
0x75: {  	s0 =	simm.s32 @!p1 $0x3;
	[sflag:s29] =	ssyncadd.s32 $0xFFFFFF00  }
0x76: {  	_ =	swait.ge @!p1 [sflag:s0], $0x4000  }
0x77: {  	[sflag:s0] =	ssyncset.done @!p1 $0x0  }
0x78: {  	[sflag:s0] =	ssyncadd.s32 @!p1 $0xFFFFC000  }
0x79: {  	[tilespmem:s11], [sflag:$0x5] =	stream.indirect.gather [spmem:s1], $0x40, s9, s6, $0xb8;
	[tilespmem:$0x11E40] =	vst v63  }
0x7a: {  	_ =	swait.ge [sflag:s4], $0x2000  }
0x7b: {  	[sflag:s4] =	ssyncset.done $0x0  }
0x7c: {  	[sflag:s4] =	ssyncadd.s32 $0xFFFFE000  }
0x7d: {  	[tilespmem:s15], [sflag:$0x5] =	stream.indirect.gather [spmem:s1], $0x40, s13, s6, $0xb8;
	[tilespmem:$0x11E40] =	vst v63  }
0x7e: {  	_ =	swait.ge [sflag:s4], $0x2000  }
0x7f: {  	s28 =	rddreg [dreg:$0x8];
	[sflag:s4] =	ssyncset.done $0x0  }
0x80: {  	p1 =	sge.u32 s19, s20;
	[sflag:s4] =	ssyncadd.s32 $0xFFFFE000;
	s0 =	sadd.s32 s23, s28  }
0x81: {  	[hbm4b:s0+s2] =	stream.linear.scatter [tilespmem:s11], [sflag:$0x3], $0x4000, $0x38;
	[tilespmem:$0x11E40] =	vst v63  }
0x82: {  	s22 =	simm.s32 @!p6 $0x2;
	s7 =	simm.s32 @!p1 $0x11C40;
	s0 =	simm.s32 @!p1 $0x0  }
0x83: {  	[tilespmem:s7], [sflag:$0x1] =	stream.linear.gather @!p1 [hbm4b:s12+s0], $0x100, $0x38;
	[tilespmem:$0x11E40] =	vst v63  }
0x84: {  	_ =	swait.ge @!p6 [sflag:s22], $0x100  }
0x85: {  	p1 =	por p3, p6;
	[sflag:s22] =	ssyncset.done @!p6 $0x0  }
0x86: {  	s7 =	simm.s32 @!p1 $0x4;
	[sflag:s22] =	ssyncadd.s32 @!p6 $0xFFFFFF00  }
0x87: {  	s17 =	smov.u32 s21;
	_ =	swait.ge @!p1 [sflag:s7], $0x4000  }
0x88: {  	s21 =	sadd.s32 $0x1000, s21;
	s0 =	simm.s32 @!p6 $0x5;
	[sflag:s7] =	ssyncset.done @!p1 $0x0  }
0x89: {  	s22 =	simm.s32 @!p6 $0x80;
	[sflag:s7] =	ssyncadd.s32 @!p1 $0xFFFFC000;
	s7 =	simm.s32 @!p6 $0xDC40  }
0x8a: {  	[tilespmem:s7], [sflag:$0x5] =	stream.indirect.gather @!p6 [spmem:s1], $0x40, s25, s22, $0xb8;
	[tilespmem:$0x11E40] =	vst v63  }
0x8b: {  	p0 =	sne.s32 s21, $0x14000;
	_ =	swait.ge @!p6 [sflag:s0], $0x2000  }
.Ltmp3:
0x8c: {  	s26 =	simm.s32 @!p6 $0xFC40;
	[sflag:s0] =	ssyncset.done @!p6 $0x0;
	(pc) =	sbr.rel @p0 .LBB2_8-.Ltmp3, $4  }
0x8d: {  	s14 =	sadd.s32 $0x40, s14;
	s25 =	simm.s32 @!p6 $0x11DC0;
	[sflag:s0] =	ssyncadd.s32 @!p6 $0xFFFFE000  }
0x8e: {  	[tilespmem:s26], [sflag:$0x5] =	stream.indirect.gather @!p6 [spmem:s1], $0x40, s25, s22, $0xb8;
	[tilespmem:$0x11E40] =	vst v63  }
0x8f: {  	s19 =	sadd.s32 $0x2, s19;
	s12 =	sadd.s32 $0x40, s12;
	_ =	swait.ge @!p6 [sflag:s0], $0x2000  }
0x90: {  	s26 =	sadd.s32 $0xFFFFFFFF, s19;
	s25 =	sadd.s32 @!p6 s23, s10;
	[sflag:s0] =	ssyncset.done @!p6 $0x0  }
0x91: {  	p3 =	sge.u32 s26, s20;
	[sflag:s0] =	ssyncadd.s32 @!p6 $0xFFFFE000  }
0x92: {  	[hbm4b:s25+s18] =	stream.linear.scatter @!p6 [tilespmem:s7], [sflag:$0x4], $0x4000, $0x38;
	[tilespmem:$0x11E40] =	vst v63  }
0x93: {  	s0 =	simm.s32 @!p3 $0x0;
	s7 =	simm.s32 @!p3 $0x11D40  }
0x94: {  	[tilespmem:s7], [sflag:$0x2] =	stream.linear.gather @!p3 [hbm4b:s14+s0], $0x100, $0x38;
	[tilespmem:$0x11E40] =	vst v63  }
0x95: {  	_ =	swait.ge [sflag:s29], $0x100  }
0x96: {  	p0 =	seq.s32 s17, $0x0;
	[sflag:s29] =	ssyncset.done $0x0  }
0x97: {  	s14 =	simm.s32 @!p0 $0x3;
	[sflag:s29] =	ssyncadd.s32 $0xFFFFFF00  }
0x98: {  	_ =	swait.ge @!p0 [sflag:s14], $0x4000  }
0x99: {  	[sflag:s14] =	ssyncset.done @!p0 $0x0  }
0x9a: {  	[sflag:s14] =	ssyncadd.s32 @!p0 $0xFFFFC000  }
0x9b: {  	[tilespmem:s11], [sflag:$0x5] =	stream.indirect.gather [spmem:s1], $0x40, s9, s6, $0xb8;
	[tilespmem:$0x11E40] =	vst v63  }
0x9c: {  	_ =	swait.ge [sflag:s4], $0x2000  }
0x9d: {  	[sflag:s4] =	ssyncset.done $0x0  }
0x9e: {  	[sflag:s4] =	ssyncadd.s32 $0xFFFFE000  }
0x9f: {  	[tilespmem:s15], [sflag:$0x5] =	stream.indirect.gather [spmem:s1], $0x40, s13, s6, $0xb8;
	[tilespmem:$0x11E40] =	vst v63  }
0xa0: {  	_ =	swait.ge [sflag:s4], $0x2000  }
0xa1: {  	p1 =	sge.u32 s19, s20;
	s22 =	rddreg [dreg:$0x8];
	[sflag:s4] =	ssyncset.done $0x0  }
0xa2: {  	p0 =	por p3, p3;
	[sflag:s4] =	ssyncadd.s32 $0xFFFFE000;
	s14 =	sadd.s32 s17, s22  }
0xa3: {  	[hbm4b:s14+s2] =	stream.linear.scatter [tilespmem:s11], [sflag:$0x3], $0x4000, $0x38;
	[tilespmem:$0x11E40] =	vst v63  }
0xa4: {  	s18 =	simm.s32 @!p1 $0x11C40;
	s19 =	simm.s32 @!p0 $0x2;
	s14 =	simm.s32 @!p1 $0x0  }
0xa5: {  	[tilespmem:s18], [sflag:$0x1] =	stream.linear.gather @!p1 [hbm4b:s12+s14], $0x100, $0x38;
	[tilespmem:$0x11E40] =	vst v63  }
0xa6: {  	p1 =	seq.s32 @!p3 s17, $0x0;
	_ =	swait.ge @!p0 [sflag:s19], $0x100  }
0xa7: {  	p1 =	por p1, p0;
	[sflag:s19] =	ssyncset.done @!p0 $0x0  }
0xa8: {  	s12 =	simm.s32 @!p1 $0x4;
	[sflag:s19] =	ssyncadd.s32 @!p0 $0xFFFFFF00  }
0xa9: {  	_ =	swait.ge @!p1 [sflag:s12], $0x4000  }
0xaa: {  	s14 =	simm.s32 @!p0 $0x5;
	[sflag:s12] =	ssyncset.done @!p1 $0x0  }
0xab: {  	s18 =	simm.s32 @!p0 $0xDC40;
	[sflag:s12] =	ssyncadd.s32 @!p1 $0xFFFFC000;
	s12 =	simm.s32 @!p0 $0x80  }
0xac: {  	[tilespmem:s18], [sflag:$0x5] =	stream.indirect.gather @!p0 [spmem:s1], $0x40, s7, s12, $0xb8;
	[tilespmem:$0x11E40] =	vst v63  }
0xad: {  	_ =	swait.ge @!p0 [sflag:s14], $0x2000  }
0xae: {  	[sflag:s14] =	ssyncset.done @!p0 $0x0  }
0xaf: {  	s19 =	simm.s32 @!p0 $0xFC40;
	s7 =	simm.s32 @!p0 $0x11DC0;
	[sflag:s14] =	ssyncadd.s32 @!p0 $0xFFFFE000  }
0xb0: {  	[tilespmem:s19], [sflag:$0x5] =	stream.indirect.gather @!p0 [spmem:s1], $0x40, s7, s12, $0xb8;
	[tilespmem:$0x11E40] =	vst v63  }
0xb1: {  	_ =	swait.ge @!p0 [sflag:s14], $0x2000  }
0xb2: {  	[sflag:s14] =	ssyncset.done @!p0 $0x0  }
0xb3: {  	s7 =	sadd.s32 @!p0 s17, s10;
	[sflag:s14] =	ssyncadd.s32 @!p0 $0xFFFFE000  }
0xb4: {  	[hbm4b:s7+s0] =	stream.linear.scatter @!p0 [tilespmem:s18], [sflag:$0x4], $0x4000, $0x38;
	[tilespmem:$0x11E40] =	vst v63  }
0xb5: {  	s0 =	simm.s32 @!p5 $0x3  }
0xb6: {  	_ =	swait.ge @!p5 [sflag:s0], $0x4000  }
0xb7: {  	s23 =	sld [smem:$0x7FC];
	_ =	sdelay $0x2  }
0xb8: {  	[sflag:s0] =	ssyncset.done @!p5 $0x0;
	p0 =	seq.s32 s23, $0x1  }
0xb9: {  	s25 =	sadd.s32 $0x0, s3;
	[sflag:s0] =	ssyncadd.s32 @!p5 $0xFFFFC000;
	s0 =	simm.s32 @!p0 $0x4  }
0xba: {  	s26 =	sadd.s32 $0x272, s25;
	_ =	swait.ge @!p0 [sflag:s0], $0x4000  }
0xbb: {  	s7 =	simm.s32 @!p5 $0x11C40;
	[sflag:s0] =	ssyncset.done @!p0 $0x0;
	s12 =	rddreg [dreg:$0xc]  }
0xbc: {  	[sflag:s0] =	ssyncadd.s32 @!p0 $0xFFFFC000;
	s0 =	simm.s32 @!p5 $0x0;
	p0 =	sge.u32 s26, s24  }
0xbd: {  	[tilespmem:s7], [sflag:$0x1] =	stream.linear.gather @!p5 [hbm4b:s12+s0], $0x100, $0x38;
	[tilespmem:$0x11E40] =	vst v63  }
0xbe: {  	s22 =	rddreg [dreg:$0x16];
	s18 =	simm.s32 @!p0 $0x0;
	s12 =	simm.s32 @!p0 $0x11D40  }
0xbf: {  	[tilespmem:s12], [sflag:$0x2] =	stream.linear.gather @!p0 [hbm4b:s22+s18], $0x100, $0x38;
	[tilespmem:$0x11E40] =	vst v63  }
0xc0: {  	s7 =	sadd.s32 $0x271, s25;
	_ =	swait.ge [sflag:s29], $0x100  }
0xc1: {  	p1 =	slt.u32 s7, s30;
	[sflag:s29] =	ssyncset.done $0x0  }
0xc2: {  	s14 =	simm.s32 @!p1 $0x3;
	[sflag:s29] =	ssyncadd.s32 $0xFFFFFF00  }
0xc3: {  	_ =	swait.ge @!p1 [sflag:s14], $0x4000  }
0xc4: {  	[sflag:s14] =	ssyncset.done @!p1 $0x0  }
0xc5: {  	[sflag:s14] =	ssyncadd.s32 @!p1 $0xFFFFC000  }
0xc6: {  	[tilespmem:s11], [sflag:$0x5] =	stream.indirect.gather [spmem:s1], $0x40, s9, s6, $0xb8;
	[tilespmem:$0x11E40] =	vst v63  }
0xc7: {  	_ =	swait.ge [sflag:s4], $0x2000  }
0xc8: {  	[sflag:s4] =	ssyncset.done $0x0  }
0xc9: {  	[sflag:s4] =	ssyncadd.s32 $0xFFFFE000  }
0xca: {  	[tilespmem:s15], [sflag:$0x5] =	stream.indirect.gather [spmem:s1], $0x40, s13, s6, $0xb8;
	[tilespmem:$0x11E40] =	vst v63  }
0xcb: {  	p6 =	por p0, p0;
	_ =	swait.ge [sflag:s4], $0x2000  }
0xcc: {  	s0 =	sadd.s32 $0x273, s25;
	s17 =	simm.s32 @!p6 $0x2;
	[sflag:s4] =	ssyncset.done $0x0  }
0xcd: {  	p1 =	sge.u32 s0, s24;
	s26 =	rddreg [dreg:$0x10];
	[sflag:s4] =	ssyncadd.s32 $0xFFFFE000  }
0xce: {  	[hbm4b:s26+s2] =	stream.linear.scatter [tilespmem:s11], [sflag:$0x3], $0x4000, $0x38;
	[tilespmem:$0x11E40] =	vst v63  }
0xcf: {  	s0 =	simm.s32 @!p1 $0x0;
	s14 =	simm.s32 @!p1 $0x11C40;
	s5 =	rddreg [dreg:$0x15]  }
0xd0: {  	[tilespmem:s14], [sflag:$0x1] =	stream.linear.gather @!p1 [hbm4b:s5+s0], $0x100, $0x38;
	[tilespmem:$0x11E40] =	vst v63  }
0xd1: {  	p0 =	slt.u32 @!p0 s7, s31;
	_ =	swait.ge @!p6 [sflag:s17], $0x100  }
0xd2: {  	p0 =	por p0, p6;
	[sflag:s17] =	ssyncset.done @!p6 $0x0  }
0xd3: {  	s7 =	simm.s32 @!p0 $0x4;
	[sflag:s17] =	ssyncadd.s32 @!p6 $0xFFFFFF00  }
0xd4: {  	_ =	swait.ge @!p0 [sflag:s7], $0x4000  }
0xd5: {  	s21 =	simm.s32 $0x4;
	s19 =	simm.s32 @!p6 $0x80;
	[sflag:s7] =	ssyncset.done @!p0 $0x0  }
0xd6: {  	s0 =	simm.s32 @!p6 $0x5;
	[sflag:s7] =	ssyncadd.s32 @!p0 $0xFFFFC000;
	s7 =	simm.s32 @!p6 $0xDC40  }
0xd7: {  	[tilespmem:s7], [sflag:$0x5] =	stream.indirect.gather @!p6 [spmem:s1], $0x40, s12, s19, $0xb8;
	[tilespmem:$0x11E40] =	vst v63  }
0xd8: {  	s25 =	sadd.s32 $0x2, s3;
	s23 =	simm.s32 @!p6 $0xFC40;
	_ =	swait.ge @!p6 [sflag:s0], $0x2000  }
0xd9: {  	s14 =	sadd.s32 $0x40, s22;
	s22 =	simm.s32 @!p6 $0x11DC0;
	[sflag:s0] =	ssyncset.done @!p6 $0x0  }
0xda: {  	s12 =	sadd.s32 $0x40, s5;
	s5 =	rddreg [dreg:$0x11];
	[sflag:s0] =	ssyncadd.s32 @!p6 $0xFFFFE000  }
0xdb: {  	[tilespmem:s23], [sflag:$0x5] =	stream.indirect.gather @!p6 [spmem:s1], $0x40, s22, s19, $0xb8;
	[tilespmem:$0x11E40] =	vst v63  }
0xdc: {  	s28 =	sadd.s32 $0x271, s25;
	s17 =	sadd.s32 $0x1000, s5;
	_ =	swait.ge @!p6 [sflag:s0], $0x2000  }
0xdd: {  	s19 =	sadd.s32 $0x1000, s26;
	s26 =	sadd.s32 $0x272, s25;
	[sflag:s0] =	ssyncset.done @!p6 $0x0  }
.LBB2_10:
0xde: {  	p1 =	sge.u32 s26, s24;
	s22 =	sadd.s32 $0x273, s25;
	[sflag:s0] =	ssyncadd.s32 @!p6 $0xFFFFE000  }
0xdf: {  	[hbm4b:s5+s18] =	stream.linear.scatter @!p6 [tilespmem:s7], [sflag:$0x4], $0x4000, $0x38;
	[tilespmem:$0x11E40] =	vst v63  }
0xe0: {  	s18 =	simm.s32 @!p1 $0x0;
	s26 =	simm.s32 @!p1 $0x11D40;
	p3 =	slt.u32 @!p1 s28, s31  }
0xe1: {  	[tilespmem:s26], [sflag:$0x2] =	stream.linear.gather @!p1 [hbm4b:s14+s18], $0x100, $0x38;
	[tilespmem:$0x11E40] =	vst v63  }
0xe2: {  	s25 =	smov.u32 s21;
	s21 =	sadd.s32 $0x2, s21;
	_ =	swait.ge [sflag:s29], $0x100  }
0xe3: {  	p2 =	slt.u32 s28, s30;
	p0 =	sne.s32 s21, $0x28;
	[sflag:s29] =	ssyncset.done $0x0  }
0xe4: {  	s0 =	simm.s32 @!p2 $0x3;
	s5 =	smov.u32 s17;
	[sflag:s29] =	ssyncadd.s32 $0xFFFFFF00  }
0xe5: {  	p6 =	por p1, p1;
	_ =	swait.ge @!p2 [sflag:s0], $0x4000  }
0xe6: {  	[sflag:s0] =	ssyncset.done @!p2 $0x0  }
0xe7: {  	[sflag:s0] =	ssyncadd.s32 @!p2 $0xFFFFC000  }
0xe8: {  	[tilespmem:s11], [sflag:$0x5] =	stream.indirect.gather [spmem:s1], $0x40, s9, s6, $0xb8;
	[tilespmem:$0x11E40] =	vst v63  }
0xe9: {  	_ =	swait.ge [sflag:s4], $0x2000  }
0xea: {  	[sflag:s4] =	ssyncset.done $0x0  }
0xeb: {  	[sflag:s4] =	ssyncadd.s32 $0xFFFFE000  }
0xec: {  	[tilespmem:s15], [sflag:$0x5] =	stream.indirect.gather [spmem:s1], $0x40, s13, s6, $0xb8;
	[tilespmem:$0x11E40] =	vst v63  }
0xed: {  	_ =	swait.ge [sflag:s4], $0x2000  }
0xee: {  	[sflag:s4] =	ssyncset.done $0x0  }
0xef: {  	p1 =	sge.u32 s22, s24;
	[sflag:s4] =	ssyncadd.s32 $0xFFFFE000  }
0xf0: {  	[hbm4b:s19+s2] =	stream.linear.scatter [tilespmem:s11], [sflag:$0x3], $0x4000, $0x38;
	[tilespmem:$0x11E40] =	vst v63  }
0xf1: {  	s22 =	simm.s32 @!p6 $0x2;
	s7 =	simm.s32 @!p1 $0x11C40;
	s0 =	simm.s32 @!p1 $0x0  }
0xf2: {  	[tilespmem:s7], [sflag:$0x1] =	stream.linear.gather @!p1 [hbm4b:s12+s0], $0x100, $0x38;
	[tilespmem:$0x11E40] =	vst v63  }
0xf3: {  	_ =	swait.ge @!p6 [sflag:s22], $0x100  }
0xf4: {  	p1 =	por p3, p6;
	[sflag:s22] =	ssyncset.done @!p6 $0x0  }
0xf5: {  	s7 =	simm.s32 @!p1 $0x4;
	[sflag:s22] =	ssyncadd.s32 @!p6 $0xFFFFFF00  }
0xf6: {  	_ =	swait.ge @!p1 [sflag:s7], $0x4000  }
0xf7: {  	s0 =	simm.s32 @!p6 $0x5;
	[sflag:s7] =	ssyncset.done @!p1 $0x0  }
0xf8: {  	s22 =	simm.s32 @!p6 $0x80;
	[sflag:s7] =	ssyncadd.s32 @!p1 $0xFFFFC000;
	s7 =	simm.s32 @!p6 $0xDC40  }
0xf9: {  	[tilespmem:s7], [sflag:$0x5] =	stream.indirect.gather @!p6 [spmem:s1], $0x40, s26, s22, $0xb8;
	[tilespmem:$0x11E40] =	vst v63  }
0xfa: {  	s14 =	sadd.s32 $0x40, s14;
	s12 =	sadd.s32 $0x40, s12;
	_ =	swait.ge @!p6 [sflag:s0], $0x2000  }
.Ltmp4:
0xfb: {  	s17 =	sadd.s32 $0x1000, s17;
	[sflag:s0] =	ssyncset.done @!p6 $0x0;
	(pc) =	sbr.rel @p0 .LBB2_10-.Ltmp4, $4  }
0xfc: {  	s28 =	simm.s32 @!p6 $0xFC40;
	s26 =	simm.s32 @!p6 $0x11DC0;
	[sflag:s0] =	ssyncadd.s32 @!p6 $0xFFFFE000  }
0xfd: {  	[tilespmem:s28], [sflag:$0x5] =	stream.indirect.gather @!p6 [spmem:s1], $0x40, s26, s22, $0xb8;
	[tilespmem:$0x11E40] =	vst v63  }
0xfe: {  	s25 =	sadd.s32 s25, s3;
	s19 =	sadd.s32 $0x1000, s19;
	_ =	swait.ge @!p6 [sflag:s0], $0x2000  }
0xff: {  	s28 =	sadd.s32 $0x271, s25;
	s26 =	sadd.s32 $0x272, s25;
	[sflag:s0] =	ssyncset.done @!p6 $0x0  }
0x100: {  	p0 =	sge.u32 s26, s24;
	[sflag:s0] =	ssyncadd.s32 @!p6 $0xFFFFE000  }
0x101: {  	[hbm4b:s5+s18] =	stream.linear.scatter @!p6 [tilespmem:s7], [sflag:$0x4], $0x4000, $0x38;
	[tilespmem:$0x11E40] =	vst v63  }
0x102: {  	s0 =	simm.s32 @!p0 $0x0;
	s7 =	simm.s32 @!p0 $0x11D40  }
0x103: {  	[tilespmem:s7], [sflag:$0x2] =	stream.linear.gather @!p0 [hbm4b:s14+s0], $0x100, $0x38;
	[tilespmem:$0x11E40] =	vst v63  }
0x104: {  	_ =	swait.ge [sflag:s29], $0x100  }
0x105: {  	p1 =	slt.u32 s28, s30;
	[sflag:s29] =	ssyncset.done $0x0  }
0x106: {  	s14 =	simm.s32 @!p1 $0x3;
	[sflag:s29] =	ssyncadd.s32 $0xFFFFFF00  }
0x107: {  	_ =	swait.ge @!p1 [sflag:s14], $0x4000  }
0x108: {  	[sflag:s14] =	ssyncset.done @!p1 $0x0  }
0x109: {  	[sflag:s14] =	ssyncadd.s32 @!p1 $0xFFFFC000  }
0x10a: {  	[tilespmem:s11], [sflag:$0x5] =	stream.indirect.gather [spmem:s1], $0x40, s9, s6, $0xb8;
	[tilespmem:$0x11E40] =	vst v63  }
0x10b: {  	_ =	swait.ge [sflag:s4], $0x2000  }
0x10c: {  	[sflag:s4] =	ssyncset.done $0x0  }
0x10d: {  	[sflag:s4] =	ssyncadd.s32 $0xFFFFE000  }
0x10e: {  	[tilespmem:s15], [sflag:$0x5] =	stream.indirect.gather [spmem:s1], $0x40, s13, s6, $0xb8;
	[tilespmem:$0x11E40] =	vst v63  }
0x10f: {  	_ =	swait.ge [sflag:s4], $0x2000  }
0x110: {  	s26 =	sadd.s32 $0x273, s25;
	[sflag:s4] =	ssyncset.done $0x0  }
0x111: {  	p3 =	por p0, p0;
	p1 =	sge.u32 s26, s24;
	[sflag:s4] =	ssyncadd.s32 $0xFFFFE000  }
0x112: {  	[hbm4b:s19+s2] =	stream.linear.scatter [tilespmem:s11], [sflag:$0x3], $0x4000, $0x38;
	[tilespmem:$0x11E40] =	vst v63  }
0x113: {  	s14 =	simm.s32 @!p1 $0x0;
	s18 =	simm.s32 @!p1 $0x11C40;
	s19 =	simm.s32 @!p3 $0x2  }
0x114: {  	[tilespmem:s18], [sflag:$0x1] =	stream.linear.gather @!p1 [hbm4b:s12+s14], $0x100, $0x38;
	[tilespmem:$0x11E40] =	vst v63  }
0x115: {  	p0 =	slt.u32 @!p0 s28, s31;
	_ =	swait.ge @!p3 [sflag:s19], $0x100  }
0x116: {  	p0 =	por p0, p3;
	[sflag:s19] =	ssyncset.done @!p3 $0x0  }
0x117: {  	s12 =	simm.s32 @!p0 $0x4;
	[sflag:s19] =	ssyncadd.s32 @!p3 $0xFFFFFF00  }
0x118: {  	_ =	swait.ge @!p0 [sflag:s12], $0x4000  }
0x119: {  	s14 =	simm.s32 @!p3 $0x5;
	[sflag:s12] =	ssyncset.done @!p0 $0x0  }
0x11a: {  	s18 =	simm.s32 @!p3 $0xDC40;
	[sflag:s12] =	ssyncadd.s32 @!p0 $0xFFFFC000;
	s12 =	simm.s32 @!p3 $0x80  }
0x11b: {  	[tilespmem:s18], [sflag:$0x5] =	stream.indirect.gather @!p3 [spmem:s1], $0x40, s7, s12, $0xb8;
	[tilespmem:$0x11E40] =	vst v63  }
0x11c: {  	_ =	swait.ge @!p3 [sflag:s14], $0x2000  }
0x11d: {  	[sflag:s14] =	ssyncset.done @!p3 $0x0  }
0x11e: {  	s19 =	simm.s32 @!p3 $0xFC40;
	s7 =	simm.s32 @!p3 $0x11DC0;
	[sflag:s14] =	ssyncadd.s32 @!p3 $0xFFFFE000  }
0x11f: {  	[tilespmem:s19], [sflag:$0x5] =	stream.indirect.gather @!p3 [spmem:s1], $0x40, s7, s12, $0xb8;
	[tilespmem:$0x11E40] =	vst v63  }
0x120: {  	_ =	swait.ge @!p3 [sflag:s14], $0x2000  }
0x121: {  	[sflag:s14] =	ssyncset.done @!p3 $0x0  }
0x122: {  	[sflag:s14] =	ssyncadd.s32 @!p3 $0xFFFFE000  }
0x123: {  	[hbm4b:s17+s0] =	stream.linear.scatter @!p3 [tilespmem:s18], [sflag:$0x4], $0x4000, $0x38;
	[tilespmem:$0x11E40] =	vst v63  }
0x124: {  	s0 =	simm.s32 @!p5 $0x3  }
0x125: {  	_ =	swait.ge @!p5 [sflag:s0], $0x4000  }
0x126: {  	s28 =	sld [smem:$0x7FC];
	_ =	sdelay $0x2  }
0x127: {  	p0 =	seq.s32 s28, $0x1  }
.Ltmp5:
0x128: {  	_ = 	snop;
	(pc) =	sbr.rel @p0 .LBB2_13-.Ltmp5, $4  }
.Ltmp6:
0x129: {  	_ = 	snop;
	(pc) =	sbr.rel @!p0 .LBB2_12-.Ltmp6, $4  }
0x12a: {  	_ = 	snop  }
0x12b: {  	[sflag:s0] =	ssyncset.done @!p5 $0x0  }
0x12c: {  	[sflag:s0] =	ssyncadd.s32 @!p5 $0xFFFFC000  }
0x12d: {  	_ = 	snop  }
.LBB2_2:
0x12e: {  	s12 =	rddreg [dreg:$0x9]  }
0x12f: {  	s0 =	simm.s32 @!p5 $0x0;
	s7 =	simm.s32 @!p5 $0x11C40;
	s25 =	rddreg [dreg:$0x1e]  }
0x130: {  	[tilespmem:s7], [sflag:$0x1] =	stream.linear.gather @!p5 [hbm4b:s12+s0], $0x100, $0x38;
	[tilespmem:$0x11E40] =	vst v63  }
0x131: {  	s26 =	sadd.s32 $0xFFFFFFFF, s25  }
0x132: {  	p0 =	sge.u32 s26, s20  }
0x133: {  	s22 =	rddreg [dreg:$0xd];
	s18 =	simm.s32 @!p0 $0x0;
	s12 =	simm.s32 @!p0 $0x11D40  }
0x134: {  	[tilespmem:s12], [sflag:$0x2] =	stream.linear.gather @!p0 [hbm4b:s22+s18], $0x100, $0x38;
	[tilespmem:$0x11E40] =	vst v63  }
0x135: {  	_ =	swait.ge [sflag:s29], $0x100  }
0x136: {  	p1 =	por $0x1, $0x1;
	[sflag:s29] =	ssyncset.done $0x0  }
0x137: {  	s0 =	simm.s32 @!p1 $0x3;
	[sflag:s29] =	ssyncadd.s32 $0xFFFFFF00  }
0x138: {  	_ =	swait.ge @!p1 [sflag:s0], $0x4000  }
0x139: {  	[sflag:s0] =	ssyncset.done @!p1 $0x0  }
0x13a: {  	[sflag:s0] =	ssyncadd.s32 @!p1 $0xFFFFC000  }
0x13b: {  	[tilespmem:s11], [sflag:$0x5] =	stream.indirect.gather [spmem:s1], $0x40, s9, s6, $0xb8;
	[tilespmem:$0x11E40] =	vst v63  }
0x13c: {  	_ =	swait.ge [sflag:s4], $0x2000  }
0x13d: {  	[sflag:s4] =	ssyncset.done $0x0  }
0x13e: {  	[sflag:s4] =	ssyncadd.s32 $0xFFFFE000  }
0x13f: {  	[tilespmem:s15], [sflag:$0x5] =	stream.indirect.gather [spmem:s1], $0x40, s13, s6, $0xb8;
	[tilespmem:$0x11E40] =	vst v63  }
0x140: {  	p6 =	por p0, p0;
	_ =	swait.ge [sflag:s4], $0x2000  }
0x141: {  	s14 =	simm.s32 @!p6 $0x2;
	s28 =	rddreg [dreg:$0x7];
	[sflag:s4] =	ssyncset.done $0x0  }
0x142: {  	p1 =	sge.u32 s25, s20;
	[sflag:s4] =	ssyncadd.s32 $0xFFFFE000;
	s0 =	sadd.s32 $0x0, s28  }
0x143: {  	[hbm4b:s0+s2] =	stream.linear.scatter [tilespmem:s11], [sflag:$0x3], $0x4000, $0x38;
	[tilespmem:$0x11E40] =	vst v63  }
0x144: {  	s7 =	simm.s32 @!p1 $0x11C40;
	s5 =	rddreg [dreg:$0x1d];
	s0 =	simm.s32 @!p1 $0x0  }
0x145: {  	[tilespmem:s7], [sflag:$0x1] =	stream.linear.gather @!p1 [hbm4b:s5+s0], $0x100, $0x38;
	[tilespmem:$0x11E40] =	vst v63  }
0x146: {  	p0 =	por @!p0 $0x1, $0x1;
	_ =	swait.ge @!p6 [sflag:s14], $0x100  }
0x147: {  	p0 =	por p0, p6;
	[sflag:s14] =	ssyncset.done @!p6 $0x0  }
0x148: {  	s7 =	simm.s32 @!p0 $0x4;
	[sflag:s14] =	ssyncadd.s32 @!p6 $0xFFFFFF00  }
0x149: {  	_ =	swait.ge @!p0 [sflag:s7], $0x4000  }
0x14a: {  	s19 =	simm.s32 @!p6 $0x80;
	[sflag:s7] =	ssyncset.done @!p0 $0x0  }
0x14b: {  	s0 =	simm.s32 @!p6 $0x5;
	[sflag:s7] =	ssyncadd.s32 @!p0 $0xFFFFC000;
	s7 =	simm.s32 @!p6 $0xDC40  }
0x14c: {  	[tilespmem:s7], [sflag:$0x5] =	stream.indirect.gather @!p6 [spmem:s1], $0x40, s12, s19, $0xb8;
	[tilespmem:$0x11E40] =	vst v63  }
0x14d: {  	s17 =	simm.s32 $0x1000;
	_ =	swait.ge @!p6 [sflag:s0], $0x2000  }
0x14e: {  	s21 =	simm.s32 $0x2000;
	s23 =	simm.s32 @!p6 $0xFC40;
	[sflag:s0] =	ssyncset.done @!p6 $0x0  }
0x14f: {  	s14 =	sadd.s32 $0x40, s22;
	s12 =	simm.s32 @!p6 $0x11DC0;
	[sflag:s0] =	ssyncadd.s32 @!p6 $0xFFFFE000  }
0x150: {  	[tilespmem:s23], [sflag:$0x5] =	stream.indirect.gather @!p6 [spmem:s1], $0x40, s12, s19, $0xb8;
	[tilespmem:$0x11E40] =	vst v63  }
0x151: {  	s12 =	sadd.s32 $0x40, s5;
	s19 =	sadd.s32 $0x2, s25;
	_ =	swait.ge @!p6 [sflag:s0], $0x2000  }
0x152: {  	s25 =	sadd.s32 @!p6 $0x0, s8;
	s26 =	sadd.s32 $0xFFFFFFFF, s19;
	[sflag:s0] =	ssyncset.done @!p6 $0x0  }
.LBB2_3:
0x153: {  	p1 =	sge.u32 s26, s20;
	[sflag:s0] =	ssyncadd.s32 @!p6 $0xFFFFE000  }
0x154: {  	[hbm4b:s25+s18] =	stream.linear.scatter @!p6 [tilespmem:s7], [sflag:$0x4], $0x4000, $0x38;
	[tilespmem:$0x11E40] =	vst v63  }
0x155: {  	s23 =	smov.u32 s17;
	s18 =	simm.s32 @!p1 $0x0;
	s25 =	simm.s32 @!p1 $0x11D40  }
0x156: {  	[tilespmem:s25], [sflag:$0x2] =	stream.linear.gather @!p1 [hbm4b:s14+s18], $0x100, $0x38;
	[tilespmem:$0x11E40] =	vst v63  }
0x157: {  	p3 =	seq.s32 @!p1 s23, $0x0;
	_ =	swait.ge [sflag:s29], $0x100  }
0x158: {  	p6 =	por p1, p1;
	p1 =	seq.s32 s23, $0x0;
	[sflag:s29] =	ssyncset.done $0x0  }
0x159: {  	s0 =	simm.s32 @!p1 $0x3;
	[sflag:s29] =	ssyncadd.s32 $0xFFFFFF00  }
0x15a: {  	_ =	swait.ge @!p1 [sflag:s0], $0x4000  }
0x15b: {  	[sflag:s0] =	ssyncset.done @!p1 $0x0  }
0x15c: {  	[sflag:s0] =	ssyncadd.s32 @!p1 $0xFFFFC000  }
0x15d: {  	[tilespmem:s11], [sflag:$0x5] =	stream.indirect.gather [spmem:s1], $0x40, s9, s6, $0xb8;
	[tilespmem:$0x11E40] =	vst v63  }
0x15e: {  	_ =	swait.ge [sflag:s4], $0x2000  }
0x15f: {  	[sflag:s4] =	ssyncset.done $0x0  }
0x160: {  	[sflag:s4] =	ssyncadd.s32 $0xFFFFE000  }
0x161: {  	[tilespmem:s15], [sflag:$0x5] =	stream.indirect.gather [spmem:s1], $0x40, s13, s6, $0xb8;
	[tilespmem:$0x11E40] =	vst v63  }
0x162: {  	_ =	swait.ge [sflag:s4], $0x2000  }
0x163: {  	s28 =	rddreg [dreg:$0x7];
	[sflag:s4] =	ssyncset.done $0x0  }
0x164: {  	p1 =	sge.u32 s19, s20;
	[sflag:s4] =	ssyncadd.s32 $0xFFFFE000;
	s0 =	sadd.s32 s23, s28  }
0x165: {  	[hbm4b:s0+s2] =	stream.linear.scatter [tilespmem:s11], [sflag:$0x3], $0x4000, $0x38;
	[tilespmem:$0x11E40] =	vst v63  }
0x166: {  	s26 =	simm.s32 @!p6 $0x2;
	s7 =	simm.s32 @!p1 $0x11C40;
	s0 =	simm.s32 @!p1 $0x0  }
0x167: {  	[tilespmem:s7], [sflag:$0x1] =	stream.linear.gather @!p1 [hbm4b:s12+s0], $0x100, $0x38;
	[tilespmem:$0x11E40] =	vst v63  }
0x168: {  	_ =	swait.ge @!p6 [sflag:s26], $0x100  }
0x169: {  	p1 =	por p3, p6;
	[sflag:s26] =	ssyncset.done @!p6 $0x0  }
0x16a: {  	s7 =	simm.s32 @!p1 $0x4;
	[sflag:s26] =	ssyncadd.s32 @!p6 $0xFFFFFF00  }
0x16b: {  	s17 =	smov.u32 s21;
	_ =	swait.ge @!p1 [sflag:s7], $0x4000  }
0x16c: {  	s21 =	sadd.s32 $0x1000, s21;
	s0 =	simm.s32 @!p6 $0x5;
	[sflag:s7] =	ssyncset.done @!p1 $0x0  }
0x16d: {  	s26 =	simm.s32 @!p6 $0x80;
	[sflag:s7] =	ssyncadd.s32 @!p1 $0xFFFFC000;
	s7 =	simm.s32 @!p6 $0xDC40  }
0x16e: {  	[tilespmem:s7], [sflag:$0x5] =	stream.indirect.gather @!p6 [spmem:s1], $0x40, s25, s26, $0xb8;
	[tilespmem:$0x11E40] =	vst v63  }
0x16f: {  	p0 =	sne.s32 s21, $0x14000;
	_ =	swait.ge @!p6 [sflag:s0], $0x2000  }
.Ltmp7:
0x170: {  	s14 =	sadd.s32 $0x40, s14;
	[sflag:s0] =	ssyncset.done @!p6 $0x0;
	(pc) =	sbr.rel @p0 .LBB2_3-.Ltmp7, $4  }
0x171: {  	s28 =	simm.s32 @!p6 $0xFC40;
	s25 =	simm.s32 @!p6 $0x11DC0;
	[sflag:s0] =	ssyncadd.s32 @!p6 $0xFFFFE000  }
0x172: {  	[tilespmem:s28], [sflag:$0x5] =	stream.indirect.gather @!p6 [spmem:s1], $0x40, s25, s26, $0xb8;
	[tilespmem:$0x11E40] =	vst v63  }
0x173: {  	s19 =	sadd.s32 $0x2, s19;
	s12 =	sadd.s32 $0x40, s12;
	_ =	swait.ge @!p6 [sflag:s0], $0x2000  }
0x174: {  	s26 =	sadd.s32 $0xFFFFFFFF, s19;
	s25 =	sadd.s32 @!p6 s23, s8;
	[sflag:s0] =	ssyncset.done @!p6 $0x0  }
0x175: {  	p3 =	sge.u32 s26, s20;
	[sflag:s0] =	ssyncadd.s32 @!p6 $0xFFFFE000  }
0x176: {  	[hbm4b:s25+s18] =	stream.linear.scatter @!p6 [tilespmem:s7], [sflag:$0x4], $0x4000, $0x38;
	[tilespmem:$0x11E40] =	vst v63  }
0x177: {  	s0 =	simm.s32 @!p3 $0x0;
	s7 =	simm.s32 @!p3 $0x11D40  }
0x178: {  	[tilespmem:s7], [sflag:$0x2] =	stream.linear.gather @!p3 [hbm4b:s14+s0], $0x100, $0x38;
	[tilespmem:$0x11E40] =	vst v63  }
0x179: {  	_ =	swait.ge [sflag:s29], $0x100  }
0x17a: {  	p0 =	seq.s32 s17, $0x0;
	[sflag:s29] =	ssyncset.done $0x0  }
0x17b: {  	s14 =	simm.s32 @!p0 $0x3;
	[sflag:s29] =	ssyncadd.s32 $0xFFFFFF00  }
0x17c: {  	_ =	swait.ge @!p0 [sflag:s14], $0x4000  }
0x17d: {  	[sflag:s14] =	ssyncset.done @!p0 $0x0  }
0x17e: {  	[sflag:s14] =	ssyncadd.s32 @!p0 $0xFFFFC000  }
0x17f: {  	[tilespmem:s11], [sflag:$0x5] =	stream.indirect.gather [spmem:s1], $0x40, s9, s6, $0xb8;
	[tilespmem:$0x11E40] =	vst v63  }
0x180: {  	_ =	swait.ge [sflag:s4], $0x2000  }
0x181: {  	[sflag:s4] =	ssyncset.done $0x0  }
0x182: {  	[sflag:s4] =	ssyncadd.s32 $0xFFFFE000  }
0x183: {  	[tilespmem:s15], [sflag:$0x5] =	stream.indirect.gather [spmem:s1], $0x40, s13, s6, $0xb8;
	[tilespmem:$0x11E40] =	vst v63  }
0x184: {  	_ =	swait.ge [sflag:s4], $0x2000  }
0x185: {  	p1 =	sge.u32 s19, s20;
	s22 =	rddreg [dreg:$0x7];
	[sflag:s4] =	ssyncset.done $0x0  }
0x186: {  	p0 =	por p3, p3;
	[sflag:s4] =	ssyncadd.s32 $0xFFFFE000;
	s14 =	sadd.s32 s17, s22  }
0x187: {  	[hbm4b:s14+s2] =	stream.linear.scatter [tilespmem:s11], [sflag:$0x3], $0x4000, $0x38;
	[tilespmem:$0x11E40] =	vst v63  }
0x188: {  	s18 =	simm.s32 @!p1 $0x11C40;
	s19 =	simm.s32 @!p0 $0x2;
	s14 =	simm.s32 @!p1 $0x0  }
0x189: {  	[tilespmem:s18], [sflag:$0x1] =	stream.linear.gather @!p1 [hbm4b:s12+s14], $0x100, $0x38;
	[tilespmem:$0x11E40] =	vst v63  }
0x18a: {  	p1 =	seq.s32 @!p3 s17, $0x0;
	_ =	swait.ge @!p0 [sflag:s19], $0x100  }
0x18b: {  	p1 =	por p1, p0;
	[sflag:s19] =	ssyncset.done @!p0 $0x0  }
0x18c: {  	s12 =	simm.s32 @!p1 $0x4;
	[sflag:s19] =	ssyncadd.s32 @!p0 $0xFFFFFF00  }
0x18d: {  	_ =	swait.ge @!p1 [sflag:s12], $0x4000  }
0x18e: {  	s14 =	simm.s32 @!p0 $0x5;
	[sflag:s12] =	ssyncset.done @!p1 $0x0  }
0x18f: {  	s18 =	simm.s32 @!p0 $0xDC40;
	[sflag:s12] =	ssyncadd.s32 @!p1 $0xFFFFC000;
	s12 =	simm.s32 @!p0 $0x80  }
0x190: {  	[tilespmem:s18], [sflag:$0x5] =	stream.indirect.gather @!p0 [spmem:s1], $0x40, s7, s12, $0xb8;
	[tilespmem:$0x11E40] =	vst v63  }
0x191: {  	_ =	swait.ge @!p0 [sflag:s14], $0x2000  }
0x192: {  	[sflag:s14] =	ssyncset.done @!p0 $0x0  }
0x193: {  	s19 =	simm.s32 @!p0 $0xFC40;
	s7 =	simm.s32 @!p0 $0x11DC0;
	[sflag:s14] =	ssyncadd.s32 @!p0 $0xFFFFE000  }
0x194: {  	[tilespmem:s19], [sflag:$0x5] =	stream.indirect.gather @!p0 [spmem:s1], $0x40, s7, s12, $0xb8;
	[tilespmem:$0x11E40] =	vst v63  }
0x195: {  	_ =	swait.ge @!p0 [sflag:s14], $0x2000  }
0x196: {  	[sflag:s14] =	ssyncset.done @!p0 $0x0  }
0x197: {  	s7 =	sadd.s32 @!p0 s17, s8;
	[sflag:s14] =	ssyncadd.s32 @!p0 $0xFFFFE000  }
0x198: {  	[hbm4b:s7+s0] =	stream.linear.scatter @!p0 [tilespmem:s18], [sflag:$0x4], $0x4000, $0x38;
	[tilespmem:$0x11E40] =	vst v63  }
0x199: {  	s0 =	simm.s32 @!p5 $0x3  }
0x19a: {  	_ =	swait.ge @!p5 [sflag:s0], $0x4000  }
0x19b: {  	s23 =	sld [smem:$0x7FC];
	_ =	sdelay $0x2  }
0x19c: {  	[sflag:s0] =	ssyncset.done @!p5 $0x0;
	p0 =	seq.s32 s23, $0x1  }
0x19d: {  	s25 =	sadd.s32 $0x0, s3;
	[sflag:s0] =	ssyncadd.s32 @!p5 $0xFFFFC000;
	s0 =	simm.s32 @!p0 $0x4  }
0x19e: {  	s26 =	sadd.s32 $0x272, s25;
	_ =	swait.ge @!p0 [sflag:s0], $0x4000  }
0x19f: {  	s7 =	simm.s32 @!p5 $0x11C40;
	[sflag:s0] =	ssyncset.done @!p0 $0x0;
	s12 =	rddreg [dreg:$0xa]  }
0x1a0: {  	[sflag:s0] =	ssyncadd.s32 @!p0 $0xFFFFC000;
	s0 =	simm.s32 @!p5 $0x0;
	p0 =	sge.u32 s26, s24  }
0x1a1: {  	[tilespmem:s7], [sflag:$0x1] =	stream.linear.gather @!p5 [hbm4b:s12+s0], $0x100, $0x38;
	[tilespmem:$0x11E40] =	vst v63  }
0x1a2: {  	s23 =	rddreg [dreg:$0x13];
	s18 =	simm.s32 @!p0 $0x0;
	s12 =	simm.s32 @!p0 $0x11D40  }
0x1a3: {  	[tilespmem:s12], [sflag:$0x2] =	stream.linear.gather @!p0 [hbm4b:s23+s18], $0x100, $0x38;
	[tilespmem:$0x11E40] =	vst v63  }
0x1a4: {  	s7 =	sadd.s32 $0x271, s25;
	_ =	swait.ge [sflag:s29], $0x100  }
0x1a5: {  	p1 =	slt.u32 s7, s30;
	[sflag:s29] =	ssyncset.done $0x0  }
0x1a6: {  	s14 =	simm.s32 @!p1 $0x3;
	[sflag:s29] =	ssyncadd.s32 $0xFFFFFF00  }
0x1a7: {  	_ =	swait.ge @!p1 [sflag:s14], $0x4000  }
0x1a8: {  	[sflag:s14] =	ssyncset.done @!p1 $0x0  }
0x1a9: {  	[sflag:s14] =	ssyncadd.s32 @!p1 $0xFFFFC000  }
0x1aa: {  	[tilespmem:s11], [sflag:$0x5] =	stream.indirect.gather [spmem:s1], $0x40, s9, s6, $0xb8;
	[tilespmem:$0x11E40] =	vst v63  }
0x1ab: {  	_ =	swait.ge [sflag:s4], $0x2000  }
0x1ac: {  	[sflag:s4] =	ssyncset.done $0x0  }
0x1ad: {  	[sflag:s4] =	ssyncadd.s32 $0xFFFFE000  }
0x1ae: {  	[tilespmem:s15], [sflag:$0x5] =	stream.indirect.gather [spmem:s1], $0x40, s13, s6, $0xb8;
	[tilespmem:$0x11E40] =	vst v63  }
0x1af: {  	p6 =	por p0, p0;
	_ =	swait.ge [sflag:s4], $0x2000  }
0x1b0: {  	s0 =	sadd.s32 $0x273, s25;
	s17 =	simm.s32 @!p6 $0x2;
	[sflag:s4] =	ssyncset.done $0x0  }
0x1b1: {  	p1 =	sge.u32 s0, s24;
	s22 =	rddreg [dreg:$0xe];
	[sflag:s4] =	ssyncadd.s32 $0xFFFFE000  }
0x1b2: {  	[hbm4b:s22+s2] =	stream.linear.scatter [tilespmem:s11], [sflag:$0x3], $0x4000, $0x38;
	[tilespmem:$0x11E40] =	vst v63  }
0x1b3: {  	s0 =	simm.s32 @!p1 $0x0;
	s14 =	simm.s32 @!p1 $0x11C40;
	s5 =	rddreg [dreg:$0x12]  }
0x1b4: {  	[tilespmem:s14], [sflag:$0x1] =	stream.linear.gather @!p1 [hbm4b:s5+s0], $0x100, $0x38;
	[tilespmem:$0x11E40] =	vst v63  }
0x1b5: {  	p0 =	slt.u32 @!p0 s7, s31;
	_ =	swait.ge @!p6 [sflag:s17], $0x100  }
0x1b6: {  	p0 =	por p0, p6;
	[sflag:s17] =	ssyncset.done @!p6 $0x0  }
0x1b7: {  	s7 =	simm.s32 @!p0 $0x4;
	[sflag:s17] =	ssyncadd.s32 @!p6 $0xFFFFFF00  }
0x1b8: {  	_ =	swait.ge @!p0 [sflag:s7], $0x4000  }
0x1b9: {  	s21 =	simm.s32 $0x4;
	s19 =	simm.s32 @!p6 $0x80;
	[sflag:s7] =	ssyncset.done @!p0 $0x0  }
0x1ba: {  	s0 =	simm.s32 @!p6 $0x5;
	[sflag:s7] =	ssyncadd.s32 @!p0 $0xFFFFC000;
	s7 =	simm.s32 @!p6 $0xDC40  }
0x1bb: {  	[tilespmem:s7], [sflag:$0x5] =	stream.indirect.gather @!p6 [spmem:s1], $0x40, s12, s19, $0xb8;
	[tilespmem:$0x11E40] =	vst v63  }
0x1bc: {  	s26 =	simm.s32 @!p6 $0x11DC0;
	s25 =	simm.s32 @!p6 $0xFC40;
	_ =	swait.ge @!p6 [sflag:s0], $0x2000  }
0x1bd: {  	s14 =	sadd.s32 $0x40, s23;
	[sflag:s0] =	ssyncset.done @!p6 $0x0;
	s23 =	rddreg [dreg:$0xf]  }
0x1be: {  	s12 =	sadd.s32 $0x40, s5;
	s17 =	sadd.s32 $0x1000, s23;
	[sflag:s0] =	ssyncadd.s32 @!p6 $0xFFFFE000  }
0x1bf: {  	[tilespmem:s25], [sflag:$0x5] =	stream.indirect.gather @!p6 [spmem:s1], $0x40, s26, s19, $0xb8;
	[tilespmem:$0x11E40] =	vst v63  }
0x1c0: {  	s25 =	sadd.s32 $0x2, s3;
	s19 =	sadd.s32 $0x1000, s22;
	_ =	swait.ge @!p6 [sflag:s0], $0x2000  }
0x1c1: {  	s28 =	sadd.s32 $0x271, s25;
	s26 =	sadd.s32 $0x272, s25;
	[sflag:s0] =	ssyncset.done @!p6 $0x0  }
.LBB2_5:
0x1c2: {  	p1 =	sge.u32 s26, s24;
	s22 =	sadd.s32 $0x273, s25;
	[sflag:s0] =	ssyncadd.s32 @!p6 $0xFFFFE000  }
0x1c3: {  	[hbm4b:s23+s18] =	stream.linear.scatter @!p6 [tilespmem:s7], [sflag:$0x4], $0x4000, $0x38;
	[tilespmem:$0x11E40] =	vst v63  }
0x1c4: {  	s18 =	simm.s32 @!p1 $0x0;
	s26 =	simm.s32 @!p1 $0x11D40;
	p3 =	slt.u32 @!p1 s28, s31  }
0x1c5: {  	[tilespmem:s26], [sflag:$0x2] =	stream.linear.gather @!p1 [hbm4b:s14+s18], $0x100, $0x38;
	[tilespmem:$0x11E40] =	vst v63  }
0x1c6: {  	s25 =	smov.u32 s21;
	s21 =	sadd.s32 $0x2, s21;
	_ =	swait.ge [sflag:s29], $0x100  }
0x1c7: {  	p2 =	slt.u32 s28, s30;
	p0 =	sne.s32 s21, $0x28;
	[sflag:s29] =	ssyncset.done $0x0  }
0x1c8: {  	s0 =	simm.s32 @!p2 $0x3;
	s23 =	smov.u32 s17;
	[sflag:s29] =	ssyncadd.s32 $0xFFFFFF00  }
0x1c9: {  	p6 =	por p1, p1;
	_ =	swait.ge @!p2 [sflag:s0], $0x4000  }
0x1ca: {  	[sflag:s0] =	ssyncset.done @!p2 $0x0  }
0x1cb: {  	[sflag:s0] =	ssyncadd.s32 @!p2 $0xFFFFC000  }
0x1cc: {  	[tilespmem:s11], [sflag:$0x5] =	stream.indirect.gather [spmem:s1], $0x40, s9, s6, $0xb8;
	[tilespmem:$0x11E40] =	vst v63  }
0x1cd: {  	_ =	swait.ge [sflag:s4], $0x2000  }
0x1ce: {  	[sflag:s4] =	ssyncset.done $0x0  }
0x1cf: {  	[sflag:s4] =	ssyncadd.s32 $0xFFFFE000  }
0x1d0: {  	[tilespmem:s15], [sflag:$0x5] =	stream.indirect.gather [spmem:s1], $0x40, s13, s6, $0xb8;
	[tilespmem:$0x11E40] =	vst v63  }
0x1d1: {  	_ =	swait.ge [sflag:s4], $0x2000  }
0x1d2: {  	[sflag:s4] =	ssyncset.done $0x0  }
0x1d3: {  	p1 =	sge.u32 s22, s24;
	[sflag:s4] =	ssyncadd.s32 $0xFFFFE000  }
0x1d4: {  	[hbm4b:s19+s2] =	stream.linear.scatter [tilespmem:s11], [sflag:$0x3], $0x4000, $0x38;
	[tilespmem:$0x11E40] =	vst v63  }
0x1d5: {  	s22 =	simm.s32 @!p6 $0x2;
	s7 =	simm.s32 @!p1 $0x11C40;
	s0 =	simm.s32 @!p1 $0x0  }
0x1d6: {  	[tilespmem:s7], [sflag:$0x1] =	stream.linear.gather @!p1 [hbm4b:s12+s0], $0x100, $0x38;
	[tilespmem:$0x11E40] =	vst v63  }
0x1d7: {  	_ =	swait.ge @!p6 [sflag:s22], $0x100  }
0x1d8: {  	p1 =	por p3, p6;
	[sflag:s22] =	ssyncset.done @!p6 $0x0  }
0x1d9: {  	s7 =	simm.s32 @!p1 $0x4;
	[sflag:s22] =	ssyncadd.s32 @!p6 $0xFFFFFF00  }
0x1da: {  	_ =	swait.ge @!p1 [sflag:s7], $0x4000  }
0x1db: {  	s0 =	simm.s32 @!p6 $0x5;
	[sflag:s7] =	ssyncset.done @!p1 $0x0  }
0x1dc: {  	s22 =	simm.s32 @!p6 $0x80;
	[sflag:s7] =	ssyncadd.s32 @!p1 $0xFFFFC000;
	s7 =	simm.s32 @!p6 $0xDC40  }
0x1dd: {  	[tilespmem:s7], [sflag:$0x5] =	stream.indirect.gather @!p6 [spmem:s1], $0x40, s26, s22, $0xb8;
	[tilespmem:$0x11E40] =	vst v63  }
0x1de: {  	s14 =	sadd.s32 $0x40, s14;
	s12 =	sadd.s32 $0x40, s12;
	_ =	swait.ge @!p6 [sflag:s0], $0x2000  }
.Ltmp8:
0x1df: {  	s17 =	sadd.s32 $0x1000, s17;
	[sflag:s0] =	ssyncset.done @!p6 $0x0;
	(pc) =	sbr.rel @p0 .LBB2_5-.Ltmp8, $4  }
0x1e0: {  	s28 =	simm.s32 @!p6 $0xFC40;
	s26 =	simm.s32 @!p6 $0x11DC0;
	[sflag:s0] =	ssyncadd.s32 @!p6 $0xFFFFE000  }
0x1e1: {  	[tilespmem:s28], [sflag:$0x5] =	stream.indirect.gather @!p6 [spmem:s1], $0x40, s26, s22, $0xb8;
	[tilespmem:$0x11E40] =	vst v63  }
0x1e2: {  	s25 =	sadd.s32 s25, s3;
	s19 =	sadd.s32 $0x1000, s19;
	_ =	swait.ge @!p6 [sflag:s0], $0x2000  }
0x1e3: {  	s28 =	sadd.s32 $0x271, s25;
	s26 =	sadd.s32 $0x272, s25;
	[sflag:s0] =	ssyncset.done @!p6 $0x0  }
0x1e4: {  	p0 =	sge.u32 s26, s24;
	[sflag:s0] =	ssyncadd.s32 @!p6 $0xFFFFE000  }
0x1e5: {  	[hbm4b:s23+s18] =	stream.linear.scatter @!p6 [tilespmem:s7], [sflag:$0x4], $0x4000, $0x38;
	[tilespmem:$0x11E40] =	vst v63  }
0x1e6: {  	s0 =	simm.s32 @!p0 $0x0;
	s7 =	simm.s32 @!p0 $0x11D40  }
0x1e7: {  	[tilespmem:s7], [sflag:$0x2] =	stream.linear.gather @!p0 [hbm4b:s14+s0], $0x100, $0x38;
	[tilespmem:$0x11E40] =	vst v63  }
0x1e8: {  	_ =	swait.ge [sflag:s29], $0x100  }
0x1e9: {  	p1 =	slt.u32 s28, s30;
	[sflag:s29] =	ssyncset.done $0x0  }
0x1ea: {  	s14 =	simm.s32 @!p1 $0x3;
	[sflag:s29] =	ssyncadd.s32 $0xFFFFFF00  }
0x1eb: {  	_ =	swait.ge @!p1 [sflag:s14], $0x4000  }
0x1ec: {  	[sflag:s14] =	ssyncset.done @!p1 $0x0  }
0x1ed: {  	[sflag:s14] =	ssyncadd.s32 @!p1 $0xFFFFC000  }
0x1ee: {  	[tilespmem:s11], [sflag:$0x5] =	stream.indirect.gather [spmem:s1], $0x40, s9, s6, $0xb8;
	[tilespmem:$0x11E40] =	vst v63  }
0x1ef: {  	_ =	swait.ge [sflag:s4], $0x2000  }
0x1f0: {  	[sflag:s4] =	ssyncset.done $0x0  }
0x1f1: {  	[sflag:s4] =	ssyncadd.s32 $0xFFFFE000  }
0x1f2: {  	[tilespmem:s15], [sflag:$0x5] =	stream.indirect.gather [spmem:s1], $0x40, s13, s6, $0xb8;
	[tilespmem:$0x11E40] =	vst v63  }
0x1f3: {  	_ =	swait.ge [sflag:s4], $0x2000  }
0x1f4: {  	s26 =	sadd.s32 $0x273, s25;
	[sflag:s4] =	ssyncset.done $0x0  }
0x1f5: {  	p3 =	por p0, p0;
	p1 =	sge.u32 s26, s24;
	[sflag:s4] =	ssyncadd.s32 $0xFFFFE000  }
0x1f6: {  	[hbm4b:s19+s2] =	stream.linear.scatter [tilespmem:s11], [sflag:$0x3], $0x4000, $0x38;
	[tilespmem:$0x11E40] =	vst v63  }
0x1f7: {  	s14 =	simm.s32 @!p1 $0x0;
	s18 =	simm.s32 @!p1 $0x11C40;
	s19 =	simm.s32 @!p3 $0x2  }
0x1f8: {  	[tilespmem:s18], [sflag:$0x1] =	stream.linear.gather @!p1 [hbm4b:s12+s14], $0x100, $0x38;
	[tilespmem:$0x11E40] =	vst v63  }
0x1f9: {  	p0 =	slt.u32 @!p0 s28, s31;
	_ =	swait.ge @!p3 [sflag:s19], $0x100  }
0x1fa: {  	p0 =	por p0, p3;
	[sflag:s19] =	ssyncset.done @!p3 $0x0  }
0x1fb: {  	s12 =	simm.s32 @!p0 $0x4;
	[sflag:s19] =	ssyncadd.s32 @!p3 $0xFFFFFF00  }
0x1fc: {  	_ =	swait.ge @!p0 [sflag:s12], $0x4000  }
0x1fd: {  	s14 =	simm.s32 @!p3 $0x5;
	[sflag:s12] =	ssyncset.done @!p0 $0x0  }
0x1fe: {  	s18 =	simm.s32 @!p3 $0xDC40;
	[sflag:s12] =	ssyncadd.s32 @!p0 $0xFFFFC000;
	s12 =	simm.s32 @!p3 $0x80  }
0x1ff: {  	[tilespmem:s18], [sflag:$0x5] =	stream.indirect.gather @!p3 [spmem:s1], $0x40, s7, s12, $0xb8;
	[tilespmem:$0x11E40] =	vst v63  }
0x200: {  	_ =	swait.ge @!p3 [sflag:s14], $0x2000  }
0x201: {  	[sflag:s14] =	ssyncset.done @!p3 $0x0  }
0x202: {  	s19 =	simm.s32 @!p3 $0xFC40;
	s7 =	simm.s32 @!p3 $0x11DC0;
	[sflag:s14] =	ssyncadd.s32 @!p3 $0xFFFFE000  }
0x203: {  	[tilespmem:s19], [sflag:$0x5] =	stream.indirect.gather @!p3 [spmem:s1], $0x40, s7, s12, $0xb8;
	[tilespmem:$0x11E40] =	vst v63  }
0x204: {  	_ =	swait.ge @!p3 [sflag:s14], $0x2000  }
0x205: {  	[sflag:s14] =	ssyncset.done @!p3 $0x0  }
0x206: {  	[sflag:s14] =	ssyncadd.s32 @!p3 $0xFFFFE000  }
0x207: {  	[hbm4b:s17+s0] =	stream.linear.scatter @!p3 [tilespmem:s18], [sflag:$0x4], $0x4000, $0x38;
	[tilespmem:$0x11E40] =	vst v63  }
0x208: {  	s0 =	simm.s32 @!p5 $0x3  }
0x209: {  	_ =	swait.ge @!p5 [sflag:s0], $0x4000  }
0x20a: {  	s28 =	sld [smem:$0x7FD];
	_ =	sdelay $0x2  }
0x20b: {  	p0 =	seq.s32 s28, $0x1  }
.Ltmp9:
0x20c: {  	_ = 	snop;
	(pc) =	sbr.rel @p0 .LBB2_12-.Ltmp9, $4  }
.Ltmp10:
0x20d: {  	_ = 	snop;
	(pc) =	sbr.rel @!p0 .LBB2_13-.Ltmp10, $4  }
0x20e: {  	_ = 	snop  }
0x20f: {  	[sflag:s0] =	ssyncset.done @!p5 $0x0  }
0x210: {  	[sflag:s0] =	ssyncadd.s32 @!p5 $0xFFFFC000  }
0x211: {  	_ = 	snop  }
.LBB2_14:
0x212: {  	_ =	sfence.sel $0x180000  }
0x213: {  	[bflag:$0x0] =	sbarrier.arrive $0xFFFF  }
0x214: {  	_ =	strace $0x90000047  }
0x215: {  	[bflag:$0x2] =	sbarrier.arrive $0xFFFF  }
0x216: {  	s1 =	sld [smem:$0x7FA];
	_ =	sdelay $0x2  }
0x217: {  	s0 =	rddreg [dreg:$0x6];
	p0 =	seq.s32 s1, $0x1  }
0x218: {  	s0 =	sadd.s32 @!p0 $0x100000, s0  }
0x219: {  	[sflag:s0] =	ssyncadd.tile.s32 @!p0 $0x1;
	_ =	shalt  }
.Lfunc_end2:
_tile_overlayer_lowered:
.L_overlay_start_2:
0x21a: {  	(tag) =	ssettag $0x2  }
0x21b: {  	s0 =	rddreg [dreg:$0x0];
	s2 =	stileid.u32  }
0x21c: {  	s1 =	rddreg [dreg:$0x1];
	p0 =	sne.s32 s2, $0x0  }
0x21d: {  	s3 =	rddreg [dreg:$0x2];
	[bflag:$0x3] =	sbarrier.arrive $0xFFFF;
	s2 =	simm.s32 @!p0 $0x1C05  }
0x21e: {  	[timem:s3], [sflag:s2] =	dma.local @!p0 [hbm:s0], s1  }
0x21f: {  	s0 =	simm.s32 @!p0 $0x5  }
0x220: {  	_ =	swait.ge @!p0 [sflag:s0], s1  }
0x221: {  	s1 =	ssub.s32 @!p0 $0x0, s1;
	[sflag:s0] =	ssyncset.done @!p0 $0x0  }
0x222: {  	[sflag:s0] =	ssyncadd.s32 @!p0 s1  }
0x223: {  	[bflag:$0x3] =	sbarrier.arrive $0xFFFF  }
0x224: {  	_ =	shalt  }

// kernel: sparse-core-data-format-call.1.cloned.1.call-start
scs
called_computation.1_lowered:
.L_overlay_start_0:
0x0: {  	s2 =	sld [smem:$0x3FD9]  }
0x1: {  	s3 =	sld [smem:$0x3FFE];
	_ =	sdelay $0x1  }
0x2: {  	s1 =	srdreg.scid  }
0x3: {  	s0 =	sand.u32 $0x1, s1  }
0x4: {  	s15 =	sshll.u32 s0, $0xA;
	s2 =	sadd.s32 s3, s2  }
0x5: {  	s2 =	sadd.s32 s2, s15  }
0x6: {  	[smem:$0x3FC5] =	sst s2  }
0x7: {  	_ = 	snop  }
0x8: {  	s2 =	sld [smem:$0x3FD0];
	_ =	sdelay $0x2  }
0x9: {  	s16 =	simm.s32 $0xD;
	s4 =	simm.s32 $0x10  }
0xa: {  	[smem:s4], [sflag:s16] =	dma.local [hbm:s2], $0x1  }
0xb: {  	_ =	swait.eq [sflag:s16], $0x1  }
0xc: {  	[sflag:s16] =	ssyncset.done $0x0  }
0xd: {  	[sflag:s16] =	ssyncadd.s32 $0xFFFFFFFF  }
0xe: {  	s17 =	sld [smem:$0x12];
	(tm) =	ssettm $0x1  }
0xf: {  	s18 =	sld [smem:$0x3FFB];
	_ =	sdelay $0x3  }
0x10: {  	_ =	strace s18  }
0x11: {  	s3 =	sld [smem:$0x3FFC];
	_ =	sdelay $0x3  }
0x12: {  	_ =	strace s3  }
0x13: {  	s3 =	sld [smem:$0x3FFD];
	_ =	sdelay $0x3  }
0x14: {  	_ =	strace s3  }
0x15: {  	_ =	strace $0x8FFFFFFF  }
0x16: {  	s19 =	sld [smem:$0x3FDB];
	_ =	sdelay $0x1  }
0x17: {  	s20 =	simm.s32 $_scs_section_size  }
0x18: {  	s5 =	simm.s32 $_size__tile_overlayer_lowered;
	s6 =	simm.s32 $_tile_overlayer_lowered  }
0x19: {  	s23 =	simm.s32 $0x1BFF;
	s22 =	sshll.u32 s6, $0x1;
	s3 =	sadd.s32 s20, s19  }
0x1a: {  	s7 =	simm.s32 $0x0;
	s21 =	sshll.u32 s5, $0x1;
	s5 =	sadd.s32 s22, s3  }
0x1b: {  	[timem:s7], [sflag:s23] =	dma.local [hbm:s5], s21  }
0x1c: {  	_ =	swait.ge [sflag:s23], s21  }
0x1d: {  	s4 =	ssub.s32 $0x0, s21;
	[sflag:s23] =	ssyncset.done $0x0  }
0x1e: {  	[sflag:s23] =	ssyncadd.s32 s4;
	_ =	sdelay $0x1  }
0x1f: {  	s24 =	simm.s32 $0x1B8B  }
0x20: {  	_ =	swait.ge [sflag:s24], $0x1  }
0x21: {  	[sflag:s24] =	ssyncset.done $0x0  }
0x22: {  	s26 =	simm.s32 $0x1B8E;
	s25 =	sld [smem:$0x3FFE];
	[sflag:s24] =	ssyncadd.s32 $0xFFFFFFFF  }
0x23: {  	s27 =	simm.s32 $execute0_lowered;
	[smem:$0x3FD2] =	sst s26  }
0x24: {  	s5 =	sshll.u32 s27, $0x1;
	_ =	strace $0x80000049;
	[dreg:$0x1] =	wrdreg $0xFFFFFFFF  }
0x25: {  	s28 =	simm.s32 $_size_execute0_lowered;
	s3 =	sadd.s32 s3, s5;
	[dreg:$0x0] =	wrdreg $0x0  }
0x26: {  	s5 =	sshll.u32 s28, $0x1;
	[dreg:$0x2] =	wrdreg s3  }
0x27: {  	[dreg:$0x3] =	wrdreg s5  }
0x28: {  	[dreg:$0x4] =	wrdreg $0xC0  }
0x29: {  	_ =	task [dreg:s7], $0x5FFFF  }
0x2a: {  	[dreg:$0x1] =	wrdreg $0xFFFFFFFF  }
0x2b: {  	[dreg:$0x0] =	wrdreg $0x60  }
0x2c: {  	[dreg:$0x2] =	wrdreg s25  }
0x2d: {  	[dreg:$0x3] =	wrdreg s17  }
0x2e: {  	[dreg:$0x4] =	wrdreg $0xA  }
0x2f: {  	_ =	task.clear_ibuf [dreg:s7], $0x5FFFF;
	_ =	strace $0x90000049  }
0x30: {  	s29 =	simm.s32 $0xA;
	_ =	strace $0x8000004B  }
0x31: {  	_ =	swait.ge [sflag:s29], $0x1  }
0x32: {  	[sflag:s29] =	ssyncadd.s32 $0xFFFFFFFF  }
0x33: {  	_ =	strace $0x9000004B  }
0x34: {  	_ =	sfence  }
0x35: {  	s30 =	sld [smem:$0x0];
	_ =	sdelay $0x2  }
0x36: {  	s31 =	sshll.u32 s1, $0xD;
	s1 =	sshrl.u32 s1, $0x2  }
0x37: {  	s3 =	sand.u32 $0x4000, s31;
	s1 =	sadd.s32 s1, s30  }
0x38: {  	s0 =	sor.u32 s3, s0;
	s1 =	sshll.u32 s1, $0x11  }
0x39: {  	s0 =	sor.u32 s1, s0  }
0x3a: {  	s0 =	sadd.s32 $0x8F2B, s0  }
0x3b: {  	[sflag:s0] =	ssyncadd.remote.s32 $0x1  }
0x3c: {  	_ =	sfence.sel $0xFFFF  }
0x3d: {  	[dreg:$0x0] =	wrdreg $0xFFFFFFFF;
	(pc) =	sbr.abs _section_cstart, $3  }
0x3e: {  	[dreg:$0x1] =	wrdreg $0xFFFFFFFF  }
0x3f: {  	_ =	task.clear_ibuf [dreg:s7], $0x2FFFF;
	_ =	strace $0x9FFFFFFF  }
0x40: {  	(tm) =	ssettm $0x7FFFFFFF  }
0x41: {  	_ =	shalt  }
tec
execute0_lowered:
.L_overlay_start_1:
0x0: {  	(tag) =	ssettag $0x1  }
0x1: {  	s0 =	srdreg.scid  }
0x2: {  	s1 =	sshll.u32 s0, $0x4  }
0x3: {  	s4 =	rddreg [dreg:$0x0];
	s0 =	stileid.u32;
	s1 =	sand.u32 $0x10, s1  }
0x4: {  	s2 =	rddreg [dreg:$0x1];
	s7 =	simm.s32 $0x1;
	s1 =	sor.u32 s0, s1  }
0x5: {  	s8 =	simm.s32 $0x2;
	s11 =	simm.s32 $0x0;
	s3 =	sshll.u32 s1, $0x7  }
0x6: {  	s10 =	simm.s32 $0x0;
	s4 =	sadd.s32 $0x1800, s4;
	s6 =	ssub.s32 $0x27100, s3  }
.Ltmp0:
0x7: {  	s1 =	rddreg [dreg:$0x2];
	s5 =	sand.u32 $0xF80, s6;
	(pc) =	sbr.rel .LBB1_1-.Ltmp0, $4  }
0x8: {  	_ =	strace $0x8000004A;
	s9 =	smov.u32 s3;
	p0 =	sne.s32 s5, $0x0  }
0x9: {  	s6 =	sshrl.u32 s6, $0xC;
	s5 =	simm.s32 $0x1;
	s7 =	simm.s32 @!p0 $0x0  }
0xa: {  	[sflag:s5] =	ssyncpa.u1 $0x0;
	p0 =	por $0x0, $0x0;
	s6 =	sadd.s32 s7, s6  }
0xb: {  	[sflag:s8] =	ssyncpa.u1 $0x0;
	s8 =	simm.s32 $0x138800;
	s7 =	sadd.s32 $0x1, s6  }
.LBB1_4:
0xc: {  	s14 =	sshll.u32 s11, $0x3  }
0xd: {  	s30 =	sand.u32 $0x7F, s11;
	s14 =	sand.u32 $0xFFFFFC00, s14  }
0xe: {  	s11 =	sor.u32 s30, s14  }
0xf: {  	s15 =	smulhi.u32 $0xD1B71759, s11;
	_ =	sdelay $0x1  }
0x10: {  	s14 =	smulhi.u32 $0xD1B71759, s14;
	s15 =	sshrl.u32 s15, $0x11  }
0x11: {  	s15 =	smul.u32 $0x27100, s15  }
0x12: {  	s14 =	sshrl.u32 s14, $0x11  }
0x13: {  	s14 =	sand.u32 $0x3F, s14;
	s11 =	ssub.s32 s11, s15  }
0x14: {  	[tilespmem:s13+$0x810 ss:$0x81] =	vst.msk $0xffff, v2;
	s14 =	smul.u32 $0x4E20, s14;
	s15 =	sshrl.u32 s11, $0x3;
	s11 =	sand.u32 $0x7, s11  }
0x15: {  	[tilespmem:s13+$0x1020 ss:$0x81] =	vst.msk $0xffff, v0;
	s15 =	sadd.s32 s2, s15;
	s11 =	sshll.u32 s11, $0x12  }
0x16: {  	[tilespmem:s13+$0x0 ss:$0x81] =	vst.msk $0xffff, v1;
	s31 =	sadd.s32 s14, s15;
	s11 =	sor.u32 $0x400, s11  }
0x17: {  	[hbm4b:s31+s11] =	stream.strided.scatter [tilespmem:s12], [sflag:$0x2], $0x2000, s8, s11, $0x20;
	[tilespmem:$0x8080] =	vst v63  }
.LBB1_5:
0x18: {  	s13 =	sadd.s32 $0x1000, s9  }
0x19: {  	p2 =	sgt.s32 s13, $0x270FF  }
0x1a: {  	s13 =	smov.u32 @p2 s3;
	p2 =	sne.s32 s10, s7  }
.Ltmp1:
0x1b: {  	p1 =	slt.u32 s10, $0x2;
	(pc) =	sbr.rel @!p2 .LBB1_6-.Ltmp1, $4  }
0x1c: {  	s12 =	simm.s32 @!p1 $0x2  }
0x1d: {  	s14 =	sadd.s32 $0x1, s10;
	_ =	swait.ge @!p1 [sflag:s12], $0x2000  }
0x1e: {  	s11 =	smov.u32 s9;
	p0 =	por !p0, !p0;
	[sflag:s12] =	ssyncset.done @!p1 $0x0  }
0x1f: {  	s10 =	smov.u32 s14;
	s9 =	smov.u32 s13;
	[sflag:s12] =	ssyncadd.s32 @!p1 $0xFFFFE000  }
.LBB1_1:
0x20: {  	p1 =	sge.u32 s10, s6  }
0x21: {  	s12 =	sand.u32 @!p1 $0x1FFFFFF, s9  }
0x22: {  	s13 =	smulhi.u32 @!p1 $0x1A36E2F, s12;
	_ =	sdelay $0x1  }
0x23: {  	s13 =	sshrl.u32 @!p1 s13, $0xA  }
0x24: {  	s13 =	smul.u32 @!p1 $0x27100, s13;
	_ =	sdelay $0x1  }
0x25: {  	s31 =	sadd.s32 $0xFFFFFFFF, s10;
	s14 =	sxor.u32 @!p1 $0xFFFFFFFF, s10;
	s12 =	ssub.s32 @!p1 s12, s13  }
0x26: {  	s15 =	simm.s32 @!p1 $0x80;
	s14 =	sshll.u32 @!p1 s14, $0xD;
	s12 =	sshll.u32 @!p1 s12, $0x4  }
0x27: {  	s13 =	sand.u32 @!p1 $0x2000, s14;
	s14 =	simm.s32 @!p1 $0x40;
	s12 =	sadd.s32 @!p1 s4, s12  }
0x28: {  	[tilespmem:s13], [sflag:$0x1] =	stream.strided.gather @!p1 [hbm4b:s12+s14], $0x2000, s15, s14, $0x38;
	[tilespmem:$0x8080] =	vst v63  }
0x29: {  	p1 =	sge.u32 s31, s6  }
.Ltmp2:
0x2a: {  	_ = 	snop;
	(pc) =	sbr.rel @p1 .LBB1_5-.Ltmp2, $1  }
0x2b: {  	_ =	sdelay $0x3  }
0x2c: {  	s12 =	simm.s32 $0x1  }
0x2d: {  	_ =	swait.ge [sflag:s5], $0x2000;
	s12 =	simm.s32 @!p0 $0x0  }
0x2e: {  	[sflag:s5] =	ssyncset.done $0x0;
	s13 =	sshll.u32 s12, $0xD  }
0x2f: {  	[sflag:s5] =	ssyncadd.s32 $0xFFFFE000;
	s16 =	sor.u32 $0x20, s13  }
0x30: {  	s12 =	smul.u32 $0x8100, s12;
	v3 =	vld [tilespmem:s16+$0x10]  }
0x31: {  	s30 =	sand.u32 $0x1, s10;
	v2 =	vld [tilespmem:s16+$0xFFFFFFF0]  }
0x32: {  	s13 =	smul.u32 $0x8100, s30;
	s12 =	sshrl.u32 s12, $0x2;
	v0 =	vld [tilespmem:s16+$0x0]  }
0x33: {  	v1 =	vld [tilespmem:s16+$0xFFFFFFE0];
	s14 =	sor.u32 $0x4000, s12  }
0x34: {  	s31 =	sshrl.u32 s13, $0x2;
	s13 =	sadd.s32 $0x0, s14  }
0x35: {  	s15 =	simm.s32 $0x4;
	s16 =	sadd.s32 $0x40, s16;
	s12 =	sor.u32 $0x4000, s31;
	[tilespmem:s13+$0x1830 ss:$0x81] =	vst.msk $0xffff, v3  }
.LBB1_3:
0x36: {  	v3 =	vld [tilespmem:s16+$0x10];
	p1 =	sne.s32 s15, $0x1FC;
	[tilespmem:s13+$0x810 ss:$0x81] =	vst.msk $0xffff, v2;
	s17 =	smov.u32 s15;
	s15 =	sadd.s32 $0x4, s15  }
.Ltmp3:
0x37: {  	v2 =	vld [tilespmem:s16+$0xFFFFFFF0];
	[tilespmem:s13+$0x1020 ss:$0x81] =	vst.msk $0xffff, v0;
	(pc) =	sbr.rel @p1 .LBB1_3-.Ltmp3, $4  }
0x38: {  	v0 =	vld [tilespmem:s16+$0x0];
	[tilespmem:s13+$0x0 ss:$0x81] =	vst.msk $0xffff, v1  }
0x39: {  	s13 =	sshra.s32 s17, $0x2;
	v1 =	vld [tilespmem:s16+$0xFFFFFFE0]  }
0x3a: {  	s13 =	sadd.s32 s13, s14  }
0x3b: {  	s16 =	sadd.s32 $0x40, s16;
	[tilespmem:s13+$0x1830 ss:$0x81] =	vst.msk $0xffff, v3  }
.Ltmp4:
0x3c: {  	_ = 	snop;
	(pc) =	sbr.rel .LBB1_4-.Ltmp4, $1  }
0x3d: {  	_ =	sdelay $0x3  }
.LBB1_6:
0x3e: {  	_ =	sfence.sel $0x180000  }
0x3f: {  	s2 =	simm.s32 $0x1;
	[bflag:$0x0] =	sbarrier.arrive $0xFFFF  }
0x40: {  	s31 =	simm.s32 $0x2;
	[sflag:s2] =	ssyncpa.u1 $0x1  }
0x41: {  	[sflag:s31] =	ssyncpa.u1 $0x1  }
0x42: {  	p0 =	sne.s32 s0, $0x0;
	_ =	strace $0x9000004A  }
0x43: {  	s0 =	sadd.s32 @!p0 $0x100000, s1;
	[bflag:$0x2] =	sbarrier.arrive $0xFFFF  }
0x44: {  	[sflag:s0] =	ssyncadd.tile.s32 @!p0 $0x1;
	_ =	shalt  }
.Lfunc_end1:
_tile_overlayer_lowered:
.L_overlay_start_2:
0x45: {  	(tag) =	ssettag $0x2  }
0x46: {  	s0 =	rddreg [dreg:$0x0];
	s2 =	stileid.u32  }
0x47: {  	s1 =	rddreg [dreg:$0x1];
	p0 =	sne.s32 s2, $0x0  }
0x48: {  	s3 =	rddreg [dreg:$0x2];
	[bflag:$0x3] =	sbarrier.arrive $0xFFFF;
	s2 =	simm.s32 @!p0 $0x1C01  }
0x49: {  	[timem:s3], [sflag:s2] =	dma.local @!p0 [hbm:s0], s1  }
0x4a: {  	s0 =	simm.s32 @!p0 $0x1  }
0x4b: {  	_ =	swait.ge @!p0 [sflag:s0], s1  }
0x4c: {  	s1 =	ssub.s32 @!p0 $0x0, s1;
	[sflag:s0] =	ssyncset.done @!p0 $0x0  }
0x4d: {  	[sflag:s0] =	ssyncadd.s32 @!p0 s1  }
0x4e: {  	[bflag:$0x3] =	sbarrier.arrive $0xFFFF  }
0x4f: {  	_ =	shalt  }

// kernel: sparse-core-data-format-call.2.cloned.1.call-start
scs
called_computation.2_lowered:
.L_overlay_start_0:
0x0: {  	s2 =	sld [smem:$0x3FD9]  }
0x1: {  	s3 =	sld [smem:$0x3FFE];
	_ =	sdelay $0x1  }
0x2: {  	s1 =	srdreg.scid  }
0x3: {  	s0 =	sand.u32 $0x1, s1  }
0x4: {  	s16 =	sshll.u32 s0, $0xA;
	s2 =	sadd.s32 s3, s2  }
0x5: {  	s2 =	sadd.s32 s2, s16  }
0x6: {  	[smem:$0x3FC5] =	sst s2  }
0x7: {  	_ = 	snop  }
0x8: {  	s2 =	sld [smem:$0x3FD0];
	_ =	sdelay $0x2  }
0x9: {  	s17 =	simm.s32 $0xD;
	s4 =	simm.s32 $0x10  }
0xa: {  	[smem:s4], [sflag:s17] =	dma.local [hbm:s2], $0x1  }
0xb: {  	_ =	swait.eq [sflag:s17], $0x1  }
0xc: {  	[sflag:s17] =	ssyncset.done $0x0  }
0xd: {  	[sflag:s17] =	ssyncadd.s32 $0xFFFFFFFF  }
0xe: {  	s18 =	sld [smem:$0x11];
	(tm) =	ssettm $0x1  }
0xf: {  	s19 =	sld [smem:$0x3FFB];
	_ =	sdelay $0x3  }
0x10: {  	_ =	strace s19  }
0x11: {  	s2 =	sld [smem:$0x3FFC];
	_ =	sdelay $0x3  }
0x12: {  	_ =	strace s2  }
0x13: {  	s2 =	sld [smem:$0x3FFD];
	_ =	sdelay $0x3  }
0x14: {  	_ =	strace s2  }
0x15: {  	_ =	strace $0x8FFFFFFF  }
0x16: {  	s20 =	sld [smem:$0x3FDB];
	_ =	sdelay $0x1  }
0x17: {  	s21 =	simm.s32 $_scs_section_size  }
0x18: {  	s5 =	simm.s32 $_size__tile_overlayer_lowered;
	s6 =	simm.s32 $_tile_overlayer_lowered  }
0x19: {  	s7 =	simm.s32 $0x1BFF;
	s22 =	sshll.u32 s6, $0x1;
	s4 =	sadd.s32 s21, s20  }
0x1a: {  	s23 =	simm.s32 $0x0;
	s5 =	sshll.u32 s5, $0x1;
	s6 =	sadd.s32 s22, s4  }
0x1b: {  	[timem:s23], [sflag:s7] =	dma.local [hbm:s6], s5  }
0x1c: {  	_ =	swait.ge [sflag:s7], s5  }
0x1d: {  	s5 =	ssub.s32 $0x0, s5;
	[sflag:s7] =	ssyncset.done $0x0  }
0x1e: {  	[sflag:s7] =	ssyncadd.s32 s5;
	_ =	sdelay $0x1  }
0x1f: {  	s24 =	simm.s32 $0x1B8B  }
0x20: {  	_ =	swait.ge [sflag:s24], $0x1  }
0x21: {  	[sflag:s24] =	ssyncset.done $0x0  }
0x22: {  	[sflag:s24] =	ssyncadd.s32 $0xFFFFFFFF  }
0x23: {  	s5 =	sld [smem:$0x0]  }
0x24: {  	s6 =	sand.u32 $0xFFFFFFFE, s1  }
0x25: {  	p0 =	sne.s32 s1, s6  }
0x26: {  	s6 =	sshll.u32 @p0 s6, $0xE  }
0x27: {  	s6 =	sadd.s32 @p0 $0x11B8D, s6;
	s7 =	sshll.u32 @p0 s5, $0x11  }
0x28: {  	s6 =	sor.u32 @p0 s7, s6  }
0x29: {  	[sflag:s6] =	ssyncadd.remote.s32 @p0 $0x1;
	_ =	sdelay $0x1  }
0x2a: {  	s6 =	simm.s32 @p0 $0x1B8D  }
0x2b: {  	_ =	swait.eq @p0 [sflag:s6], $0x1  }
0x2c: {  	[sflag:s6] =	ssyncadd.s32 @p0 $0xFFFFFFFF  }
0x2d: {  	s7 =	sshll.u32 @!p0 s1, $0xE  }
0x2e: {  	s7 =	sor.u32 @!p0 $0x4000, s7;
	s6 =	simm.s32 @!p0 $0x1B8D  }
0x2f: {  	s5 =	sshll.u32 @!p0 s5, $0x11;
	s7 =	sadd.s32 @!p0 $0x11B8D, s7;
	_ =	swait.eq @!p0 [sflag:s6], $0x1  }
0x30: {  	s5 =	sor.u32 @!p0 s5, s7;
	[sflag:s6] =	ssyncadd.s32 @!p0 $0xFFFFFFFF  }
0x31: {  	s26 =	simm.s32 $0x1B8E;
	s25 =	sld [smem:$0x3FFE];
	[sflag:s5] =	ssyncadd.remote.s32 @!p0 $0x1  }
0x32: {  	s27 =	simm.s32 $execute0_lowered;
	[smem:$0x3FD2] =	sst s26  }
0x33: {  	s6 =	sshll.u32 s27, $0x1;
	_ =	strace $0x8000004C;
	[dreg:$0x1] =	wrdreg $0xFFFFFFFF  }
0x34: {  	s28 =	simm.s32 $_size_execute0_lowered;
	s4 =	sadd.s32 s4, s6;
	[dreg:$0x0] =	wrdreg $0x0  }
0x35: {  	s6 =	sshll.u32 s28, $0x1;
	[dreg:$0x2] =	wrdreg s4  }
0x36: {  	[dreg:$0x3] =	wrdreg s6  }
0x37: {  	[dreg:$0x4] =	wrdreg $0xC0  }
0x38: {  	_ =	task [dreg:s23], $0x5FFFF  }
0x39: {  	[dreg:$0x1] =	wrdreg $0xFFFFFFFF  }
0x3a: {  	[dreg:$0x0] =	wrdreg $0x60  }
0x3b: {  	[dreg:$0x2] =	wrdreg s25  }
0x3c: {  	[dreg:$0x3] =	wrdreg s18  }
0x3d: {  	[dreg:$0x4] =	wrdreg $0xB  }
0x3e: {  	_ =	task.clear_ibuf [dreg:s23], $0x5FFFF;
	_ =	strace $0x9000004C  }
0x3f: {  	s29 =	simm.s32 $0xB;
	_ =	strace $0x8000004E  }
0x40: {  	_ =	swait.ge [sflag:s29], $0x1  }
0x41: {  	[sflag:s29] =	ssyncadd.s32 $0xFFFFFFFF  }
0x42: {  	_ =	strace $0x9000004E  }
0x43: {  	_ =	sfence  }
0x44: {  	s30 =	sld [smem:$0x0];
	_ =	sdelay $0x2  }
0x45: {  	s31 =	sshll.u32 s1, $0xD;
	s1 =	sshrl.u32 s1, $0x2  }
0x46: {  	s4 =	sand.u32 $0x4000, s31;
	s1 =	sadd.s32 s1, s30  }
0x47: {  	s0 =	sor.u32 s4, s0;
	s1 =	sshll.u32 s1, $0x11  }
0x48: {  	s0 =	sor.u32 s1, s0  }
0x49: {  	s0 =	sadd.s32 $0x8F2B, s0  }
0x4a: {  	[sflag:s0] =	ssyncadd.remote.s32 $0x1  }
0x4b: {  	_ =	sfence.sel $0xFFFF  }
0x4c: {  	[dreg:$0x0] =	wrdreg $0xFFFFFFFF;
	(pc) =	sbr.abs _section_cstart, $3  }
0x4d: {  	[dreg:$0x1] =	wrdreg $0xFFFFFFFF  }
0x4e: {  	_ =	task.clear_ibuf [dreg:s23], $0x2FFFF;
	_ =	strace $0x9FFFFFFF  }
0x4f: {  	(tm) =	ssettm $0x7FFFFFFF  }
tec
execute0_lowered:
.L_overlay_start_1:
0x0: {  	(tag) =	ssettag $0x1  }
0x1: {  	s0 =	srdreg.scid  }
0x2: {  	s1 =	sshll.u32 s0, $0x4  }
0x3: {  	s4 =	rddreg [dreg:$0x0];
	s0 =	stileid.u32;
	s1 =	sand.u32 $0x10, s1  }
0x4: {  	s2 =	rddreg [dreg:$0x1];
	s7 =	simm.s32 $0x1;
	s1 =	sor.u32 s0, s1  }
0x5: {  	s8 =	simm.s32 $0x2;
	s11 =	simm.s32 $0x0;
	s3 =	sshll.u32 s1, $0x7  }
0x6: {  	s10 =	simm.s32 $0x0;
	s4 =	sadd.s32 $0x272800, s4;
	s6 =	ssub.s32 $0x27100, s3  }
.Ltmp0:
0x7: {  	s1 =	rddreg [dreg:$0x2];
	s5 =	sand.u32 $0xF80, s6;
	(pc) =	sbr.rel .LBB1_1-.Ltmp0, $4  }
0x8: {  	_ =	strace $0x8000004D;
	s9 =	smov.u32 s3;
	p0 =	sne.s32 s5, $0x0  }
0x9: {  	s6 =	sshrl.u32 s6, $0xC;
	s5 =	simm.s32 $0x1;
	s7 =	simm.s32 @!p0 $0x0  }
0xa: {  	[sflag:s5] =	ssyncpa.u1 $0x0;
	p0 =	por $0x0, $0x0;
	s6 =	sadd.s32 s7, s6  }
0xb: {  	[sflag:s8] =	ssyncpa.u1 $0x0;
	s8 =	simm.s32 $0x138800;
	s7 =	sadd.s32 $0x1, s6  }
.LBB1_4:
0xc: {  	s14 =	sshll.u32 s11, $0x3  }
0xd: {  	s30 =	sand.u32 $0x7F, s11;
	s14 =	sand.u32 $0xFFFFFC00, s14  }
0xe: {  	s11 =	sor.u32 s30, s14  }
0xf: {  	s15 =	smulhi.u32 $0xD1B71759, s11;
	_ =	sdelay $0x1  }
0x10: {  	s14 =	smulhi.u32 $0xD1B71759, s14;
	s15 =	sshrl.u32 s15, $0x11  }
0x11: {  	s15 =	smul.u32 $0x27100, s15  }
0x12: {  	s14 =	sshrl.u32 s14, $0x11  }
0x13: {  	s14 =	sand.u32 $0x3F, s14;
	s11 =	ssub.s32 s11, s15  }
0x14: {  	[tilespmem:s13+$0x810 ss:$0x81] =	vst.msk $0xffff, v2;
	s14 =	smul.u32 $0x4E20, s14;
	s15 =	sshrl.u32 s11, $0x3;
	s11 =	sand.u32 $0x7, s11  }
0x15: {  	[tilespmem:s13+$0x1020 ss:$0x81] =	vst.msk $0xffff, v0;
	s15 =	sadd.s32 s2, s15;
	s11 =	sshll.u32 s11, $0x12  }
0x16: {  	[tilespmem:s13+$0x0 ss:$0x81] =	vst.msk $0xffff, v1;
	s31 =	sadd.s32 s14, s15;
	s11 =	sor.u32 $0x400, s11  }
0x17: {  	[hbm4b:s31+s11] =	stream.strided.scatter [tilespmem:s12], [sflag:$0x2], $0x2000, s8, s11, $0x20;
	[tilespmem:$0x8080] =	vst v63  }
.LBB1_5:
0x18: {  	s13 =	sadd.s32 $0x1000, s9  }
0x19: {  	p2 =	sgt.s32 s13, $0x270FF  }
0x1a: {  	s13 =	smov.u32 @p2 s3;
	p2 =	sne.s32 s10, s7  }
.Ltmp1:
0x1b: {  	p1 =	slt.u32 s10, $0x2;
	(pc) =	sbr.rel @!p2 .LBB1_6-.Ltmp1, $4  }
0x1c: {  	s12 =	simm.s32 @!p1 $0x2  }
0x1d: {  	s14 =	sadd.s32 $0x1, s10;
	_ =	swait.ge @!p1 [sflag:s12], $0x2000  }
0x1e: {  	s11 =	smov.u32 s9;
	p0 =	por !p0, !p0;
	[sflag:s12] =	ssyncset.done @!p1 $0x0  }
0x1f: {  	s10 =	smov.u32 s14;
	s9 =	smov.u32 s13;
	[sflag:s12] =	ssyncadd.s32 @!p1 $0xFFFFE000  }
.LBB1_1:
0x20: {  	p1 =	sge.u32 s10, s6  }
0x21: {  	s12 =	sand.u32 @!p1 $0x1FFFFFF, s9  }
0x22: {  	s13 =	smulhi.u32 @!p1 $0x1A36E2F, s12;
	_ =	sdelay $0x1  }
0x23: {  	s13 =	sshrl.u32 @!p1 s13, $0xA  }
0x24: {  	s13 =	smul.u32 @!p1 $0x27100, s13;
	_ =	sdelay $0x1  }
0x25: {  	s31 =	sadd.s32 $0xFFFFFFFF, s10;
	s14 =	sxor.u32 @!p1 $0xFFFFFFFF, s10;
	s12 =	ssub.s32 @!p1 s12, s13  }
0x26: {  	s15 =	simm.s32 @!p1 $0x80;
	s14 =	sshll.u32 @!p1 s14, $0xD;
	s12 =	sshll.u32 @!p1 s12, $0x4  }
0x27: {  	s13 =	sand.u32 @!p1 $0x2000, s14;
	s14 =	simm.s32 @!p1 $0x40;
	s12 =	sadd.s32 @!p1 s4, s12  }
0x28: {  	[tilespmem:s13], [sflag:$0x1] =	stream.strided.gather @!p1 [hbm4b:s12+s14], $0x2000, s15, s14, $0x38;
	[tilespmem:$0x8080] =	vst v63  }
0x29: {  	p1 =	sge.u32 s31, s6  }
.Ltmp2:
0x2a: {  	_ = 	snop;
	(pc) =	sbr.rel @p1 .LBB1_5-.Ltmp2, $1  }
0x2b: {  	_ =	sdelay $0x3  }
0x2c: {  	s12 =	simm.s32 $0x1  }
0x2d: {  	_ =	swait.ge [sflag:s5], $0x2000;
	s12 =	simm.s32 @!p0 $0x0  }
0x2e: {  	[sflag:s5] =	ssyncset.done $0x0;
	s13 =	sshll.u32 s12, $0xD  }
0x2f: {  	[sflag:s5] =	ssyncadd.s32 $0xFFFFE000;
	s16 =	sor.u32 $0x20, s13  }
0x30: {  	s12 =	smul.u32 $0x8100, s12;
	v3 =	vld [tilespmem:s16+$0x10]  }
0x31: {  	s30 =	sand.u32 $0x1, s10;
	v2 =	vld [tilespmem:s16+$0xFFFFFFF0]  }
0x32: {  	s13 =	smul.u32 $0x8100, s30;
	s12 =	sshrl.u32 s12, $0x2;
	v0 =	vld [tilespmem:s16+$0x0]  }
0x33: {  	v1 =	vld [tilespmem:s16+$0xFFFFFFE0];
	s14 =	sor.u32 $0x4000, s12  }
0x34: {  	s31 =	sshrl.u32 s13, $0x2;
	s13 =	sadd.s32 $0x0, s14  }
0x35: {  	s15 =	simm.s32 $0x4;
	s16 =	sadd.s32 $0x40, s16;
	s12 =	sor.u32 $0x4000, s31;
	[tilespmem:s13+$0x1830 ss:$0x81] =	vst.msk $0xffff, v3  }
.LBB1_3:
0x36: {  	v3 =	vld [tilespmem:s16+$0x10];
	p1 =	sne.s32 s15, $0x1FC;
	[tilespmem:s13+$0x810 ss:$0x81] =	vst.msk $0xffff, v2;
	s17 =	smov.u32 s15;
	s15 =	sadd.s32 $0x4, s15  }
.Ltmp3:
0x37: {  	v2 =	vld [tilespmem:s16+$0xFFFFFFF0];
	[tilespmem:s13+$0x1020 ss:$0x81] =	vst.msk $0xffff, v0;
	(pc) =	sbr.rel @p1 .LBB1_3-.Ltmp3, $4  }
0x38: {  	v0 =	vld [tilespmem:s16+$0x0];
	[tilespmem:s13+$0x0 ss:$0x81] =	vst.msk $0xffff, v1  }
0x39: {  	s13 =	sshra.s32 s17, $0x2;
	v1 =	vld [tilespmem:s16+$0xFFFFFFE0]  }
0x3a: {  	s13 =	sadd.s32 s13, s14  }
0x3b: {  	s16 =	sadd.s32 $0x40, s16;
	[tilespmem:s13+$0x1830 ss:$0x81] =	vst.msk $0xffff, v3  }
.Ltmp4:
0x3c: {  	_ = 	snop;
	(pc) =	sbr.rel .LBB1_4-.Ltmp4, $1  }
0x3d: {  	_ =	sdelay $0x3  }
.LBB1_6:
0x3e: {  	_ =	sfence.sel $0x180000  }
0x3f: {  	s2 =	simm.s32 $0x1;
	[bflag:$0x0] =	sbarrier.arrive $0xFFFF  }
0x40: {  	s31 =	simm.s32 $0x2;
	[sflag:s2] =	ssyncpa.u1 $0x1  }
0x41: {  	[sflag:s31] =	ssyncpa.u1 $0x1  }
0x42: {  	p0 =	sne.s32 s0, $0x0;
	_ =	strace $0x9000004D  }
0x43: {  	s0 =	sadd.s32 @!p0 $0x100000, s1;
	[bflag:$0x2] =	sbarrier.arrive $0xFFFF  }
0x44: {  	[sflag:s0] =	ssyncadd.tile.s32 @!p0 $0x1;
	_ =	shalt  }
.Lfunc_end1:
_tile_overlayer_lowered:
.L_overlay_start_2:
0x45: {  	(tag) =	ssettag $0x2  }
0x46: {  	s0 =	rddreg [dreg:$0x0];
	s2 =	stileid.u32  }
0x47: {  	s1 =	rddreg [dreg:$0x1];
	p0 =	sne.s32 s2, $0x0  }
0x48: {  	s3 =	rddreg [dreg:$0x2];
	[bflag:$0x3] =	sbarrier.arrive $0xFFFF;
	s2 =	simm.s32 @!p0 $0x1C01  }
0x49: {  	[timem:s3], [sflag:s2] =	dma.local @!p0 [hbm:s0], s1  }
0x4a: {  	s0 =	simm.s32 @!p0 $0x1  }
0x4b: {  	_ =	swait.ge @!p0 [sflag:s0], s1  }
0x4c: {  	s1 =	ssub.s32 @!p0 $0x0, s1;
	[sflag:s0] =	ssyncset.done @!p0 $0x0  }
0x4d: {  	[sflag:s0] =	ssyncadd.s32 @!p0 s1  }
0x4e: {  	[bflag:$0x3] =	sbarrier.arrive $0xFFFF  }
0x4f: {  	_ =	shalt  }

// kernel: sparse-core-data-format-call.3.cloned.1.call-start
scs
called_computation.3_lowered:
.L_overlay_start_0:
0x0: {  	s2 =	sld [smem:$0x3FD9]  }
0x1: {  	s3 =	sld [smem:$0x3FFE];
	_ =	sdelay $0x1  }
0x2: {  	s1 =	srdreg.scid  }
0x3: {  	s0 =	sand.u32 $0x1, s1  }
0x4: {  	s16 =	sshll.u32 s0, $0xA;
	s2 =	sadd.s32 s3, s2  }
0x5: {  	s2 =	sadd.s32 s2, s16  }
0x6: {  	[smem:$0x3FC5] =	sst s2  }
0x7: {  	_ = 	snop  }
0x8: {  	s2 =	sld [smem:$0x3FD0];
	_ =	sdelay $0x2  }
0x9: {  	s17 =	simm.s32 $0xD;
	s4 =	simm.s32 $0x10  }
0xa: {  	[smem:s4], [sflag:s17] =	dma.local [hbm:s2], $0x1  }
0xb: {  	_ =	swait.eq [sflag:s17], $0x1  }
0xc: {  	[sflag:s17] =	ssyncset.done $0x0  }
0xd: {  	[sflag:s17] =	ssyncadd.s32 $0xFFFFFFFF  }
0xe: {  	s18 =	sld [smem:$0x10];
	(tm) =	ssettm $0x1  }
0xf: {  	s19 =	sld [smem:$0x3FFB];
	_ =	sdelay $0x3  }
0x10: {  	_ =	strace s19  }
0x11: {  	s2 =	sld [smem:$0x3FFC];
	_ =	sdelay $0x3  }
0x12: {  	_ =	strace s2  }
0x13: {  	s2 =	sld [smem:$0x3FFD];
	_ =	sdelay $0x3  }
0x14: {  	_ =	strace s2  }
0x15: {  	_ =	strace $0x8FFFFFFF  }
0x16: {  	s20 =	sld [smem:$0x3FDB];
	_ =	sdelay $0x1  }
0x17: {  	s21 =	simm.s32 $_scs_section_size  }
0x18: {  	s5 =	simm.s32 $_size__tile_overlayer_lowered;
	s6 =	simm.s32 $_tile_overlayer_lowered  }
0x19: {  	s7 =	simm.s32 $0x1BFF;
	s22 =	sshll.u32 s6, $0x1;
	s4 =	sadd.s32 s21, s20  }
0x1a: {  	s23 =	simm.s32 $0x0;
	s5 =	sshll.u32 s5, $0x1;
	s6 =	sadd.s32 s22, s4  }
0x1b: {  	[timem:s23], [sflag:s7] =	dma.local [hbm:s6], s5  }
0x1c: {  	_ =	swait.ge [sflag:s7], s5  }
0x1d: {  	s5 =	ssub.s32 $0x0, s5;
	[sflag:s7] =	ssyncset.done $0x0  }
0x1e: {  	[sflag:s7] =	ssyncadd.s32 s5;
	_ =	sdelay $0x1  }
0x1f: {  	s24 =	simm.s32 $0x1B8B  }
0x20: {  	_ =	swait.ge [sflag:s24], $0x1  }
0x21: {  	[sflag:s24] =	ssyncset.done $0x0  }
0x22: {  	[sflag:s24] =	ssyncadd.s32 $0xFFFFFFFF  }
0x23: {  	s5 =	sld [smem:$0x0]  }
0x24: {  	s6 =	sand.u32 $0xFFFFFFFE, s1  }
0x25: {  	p0 =	sne.s32 s1, s6  }
0x26: {  	s6 =	sshll.u32 @p0 s6, $0xE  }
0x27: {  	s6 =	sadd.s32 @p0 $0x11B8D, s6;
	s7 =	sshll.u32 @p0 s5, $0x11  }
0x28: {  	s6 =	sor.u32 @p0 s7, s6  }
0x29: {  	[sflag:s6] =	ssyncadd.remote.s32 @p0 $0x1;
	_ =	sdelay $0x1  }
0x2a: {  	s6 =	simm.s32 @p0 $0x1B8D  }
0x2b: {  	_ =	swait.eq @p0 [sflag:s6], $0x1  }
0x2c: {  	[sflag:s6] =	ssyncadd.s32 @p0 $0xFFFFFFFF  }
0x2d: {  	s7 =	sshll.u32 @!p0 s1, $0xE  }
0x2e: {  	s7 =	sor.u32 @!p0 $0x4000, s7;
	s6 =	simm.s32 @!p0 $0x1B8D  }
0x2f: {  	s5 =	sshll.u32 @!p0 s5, $0x11;
	s7 =	sadd.s32 @!p0 $0x11B8D, s7;
	_ =	swait.eq @!p0 [sflag:s6], $0x1  }
0x30: {  	s5 =	sor.u32 @!p0 s5, s7;
	[sflag:s6] =	ssyncadd.s32 @!p0 $0xFFFFFFFF  }
0x31: {  	s26 =	simm.s32 $0x1B8E;
	s25 =	sld [smem:$0x3FFE];
	[sflag:s5] =	ssyncadd.remote.s32 @!p0 $0x1  }
0x32: {  	s27 =	simm.s32 $execute0_lowered;
	[smem:$0x3FD2] =	sst s26  }
0x33: {  	s6 =	sshll.u32 s27, $0x1;
	_ =	strace $0x8000004F;
	[dreg:$0x1] =	wrdreg $0xFFFFFFFF  }
0x34: {  	s28 =	simm.s32 $_size_execute0_lowered;
	s4 =	sadd.s32 s4, s6;
	[dreg:$0x0] =	wrdreg $0x0  }
0x35: {  	s6 =	sshll.u32 s28, $0x1;
	[dreg:$0x2] =	wrdreg s4  }
0x36: {  	[dreg:$0x3] =	wrdreg s6  }
0x37: {  	[dreg:$0x4] =	wrdreg $0xC0  }
0x38: {  	_ =	task [dreg:s23], $0x5FFFF  }
0x39: {  	[dreg:$0x1] =	wrdreg $0xFFFFFFFF  }
0x3a: {  	[dreg:$0x0] =	wrdreg $0x60  }
0x3b: {  	[dreg:$0x2] =	wrdreg s25  }
0x3c: {  	[dreg:$0x3] =	wrdreg s18  }
0x3d: {  	[dreg:$0x4] =	wrdreg $0xC  }
0x3e: {  	_ =	task.clear_ibuf [dreg:s23], $0x5FFFF;
	_ =	strace $0x9000004F  }
0x3f: {  	s29 =	simm.s32 $0xC;
	_ =	strace $0x80000051  }
0x40: {  	_ =	swait.ge [sflag:s29], $0x1  }
0x41: {  	[sflag:s29] =	ssyncadd.s32 $0xFFFFFFFF  }
0x42: {  	_ =	strace $0x90000051  }
0x43: {  	_ =	sfence  }
0x44: {  	s30 =	sld [smem:$0x0];
	_ =	sdelay $0x2  }
0x45: {  	s31 =	sshll.u32 s1, $0xD;
	s1 =	sshrl.u32 s1, $0x2  }
0x46: {  	s4 =	sand.u32 $0x4000, s31;
	s1 =	sadd.s32 s1, s30  }
0x47: {  	s0 =	sor.u32 s4, s0;
	s1 =	sshll.u32 s1, $0x11  }
0x48: {  	s0 =	sor.u32 s1, s0  }
0x49: {  	s0 =	sadd.s32 $0x8F2B, s0  }
0x4a: {  	[sflag:s0] =	ssyncadd.remote.s32 $0x1  }
0x4b: {  	_ =	sfence.sel $0xFFFF  }
0x4c: {  	[dreg:$0x0] =	wrdreg $0xFFFFFFFF;
	(pc) =	sbr.abs _section_cstart, $3  }
0x4d: {  	[dreg:$0x1] =	wrdreg $0xFFFFFFFF  }
0x4e: {  	_ =	task.clear_ibuf [dreg:s23], $0x2FFFF;
	_ =	strace $0x9FFFFFFF  }
0x4f: {  	(tm) =	ssettm $0x7FFFFFFF  }
tec
execute0_lowered:
.L_overlay_start_1:
0x0: {  	(tag) =	ssettag $0x1  }
0x1: {  	s0 =	srdreg.scid  }
0x2: {  	s1 =	sshll.u32 s0, $0x4  }
0x3: {  	s4 =	rddreg [dreg:$0x0];
	s0 =	stileid.u32;
	s1 =	sand.u32 $0x10, s1  }
0x4: {  	s2 =	rddreg [dreg:$0x1];
	s7 =	simm.s32 $0x1;
	s1 =	sor.u32 s0, s1  }
0x5: {  	s8 =	simm.s32 $0x2;
	s11 =	simm.s32 $0x0;
	s3 =	sshll.u32 s1, $0x7  }
0x6: {  	s10 =	simm.s32 $0x0;
	s4 =	sadd.s32 $0x4E3800, s4;
	s6 =	ssub.s32 $0x27100, s3  }
.Ltmp0:
0x7: {  	s1 =	rddreg [dreg:$0x2];
	s5 =	sand.u32 $0xF80, s6;
	(pc) =	sbr.rel .LBB1_1-.Ltmp0, $4  }
0x8: {  	_ =	strace $0x80000050;
	s9 =	smov.u32 s3;
	p0 =	sne.s32 s5, $0x0  }
0x9: {  	s6 =	sshrl.u32 s6, $0xC;
	s5 =	simm.s32 $0x1;
	s7 =	simm.s32 @!p0 $0x0  }
0xa: {  	[sflag:s5] =	ssyncpa.u1 $0x0;
	p0 =	por $0x0, $0x0;
	s6 =	sadd.s32 s7, s6  }
0xb: {  	[sflag:s8] =	ssyncpa.u1 $0x0;
	s8 =	simm.s32 $0x138800;
	s7 =	sadd.s32 $0x1, s6  }
.LBB1_4:
0xc: {  	s14 =	sshll.u32 s11, $0x3  }
0xd: {  	s30 =	sand.u32 $0x7F, s11;
	s14 =	sand.u32 $0xFFFFFC00, s14  }
0xe: {  	s11 =	sor.u32 s30, s14  }
0xf: {  	s15 =	smulhi.u32 $0xD1B71759, s11;
	_ =	sdelay $0x1  }
0x10: {  	s14 =	smulhi.u32 $0xD1B71759, s14;
	s15 =	sshrl.u32 s15, $0x11  }
0x11: {  	s15 =	smul.u32 $0x27100, s15  }
0x12: {  	s14 =	sshrl.u32 s14, $0x11  }
0x13: {  	s14 =	sand.u32 $0x3F, s14;
	s11 =	ssub.s32 s11, s15  }
0x14: {  	[tilespmem:s13+$0x810 ss:$0x81] =	vst.msk $0xffff, v2;
	s14 =	smul.u32 $0x4E20, s14;
	s15 =	sshrl.u32 s11, $0x3;
	s11 =	sand.u32 $0x7, s11  }
0x15: {  	[tilespmem:s13+$0x1020 ss:$0x81] =	vst.msk $0xffff, v0;
	s15 =	sadd.s32 s2, s15;
	s11 =	sshll.u32 s11, $0x12  }
0x16: {  	[tilespmem:s13+$0x0 ss:$0x81] =	vst.msk $0xffff, v1;
	s31 =	sadd.s32 s14, s15;
	s11 =	sor.u32 $0x400, s11  }
0x17: {  	[hbm4b:s31+s11] =	stream.strided.scatter [tilespmem:s12], [sflag:$0x2], $0x2000, s8, s11, $0x20;
	[tilespmem:$0x8080] =	vst v63  }
.LBB1_5:
0x18: {  	s13 =	sadd.s32 $0x1000, s9  }
0x19: {  	p2 =	sgt.s32 s13, $0x270FF  }
0x1a: {  	s13 =	smov.u32 @p2 s3;
	p2 =	sne.s32 s10, s7  }
.Ltmp1:
0x1b: {  	p1 =	slt.u32 s10, $0x2;
	(pc) =	sbr.rel @!p2 .LBB1_6-.Ltmp1, $4  }
0x1c: {  	s12 =	simm.s32 @!p1 $0x2  }
0x1d: {  	s14 =	sadd.s32 $0x1, s10;
	_ =	swait.ge @!p1 [sflag:s12], $0x2000  }
0x1e: {  	s11 =	smov.u32 s9;
	p0 =	por !p0, !p0;
	[sflag:s12] =	ssyncset.done @!p1 $0x0  }
0x1f: {  	s10 =	smov.u32 s14;
	s9 =	smov.u32 s13;
	[sflag:s12] =	ssyncadd.s32 @!p1 $0xFFFFE000  }
.LBB1_1:
0x20: {  	p1 =	sge.u32 s10, s6  }
0x21: {  	s12 =	sand.u32 @!p1 $0x1FFFFFF, s9  }
0x22: {  	s13 =	smulhi.u32 @!p1 $0x1A36E2F, s12;
	_ =	sdelay $0x1  }
0x23: {  	s13 =	sshrl.u32 @!p1 s13, $0xA  }
0x24: {  	s13 =	smul.u32 @!p1 $0x27100, s13;
	_ =	sdelay $0x1  }
0x25: {  	s31 =	sadd.s32 $0xFFFFFFFF, s10;
	s14 =	sxor.u32 @!p1 $0xFFFFFFFF, s10;
	s12 =	ssub.s32 @!p1 s12, s13  }
0x26: {  	s15 =	simm.s32 @!p1 $0x80;
	s14 =	sshll.u32 @!p1 s14, $0xD;
	s12 =	sshll.u32 @!p1 s12, $0x4  }
0x27: {  	s13 =	sand.u32 @!p1 $0x2000, s14;
	s14 =	simm.s32 @!p1 $0x40;
	s12 =	sadd.s32 @!p1 s4, s12  }
0x28: {  	[tilespmem:s13], [sflag:$0x1] =	stream.strided.gather @!p1 [hbm4b:s12+s14], $0x2000, s15, s14, $0x38;
	[tilespmem:$0x8080] =	vst v63  }
0x29: {  	p1 =	sge.u32 s31, s6  }
.Ltmp2:
0x2a: {  	_ = 	snop;
	(pc) =	sbr.rel @p1 .LBB1_5-.Ltmp2, $1  }
0x2b: {  	_ =	sdelay $0x3  }
0x2c: {  	s12 =	simm.s32 $0x1  }
0x2d: {  	_ =	swait.ge [sflag:s5], $0x2000;
	s12 =	simm.s32 @!p0 $0x0  }
0x2e: {  	[sflag:s5] =	ssyncset.done $0x0;
	s13 =	sshll.u32 s12, $0xD  }
0x2f: {  	[sflag:s5] =	ssyncadd.s32 $0xFFFFE000;
	s16 =	sor.u32 $0x20, s13  }
0x30: {  	s12 =	smul.u32 $0x8100, s12;
	v3 =	vld [tilespmem:s16+$0x10]  }
0x31: {  	s30 =	sand.u32 $0x1, s10;
	v2 =	vld [tilespmem:s16+$0xFFFFFFF0]  }
0x32: {  	s13 =	smul.u32 $0x8100, s30;
	s12 =	sshrl.u32 s12, $0x2;
	v0 =	vld [tilespmem:s16+$0x0]  }
0x33: {  	v1 =	vld [tilespmem:s16+$0xFFFFFFE0];
	s14 =	sor.u32 $0x4000, s12  }
0x34: {  	s31 =	sshrl.u32 s13, $0x2;
	s13 =	sadd.s32 $0x0, s14  }
0x35: {  	s15 =	simm.s32 $0x4;
	s16 =	sadd.s32 $0x40, s16;
	s12 =	sor.u32 $0x4000, s31;
	[tilespmem:s13+$0x1830 ss:$0x81] =	vst.msk $0xffff, v3  }
.LBB1_3:
0x36: {  	v3 =	vld [tilespmem:s16+$0x10];
	p1 =	sne.s32 s15, $0x1FC;
	[tilespmem:s13+$0x810 ss:$0x81] =	vst.msk $0xffff, v2;
	s17 =	smov.u32 s15;
	s15 =	sadd.s32 $0x4, s15  }
.Ltmp3:
0x37: {  	v2 =	vld [tilespmem:s16+$0xFFFFFFF0];
	[tilespmem:s13+$0x1020 ss:$0x81] =	vst.msk $0xffff, v0;
	(pc) =	sbr.rel @p1 .LBB1_3-.Ltmp3, $4  }
0x38: {  	v0 =	vld [tilespmem:s16+$0x0];
	[tilespmem:s13+$0x0 ss:$0x81] =	vst.msk $0xffff, v1  }
0x39: {  	s13 =	sshra.s32 s17, $0x2;
	v1 =	vld [tilespmem:s16+$0xFFFFFFE0]  }
0x3a: {  	s13 =	sadd.s32 s13, s14  }
0x3b: {  	s16 =	sadd.s32 $0x40, s16;
	[tilespmem:s13+$0x1830 ss:$0x81] =	vst.msk $0xffff, v3  }
.Ltmp4:
0x3c: {  	_ = 	snop;
	(pc) =	sbr.rel .LBB1_4-.Ltmp4, $1  }
0x3d: {  	_ =	sdelay $0x3  }
.LBB1_6:
0x3e: {  	_ =	sfence.sel $0x180000  }
0x3f: {  	s2 =	simm.s32 $0x1;
	[bflag:$0x0] =	sbarrier.arrive $0xFFFF  }
0x40: {  	s31 =	simm.s32 $0x2;
	[sflag:s2] =	ssyncpa.u1 $0x1  }
0x41: {  	[sflag:s31] =	ssyncpa.u1 $0x1  }
0x42: {  	p0 =	sne.s32 s0, $0x0;
	_ =	strace $0x90000050  }
0x43: {  	s0 =	sadd.s32 @!p0 $0x100000, s1;
	[bflag:$0x2] =	sbarrier.arrive $0xFFFF  }
0x44: {  	[sflag:s0] =	ssyncadd.tile.s32 @!p0 $0x1;
	_ =	shalt  }
.Lfunc_end1:
_tile_overlayer_lowered:
.L_overlay_start_2:
0x45: {  	(tag) =	ssettag $0x2  }
0x46: {  	s0 =	rddreg [dreg:$0x0];
	s2 =	stileid.u32  }
0x47: {  	s1 =	rddreg [dreg:$0x1];
	p0 =	sne.s32 s2, $0x0  }
0x48: {  	s3 =	rddreg [dreg:$0x2];
	[bflag:$0x3] =	sbarrier.arrive $0xFFFF;
	s2 =	simm.s32 @!p0 $0x1C01  }
0x49: {  	[timem:s3], [sflag:s2] =	dma.local @!p0 [hbm:s0], s1  }
0x4a: {  	s0 =	simm.s32 @!p0 $0x1  }
0x4b: {  	_ =	swait.ge @!p0 [sflag:s0], s1  }
0x4c: {  	s1 =	ssub.s32 @!p0 $0x0, s1;
	[sflag:s0] =	ssyncset.done @!p0 $0x0  }
0x4d: {  	[sflag:s0] =	ssyncadd.s32 @!p0 s1  }
0x4e: {  	[bflag:$0x3] =	sbarrier.arrive $0xFFFF  }
0x4f: {  	_ =	shalt  }

// kernel: sparse-core-data-format-call.cloned.1.call-start
scs
called_computation_lowered:
.L_overlay_start_0:
0x0: {  	s2 =	sld [smem:$0x3FD9]  }
0x1: {  	s3 =	sld [smem:$0x3FFE];
	_ =	sdelay $0x1  }
0x2: {  	s1 =	srdreg.scid  }
0x3: {  	s0 =	sand.u32 $0x1, s1  }
0x4: {  	s16 =	sshll.u32 s0, $0xA;
	s2 =	sadd.s32 s3, s2  }
0x5: {  	s2 =	sadd.s32 s2, s16  }
0x6: {  	[smem:$0x3FC5] =	sst s2  }
0x7: {  	_ = 	snop  }
0x8: {  	s2 =	sld [smem:$0x3FD0];
	_ =	sdelay $0x2  }
0x9: {  	s17 =	simm.s32 $0xD;
	s4 =	simm.s32 $0x10  }
0xa: {  	[smem:s4], [sflag:s17] =	dma.local [hbm:s2], $0x1  }
0xb: {  	_ =	swait.eq [sflag:s17], $0x1  }
0xc: {  	[sflag:s17] =	ssyncset.done $0x0  }
0xd: {  	[sflag:s17] =	ssyncadd.s32 $0xFFFFFFFF  }
0xe: {  	s18 =	sld [smem:$0x13];
	(tm) =	ssettm $0x1  }
0xf: {  	s19 =	sld [smem:$0x3FFB];
	_ =	sdelay $0x3  }
0x10: {  	_ =	strace s19  }
0x11: {  	s2 =	sld [smem:$0x3FFC];
	_ =	sdelay $0x3  }
0x12: {  	_ =	strace s2  }
0x13: {  	s2 =	sld [smem:$0x3FFD];
	_ =	sdelay $0x3  }
0x14: {  	_ =	strace s2  }
0x15: {  	_ =	strace $0x8FFFFFFF  }
0x16: {  	s20 =	sld [smem:$0x3FDB];
	_ =	sdelay $0x1  }
0x17: {  	s21 =	simm.s32 $_scs_section_size  }
0x18: {  	s5 =	simm.s32 $_size__tile_overlayer_lowered;
	s6 =	simm.s32 $_tile_overlayer_lowered  }
0x19: {  	s7 =	simm.s32 $0x1BFF;
	s22 =	sshll.u32 s6, $0x1;
	s4 =	sadd.s32 s21, s20  }
0x1a: {  	s23 =	simm.s32 $0x0;
	s5 =	sshll.u32 s5, $0x1;
	s6 =	sadd.s32 s22, s4  }
0x1b: {  	[timem:s23], [sflag:s7] =	dma.local [hbm:s6], s5  }
0x1c: {  	_ =	swait.ge [sflag:s7], s5  }
0x1d: {  	s5 =	ssub.s32 $0x0, s5;
	[sflag:s7] =	ssyncset.done $0x0  }
0x1e: {  	[sflag:s7] =	ssyncadd.s32 s5;
	_ =	sdelay $0x1  }
0x1f: {  	s24 =	simm.s32 $0x1B8B  }
0x20: {  	_ =	swait.ge [sflag:s24], $0x1  }
0x21: {  	[sflag:s24] =	ssyncset.done $0x0  }
0x22: {  	[sflag:s24] =	ssyncadd.s32 $0xFFFFFFFF  }
0x23: {  	s5 =	sld [smem:$0x0]  }
0x24: {  	s6 =	sand.u32 $0xFFFFFFFE, s1  }
0x25: {  	p0 =	sne.s32 s1, s6  }
0x26: {  	s6 =	sshll.u32 @p0 s6, $0xE  }
0x27: {  	s6 =	sadd.s32 @p0 $0x11B8D, s6;
	s7 =	sshll.u32 @p0 s5, $0x11  }
0x28: {  	s6 =	sor.u32 @p0 s7, s6  }
0x29: {  	[sflag:s6] =	ssyncadd.remote.s32 @p0 $0x1;
	_ =	sdelay $0x1  }
0x2a: {  	s6 =	simm.s32 @p0 $0x1B8D  }
0x2b: {  	_ =	swait.eq @p0 [sflag:s6], $0x1  }
0x2c: {  	[sflag:s6] =	ssyncadd.s32 @p0 $0xFFFFFFFF  }
0x2d: {  	s7 =	sshll.u32 @!p0 s1, $0xE  }
0x2e: {  	s7 =	sor.u32 @!p0 $0x4000, s7;
	s6 =	simm.s32 @!p0 $0x1B8D  }
0x2f: {  	s5 =	sshll.u32 @!p0 s5, $0x11;
	s7 =	sadd.s32 @!p0 $0x11B8D, s7;
	_ =	swait.eq @!p0 [sflag:s6], $0x1  }
0x30: {  	s5 =	sor.u32 @!p0 s5, s7;
	[sflag:s6] =	ssyncadd.s32 @!p0 $0xFFFFFFFF  }
0x31: {  	s26 =	simm.s32 $0x1B8E;
	s25 =	sld [smem:$0x3FFE];
	[sflag:s5] =	ssyncadd.remote.s32 @!p0 $0x1  }
0x32: {  	s27 =	simm.s32 $execute0_lowered;
	[smem:$0x3FD2] =	sst s26  }
0x33: {  	s6 =	sshll.u32 s27, $0x1;
	_ =	strace $0x80000052;
	[dreg:$0x1] =	wrdreg $0xFFFFFFFF  }
0x34: {  	s28 =	simm.s32 $_size_execute0_lowered;
	s4 =	sadd.s32 s4, s6;
	[dreg:$0x0] =	wrdreg $0x0  }
0x35: {  	s6 =	sshll.u32 s28, $0x1;
	[dreg:$0x2] =	wrdreg s4  }
0x36: {  	[dreg:$0x3] =	wrdreg s6  }
0x37: {  	[dreg:$0x4] =	wrdreg $0xC0  }
0x38: {  	_ =	task [dreg:s23], $0x5FFFF  }
0x39: {  	[dreg:$0x1] =	wrdreg $0xFFFFFFFF  }
0x3a: {  	[dreg:$0x0] =	wrdreg $0x60  }
0x3b: {  	[dreg:$0x2] =	wrdreg s25  }
0x3c: {  	[dreg:$0x3] =	wrdreg s18  }
0x3d: {  	[dreg:$0x4] =	wrdreg $0x9  }
0x3e: {  	_ =	task.clear_ibuf [dreg:s23], $0x5FFFF;
	_ =	strace $0x90000052  }
0x3f: {  	s29 =	simm.s32 $0x9;
	_ =	strace $0x80000054  }
0x40: {  	_ =	swait.ge [sflag:s29], $0x1  }
0x41: {  	[sflag:s29] =	ssyncadd.s32 $0xFFFFFFFF  }
0x42: {  	_ =	strace $0x90000054  }
0x43: {  	_ =	sfence  }
0x44: {  	s30 =	sld [smem:$0x0];
	_ =	sdelay $0x2  }
0x45: {  	s31 =	sshll.u32 s1, $0xD;
	s1 =	sshrl.u32 s1, $0x2  }
0x46: {  	s4 =	sand.u32 $0x4000, s31;
	s1 =	sadd.s32 s1, s30  }
0x47: {  	s0 =	sor.u32 s4, s0;
	s1 =	sshll.u32 s1, $0x11  }
0x48: {  	s0 =	sor.u32 s1, s0  }
0x49: {  	s0 =	sadd.s32 $0x8F2B, s0  }
0x4a: {  	[sflag:s0] =	ssyncadd.remote.s32 $0x1  }
0x4b: {  	_ =	sfence.sel $0xFFFF  }
0x4c: {  	[dreg:$0x0] =	wrdreg $0xFFFFFFFF;
	(pc) =	sbr.abs _section_cstart, $3  }
0x4d: {  	[dreg:$0x1] =	wrdreg $0xFFFFFFFF  }
0x4e: {  	_ =	task.clear_ibuf [dreg:s23], $0x2FFFF;
	_ =	strace $0x9FFFFFFF  }
0x4f: {  	(tm) =	ssettm $0x7FFFFFFF  }
tec
execute0_lowered:
.L_overlay_start_1:
0x0: {  	(tag) =	ssettag $0x1  }
0x1: {  	s0 =	srdreg.scid  }
0x2: {  	s1 =	sshll.u32 s0, $0x4  }
0x3: {  	s4 =	rddreg [dreg:$0x0];
	s0 =	stileid.u32;
	s1 =	sand.u32 $0x10, s1  }
0x4: {  	s2 =	rddreg [dreg:$0x1];
	s7 =	simm.s32 $0x1;
	s1 =	sor.u32 s0, s1  }
0x5: {  	s8 =	simm.s32 $0x2;
	s11 =	simm.s32 $0x0;
	s3 =	sshll.u32 s1, $0x7  }
0x6: {  	s10 =	simm.s32 $0x0;
	s4 =	sadd.s32 $0x754800, s4;
	s6 =	ssub.s32 $0x27100, s3  }
.Ltmp0:
0x7: {  	s1 =	rddreg [dreg:$0x2];
	s5 =	sand.u32 $0xF80, s6;
	(pc) =	sbr.rel .LBB1_1-.Ltmp0, $4  }
0x8: {  	_ =	strace $0x80000053;
	s9 =	smov.u32 s3;
	p0 =	sne.s32 s5, $0x0  }
0x9: {  	s6 =	sshrl.u32 s6, $0xC;
	s5 =	simm.s32 $0x1;
	s7 =	simm.s32 @!p0 $0x0  }
0xa: {  	[sflag:s5] =	ssyncpa.u1 $0x0;
	p0 =	por $0x0, $0x0;
	s6 =	sadd.s32 s7, s6  }
0xb: {  	[sflag:s8] =	ssyncpa.u1 $0x0;
	s8 =	simm.s32 $0x138800;
	s7 =	sadd.s32 $0x1, s6  }
.LBB1_4:
0xc: {  	s14 =	sshll.u32 s11, $0x3  }
0xd: {  	s30 =	sand.u32 $0x7F, s11;
	s14 =	sand.u32 $0xFFFFFC00, s14  }
0xe: {  	s11 =	sor.u32 s30, s14  }
0xf: {  	s15 =	smulhi.u32 $0xD1B71759, s11;
	_ =	sdelay $0x1  }
0x10: {  	s14 =	smulhi.u32 $0xD1B71759, s14;
	s15 =	sshrl.u32 s15, $0x11  }
0x11: {  	s15 =	smul.u32 $0x27100, s15  }
0x12: {  	s14 =	sshrl.u32 s14, $0x11  }
0x13: {  	s14 =	sand.u32 $0x3F, s14;
	s11 =	ssub.s32 s11, s15  }
0x14: {  	[tilespmem:s13+$0x810 ss:$0x81] =	vst.msk $0xffff, v2;
	s14 =	smul.u32 $0x4E20, s14;
	s15 =	sshrl.u32 s11, $0x3;
	s11 =	sand.u32 $0x7, s11  }
0x15: {  	[tilespmem:s13+$0x1020 ss:$0x81] =	vst.msk $0xffff, v0;
	s15 =	sadd.s32 s2, s15;
	s11 =	sshll.u32 s11, $0x12  }
0x16: {  	[tilespmem:s13+$0x0 ss:$0x81] =	vst.msk $0xffff, v1;
	s31 =	sadd.s32 s14, s15;
	s11 =	sor.u32 $0x400, s11  }
0x17: {  	[hbm4b:s31+s11] =	stream.strided.scatter [tilespmem:s12], [sflag:$0x2], $0x2000, s8, s11, $0x20;
	[tilespmem:$0x8080] =	vst v63  }
.LBB1_5:
0x18: {  	s13 =	sadd.s32 $0x1000, s9  }
0x19: {  	p2 =	sgt.s32 s13, $0x270FF  }
0x1a: {  	s13 =	smov.u32 @p2 s3;
	p2 =	sne.s32 s10, s7  }
.Ltmp1:
0x1b: {  	p1 =	slt.u32 s10, $0x2;
	(pc) =	sbr.rel @!p2 .LBB1_6-.Ltmp1, $4  }
0x1c: {  	s12 =	simm.s32 @!p1 $0x2  }
0x1d: {  	s14 =	sadd.s32 $0x1, s10;
	_ =	swait.ge @!p1 [sflag:s12], $0x2000  }
0x1e: {  	s11 =	smov.u32 s9;
	p0 =	por !p0, !p0;
	[sflag:s12] =	ssyncset.done @!p1 $0x0  }
0x1f: {  	s10 =	smov.u32 s14;
	s9 =	smov.u32 s13;
	[sflag:s12] =	ssyncadd.s32 @!p1 $0xFFFFE000  }
.LBB1_1:
0x20: {  	p1 =	sge.u32 s10, s6  }
0x21: {  	s12 =	sand.u32 @!p1 $0x1FFFFFF, s9  }
0x22: {  	s13 =	smulhi.u32 @!p1 $0x1A36E2F, s12;
	_ =	sdelay $0x1  }
0x23: {  	s13 =	sshrl.u32 @!p1 s13, $0xA  }
0x24: {  	s13 =	smul.u32 @!p1 $0x27100, s13;
	_ =	sdelay $0x1  }
0x25: {  	s31 =	sadd.s32 $0xFFFFFFFF, s10;
	s14 =	sxor.u32 @!p1 $0xFFFFFFFF, s10;
	s12 =	ssub.s32 @!p1 s12, s13  }
0x26: {  	s15 =	simm.s32 @!p1 $0x80;
	s14 =	sshll.u32 @!p1 s14, $0xD;
	s12 =	sshll.u32 @!p1 s12, $0x4  }
0x27: {  	s13 =	sand.u32 @!p1 $0x2000, s14;
	s14 =	simm.s32 @!p1 $0x40;
	s12 =	sadd.s32 @!p1 s4, s12  }
0x28: {  	[tilespmem:s13], [sflag:$0x1] =	stream.strided.gather @!p1 [hbm4b:s12+s14], $0x2000, s15, s14, $0x38;
	[tilespmem:$0x8080] =	vst v63  }
0x29: {  	p1 =	sge.u32 s31, s6  }
.Ltmp2:
0x2a: {  	_ = 	snop;
	(pc) =	sbr.rel @p1 .LBB1_5-.Ltmp2, $1  }
0x2b: {  	_ =	sdelay $0x3  }
0x2c: {  	s12 =	simm.s32 $0x1  }
0x2d: {  	_ =	swait.ge [sflag:s5], $0x2000;
	s12 =	simm.s32 @!p0 $0x0  }
0x2e: {  	[sflag:s5] =	ssyncset.done $0x0;
	s13 =	sshll.u32 s12, $0xD  }
0x2f: {  	[sflag:s5] =	ssyncadd.s32 $0xFFFFE000;
	s16 =	sor.u32 $0x20, s13  }
0x30: {  	s12 =	smul.u32 $0x8100, s12;
	v3 =	vld [tilespmem:s16+$0x10]  }
0x31: {  	s30 =	sand.u32 $0x1, s10;
	v2 =	vld [tilespmem:s16+$0xFFFFFFF0]  }
0x32: {  	s13 =	smul.u32 $0x8100, s30;
	s12 =	sshrl.u32 s12, $0x2;
	v0 =	vld [tilespmem:s16+$0x0]  }
0x33: {  	v1 =	vld [tilespmem:s16+$0xFFFFFFE0];
	s14 =	sor.u32 $0x4000, s12  }
0x34: {  	s31 =	sshrl.u32 s13, $0x2;
	s13 =	sadd.s32 $0x0, s14  }
0x35: {  	s15 =	simm.s32 $0x4;
	s16 =	sadd.s32 $0x40, s16;
	s12 =	sor.u32 $0x4000, s31;
	[tilespmem:s13+$0x1830 ss:$0x81] =	vst.msk $0xffff, v3  }
.LBB1_3:
0x36: {  	v3 =	vld [tilespmem:s16+$0x10];
	p1 =	sne.s32 s15, $0x1FC;
	[tilespmem:s13+$0x810 ss:$0x81] =	vst.msk $0xffff, v2;
	s17 =	smov.u32 s15;
	s15 =	sadd.s32 $0x4, s15  }
.Ltmp3:
0x37: {  	v2 =	vld [tilespmem:s16+$0xFFFFFFF0];
	[tilespmem:s13+$0x1020 ss:$0x81] =	vst.msk $0xffff, v0;
	(pc) =	sbr.rel @p1 .LBB1_3-.Ltmp3, $4  }
0x38: {  	v0 =	vld [tilespmem:s16+$0x0];
	[tilespmem:s13+$0x0 ss:$0x81] =	vst.msk $0xffff, v1  }
0x39: {  	s13 =	sshra.s32 s17, $0x2;
	v1 =	vld [tilespmem:s16+$0xFFFFFFE0]  }
0x3a: {  	s13 =	sadd.s32 s13, s14  }
0x3b: {  	s16 =	sadd.s32 $0x40, s16;
	[tilespmem:s13+$0x1830 ss:$0x81] =	vst.msk $0xffff, v3  }
.Ltmp4:
0x3c: {  	_ = 	snop;
	(pc) =	sbr.rel .LBB1_4-.Ltmp4, $1  }
0x3d: {  	_ =	sdelay $0x3  }
.LBB1_6:
0x3e: {  	_ =	sfence.sel $0x180000  }
0x3f: {  	s2 =	simm.s32 $0x1;
	[bflag:$0x0] =	sbarrier.arrive $0xFFFF  }
0x40: {  	s31 =	simm.s32 $0x2;
	[sflag:s2] =	ssyncpa.u1 $0x1  }
0x41: {  	[sflag:s31] =	ssyncpa.u1 $0x1  }
0x42: {  	p0 =	sne.s32 s0, $0x0;
	_ =	strace $0x90000053  }
0x43: {  	s0 =	sadd.s32 @!p0 $0x100000, s1;
	[bflag:$0x2] =	sbarrier.arrive $0xFFFF  }
0x44: {  	[sflag:s0] =	ssyncadd.tile.s32 @!p0 $0x1;
	_ =	shalt  }
.Lfunc_end1:
_tile_overlayer_lowered:
.L_overlay_start_2:
0x45: {  	(tag) =	ssettag $0x2  }
0x46: {  	s0 =	rddreg [dreg:$0x0];
	s2 =	stileid.u32  }
0x47: {  	s1 =	rddreg [dreg:$0x1];
	p0 =	sne.s32 s2, $0x0  }
0x48: {  	s3 =	rddreg [dreg:$0x2];
	[bflag:$0x3] =	sbarrier.arrive $0xFFFF;
	s2 =	simm.s32 @!p0 $0x1C01  }
0x49: {  	[timem:s3], [sflag:s2] =	dma.local @!p0 [hbm:s0], s1  }
0x4a: {  	s0 =	simm.s32 @!p0 $0x1  }
0x4b: {  	_ =	swait.ge @!p0 [sflag:s0], s1  }
0x4c: {  	s1 =	ssub.s32 @!p0 $0x0, s1;
	[sflag:s0] =	ssyncset.done @!p0 $0x0  }
0x4d: {  	[sflag:s0] =	ssyncadd.s32 @!p0 s1  }
0x4e: {  	[bflag:$0x3] =	sbarrier.arrive $0xFFFF  }
0x4f: {  	_ =	shalt  }

</sc_bundles>
